<compile_context>
chip_gen: v7x
topology: tpu7x:2x2x1
jax: 0.10.2.dev20260603
libtpu: 0.0.44.dev20260713+nightly
codegen_flags: <defaults>
</compile_context>

<pallas_src>
import functools

import jax
import jax.numpy as jnp
from jax import lax
from jax.experimental import pallas as pl
from jax.experimental.pallas import tpu as pltpu
from jax.experimental.pallas import tpu_sc as plsc

_FIEDLER_COEFF = 0.01
_LOG2E = 1.4426950408889634
_LN2 = 0.6931471805599453
_NEG = -3.0e38


def _bce_kernel(raw_ref, tgt_ref, out_ref, acc_ref, *, batch, n):
    b = pl.program_id(0)

    acc = jnp.zeros((8, n), jnp.float32)
    for i in range(n // 8):
        x = raw_ref[0, i * 8:(i + 1) * 8, :]
        t = tgt_ref[0, i * 8:(i + 1) * 8, :]
        w = x * _LOG2E
        acc = acc + (jnp.log2(1.0 + jnp.exp2(w)) - t * w)

    @pl.when(b == 0)
    def _init():
        acc_ref[:, :] = acc

    @pl.when(b != 0)
    def _accum():
        acc_ref[:, :] += acc

    @pl.when(b == batch - 1)
    def _finish():
        total = _LN2 * jnp.sum(acc_ref[:, :]) / (batch * n * n)
        out_ref[:, :] = jnp.full((1, 1), total, jnp.float32)


def _trace_body(x_hbm, out_hbm, slab, red, stage, *, n, rows_per_sub,
                num_cores, batch_idx):
    cid = lax.axis_index("c")
    sid = lax.axis_index("s")
    wid = sid * num_cores + cid
    base = wid * rows_per_sub
    nchunks = n // 16

    pltpu.sync_copy(
        x_hbm.at[pl.ds(batch_idx * n * n + base * n, rows_per_sub * n)],
        slab)
    lane = lax.iota(jnp.int32, 16)
    zero_i = jnp.zeros((16,), jnp.int32)
    red[pl.ds(16, 16)] = zero_i

    trace_acc = jnp.float32(0.0)
    for r in range(rows_per_sub):
        grow = base + r
        dwin = slab[pl.ds(r * n + base, 16)]
        d_scalar = dwin[r]
        d = jnp.full((16,), d_scalar)

        def scan_chunks(j, packed):
            chunk = slab[pl.ds(r * n + j * 16, 16)]
            cols = lane + j * 16
            beats = (chunk > d) | ((chunk == d) & (cols < grow))
            packed = packed + jnp.where(chunk > 0.0, 1 << 20, 0)
            packed = packed + jnp.where(chunk == 0.0, 1 << 10, 0)
            packed = packed + jnp.where(beats, 1, 0)
            return packed

        packed = lax.fori_loop(0, nchunks, scan_chunks, zero_i)

        for sh in (8, 4, 2, 1):
            red[pl.ds(0, 16)] = packed
            packed = packed + red[pl.ds(sh, 16)]
        combo = packed[0]

        cpos = lax.shift_right_logical(combo, 20)
        czero = jnp.bitwise_and(lax.shift_right_logical(combo, 10), 1023)
        rank = jnp.bitwise_and(combo, 1023)

        sgn1 = jnp.where(cpos >= 1, 1.0, jnp.where(czero >= 1, 0.0, -1.0))
        sgn2 = jnp.where(cpos >= 2, 1.0,
                         jnp.where(cpos + czero >= 2, 0.0, -1.0))
        dsgn = jnp.where(d_scalar > 0.0, 1.0,
                         jnp.where(d_scalar < 0.0, -1.0, 0.0))
        contrib = sgn1 + sgn2 - jnp.where(rank <= 1, dsgn, 0.0)
        trace_acc = trace_acc + contrib

    stage[...] = jnp.where(lane == 0,
                           jnp.full((16,), trace_acc, jnp.float32),
                           jnp.zeros((16,), jnp.float32))
    pltpu.sync_copy(stage, out_hbm.at[pl.ds(wid * 16, 16)])


def _sc_trace(x_flat, n, batch_idx):
    num_cores, num_subcores = 2, 16
    num_workers = num_cores * num_subcores
    rows_per_sub = n // num_workers
    mesh = plsc.VectorSubcoreMesh(core_axis_name="c", subcore_axis_name="s",
                                  num_cores=num_cores,
                                  num_subcores=num_subcores)
    body = functools.partial(_trace_body, n=n, rows_per_sub=rows_per_sub,
                             num_cores=num_cores, batch_idx=batch_idx)
    return pl.kernel(
        body,
        out_type=jax.ShapeDtypeStruct((num_workers * 16,), jnp.float32),
        mesh=mesh,
        scratch_types=[
            pltpu.VMEM((rows_per_sub * n,), jnp.float32),
            pltpu.VMEM((32,), jnp.int32),
            pltpu.VMEM((16,), jnp.float32),
        ],
    )(x_flat)


def kernel(raw_scores, target):
    batch, n, _ = raw_scores.shape

    bce = pl.pallas_call(
        lambda r, t, o, acc: _bce_kernel(r, t, o, acc, batch=batch, n=n),
        grid=(batch,),
        in_specs=[
            pl.BlockSpec((1, n, n), lambda b: (b, 0, 0)),
            pl.BlockSpec((1, n, n), lambda b: (b, 0, 0)),
        ],
        out_specs=pl.BlockSpec((1, 1), lambda b: (0, 0)),
        out_shape=jax.ShapeDtypeStruct((1, 1), jnp.float32),
        scratch_shapes=[pltpu.VMEM((8, n), jnp.float32)],
        compiler_params=pltpu.CompilerParams(
            dimension_semantics=("arbitrary",),
        ),
    )(raw_scores, target)

    trace_parts = _sc_trace(raw_scores.reshape(-1), n, batch - 2)
    return bce[0, 0] + _FIEDLER_COEFF * jnp.sum(trace_parts) / (n * n)

# --- scband reference (transcript-rebuilt; emitter-appended) ---
"""Pipeline reference for scband-tsp-fiedler-loss-36584531428119 (READ-ONLY COPY).

The authoritative reference and input builder live on the scoring server;
editing this copy changes nothing except your own understanding.
"""

import jax, jax.numpy as jnp
import numpy as np

FIEDLER_COEFF = 0.01


def setup_inputs(seed: int = 0) -> dict:
    key = jax.random.key(seed)
    k1, k2 = jax.random.split(key)
    raw_scores = jax.random.normal(k1, (32, 512, 512), dtype=jnp.float32)
    target = jax.random.uniform(k2, (32, 512, 512), dtype=jnp.float32)
    return {"raw_scores": raw_scores, "target": target}


def reference(raw_scores, target):
    n_vertices = raw_scores.shape[1]
    # sigmoid normalization
    proba = jax.nn.sigmoid(raw_scores)
    # BCELoss(reduction='none'), with torch's log clamp at -100
    logp = jnp.maximum(jnp.log(proba), -100.0)
    log1mp = jnp.maximum(jnp.log1p(-proba), -100.0)
    base_loss = -(target * logp + (1.0 - target) * log1mp)
    # top-2 per row along last dim -> one-hot scatter (scatter_ with value 1)
    _, ind = jax.lax.top_k(raw_scores, 2)  # (bs, n, 2)
    y_onehot = jax.nn.one_hot(ind, n_vertices, dtype=raw_scores.dtype).sum(axis=2)  # (bs, n, n)
    temp = jnp.sign(raw_scores * y_onehot)
    degrees = temp.sum(axis=2)  # (bs, n)
    deg_embed = jax.vmap(jnp.diag)(degrees)  # diag_embed -> (bs, n, n)
    lap = deg_embed - temp
    # torch.symeig default upper=False uses lower triangle; eigvalsh UPLO='L' matches;
    # eigenvalues returned in ascending order in both.
    eigvals = jnp.linalg.eigvalsh(lap)  # (bs, n)
    # faithful to original: eigvals[-2] indexes the BATCH dim (second-to-last batch's
    # eigenvalue vector, shape (n,)), broadcast against base_loss's last dim.
    return jnp.mean(base_loss + FIEDLER_COEFF / n_vertices * eigvals[-2])

if __name__ == "__main__":
    import jax
    _d = setup_inputs()
    print(jax.jit(kernel)(*tuple(_d.values())))

</pallas_src>

<mosaic_0001>
#map = affine_map<(d0, d1) -> (0)>
module attributes {stable_mosaic.version = 14 : i64} {
  func.func @_trace_body(%arg0: i32, %arg1: i32, %arg2: memref<8388608xf32, #tpu.memory_space<hbm>>, %arg3: memref<512xf32, #tpu.memory_space<hbm>>, %arg4: memref<8192xf32, #tpu.memory_space<vmem>>, %arg5: memref<32xi32, #tpu.memory_space<vmem>>, %arg6: memref<16xf32, #tpu.memory_space<vmem>>) attributes {dimension_semantics = [#tpu.dimension_semantics<core_parallel>, #tpu.dimension_semantics<subcore_parallel>], iteration_bounds = array<i64: 2, 16>, scalar_prefetch = 0 : i64, scratch_operands = 3 : i64, tpu.core_type = #tpu.core_type<sc_vector_subcore>, window_params = [{transform_indices = #map}, {transform_indices = #map}]} {
    %mul3A = arith.constant 2 : i32
    %mul3A_0 = arith.muli %arg1, %mul3A : i32
    %add3A = arith.addi %mul3A_0, %arg0 : i32
    %mul3A_1 = arith.constant 16 : i32
    %mul3A_2 = arith.muli %add3A, %mul3A_1 : i32
    %mul3A_3 = arith.constant 512 : i32
    %mul3A_4 = arith.muli %mul3A_2, %mul3A_3 : i32
    %add3A_5 = arith.constant 7864320 : i32
    %add3A_6 = arith.addi %add3A_5, %mul3A_4 : i32
    "tpu.region"() ({
      %run_scoped3A = tpu.sem_alloc : memref<!tpu.dma_semaphore, #tpu.memory_space<semaphore_mem>>
      %dma_start3A = tpu.memref_slice %arg2[%add3A_6] : memref<8388608xf32, #tpu.memory_space<hbm>> -> memref<8192xf32, #tpu.memory_space<hbm>>
      %dma_start3A_1499 = tpu.memref_slice %arg2[%add3A_6] : memref<8388608xf32, #tpu.memory_space<hbm>> -> memref<8192xf32, #tpu.memory_space<hbm>>
      tpu.enqueue_dma source(%dma_start3A_1499 : memref<8192xf32, #tpu.memory_space<hbm>>) target(%arg4 : memref<8192xf32, #tpu.memory_space<vmem>>) target_semaphore(%run_scoped3A : memref<!tpu.dma_semaphore, #tpu.memory_space<semaphore_mem>>)
      %dma_wait3A = tpu.memref_slice %arg2[%add3A_6] : memref<8388608xf32, #tpu.memory_space<hbm>> -> memref<8192xf32, #tpu.memory_space<hbm>>
      %dma_wait3A_1500 = tpu.memref_slice %arg2[%add3A_6] : memref<8388608xf32, #tpu.memory_space<hbm>> -> memref<8192xf32, #tpu.memory_space<hbm>>
      tpu.wait_dma2 semaphore(%run_scoped3A : memref<!tpu.dma_semaphore, #tpu.memory_space<semaphore_mem>>) src(%dma_wait3A_1500 : memref<8192xf32, #tpu.memory_space<hbm>>) dst(%arg4 : memref<8192xf32, #tpu.memory_space<vmem>>)
      tpu.yield
    }) : () -> ()
    %iota3A = tpu.iota {dimensions = array<i32: 0>} : vector<16xi32>
    %broadcast_in_dim3A = arith.constant 0 : i32
    %broadcast_in_dim3A_7 = vector.broadcast %broadcast_in_dim3A : i32 to vector<16xi32>
    %swap3A = arith.constant 16 : index
    %swap3A_8 = tpu.vector_load %arg5[%swap3A] {strides = array<i32>} : memref<32xi32, #tpu.memory_space<vmem>>, vector<16xi32>,
    %swap3A_9 = vector.shape_cast %swap3A_8 : vector<16xi32> to vector<16xi32>
    %swap3A_10 = vector.shape_cast %broadcast_in_dim3A_7 : vector<16xi32> to vector<16xi32>
    tpu.vector_store %arg5[%swap3A], %swap3A_10 {strides = array<i32>} : memref<32xi32, #tpu.memory_space<vmem>>, vector<16xi32>,
    %add3A_11 = arith.constant 0 : i32
    %add3A_12 = arith.addi %mul3A_2, %add3A_11 : i32
    %add3A_13 = arith.constant 0 : i32
    %add3A_14 = arith.addi %add3A_13, %mul3A_2 : i32
    %get3A = arith.index_cast %add3A_14 : i32 to index
    %get3A_15 = tpu.vector_load %arg4[%get3A] {strides = array<i32>} : memref<8192xf32, #tpu.memory_space<vmem>>, vector<16xf32>,
    %get3A_16 = vector.shape_cast %get3A_15 : vector<16xf32> to vector<16xf32>
    %slice3A = vector.extract_strided_slice %get3A_16 {offsets = [0], sizes = [1], strides = [1]} : vector<16xf32> to vector<1xf32>
    %squeeze3A = vector.extract %slice3A[0] : f32 from vector<1xf32>
    %broadcast_in_dim3A_17 = vector.broadcast %squeeze3A : f32 to vector<16xf32>
    %scan3A = arith.constant 0 : i32
    %scan3A_18 = arith.constant 32 : i32
    %scan3A_19 = arith.addi %scan3A, %scan3A_18 : i32
    %scan3A_20 = arith.constant 1 : i32
    %scan3A_21 = scf.for %scan3A_1499 = %scan3A to %scan3A_19 step %scan3A_20 iter_args(%scan3A_1500 = %broadcast_in_dim3A_7) -> (vector<16xi32>)  : i32 {
      %mul3A_1501 = arith.constant 16 : i32
      %mul3A_1502 = arith.muli %scan3A_1499, %mul3A_1501 : i32
      %add3A_1503 = arith.constant 0 : i32
      %add3A_1504 = arith.addi %add3A_1503, %mul3A_1502 : i32
      %get3A_1505 = arith.index_cast %add3A_1504 : i32 to index
      %get3A_1506 = tpu.vector_load %arg4[%get3A_1505] {strides = array<i32>} : memref<8192xf32, #tpu.memory_space<vmem>>, vector<16xf32>,
      %get3A_1507 = vector.shape_cast %get3A_1506 : vector<16xf32> to vector<16xf32>
      %mul3A_1508 = arith.constant 16 : i32
      %mul3A_1509 = arith.muli %scan3A_1499, %mul3A_1508 : i32
      %add3A_1510 = vector.broadcast %mul3A_1509 : i32 to vector<16xi32>
      %add3A_1511 = arith.addi %iota3A, %add3A_1510 : vector<16xi32>
      %gt3A_1512 = arith.cmpf ogt, %get3A_1507, %broadcast_in_dim3A_17 : vector<16xf32>
      %eq3A_1513 = arith.cmpf oeq, %get3A_1507, %broadcast_in_dim3A_17 : vector<16xf32>
      %lt3A_1514 = vector.broadcast %add3A_12 : i32 to vector<16xi32>
      %lt3A_1515 = arith.cmpi slt, %add3A_1511, %lt3A_1514 : vector<16xi32>
      %and3A_1516 = arith.andi %eq3A_1513, %lt3A_1515 : vector<16xi1>
      %or3A = arith.ori %gt3A_1512, %and3A_1516 : vector<16xi1>
      %gt3A_1517 = arith.constant 0.000000e+00 : f32
      %gt3A_1518 = vector.broadcast %gt3A_1517 : f32 to vector<16xf32>
      %gt3A_1519 = arith.cmpf ogt, %get3A_1507, %gt3A_1518 : vector<16xf32>
      %jit3A_1520 = arith.constant 1048576 : i32
      %jit3A_1521 = arith.constant 0 : i32
      %broadcast_in_dim3A_1522 = vector.broadcast %jit3A_1520 : i32 to vector<16xi32>
      %broadcast_in_dim3A_1523 = vector.broadcast %jit3A_1521 : i32 to vector<16xi32>
      %select_n3A_1524 = arith.select %gt3A_1519, %broadcast_in_dim3A_1522, %broadcast_in_dim3A_1523 : vector<16xi1>, vector<16xi32>
      %add3A_1525 = arith.addi %scan3A_1500, %select_n3A_1524 : vector<16xi32>
      %eq3A_1526 = arith.constant 0.000000e+00 : f32
      %eq3A_1527 = vector.broadcast %eq3A_1526 : f32 to vector<16xf32>
      %eq3A_1528 = arith.cmpf oeq, %get3A_1507, %eq3A_1527 : vector<16xf32>
      %jit3A_1529 = arith.constant 1024 : i32
      %jit3A_1530 = arith.constant 0 : i32
      %broadcast_in_dim3A_1531 = vector.broadcast %jit3A_1529 : i32 to vector<16xi32>
      %broadcast_in_dim3A_1532 = vector.broadcast %jit3A_1530 : i32 to vector<16xi32>
      %select_n3A_1533 = arith.select %eq3A_1528, %broadcast_in_dim3A_1531, %broadcast_in_dim3A_1532 : vector<16xi1>, vector<16xi32>
      %add3A_1534 = arith.addi %add3A_1525, %select_n3A_1533 : vector<16xi32>
      %jit3A_1535 = arith.constant 1 : i32
      %jit3A_1536 = arith.constant 0 : i32
      %broadcast_in_dim3A_1537 = vector.broadcast %jit3A_1535 : i32 to vector<16xi32>
      %broadcast_in_dim3A_1538 = vector.broadcast %jit3A_1536 : i32 to vector<16xi32>
      %select_n3A_1539 = arith.select %or3A, %broadcast_in_dim3A_1537, %broadcast_in_dim3A_1538 : vector<16xi1>, vector<16xi32>
      %add3A_1540 = arith.addi %add3A_1534, %select_n3A_1539 : vector<16xi32>
      scf.yield %add3A_1540 : vector<16xi32>
    }
    %scan3A_22 = arith.constant 32 : i32
    %swap3A_23 = arith.constant 0 : index
    %swap3A_24 = tpu.vector_load %arg5[%swap3A_23] {strides = array<i32>} : memref<32xi32, #tpu.memory_space<vmem>>, vector<16xi32>,
    %swap3A_25 = vector.shape_cast %swap3A_24 : vector<16xi32> to vector<16xi32>
    %swap3A_26 = vector.shape_cast %scan3A_21 : vector<16xi32> to vector<16xi32>
    tpu.vector_store %arg5[%swap3A_23], %swap3A_26 {strides = array<i32>} : memref<32xi32, #tpu.memory_space<vmem>>, vector<16xi32>,
    %get3A_27 = arith.constant 8 : index
    %get3A_28 = tpu.vector_load %arg5[%get3A_27] {strides = array<i32>} : memref<32xi32, #tpu.memory_space<vmem>>, vector<16xi32>,
    %get3A_29 = vector.shape_cast %get3A_28 : vector<16xi32> to vector<16xi32>
    %add3A_30 = arith.addi %scan3A_21, %get3A_29 : vector<16xi32>
    %swap3A_31 = arith.constant 0 : index
    %swap3A_32 = tpu.vector_load %arg5[%swap3A_31] {strides = array<i32>} : memref<32xi32, #tpu.memory_space<vmem>>, vector<16xi32>,
    %swap3A_33 = vector.shape_cast %swap3A_32 : vector<16xi32> to vector<16xi32>
    %swap3A_34 = vector.shape_cast %add3A_30 : vector<16xi32> to vector<16xi32>
    tpu.vector_store %arg5[%swap3A_31], %swap3A_34 {strides = array<i32>} : memref<32xi32, #tpu.memory_space<vmem>>, vector<16xi32>,
    %get3A_35 = arith.constant 4 : index
    %get3A_36 = tpu.vector_load %arg5[%get3A_35] {strides = array<i32>} : memref<32xi32, #tpu.memory_space<vmem>>, vector<16xi32>,
    %get3A_37 = vector.shape_cast %get3A_36 : vector<16xi32> to vector<16xi32>
    %add3A_38 = arith.addi %add3A_30, %get3A_37 : vector<16xi32>
    %swap3A_39 = arith.constant 0 : index
    %swap3A_40 = tpu.vector_load %arg5[%swap3A_39] {strides = array<i32>} : memref<32xi32, #tpu.memory_space<vmem>>, vector<16xi32>,
    %swap3A_41 = vector.shape_cast %swap3A_40 : vector<16xi32> to vector<16xi32>
    %swap3A_42 = vector.shape_cast %add3A_38 : vector<16xi32> to vector<16xi32>
    tpu.vector_store %arg5[%swap3A_39], %swap3A_42 {strides = array<i32>} : memref<32xi32, #tpu.memory_space<vmem>>, vector<16xi32>,
    %get3A_43 = arith.constant 2 : index
    %get3A_44 = tpu.vector_load %arg5[%get3A_43] {strides = array<i32>} : memref<32xi32, #tpu.memory_space<vmem>>, vector<16xi32>,
    %get3A_45 = vector.shape_cast %get3A_44 : vector<16xi32> to vector<16xi32>
    %add3A_46 = arith.addi %add3A_38, %get3A_45 : vector<16xi32>
    %swap3A_47 = arith.constant 0 : index
    %swap3A_48 = tpu.vector_load %arg5[%swap3A_47] {strides = array<i32>} : memref<32xi32, #tpu.memory_space<vmem>>, vector<16xi32>,
    %swap3A_49 = vector.shape_cast %swap3A_48 : vector<16xi32> to vector<16xi32>
    %swap3A_50 = vector.shape_cast %add3A_46 : vector<16xi32> to vector<16xi32>
    tpu.vector_store %arg5[%swap3A_47], %swap3A_50 {strides = array<i32>} : memref<32xi32, #tpu.memory_space<vmem>>, vector<16xi32>,
    %get3A_51 = arith.constant 1 : index
    %get3A_52 = tpu.vector_load %arg5[%get3A_51] {strides = array<i32>} : memref<32xi32, #tpu.memory_space<vmem>>, vector<16xi32>,
    %get3A_53 = vector.shape_cast %get3A_52 : vector<16xi32> to vector<16xi32>
    %add3A_54 = arith.addi %add3A_46, %get3A_53 : vector<16xi32>
    %slice3A_55 = vector.extract_strided_slice %add3A_54 {offsets = [0], sizes = [1], strides = [1]} : vector<16xi32> to vector<1xi32>
    %squeeze3A_56 = vector.extract %slice3A_55[0] : i32 from vector<1xi32>
    %shift_right_logical3A = arith.constant 20 : i32
    %shift_right_logical3A_57 = arith.shrui %squeeze3A_56, %shift_right_logical3A : i32
    %shift_right_logical3A_58 = arith.constant 10 : i32
    %shift_right_logical3A_59 = arith.shrui %squeeze3A_56, %shift_right_logical3A_58 : i32
    %and3A = arith.constant 1023 : i32
    %and3A_60 = arith.andi %shift_right_logical3A_59, %and3A : i32
    %and3A_61 = arith.constant 1023 : i32
    %and3A_62 = arith.andi %squeeze3A_56, %and3A_61 : i32
    %ge3A = arith.constant 1 : i32
    %ge3A_63 = arith.cmpi sge, %shift_right_logical3A_57, %ge3A : i32
    %ge3A_64 = arith.constant 1 : i32
    %ge3A_65 = arith.cmpi sge, %and3A_60, %ge3A_64 : i32
    %jit3A = arith.constant 0.000000e+00 : f32
    %jit3A_66 = arith.constant -1.000000e+00 : f32
    %select_n3A = arith.select %ge3A_65, %jit3A, %jit3A_66 : f32
    %jit3A_67 = arith.constant 1.000000e+00 : f32
    %select_n3A_68 = arith.select %ge3A_63, %jit3A_67, %select_n3A : f32
    %ge3A_69 = arith.constant 2 : i32
    %ge3A_70 = arith.cmpi sge, %shift_right_logical3A_57, %ge3A_69 : i32
    %add3A_71 = arith.addi %shift_right_logical3A_57, %and3A_60 : i32
    %ge3A_72 = arith.constant 2 : i32
    %ge3A_73 = arith.cmpi sge, %add3A_71, %ge3A_72 : i32
    %jit3A_74 = arith.constant 0.000000e+00 : f32
    %jit3A_75 = arith.constant -1.000000e+00 : f32
    %select_n3A_76 = arith.select %ge3A_73, %jit3A_74, %jit3A_75 : f32
    %jit3A_77 = arith.constant 1.000000e+00 : f32
    %select_n3A_78 = arith.select %ge3A_70, %jit3A_77, %select_n3A_76 : f32
    %gt3A = arith.constant 0.000000e+00 : f32
    %gt3A_79 = arith.cmpf ogt, %squeeze3A, %gt3A : f32
    %lt3A = arith.constant 0.000000e+00 : f32
    %lt3A_80 = arith.cmpf olt, %squeeze3A, %lt3A : f32
    %jit3A_81 = arith.constant -1.000000e+00 : f32
    %jit3A_82 = arith.constant 0.000000e+00 : f32
    %select_n3A_83 = arith.select %lt3A_80, %jit3A_81, %jit3A_82 : f32
    %jit3A_84 = arith.constant 1.000000e+00 : f32
    %select_n3A_85 = arith.select %gt3A_79, %jit3A_84, %select_n3A_83 : f32
    %add3A_86 = arith.addf %select_n3A_68, %select_n3A_78 : f32
    %le3A = arith.constant 1 : i32
    %le3A_87 = arith.cmpi sle, %and3A_62, %le3A : i32
    %jit3A_88 = arith.constant 0.000000e+00 : f32
    %select_n3A_89 = arith.select %le3A_87, %select_n3A_85, %jit3A_88 : f32
    %sub3A = arith.subf %add3A_86, %select_n3A_89 : f32
    %add3A_90 = arith.constant 0.000000e+00 : f32
    %add3A_91 = arith.addf %add3A_90, %sub3A : f32
    %add3A_92 = arith.constant 1 : i32
    %add3A_93 = arith.addi %mul3A_2, %add3A_92 : i32
    %add3A_94 = arith.constant 512 : i32
    %add3A_95 = arith.addi %add3A_94, %mul3A_2 : i32
    %get3A_96 = arith.index_cast %add3A_95 : i32 to index
    %get3A_97 = tpu.vector_load %arg4[%get3A_96] {strides = array<i32>} : memref<8192xf32, #tpu.memory_space<vmem>>, vector<16xf32>,
    %get3A_98 = vector.shape_cast %get3A_97 : vector<16xf32> to vector<16xf32>
    %slice3A_99 = vector.extract_strided_slice %get3A_98 {offsets = [1], sizes = [1], strides = [1]} : vector<16xf32> to vector<1xf32>
    %squeeze3A_100 = vector.extract %slice3A_99[0] : f32 from vector<1xf32>
    %broadcast_in_dim3A_101 = vector.broadcast %squeeze3A_100 : f32 to vector<16xf32>
    %scan3A_102 = arith.constant 0 : i32
    %scan3A_103 = arith.constant 32 : i32
    %scan3A_104 = arith.addi %scan3A_102, %scan3A_103 : i32
    %scan3A_105 = arith.constant 1 : i32
    %scan3A_106 = scf.for %scan3A_1499 = %scan3A_102 to %scan3A_104 step %scan3A_105 iter_args(%scan3A_1500 = %broadcast_in_dim3A_7) -> (vector<16xi32>)  : i32 {
      %mul3A_1501 = arith.constant 16 : i32
      %mul3A_1502 = arith.muli %scan3A_1499, %mul3A_1501 : i32
      %add3A_1503 = arith.constant 512 : i32
      %add3A_1504 = arith.addi %add3A_1503, %mul3A_1502 : i32
      %get3A_1505 = arith.index_cast %add3A_1504 : i32 to index
      %get3A_1506 = tpu.vector_load %arg4[%get3A_1505] {strides = array<i32>} : memref<8192xf32, #tpu.memory_space<vmem>>, vector<16xf32>,
      %get3A_1507 = vector.shape_cast %get3A_1506 : vector<16xf32> to vector<16xf32>
      %mul3A_1508 = arith.constant 16 : i32
      %mul3A_1509 = arith.muli %scan3A_1499, %mul3A_1508 : i32
      %add3A_1510 = vector.broadcast %mul3A_1509 : i32 to vector<16xi32>
      %add3A_1511 = arith.addi %iota3A, %add3A_1510 : vector<16xi32>
      %gt3A_1512 = arith.cmpf ogt, %get3A_1507, %broadcast_in_dim3A_101 : vector<16xf32>
      %eq3A_1513 = arith.cmpf oeq, %get3A_1507, %broadcast_in_dim3A_101 : vector<16xf32>
      %lt3A_1514 = vector.broadcast %add3A_93 : i32 to vector<16xi32>
      %lt3A_1515 = arith.cmpi slt, %add3A_1511, %lt3A_1514 : vector<16xi32>
      %and3A_1516 = arith.andi %eq3A_1513, %lt3A_1515 : vector<16xi1>
      %or3A = arith.ori %gt3A_1512, %and3A_1516 : vector<16xi1>
      %gt3A_1517 = arith.constant 0.000000e+00 : f32
      %gt3A_1518 = vector.broadcast %gt3A_1517 : f32 to vector<16xf32>
      %gt3A_1519 = arith.cmpf ogt, %get3A_1507, %gt3A_1518 : vector<16xf32>
      %jit3A_1520 = arith.constant 1048576 : i32
      %jit3A_1521 = arith.constant 0 : i32
      %broadcast_in_dim3A_1522 = vector.broadcast %jit3A_1520 : i32 to vector<16xi32>
      %broadcast_in_dim3A_1523 = vector.broadcast %jit3A_1521 : i32 to vector<16xi32>
      %select_n3A_1524 = arith.select %gt3A_1519, %broadcast_in_dim3A_1522, %broadcast_in_dim3A_1523 : vector<16xi1>, vector<16xi32>
      %add3A_1525 = arith.addi %scan3A_1500, %select_n3A_1524 : vector<16xi32>
      %eq3A_1526 = arith.constant 0.000000e+00 : f32
      %eq3A_1527 = vector.broadcast %eq3A_1526 : f32 to vector<16xf32>
      %eq3A_1528 = arith.cmpf oeq, %get3A_1507, %eq3A_1527 : vector<16xf32>
      %jit3A_1529 = arith.constant 1024 : i32
      %jit3A_1530 = arith.constant 0 : i32
      %broadcast_in_dim3A_1531 = vector.broadcast %jit3A_1529 : i32 to vector<16xi32>
      %broadcast_in_dim3A_1532 = vector.broadcast %jit3A_1530 : i32 to vector<16xi32>
      %select_n3A_1533 = arith.select %eq3A_1528, %broadcast_in_dim3A_1531, %broadcast_in_dim3A_1532 : vector<16xi1>, vector<16xi32>
      %add3A_1534 = arith.addi %add3A_1525, %select_n3A_1533 : vector<16xi32>
      %jit3A_1535 = arith.constant 1 : i32
      %jit3A_1536 = arith.constant 0 : i32
      %broadcast_in_dim3A_1537 = vector.broadcast %jit3A_1535 : i32 to vector<16xi32>
      %broadcast_in_dim3A_1538 = vector.broadcast %jit3A_1536 : i32 to vector<16xi32>
      %select_n3A_1539 = arith.select %or3A, %broadcast_in_dim3A_1537, %broadcast_in_dim3A_1538 : vector<16xi1>, vector<16xi32>
      %add3A_1540 = arith.addi %add3A_1534, %select_n3A_1539 : vector<16xi32>
      scf.yield %add3A_1540 : vector<16xi32>
    }
    %scan3A_107 = arith.constant 32 : i32
    %swap3A_108 = arith.constant 0 : index
    %swap3A_109 = tpu.vector_load %arg5[%swap3A_108] {strides = array<i32>} : memref<32xi32, #tpu.memory_space<vmem>>, vector<16xi32>,
    %swap3A_110 = vector.shape_cast %swap3A_109 : vector<16xi32> to vector<16xi32>
    %swap3A_111 = vector.shape_cast %scan3A_106 : vector<16xi32> to vector<16xi32>
    tpu.vector_store %arg5[%swap3A_108], %swap3A_111 {strides = array<i32>} : memref<32xi32, #tpu.memory_space<vmem>>, vector<16xi32>,
    %get3A_112 = arith.constant 8 : index
    %get3A_113 = tpu.vector_load %arg5[%get3A_112] {strides = array<i32>} : memref<32xi32, #tpu.memory_space<vmem>>, vector<16xi32>,
    %get3A_114 = vector.shape_cast %get3A_113 : vector<16xi32> to vector<16xi32>
    %add3A_115 = arith.addi %scan3A_106, %get3A_114 : vector<16xi32>
    %swap3A_116 = arith.constant 0 : index
    %swap3A_117 = tpu.vector_load %arg5[%swap3A_116] {strides = array<i32>} : memref<32xi32, #tpu.memory_space<vmem>>, vector<16xi32>,
    %swap3A_118 = vector.shape_cast %swap3A_117 : vector<16xi32> to vector<16xi32>
    %swap3A_119 = vector.shape_cast %add3A_115 : vector<16xi32> to vector<16xi32>
    tpu.vector_store %arg5[%swap3A_116], %swap3A_119 {strides = array<i32>} : memref<32xi32, #tpu.memory_space<vmem>>, vector<16xi32>,
    %get3A_120 = arith.constant 4 : index
    %get3A_121 = tpu.vector_load %arg5[%get3A_120] {strides = array<i32>} : memref<32xi32, #tpu.memory_space<vmem>>, vector<16xi32>,
    %get3A_122 = vector.shape_cast %get3A_121 : vector<16xi32> to vector<16xi32>
    %add3A_123 = arith.addi %add3A_115, %get3A_122 : vector<16xi32>
    %swap3A_124 = arith.constant 0 : index
    %swap3A_125 = tpu.vector_load %arg5[%swap3A_124] {strides = array<i32>} : memref<32xi32, #tpu.memory_space<vmem>>, vector<16xi32>,
    %swap3A_126 = vector.shape_cast %swap3A_125 : vector<16xi32> to vector<16xi32>
    %swap3A_127 = vector.shape_cast %add3A_123 : vector<16xi32> to vector<16xi32>
    tpu.vector_store %arg5[%swap3A_124], %swap3A_127 {strides = array<i32>} : memref<32xi32, #tpu.memory_space<vmem>>, vector<16xi32>,
    %get3A_128 = arith.constant 2 : index
    %get3A_129 = tpu.vector_load %arg5[%get3A_128] {strides = array<i32>} : memref<32xi32, #tpu.memory_space<vmem>>, vector<16xi32>,
    %get3A_130 = vector.shape_cast %get3A_129 : vector<16xi32> to vector<16xi32>
    %add3A_131 = arith.addi %add3A_123, %get3A_130 : vector<16xi32>
    %swap3A_132 = arith.constant 0 : index
    %swap3A_133 = tpu.vector_load %arg5[%swap3A_132] {strides = array<i32>} : memref<32xi32, #tpu.memory_space<vmem>>, vector<16xi32>,
    %swap3A_134 = vector.shape_cast %swap3A_133 : vector<16xi32> to vector<16xi32>
    %swap3A_135 = vector.shape_cast %add3A_131 : vector<16xi32> to vector<16xi32>
    tpu.vector_store %arg5[%swap3A_132], %swap3A_135 {strides = array<i32>} : memref<32xi32, #tpu.memory_space<vmem>>, vector<16xi32>,
    %get3A_136 = arith.constant 1 : index
    %get3A_137 = tpu.vector_load %arg5[%get3A_136] {strides = array<i32>} : memref<32xi32, #tpu.memory_space<vmem>>, vector<16xi32>,
    %get3A_138 = vector.shape_cast %get3A_137 : vector<16xi32> to vector<16xi32>
    %add3A_139 = arith.addi %add3A_131, %get3A_138 : vector<16xi32>
    %slice3A_140 = vector.extract_strided_slice %add3A_139 {offsets = [0], sizes = [1], strides = [1]} : vector<16xi32> to vector<1xi32>
    %squeeze3A_141 = vector.extract %slice3A_140[0] : i32 from vector<1xi32>
    %shift_right_logical3A_142 = arith.constant 20 : i32
    %shift_right_logical3A_143 = arith.shrui %squeeze3A_141, %shift_right_logical3A_142 : i32
    %shift_right_logical3A_144 = arith.constant 10 : i32
    %shift_right_logical3A_145 = arith.shrui %squeeze3A_141, %shift_right_logical3A_144 : i32
    %and3A_146 = arith.constant 1023 : i32
    %and3A_147 = arith.andi %shift_right_logical3A_145, %and3A_146 : i32
    %and3A_148 = arith.constant 1023 : i32
    %and3A_149 = arith.andi %squeeze3A_141, %and3A_148 : i32
    %ge3A_150 = arith.constant 1 : i32
    %ge3A_151 = arith.cmpi sge, %shift_right_logical3A_143, %ge3A_150 : i32
    %ge3A_152 = arith.constant 1 : i32
    %ge3A_153 = arith.cmpi sge, %and3A_147, %ge3A_152 : i32
    %jit3A_154 = arith.constant 0.000000e+00 : f32
    %jit3A_155 = arith.constant -1.000000e+00 : f32
    %select_n3A_156 = arith.select %ge3A_153, %jit3A_154, %jit3A_155 : f32
    %jit3A_157 = arith.constant 1.000000e+00 : f32
    %select_n3A_158 = arith.select %ge3A_151, %jit3A_157, %select_n3A_156 : f32
    %ge3A_159 = arith.constant 2 : i32
    %ge3A_160 = arith.cmpi sge, %shift_right_logical3A_143, %ge3A_159 : i32
    %add3A_161 = arith.addi %shift_right_logical3A_143, %and3A_147 : i32
    %ge3A_162 = arith.constant 2 : i32
    %ge3A_163 = arith.cmpi sge, %add3A_161, %ge3A_162 : i32
    %jit3A_164 = arith.constant 0.000000e+00 : f32
    %jit3A_165 = arith.constant -1.000000e+00 : f32
    %select_n3A_166 = arith.select %ge3A_163, %jit3A_164, %jit3A_165 : f32
    %jit3A_167 = arith.constant 1.000000e+00 : f32
    %select_n3A_168 = arith.select %ge3A_160, %jit3A_167, %select_n3A_166 : f32
    %gt3A_169 = arith.constant 0.000000e+00 : f32
    %gt3A_170 = arith.cmpf ogt, %squeeze3A_100, %gt3A_169 : f32
    %lt3A_171 = arith.constant 0.000000e+00 : f32
    %lt3A_172 = arith.cmpf olt, %squeeze3A_100, %lt3A_171 : f32
    %jit3A_173 = arith.constant -1.000000e+00 : f32
    %jit3A_174 = arith.constant 0.000000e+00 : f32
    %select_n3A_175 = arith.select %lt3A_172, %jit3A_173, %jit3A_174 : f32
    %jit3A_176 = arith.constant 1.000000e+00 : f32
    %select_n3A_177 = arith.select %gt3A_170, %jit3A_176, %select_n3A_175 : f32
    %add3A_178 = arith.addf %select_n3A_158, %select_n3A_168 : f32
    %le3A_179 = arith.constant 1 : i32
    %le3A_180 = arith.cmpi sle, %and3A_149, %le3A_179 : i32
    %jit3A_181 = arith.constant 0.000000e+00 : f32
    %select_n3A_182 = arith.select %le3A_180, %select_n3A_177, %jit3A_181 : f32
    %sub3A_183 = arith.subf %add3A_178, %select_n3A_182 : f32
    %add3A_184 = arith.addf %add3A_91, %sub3A_183 : f32
    %add3A_185 = arith.constant 2 : i32
    %add3A_186 = arith.addi %mul3A_2, %add3A_185 : i32
    %add3A_187 = arith.constant 1024 : i32
    %add3A_188 = arith.addi %add3A_187, %mul3A_2 : i32
    %get3A_189 = arith.index_cast %add3A_188 : i32 to index
    %get3A_190 = tpu.vector_load %arg4[%get3A_189] {strides = array<i32>} : memref<8192xf32, #tpu.memory_space<vmem>>, vector<16xf32>,
    %get3A_191 = vector.shape_cast %get3A_190 : vector<16xf32> to vector<16xf32>
    %slice3A_192 = vector.extract_strided_slice %get3A_191 {offsets = [2], sizes = [1], strides = [1]} : vector<16xf32> to vector<1xf32>
    %squeeze3A_193 = vector.extract %slice3A_192[0] : f32 from vector<1xf32>
    %broadcast_in_dim3A_194 = vector.broadcast %squeeze3A_193 : f32 to vector<16xf32>
    %scan3A_195 = arith.constant 0 : i32
    %scan3A_196 = arith.constant 32 : i32
    %scan3A_197 = arith.addi %scan3A_195, %scan3A_196 : i32
    %scan3A_198 = arith.constant 1 : i32
    %scan3A_199 = scf.for %scan3A_1499 = %scan3A_195 to %scan3A_197 step %scan3A_198 iter_args(%scan3A_1500 = %broadcast_in_dim3A_7) -> (vector<16xi32>)  : i32 {
      %mul3A_1501 = arith.constant 16 : i32
      %mul3A_1502 = arith.muli %scan3A_1499, %mul3A_1501 : i32
      %add3A_1503 = arith.constant 1024 : i32
      %add3A_1504 = arith.addi %add3A_1503, %mul3A_1502 : i32
      %get3A_1505 = arith.index_cast %add3A_1504 : i32 to index
      %get3A_1506 = tpu.vector_load %arg4[%get3A_1505] {strides = array<i32>} : memref<8192xf32, #tpu.memory_space<vmem>>, vector<16xf32>,
      %get3A_1507 = vector.shape_cast %get3A_1506 : vector<16xf32> to vector<16xf32>
      %mul3A_1508 = arith.constant 16 : i32
      %mul3A_1509 = arith.muli %scan3A_1499, %mul3A_1508 : i32
      %add3A_1510 = vector.broadcast %mul3A_1509 : i32 to vector<16xi32>
      %add3A_1511 = arith.addi %iota3A, %add3A_1510 : vector<16xi32>
      %gt3A_1512 = arith.cmpf ogt, %get3A_1507, %broadcast_in_dim3A_194 : vector<16xf32>
      %eq3A_1513 = arith.cmpf oeq, %get3A_1507, %broadcast_in_dim3A_194 : vector<16xf32>
      %lt3A_1514 = vector.broadcast %add3A_186 : i32 to vector<16xi32>
      %lt3A_1515 = arith.cmpi slt, %add3A_1511, %lt3A_1514 : vector<16xi32>
      %and3A_1516 = arith.andi %eq3A_1513, %lt3A_1515 : vector<16xi1>
      %or3A = arith.ori %gt3A_1512, %and3A_1516 : vector<16xi1>
      %gt3A_1517 = arith.constant 0.000000e+00 : f32
      %gt3A_1518 = vector.broadcast %gt3A_1517 : f32 to vector<16xf32>
      %gt3A_1519 = arith.cmpf ogt, %get3A_1507, %gt3A_1518 : vector<16xf32>
      %jit3A_1520 = arith.constant 1048576 : i32
      %jit3A_1521 = arith.constant 0 : i32
      %broadcast_in_dim3A_1522 = vector.broadcast %jit3A_1520 : i32 to vector<16xi32>
      %broadcast_in_dim3A_1523 = vector.broadcast %jit3A_1521 : i32 to vector<16xi32>
      %select_n3A_1524 = arith.select %gt3A_1519, %broadcast_in_dim3A_1522, %broadcast_in_dim3A_1523 : vector<16xi1>, vector<16xi32>
      %add3A_1525 = arith.addi %scan3A_1500, %select_n3A_1524 : vector<16xi32>
      %eq3A_1526 = arith.constant 0.000000e+00 : f32
      %eq3A_1527 = vector.broadcast %eq3A_1526 : f32 to vector<16xf32>
      %eq3A_1528 = arith.cmpf oeq, %get3A_1507, %eq3A_1527 : vector<16xf32>
      %jit3A_1529 = arith.constant 1024 : i32
      %jit3A_1530 = arith.constant 0 : i32
      %broadcast_in_dim3A_1531 = vector.broadcast %jit3A_1529 : i32 to vector<16xi32>
      %broadcast_in_dim3A_1532 = vector.broadcast %jit3A_1530 : i32 to vector<16xi32>
      %select_n3A_1533 = arith.select %eq3A_1528, %broadcast_in_dim3A_1531, %broadcast_in_dim3A_1532 : vector<16xi1>, vector<16xi32>
      %add3A_1534 = arith.addi %add3A_1525, %select_n3A_1533 : vector<16xi32>
      %jit3A_1535 = arith.constant 1 : i32
      %jit3A_1536 = arith.constant 0 : i32
      %broadcast_in_dim3A_1537 = vector.broadcast %jit3A_1535 : i32 to vector<16xi32>
      %broadcast_in_dim3A_1538 = vector.broadcast %jit3A_1536 : i32 to vector<16xi32>
      %select_n3A_1539 = arith.select %or3A, %broadcast_in_dim3A_1537, %broadcast_in_dim3A_1538 : vector<16xi1>, vector<16xi32>
      %add3A_1540 = arith.addi %add3A_1534, %select_n3A_1539 : vector<16xi32>
      scf.yield %add3A_1540 : vector<16xi32>
    }
    %scan3A_200 = arith.constant 32 : i32
    %swap3A_201 = arith.constant 0 : index
    %swap3A_202 = tpu.vector_load %arg5[%swap3A_201] {strides = array<i32>} : memref<32xi32, #tpu.memory_space<vmem>>, vector<16xi32>,
    %swap3A_203 = vector.shape_cast %swap3A_202 : vector<16xi32> to vector<16xi32>
    %swap3A_204 = vector.shape_cast %scan3A_199 : vector<16xi32> to vector<16xi32>
    tpu.vector_store %arg5[%swap3A_201], %swap3A_204 {strides = array<i32>} : memref<32xi32, #tpu.memory_space<vmem>>, vector<16xi32>,
    %get3A_205 = arith.constant 8 : index
    %get3A_206 = tpu.vector_load %arg5[%get3A_205] {strides = array<i32>} : memref<32xi32, #tpu.memory_space<vmem>>, vector<16xi32>,
    %get3A_207 = vector.shape_cast %get3A_206 : vector<16xi32> to vector<16xi32>
    %add3A_208 = arith.addi %scan3A_199, %get3A_207 : vector<16xi32>
    %swap3A_209 = arith.constant 0 : index
    %swap3A_210 = tpu.vector_load %arg5[%swap3A_209] {strides = array<i32>} : memref<32xi32, #tpu.memory_space<vmem>>, vector<16xi32>,
    %swap3A_211 = vector.shape_cast %swap3A_210 : vector<16xi32> to vector<16xi32>
    %swap3A_212 = vector.shape_cast %add3A_208 : vector<16xi32> to vector<16xi32>
    tpu.vector_store %arg5[%swap3A_209], %swap3A_212 {strides = array<i32>} : memref<32xi32, #tpu.memory_space<vmem>>, vector<16xi32>,
    %get3A_213 = arith.constant 4 : index
    %get3A_214 = tpu.vector_load %arg5[%get3A_213] {strides = array<i32>} : memref<32xi32, #tpu.memory_space<vmem>>, vector<16xi32>,
    %get3A_215 = vector.shape_cast %get3A_214 : vector<16xi32> to vector<16xi32>
    %add3A_216 = arith.addi %add3A_208, %get3A_215 : vector<16xi32>
    %swap3A_217 = arith.constant 0 : index
    %swap3A_218 = tpu.vector_load %arg5[%swap3A_217] {strides = array<i32>} : memref<32xi32, #tpu.memory_space<vmem>>, vector<16xi32>,
    %swap3A_219 = vector.shape_cast %swap3A_218 : vector<16xi32> to vector<16xi32>
    %swap3A_220 = vector.shape_cast %add3A_216 : vector<16xi32> to vector<16xi32>
    tpu.vector_store %arg5[%swap3A_217], %swap3A_220 {strides = array<i32>} : memref<32xi32, #tpu.memory_space<vmem>>, vector<16xi32>,
    %get3A_221 = arith.constant 2 : index
    %get3A_222 = tpu.vector_load %arg5[%get3A_221] {strides = array<i32>} : memref<32xi32, #tpu.memory_space<vmem>>, vector<16xi32>,
    %get3A_223 = vector.shape_cast %get3A_222 : vector<16xi32> to vector<16xi32>
    %add3A_224 = arith.addi %add3A_216, %get3A_223 : vector<16xi32>
    %swap3A_225 = arith.constant 0 : index
    %swap3A_226 = tpu.vector_load %arg5[%swap3A_225] {strides = array<i32>} : memref<32xi32, #tpu.memory_space<vmem>>, vector<16xi32>,
    %swap3A_227 = vector.shape_cast %swap3A_226 : vector<16xi32> to vector<16xi32>
    %swap3A_228 = vector.shape_cast %add3A_224 : vector<16xi32> to vector<16xi32>
    tpu.vector_store %arg5[%swap3A_225], %swap3A_228 {strides = array<i32>} : memref<32xi32, #tpu.memory_space<vmem>>, vector<16xi32>,
    %get3A_229 = arith.constant 1 : index
    %get3A_230 = tpu.vector_load %arg5[%get3A_229] {strides = array<i32>} : memref<32xi32, #tpu.memory_space<vmem>>, vector<16xi32>,
    %get3A_231 = vector.shape_cast %get3A_230 : vector<16xi32> to vector<16xi32>
    %add3A_232 = arith.addi %add3A_224, %get3A_231 : vector<16xi32>
    %slice3A_233 = vector.extract_strided_slice %add3A_232 {offsets = [0], sizes = [1], strides = [1]} : vector<16xi32> to vector<1xi32>
    %squeeze3A_234 = vector.extract %slice3A_233[0] : i32 from vector<1xi32>
    %shift_right_logical3A_235 = arith.constant 20 : i32
    %shift_right_logical3A_236 = arith.shrui %squeeze3A_234, %shift_right_logical3A_235 : i32
    %shift_right_logical3A_237 = arith.constant 10 : i32
    %shift_right_logical3A_238 = arith.shrui %squeeze3A_234, %shift_right_logical3A_237 : i32
    %and3A_239 = arith.constant 1023 : i32
    %and3A_240 = arith.andi %shift_right_logical3A_238, %and3A_239 : i32
    %and3A_241 = arith.constant 1023 : i32
    %and3A_242 = arith.andi %squeeze3A_234, %and3A_241 : i32
    %ge3A_243 = arith.constant 1 : i32
    %ge3A_244 = arith.cmpi sge, %shift_right_logical3A_236, %ge3A_243 : i32
    %ge3A_245 = arith.constant 1 : i32
    %ge3A_246 = arith.cmpi sge, %and3A_240, %ge3A_245 : i32
    %jit3A_247 = arith.constant 0.000000e+00 : f32
    %jit3A_248 = arith.constant -1.000000e+00 : f32
    %select_n3A_249 = arith.select %ge3A_246, %jit3A_247, %jit3A_248 : f32
    %jit3A_250 = arith.constant 1.000000e+00 : f32
    %select_n3A_251 = arith.select %ge3A_244, %jit3A_250, %select_n3A_249 : f32
    %ge3A_252 = arith.constant 2 : i32
    %ge3A_253 = arith.cmpi sge, %shift_right_logical3A_236, %ge3A_252 : i32
    %add3A_254 = arith.addi %shift_right_logical3A_236, %and3A_240 : i32
    %ge3A_255 = arith.constant 2 : i32
    %ge3A_256 = arith.cmpi sge, %add3A_254, %ge3A_255 : i32
    %jit3A_257 = arith.constant 0.000000e+00 : f32
    %jit3A_258 = arith.constant -1.000000e+00 : f32
    %select_n3A_259 = arith.select %ge3A_256, %jit3A_257, %jit3A_258 : f32
    %jit3A_260 = arith.constant 1.000000e+00 : f32
    %select_n3A_261 = arith.select %ge3A_253, %jit3A_260, %select_n3A_259 : f32
    %gt3A_262 = arith.constant 0.000000e+00 : f32
    %gt3A_263 = arith.cmpf ogt, %squeeze3A_193, %gt3A_262 : f32
    %lt3A_264 = arith.constant 0.000000e+00 : f32
    %lt3A_265 = arith.cmpf olt, %squeeze3A_193, %lt3A_264 : f32
    %jit3A_266 = arith.constant -1.000000e+00 : f32
    %jit3A_267 = arith.constant 0.000000e+00 : f32
    %select_n3A_268 = arith.select %lt3A_265, %jit3A_266, %jit3A_267 : f32
    %jit3A_269 = arith.constant 1.000000e+00 : f32
    %select_n3A_270 = arith.select %gt3A_263, %jit3A_269, %select_n3A_268 : f32
    %add3A_271 = arith.addf %select_n3A_251, %select_n3A_261 : f32
    %le3A_272 = arith.constant 1 : i32
    %le3A_273 = arith.cmpi sle, %and3A_242, %le3A_272 : i32
    %jit3A_274 = arith.constant 0.000000e+00 : f32
    %select_n3A_275 = arith.select %le3A_273, %select_n3A_270, %jit3A_274 : f32
    %sub3A_276 = arith.subf %add3A_271, %select_n3A_275 : f32
    %add3A_277 = arith.addf %add3A_184, %sub3A_276 : f32
    %add3A_278 = arith.constant 3 : i32
    %add3A_279 = arith.addi %mul3A_2, %add3A_278 : i32
    %add3A_280 = arith.constant 1536 : i32
    %add3A_281 = arith.addi %add3A_280, %mul3A_2 : i32
    %get3A_282 = arith.index_cast %add3A_281 : i32 to index
    %get3A_283 = tpu.vector_load %arg4[%get3A_282] {strides = array<i32>} : memref<8192xf32, #tpu.memory_space<vmem>>, vector<16xf32>,
    %get3A_284 = vector.shape_cast %get3A_283 : vector<16xf32> to vector<16xf32>
    %slice3A_285 = vector.extract_strided_slice %get3A_284 {offsets = [3], sizes = [1], strides = [1]} : vector<16xf32> to vector<1xf32>
    %squeeze3A_286 = vector.extract %slice3A_285[0] : f32 from vector<1xf32>
    %broadcast_in_dim3A_287 = vector.broadcast %squeeze3A_286 : f32 to vector<16xf32>
    %scan3A_288 = arith.constant 0 : i32
    %scan3A_289 = arith.constant 32 : i32
    %scan3A_290 = arith.addi %scan3A_288, %scan3A_289 : i32
    %scan3A_291 = arith.constant 1 : i32
    %scan3A_292 = scf.for %scan3A_1499 = %scan3A_288 to %scan3A_290 step %scan3A_291 iter_args(%scan3A_1500 = %broadcast_in_dim3A_7) -> (vector<16xi32>)  : i32 {
      %mul3A_1501 = arith.constant 16 : i32
      %mul3A_1502 = arith.muli %scan3A_1499, %mul3A_1501 : i32
      %add3A_1503 = arith.constant 1536 : i32
      %add3A_1504 = arith.addi %add3A_1503, %mul3A_1502 : i32
      %get3A_1505 = arith.index_cast %add3A_1504 : i32 to index
      %get3A_1506 = tpu.vector_load %arg4[%get3A_1505] {strides = array<i32>} : memref<8192xf32, #tpu.memory_space<vmem>>, vector<16xf32>,
      %get3A_1507 = vector.shape_cast %get3A_1506 : vector<16xf32> to vector<16xf32>
      %mul3A_1508 = arith.constant 16 : i32
      %mul3A_1509 = arith.muli %scan3A_1499, %mul3A_1508 : i32
      %add3A_1510 = vector.broadcast %mul3A_1509 : i32 to vector<16xi32>
      %add3A_1511 = arith.addi %iota3A, %add3A_1510 : vector<16xi32>
      %gt3A_1512 = arith.cmpf ogt, %get3A_1507, %broadcast_in_dim3A_287 : vector<16xf32>
      %eq3A_1513 = arith.cmpf oeq, %get3A_1507, %broadcast_in_dim3A_287 : vector<16xf32>
      %lt3A_1514 = vector.broadcast %add3A_279 : i32 to vector<16xi32>
      %lt3A_1515 = arith.cmpi slt, %add3A_1511, %lt3A_1514 : vector<16xi32>
      %and3A_1516 = arith.andi %eq3A_1513, %lt3A_1515 : vector<16xi1>
      %or3A = arith.ori %gt3A_1512, %and3A_1516 : vector<16xi1>
      %gt3A_1517 = arith.constant 0.000000e+00 : f32
      %gt3A_1518 = vector.broadcast %gt3A_1517 : f32 to vector<16xf32>
      %gt3A_1519 = arith.cmpf ogt, %get3A_1507, %gt3A_1518 : vector<16xf32>
      %jit3A_1520 = arith.constant 1048576 : i32
      %jit3A_1521 = arith.constant 0 : i32
      %broadcast_in_dim3A_1522 = vector.broadcast %jit3A_1520 : i32 to vector<16xi32>
      %broadcast_in_dim3A_1523 = vector.broadcast %jit3A_1521 : i32 to vector<16xi32>
      %select_n3A_1524 = arith.select %gt3A_1519, %broadcast_in_dim3A_1522, %broadcast_in_dim3A_1523 : vector<16xi1>, vector<16xi32>
      %add3A_1525 = arith.addi %scan3A_1500, %select_n3A_1524 : vector<16xi32>
      %eq3A_1526 = arith.constant 0.000000e+00 : f32
      %eq3A_1527 = vector.broadcast %eq3A_1526 : f32 to vector<16xf32>
      %eq3A_1528 = arith.cmpf oeq, %get3A_1507, %eq3A_1527 : vector<16xf32>
      %jit3A_1529 = arith.constant 1024 : i32
      %jit3A_1530 = arith.constant 0 : i32
      %broadcast_in_dim3A_1531 = vector.broadcast %jit3A_1529 : i32 to vector<16xi32>
      %broadcast_in_dim3A_1532 = vector.broadcast %jit3A_1530 : i32 to vector<16xi32>
      %select_n3A_1533 = arith.select %eq3A_1528, %broadcast_in_dim3A_1531, %broadcast_in_dim3A_1532 : vector<16xi1>, vector<16xi32>
      %add3A_1534 = arith.addi %add3A_1525, %select_n3A_1533 : vector<16xi32>
      %jit3A_1535 = arith.constant 1 : i32
      %jit3A_1536 = arith.constant 0 : i32
      %broadcast_in_dim3A_1537 = vector.broadcast %jit3A_1535 : i32 to vector<16xi32>
      %broadcast_in_dim3A_1538 = vector.broadcast %jit3A_1536 : i32 to vector<16xi32>
      %select_n3A_1539 = arith.select %or3A, %broadcast_in_dim3A_1537, %broadcast_in_dim3A_1538 : vector<16xi1>, vector<16xi32>
      %add3A_1540 = arith.addi %add3A_1534, %select_n3A_1539 : vector<16xi32>
      scf.yield %add3A_1540 : vector<16xi32>
    }
    %scan3A_293 = arith.constant 32 : i32
    %swap3A_294 = arith.constant 0 : index
    %swap3A_295 = tpu.vector_load %arg5[%swap3A_294] {strides = array<i32>} : memref<32xi32, #tpu.memory_space<vmem>>, vector<16xi32>,
    %swap3A_296 = vector.shape_cast %swap3A_295 : vector<16xi32> to vector<16xi32>
    %swap3A_297 = vector.shape_cast %scan3A_292 : vector<16xi32> to vector<16xi32>
    tpu.vector_store %arg5[%swap3A_294], %swap3A_297 {strides = array<i32>} : memref<32xi32, #tpu.memory_space<vmem>>, vector<16xi32>,
    %get3A_298 = arith.constant 8 : index
    %get3A_299 = tpu.vector_load %arg5[%get3A_298] {strides = array<i32>} : memref<32xi32, #tpu.memory_space<vmem>>, vector<16xi32>,
    %get3A_300 = vector.shape_cast %get3A_299 : vector<16xi32> to vector<16xi32>
    %add3A_301 = arith.addi %scan3A_292, %get3A_300 : vector<16xi32>
    %swap3A_302 = arith.constant 0 : index
    %swap3A_303 = tpu.vector_load %arg5[%swap3A_302] {strides = array<i32>} : memref<32xi32, #tpu.memory_space<vmem>>, vector<16xi32>,
    %swap3A_304 = vector.shape_cast %swap3A_303 : vector<16xi32> to vector<16xi32>
    %swap3A_305 = vector.shape_cast %add3A_301 : vector<16xi32> to vector<16xi32>
    tpu.vector_store %arg5[%swap3A_302], %swap3A_305 {strides = array<i32>} : memref<32xi32, #tpu.memory_space<vmem>>, vector<16xi32>,
    %get3A_306 = arith.constant 4 : index
    %get3A_307 = tpu.vector_load %arg5[%get3A_306] {strides = array<i32>} : memref<32xi32, #tpu.memory_space<vmem>>, vector<16xi32>,
    %get3A_308 = vector.shape_cast %get3A_307 : vector<16xi32> to vector<16xi32>
    %add3A_309 = arith.addi %add3A_301, %get3A_308 : vector<16xi32>
    %swap3A_310 = arith.constant 0 : index
    %swap3A_311 = tpu.vector_load %arg5[%swap3A_310] {strides = array<i32>} : memref<32xi32, #tpu.memory_space<vmem>>, vector<16xi32>,
    %swap3A_312 = vector.shape_cast %swap3A_311 : vector<16xi32> to vector<16xi32>
    %swap3A_313 = vector.shape_cast %add3A_309 : vector<16xi32> to vector<16xi32>
    tpu.vector_store %arg5[%swap3A_310], %swap3A_313 {strides = array<i32>} : memref<32xi32, #tpu.memory_space<vmem>>, vector<16xi32>,
    %get3A_314 = arith.constant 2 : index
    %get3A_315 = tpu.vector_load %arg5[%get3A_314] {strides = array<i32>} : memref<32xi32, #tpu.memory_space<vmem>>, vector<16xi32>,
    %get3A_316 = vector.shape_cast %get3A_315 : vector<16xi32> to vector<16xi32>
    %add3A_317 = arith.addi %add3A_309, %get3A_316 : vector<16xi32>
    %swap3A_318 = arith.constant 0 : index
    %swap3A_319 = tpu.vector_load %arg5[%swap3A_318] {strides = array<i32>} : memref<32xi32, #tpu.memory_space<vmem>>, vector<16xi32>,
    %swap3A_320 = vector.shape_cast %swap3A_319 : vector<16xi32> to vector<16xi32>
    %swap3A_321 = vector.shape_cast %add3A_317 : vector<16xi32> to vector<16xi32>
    tpu.vector_store %arg5[%swap3A_318], %swap3A_321 {strides = array<i32>} : memref<32xi32, #tpu.memory_space<vmem>>, vector<16xi32>,
    %get3A_322 = arith.constant 1 : index
    %get3A_323 = tpu.vector_load %arg5[%get3A_322] {strides = array<i32>} : memref<32xi32, #tpu.memory_space<vmem>>, vector<16xi32>,
    %get3A_324 = vector.shape_cast %get3A_323 : vector<16xi32> to vector<16xi32>
    %add3A_325 = arith.addi %add3A_317, %get3A_324 : vector<16xi32>
    %slice3A_326 = vector.extract_strided_slice %add3A_325 {offsets = [0], sizes = [1], strides = [1]} : vector<16xi32> to vector<1xi32>
    %squeeze3A_327 = vector.extract %slice3A_326[0] : i32 from vector<1xi32>
    %shift_right_logical3A_328 = arith.constant 20 : i32
    %shift_right_logical3A_329 = arith.shrui %squeeze3A_327, %shift_right_logical3A_328 : i32
    %shift_right_logical3A_330 = arith.constant 10 : i32
    %shift_right_logical3A_331 = arith.shrui %squeeze3A_327, %shift_right_logical3A_330 : i32
    %and3A_332 = arith.constant 1023 : i32
    %and3A_333 = arith.andi %shift_right_logical3A_331, %and3A_332 : i32
    %and3A_334 = arith.constant 1023 : i32
    %and3A_335 = arith.andi %squeeze3A_327, %and3A_334 : i32
    %ge3A_336 = arith.constant 1 : i32
    %ge3A_337 = arith.cmpi sge, %shift_right_logical3A_329, %ge3A_336 : i32
    %ge3A_338 = arith.constant 1 : i32
    %ge3A_339 = arith.cmpi sge, %and3A_333, %ge3A_338 : i32
    %jit3A_340 = arith.constant 0.000000e+00 : f32
    %jit3A_341 = arith.constant -1.000000e+00 : f32
    %select_n3A_342 = arith.select %ge3A_339, %jit3A_340, %jit3A_341 : f32
    %jit3A_343 = arith.constant 1.000000e+00 : f32
    %select_n3A_344 = arith.select %ge3A_337, %jit3A_343, %select_n3A_342 : f32
    %ge3A_345 = arith.constant 2 : i32
    %ge3A_346 = arith.cmpi sge, %shift_right_logical3A_329, %ge3A_345 : i32
    %add3A_347 = arith.addi %shift_right_logical3A_329, %and3A_333 : i32
    %ge3A_348 = arith.constant 2 : i32
    %ge3A_349 = arith.cmpi sge, %add3A_347, %ge3A_348 : i32
    %jit3A_350 = arith.constant 0.000000e+00 : f32
    %jit3A_351 = arith.constant -1.000000e+00 : f32
    %select_n3A_352 = arith.select %ge3A_349, %jit3A_350, %jit3A_351 : f32
    %jit3A_353 = arith.constant 1.000000e+00 : f32
    %select_n3A_354 = arith.select %ge3A_346, %jit3A_353, %select_n3A_352 : f32
    %gt3A_355 = arith.constant 0.000000e+00 : f32
    %gt3A_356 = arith.cmpf ogt, %squeeze3A_286, %gt3A_355 : f32
    %lt3A_357 = arith.constant 0.000000e+00 : f32
    %lt3A_358 = arith.cmpf olt, %squeeze3A_286, %lt3A_357 : f32
    %jit3A_359 = arith.constant -1.000000e+00 : f32
    %jit3A_360 = arith.constant 0.000000e+00 : f32
    %select_n3A_361 = arith.select %lt3A_358, %jit3A_359, %jit3A_360 : f32
    %jit3A_362 = arith.constant 1.000000e+00 : f32
    %select_n3A_363 = arith.select %gt3A_356, %jit3A_362, %select_n3A_361 : f32
    %add3A_364 = arith.addf %select_n3A_344, %select_n3A_354 : f32
    %le3A_365 = arith.constant 1 : i32
    %le3A_366 = arith.cmpi sle, %and3A_335, %le3A_365 : i32
    %jit3A_367 = arith.constant 0.000000e+00 : f32
    %select_n3A_368 = arith.select %le3A_366, %select_n3A_363, %jit3A_367 : f32
    %sub3A_369 = arith.subf %add3A_364, %select_n3A_368 : f32
    %add3A_370 = arith.addf %add3A_277, %sub3A_369 : f32
    %add3A_371 = arith.constant 4 : i32
    %add3A_372 = arith.addi %mul3A_2, %add3A_371 : i32
    %add3A_373 = arith.constant 2048 : i32
    %add3A_374 = arith.addi %add3A_373, %mul3A_2 : i32
    %get3A_375 = arith.index_cast %add3A_374 : i32 to index
    %get3A_376 = tpu.vector_load %arg4[%get3A_375] {strides = array<i32>} : memref<8192xf32, #tpu.memory_space<vmem>>, vector<16xf32>,
    %get3A_377 = vector.shape_cast %get3A_376 : vector<16xf32> to vector<16xf32>
    %slice3A_378 = vector.extract_strided_slice %get3A_377 {offsets = [4], sizes = [1], strides = [1]} : vector<16xf32> to vector<1xf32>
    %squeeze3A_379 = vector.extract %slice3A_378[0] : f32 from vector<1xf32>
    %broadcast_in_dim3A_380 = vector.broadcast %squeeze3A_379 : f32 to vector<16xf32>
    %scan3A_381 = arith.constant 0 : i32
    %scan3A_382 = arith.constant 32 : i32
    %scan3A_383 = arith.addi %scan3A_381, %scan3A_382 : i32
    %scan3A_384 = arith.constant 1 : i32
    %scan3A_385 = scf.for %scan3A_1499 = %scan3A_381 to %scan3A_383 step %scan3A_384 iter_args(%scan3A_1500 = %broadcast_in_dim3A_7) -> (vector<16xi32>)  : i32 {
      %mul3A_1501 = arith.constant 16 : i32
      %mul3A_1502 = arith.muli %scan3A_1499, %mul3A_1501 : i32
      %add3A_1503 = arith.constant 2048 : i32
      %add3A_1504 = arith.addi %add3A_1503, %mul3A_1502 : i32
      %get3A_1505 = arith.index_cast %add3A_1504 : i32 to index
      %get3A_1506 = tpu.vector_load %arg4[%get3A_1505] {strides = array<i32>} : memref<8192xf32, #tpu.memory_space<vmem>>, vector<16xf32>,
      %get3A_1507 = vector.shape_cast %get3A_1506 : vector<16xf32> to vector<16xf32>
      %mul3A_1508 = arith.constant 16 : i32
      %mul3A_1509 = arith.muli %scan3A_1499, %mul3A_1508 : i32
      %add3A_1510 = vector.broadcast %mul3A_1509 : i32 to vector<16xi32>
      %add3A_1511 = arith.addi %iota3A, %add3A_1510 : vector<16xi32>
      %gt3A_1512 = arith.cmpf ogt, %get3A_1507, %broadcast_in_dim3A_380 : vector<16xf32>
      %eq3A_1513 = arith.cmpf oeq, %get3A_1507, %broadcast_in_dim3A_380 : vector<16xf32>
      %lt3A_1514 = vector.broadcast %add3A_372 : i32 to vector<16xi32>
      %lt3A_1515 = arith.cmpi slt, %add3A_1511, %lt3A_1514 : vector<16xi32>
      %and3A_1516 = arith.andi %eq3A_1513, %lt3A_1515 : vector<16xi1>
      %or3A = arith.ori %gt3A_1512, %and3A_1516 : vector<16xi1>
      %gt3A_1517 = arith.constant 0.000000e+00 : f32
      %gt3A_1518 = vector.broadcast %gt3A_1517 : f32 to vector<16xf32>
      %gt3A_1519 = arith.cmpf ogt, %get3A_1507, %gt3A_1518 : vector<16xf32>
      %jit3A_1520 = arith.constant 1048576 : i32
      %jit3A_1521 = arith.constant 0 : i32
      %broadcast_in_dim3A_1522 = vector.broadcast %jit3A_1520 : i32 to vector<16xi32>
      %broadcast_in_dim3A_1523 = vector.broadcast %jit3A_1521 : i32 to vector<16xi32>
      %select_n3A_1524 = arith.select %gt3A_1519, %broadcast_in_dim3A_1522, %broadcast_in_dim3A_1523 : vector<16xi1>, vector<16xi32>
      %add3A_1525 = arith.addi %scan3A_1500, %select_n3A_1524 : vector<16xi32>
      %eq3A_1526 = arith.constant 0.000000e+00 : f32
      %eq3A_1527 = vector.broadcast %eq3A_1526 : f32 to vector<16xf32>
      %eq3A_1528 = arith.cmpf oeq, %get3A_1507, %eq3A_1527 : vector<16xf32>
      %jit3A_1529 = arith.constant 1024 : i32
      %jit3A_1530 = arith.constant 0 : i32
      %broadcast_in_dim3A_1531 = vector.broadcast %jit3A_1529 : i32 to vector<16xi32>
      %broadcast_in_dim3A_1532 = vector.broadcast %jit3A_1530 : i32 to vector<16xi32>
      %select_n3A_1533 = arith.select %eq3A_1528, %broadcast_in_dim3A_1531, %broadcast_in_dim3A_1532 : vector<16xi1>, vector<16xi32>
      %add3A_1534 = arith.addi %add3A_1525, %select_n3A_1533 : vector<16xi32>
      %jit3A_1535 = arith.constant 1 : i32
      %jit3A_1536 = arith.constant 0 : i32
      %broadcast_in_dim3A_1537 = vector.broadcast %jit3A_1535 : i32 to vector<16xi32>
      %broadcast_in_dim3A_1538 = vector.broadcast %jit3A_1536 : i32 to vector<16xi32>
      %select_n3A_1539 = arith.select %or3A, %broadcast_in_dim3A_1537, %broadcast_in_dim3A_1538 : vector<16xi1>, vector<16xi32>
      %add3A_1540 = arith.addi %add3A_1534, %select_n3A_1539 : vector<16xi32>
      scf.yield %add3A_1540 : vector<16xi32>
    }
    %scan3A_386 = arith.constant 32 : i32
    %swap3A_387 = arith.constant 0 : index
    %swap3A_388 = tpu.vector_load %arg5[%swap3A_387] {strides = array<i32>} : memref<32xi32, #tpu.memory_space<vmem>>, vector<16xi32>,
    %swap3A_389 = vector.shape_cast %swap3A_388 : vector<16xi32> to vector<16xi32>
    %swap3A_390 = vector.shape_cast %scan3A_385 : vector<16xi32> to vector<16xi32>
    tpu.vector_store %arg5[%swap3A_387], %swap3A_390 {strides = array<i32>} : memref<32xi32, #tpu.memory_space<vmem>>, vector<16xi32>,
    %get3A_391 = arith.constant 8 : index
    %get3A_392 = tpu.vector_load %arg5[%get3A_391] {strides = array<i32>} : memref<32xi32, #tpu.memory_space<vmem>>, vector<16xi32>,
    %get3A_393 = vector.shape_cast %get3A_392 : vector<16xi32> to vector<16xi32>
    %add3A_394 = arith.addi %scan3A_385, %get3A_393 : vector<16xi32>
    %swap3A_395 = arith.constant 0 : index
    %swap3A_396 = tpu.vector_load %arg5[%swap3A_395] {strides = array<i32>} : memref<32xi32, #tpu.memory_space<vmem>>, vector<16xi32>,
    %swap3A_397 = vector.shape_cast %swap3A_396 : vector<16xi32> to vector<16xi32>
    %swap3A_398 = vector.shape_cast %add3A_394 : vector<16xi32> to vector<16xi32>
    tpu.vector_store %arg5[%swap3A_395], %swap3A_398 {strides = array<i32>} : memref<32xi32, #tpu.memory_space<vmem>>, vector<16xi32>,
    %get3A_399 = arith.constant 4 : index
    %get3A_400 = tpu.vector_load %arg5[%get3A_399] {strides = array<i32>} : memref<32xi32, #tpu.memory_space<vmem>>, vector<16xi32>,
    %get3A_401 = vector.shape_cast %get3A_400 : vector<16xi32> to vector<16xi32>
    %add3A_402 = arith.addi %add3A_394, %get3A_401 : vector<16xi32>
    %swap3A_403 = arith.constant 0 : index
    %swap3A_404 = tpu.vector_load %arg5[%swap3A_403] {strides = array<i32>} : memref<32xi32, #tpu.memory_space<vmem>>, vector<16xi32>,
    %swap3A_405 = vector.shape_cast %swap3A_404 : vector<16xi32> to vector<16xi32>
    %swap3A_406 = vector.shape_cast %add3A_402 : vector<16xi32> to vector<16xi32>
    tpu.vector_store %arg5[%swap3A_403], %swap3A_406 {strides = array<i32>} : memref<32xi32, #tpu.memory_space<vmem>>, vector<16xi32>,
    %get3A_407 = arith.constant 2 : index
    %get3A_408 = tpu.vector_load %arg5[%get3A_407] {strides = array<i32>} : memref<32xi32, #tpu.memory_space<vmem>>, vector<16xi32>,
    %get3A_409 = vector.shape_cast %get3A_408 : vector<16xi32> to vector<16xi32>
    %add3A_410 = arith.addi %add3A_402, %get3A_409 : vector<16xi32>
    %swap3A_411 = arith.constant 0 : index
    %swap3A_412 = tpu.vector_load %arg5[%swap3A_411] {strides = array<i32>} : memref<32xi32, #tpu.memory_space<vmem>>, vector<16xi32>,
    %swap3A_413 = vector.shape_cast %swap3A_412 : vector<16xi32> to vector<16xi32>
    %swap3A_414 = vector.shape_cast %add3A_410 : vector<16xi32> to vector<16xi32>
    tpu.vector_store %arg5[%swap3A_411], %swap3A_414 {strides = array<i32>} : memref<32xi32, #tpu.memory_space<vmem>>, vector<16xi32>,
    %get3A_415 = arith.constant 1 : index
    %get3A_416 = tpu.vector_load %arg5[%get3A_415] {strides = array<i32>} : memref<32xi32, #tpu.memory_space<vmem>>, vector<16xi32>,
    %get3A_417 = vector.shape_cast %get3A_416 : vector<16xi32> to vector<16xi32>
    %add3A_418 = arith.addi %add3A_410, %get3A_417 : vector<16xi32>
    %slice3A_419 = vector.extract_strided_slice %add3A_418 {offsets = [0], sizes = [1], strides = [1]} : vector<16xi32> to vector<1xi32>
    %squeeze3A_420 = vector.extract %slice3A_419[0] : i32 from vector<1xi32>
    %shift_right_logical3A_421 = arith.constant 20 : i32
    %shift_right_logical3A_422 = arith.shrui %squeeze3A_420, %shift_right_logical3A_421 : i32
    %shift_right_logical3A_423 = arith.constant 10 : i32
    %shift_right_logical3A_424 = arith.shrui %squeeze3A_420, %shift_right_logical3A_423 : i32
    %and3A_425 = arith.constant 1023 : i32
    %and3A_426 = arith.andi %shift_right_logical3A_424, %and3A_425 : i32
    %and3A_427 = arith.constant 1023 : i32
    %and3A_428 = arith.andi %squeeze3A_420, %and3A_427 : i32
    %ge3A_429 = arith.constant 1 : i32
    %ge3A_430 = arith.cmpi sge, %shift_right_logical3A_422, %ge3A_429 : i32
    %ge3A_431 = arith.constant 1 : i32
    %ge3A_432 = arith.cmpi sge, %and3A_426, %ge3A_431 : i32
    %jit3A_433 = arith.constant 0.000000e+00 : f32
    %jit3A_434 = arith.constant -1.000000e+00 : f32
    %select_n3A_435 = arith.select %ge3A_432, %jit3A_433, %jit3A_434 : f32
    %jit3A_436 = arith.constant 1.000000e+00 : f32
    %select_n3A_437 = arith.select %ge3A_430, %jit3A_436, %select_n3A_435 : f32
    %ge3A_438 = arith.constant 2 : i32
    %ge3A_439 = arith.cmpi sge, %shift_right_logical3A_422, %ge3A_438 : i32
    %add3A_440 = arith.addi %shift_right_logical3A_422, %and3A_426 : i32
    %ge3A_441 = arith.constant 2 : i32
    %ge3A_442 = arith.cmpi sge, %add3A_440, %ge3A_441 : i32
    %jit3A_443 = arith.constant 0.000000e+00 : f32
    %jit3A_444 = arith.constant -1.000000e+00 : f32
    %select_n3A_445 = arith.select %ge3A_442, %jit3A_443, %jit3A_444 : f32
    %jit3A_446 = arith.constant 1.000000e+00 : f32
    %select_n3A_447 = arith.select %ge3A_439, %jit3A_446, %select_n3A_445 : f32
    %gt3A_448 = arith.constant 0.000000e+00 : f32
    %gt3A_449 = arith.cmpf ogt, %squeeze3A_379, %gt3A_448 : f32
    %lt3A_450 = arith.constant 0.000000e+00 : f32
    %lt3A_451 = arith.cmpf olt, %squeeze3A_379, %lt3A_450 : f32
    %jit3A_452 = arith.constant -1.000000e+00 : f32
    %jit3A_453 = arith.constant 0.000000e+00 : f32
    %select_n3A_454 = arith.select %lt3A_451, %jit3A_452, %jit3A_453 : f32
    %jit3A_455 = arith.constant 1.000000e+00 : f32
    %select_n3A_456 = arith.select %gt3A_449, %jit3A_455, %select_n3A_454 : f32
    %add3A_457 = arith.addf %select_n3A_437, %select_n3A_447 : f32
    %le3A_458 = arith.constant 1 : i32
    %le3A_459 = arith.cmpi sle, %and3A_428, %le3A_458 : i32
    %jit3A_460 = arith.constant 0.000000e+00 : f32
    %select_n3A_461 = arith.select %le3A_459, %select_n3A_456, %jit3A_460 : f32
    %sub3A_462 = arith.subf %add3A_457, %select_n3A_461 : f32
    %add3A_463 = arith.addf %add3A_370, %sub3A_462 : f32
    %add3A_464 = arith.constant 5 : i32
    %add3A_465 = arith.addi %mul3A_2, %add3A_464 : i32
    %add3A_466 = arith.constant 2560 : i32
    %add3A_467 = arith.addi %add3A_466, %mul3A_2 : i32
    %get3A_468 = arith.index_cast %add3A_467 : i32 to index
    %get3A_469 = tpu.vector_load %arg4[%get3A_468] {strides = array<i32>} : memref<8192xf32, #tpu.memory_space<vmem>>, vector<16xf32>,
    %get3A_470 = vector.shape_cast %get3A_469 : vector<16xf32> to vector<16xf32>
    %slice3A_471 = vector.extract_strided_slice %get3A_470 {offsets = [5], sizes = [1], strides = [1]} : vector<16xf32> to vector<1xf32>
    %squeeze3A_472 = vector.extract %slice3A_471[0] : f32 from vector<1xf32>
    %broadcast_in_dim3A_473 = vector.broadcast %squeeze3A_472 : f32 to vector<16xf32>
    %scan3A_474 = arith.constant 0 : i32
    %scan3A_475 = arith.constant 32 : i32
    %scan3A_476 = arith.addi %scan3A_474, %scan3A_475 : i32
    %scan3A_477 = arith.constant 1 : i32
    %scan3A_478 = scf.for %scan3A_1499 = %scan3A_474 to %scan3A_476 step %scan3A_477 iter_args(%scan3A_1500 = %broadcast_in_dim3A_7) -> (vector<16xi32>)  : i32 {
      %mul3A_1501 = arith.constant 16 : i32
      %mul3A_1502 = arith.muli %scan3A_1499, %mul3A_1501 : i32
      %add3A_1503 = arith.constant 2560 : i32
      %add3A_1504 = arith.addi %add3A_1503, %mul3A_1502 : i32
      %get3A_1505 = arith.index_cast %add3A_1504 : i32 to index
      %get3A_1506 = tpu.vector_load %arg4[%get3A_1505] {strides = array<i32>} : memref<8192xf32, #tpu.memory_space<vmem>>, vector<16xf32>,
      %get3A_1507 = vector.shape_cast %get3A_1506 : vector<16xf32> to vector<16xf32>
      %mul3A_1508 = arith.constant 16 : i32
      %mul3A_1509 = arith.muli %scan3A_1499, %mul3A_1508 : i32
      %add3A_1510 = vector.broadcast %mul3A_1509 : i32 to vector<16xi32>
      %add3A_1511 = arith.addi %iota3A, %add3A_1510 : vector<16xi32>
      %gt3A_1512 = arith.cmpf ogt, %get3A_1507, %broadcast_in_dim3A_473 : vector<16xf32>
      %eq3A_1513 = arith.cmpf oeq, %get3A_1507, %broadcast_in_dim3A_473 : vector<16xf32>
      %lt3A_1514 = vector.broadcast %add3A_465 : i32 to vector<16xi32>
      %lt3A_1515 = arith.cmpi slt, %add3A_1511, %lt3A_1514 : vector<16xi32>
      %and3A_1516 = arith.andi %eq3A_1513, %lt3A_1515 : vector<16xi1>
      %or3A = arith.ori %gt3A_1512, %and3A_1516 : vector<16xi1>
      %gt3A_1517 = arith.constant 0.000000e+00 : f32
      %gt3A_1518 = vector.broadcast %gt3A_1517 : f32 to vector<16xf32>
      %gt3A_1519 = arith.cmpf ogt, %get3A_1507, %gt3A_1518 : vector<16xf32>
      %jit3A_1520 = arith.constant 1048576 : i32
      %jit3A_1521 = arith.constant 0 : i32
      %broadcast_in_dim3A_1522 = vector.broadcast %jit3A_1520 : i32 to vector<16xi32>
      %broadcast_in_dim3A_1523 = vector.broadcast %jit3A_1521 : i32 to vector<16xi32>
      %select_n3A_1524 = arith.select %gt3A_1519, %broadcast_in_dim3A_1522, %broadcast_in_dim3A_1523 : vector<16xi1>, vector<16xi32>
      %add3A_1525 = arith.addi %scan3A_1500, %select_n3A_1524 : vector<16xi32>
      %eq3A_1526 = arith.constant 0.000000e+00 : f32
      %eq3A_1527 = vector.broadcast %eq3A_1526 : f32 to vector<16xf32>
      %eq3A_1528 = arith.cmpf oeq, %get3A_1507, %eq3A_1527 : vector<16xf32>
      %jit3A_1529 = arith.constant 1024 : i32
      %jit3A_1530 = arith.constant 0 : i32
      %broadcast_in_dim3A_1531 = vector.broadcast %jit3A_1529 : i32 to vector<16xi32>
      %broadcast_in_dim3A_1532 = vector.broadcast %jit3A_1530 : i32 to vector<16xi32>
      %select_n3A_1533 = arith.select %eq3A_1528, %broadcast_in_dim3A_1531, %broadcast_in_dim3A_1532 : vector<16xi1>, vector<16xi32>
      %add3A_1534 = arith.addi %add3A_1525, %select_n3A_1533 : vector<16xi32>
      %jit3A_1535 = arith.constant 1 : i32
      %jit3A_1536 = arith.constant 0 : i32
      %broadcast_in_dim3A_1537 = vector.broadcast %jit3A_1535 : i32 to vector<16xi32>
      %broadcast_in_dim3A_1538 = vector.broadcast %jit3A_1536 : i32 to vector<16xi32>
      %select_n3A_1539 = arith.select %or3A, %broadcast_in_dim3A_1537, %broadcast_in_dim3A_1538 : vector<16xi1>, vector<16xi32>
      %add3A_1540 = arith.addi %add3A_1534, %select_n3A_1539 : vector<16xi32>
      scf.yield %add3A_1540 : vector<16xi32>
    }
    %scan3A_479 = arith.constant 32 : i32
    %swap3A_480 = arith.constant 0 : index
    %swap3A_481 = tpu.vector_load %arg5[%swap3A_480] {strides = array<i32>} : memref<32xi32, #tpu.memory_space<vmem>>, vector<16xi32>,
    %swap3A_482 = vector.shape_cast %swap3A_481 : vector<16xi32> to vector<16xi32>
    %swap3A_483 = vector.shape_cast %scan3A_478 : vector<16xi32> to vector<16xi32>
    tpu.vector_store %arg5[%swap3A_480], %swap3A_483 {strides = array<i32>} : memref<32xi32, #tpu.memory_space<vmem>>, vector<16xi32>,
    %get3A_484 = arith.constant 8 : index
    %get3A_485 = tpu.vector_load %arg5[%get3A_484] {strides = array<i32>} : memref<32xi32, #tpu.memory_space<vmem>>, vector<16xi32>,
    %get3A_486 = vector.shape_cast %get3A_485 : vector<16xi32> to vector<16xi32>
    %add3A_487 = arith.addi %scan3A_478, %get3A_486 : vector<16xi32>
    %swap3A_488 = arith.constant 0 : index
    %swap3A_489 = tpu.vector_load %arg5[%swap3A_488] {strides = array<i32>} : memref<32xi32, #tpu.memory_space<vmem>>, vector<16xi32>,
    %swap3A_490 = vector.shape_cast %swap3A_489 : vector<16xi32> to vector<16xi32>
    %swap3A_491 = vector.shape_cast %add3A_487 : vector<16xi32> to vector<16xi32>
    tpu.vector_store %arg5[%swap3A_488], %swap3A_491 {strides = array<i32>} : memref<32xi32, #tpu.memory_space<vmem>>, vector<16xi32>,
    %get3A_492 = arith.constant 4 : index
    %get3A_493 = tpu.vector_load %arg5[%get3A_492] {strides = array<i32>} : memref<32xi32, #tpu.memory_space<vmem>>, vector<16xi32>,
    %get3A_494 = vector.shape_cast %get3A_493 : vector<16xi32> to vector<16xi32>
    %add3A_495 = arith.addi %add3A_487, %get3A_494 : vector<16xi32>
    %swap3A_496 = arith.constant 0 : index
    %swap3A_497 = tpu.vector_load %arg5[%swap3A_496] {strides = array<i32>} : memref<32xi32, #tpu.memory_space<vmem>>, vector<16xi32>,
    %swap3A_498 = vector.shape_cast %swap3A_497 : vector<16xi32> to vector<16xi32>
    %swap3A_499 = vector.shape_cast %add3A_495 : vector<16xi32> to vector<16xi32>
    tpu.vector_store %arg5[%swap3A_496], %swap3A_499 {strides = array<i32>} : memref<32xi32, #tpu.memory_space<vmem>>, vector<16xi32>,
    %get3A_500 = arith.constant 2 : index
    %get3A_501 = tpu.vector_load %arg5[%get3A_500] {strides = array<i32>} : memref<32xi32, #tpu.memory_space<vmem>>, vector<16xi32>,
    %get3A_502 = vector.shape_cast %get3A_501 : vector<16xi32> to vector<16xi32>
    %add3A_503 = arith.addi %add3A_495, %get3A_502 : vector<16xi32>
    %swap3A_504 = arith.constant 0 : index
    %swap3A_505 = tpu.vector_load %arg5[%swap3A_504] {strides = array<i32>} : memref<32xi32, #tpu.memory_space<vmem>>, vector<16xi32>,
    %swap3A_506 = vector.shape_cast %swap3A_505 : vector<16xi32> to vector<16xi32>
    %swap3A_507 = vector.shape_cast %add3A_503 : vector<16xi32> to vector<16xi32>
    tpu.vector_store %arg5[%swap3A_504], %swap3A_507 {strides = array<i32>} : memref<32xi32, #tpu.memory_space<vmem>>, vector<16xi32>,
    %get3A_508 = arith.constant 1 : index
    %get3A_509 = tpu.vector_load %arg5[%get3A_508] {strides = array<i32>} : memref<32xi32, #tpu.memory_space<vmem>>, vector<16xi32>,
    %get3A_510 = vector.shape_cast %get3A_509 : vector<16xi32> to vector<16xi32>
    %add3A_511 = arith.addi %add3A_503, %get3A_510 : vector<16xi32>
    %slice3A_512 = vector.extract_strided_slice %add3A_511 {offsets = [0], sizes = [1], strides = [1]} : vector<16xi32> to vector<1xi32>
    %squeeze3A_513 = vector.extract %slice3A_512[0] : i32 from vector<1xi32>
    %shift_right_logical3A_514 = arith.constant 20 : i32
    %shift_right_logical3A_515 = arith.shrui %squeeze3A_513, %shift_right_logical3A_514 : i32
    %shift_right_logical3A_516 = arith.constant 10 : i32
    %shift_right_logical3A_517 = arith.shrui %squeeze3A_513, %shift_right_logical3A_516 : i32
    %and3A_518 = arith.constant 1023 : i32
    %and3A_519 = arith.andi %shift_right_logical3A_517, %and3A_518 : i32
    %and3A_520 = arith.constant 1023 : i32
    %and3A_521 = arith.andi %squeeze3A_513, %and3A_520 : i32
    %ge3A_522 = arith.constant 1 : i32
    %ge3A_523 = arith.cmpi sge, %shift_right_logical3A_515, %ge3A_522 : i32
    %ge3A_524 = arith.constant 1 : i32
    %ge3A_525 = arith.cmpi sge, %and3A_519, %ge3A_524 : i32
    %jit3A_526 = arith.constant 0.000000e+00 : f32
    %jit3A_527 = arith.constant -1.000000e+00 : f32
    %select_n3A_528 = arith.select %ge3A_525, %jit3A_526, %jit3A_527 : f32
    %jit3A_529 = arith.constant 1.000000e+00 : f32
    %select_n3A_530 = arith.select %ge3A_523, %jit3A_529, %select_n3A_528 : f32
    %ge3A_531 = arith.constant 2 : i32
    %ge3A_532 = arith.cmpi sge, %shift_right_logical3A_515, %ge3A_531 : i32
    %add3A_533 = arith.addi %shift_right_logical3A_515, %and3A_519 : i32
    %ge3A_534 = arith.constant 2 : i32
    %ge3A_535 = arith.cmpi sge, %add3A_533, %ge3A_534 : i32
    %jit3A_536 = arith.constant 0.000000e+00 : f32
    %jit3A_537 = arith.constant -1.000000e+00 : f32
    %select_n3A_538 = arith.select %ge3A_535, %jit3A_536, %jit3A_537 : f32
    %jit3A_539 = arith.constant 1.000000e+00 : f32
    %select_n3A_540 = arith.select %ge3A_532, %jit3A_539, %select_n3A_538 : f32
    %gt3A_541 = arith.constant 0.000000e+00 : f32
    %gt3A_542 = arith.cmpf ogt, %squeeze3A_472, %gt3A_541 : f32
    %lt3A_543 = arith.constant 0.000000e+00 : f32
    %lt3A_544 = arith.cmpf olt, %squeeze3A_472, %lt3A_543 : f32
    %jit3A_545 = arith.constant -1.000000e+00 : f32
    %jit3A_546 = arith.constant 0.000000e+00 : f32
    %select_n3A_547 = arith.select %lt3A_544, %jit3A_545, %jit3A_546 : f32
    %jit3A_548 = arith.constant 1.000000e+00 : f32
    %select_n3A_549 = arith.select %gt3A_542, %jit3A_548, %select_n3A_547 : f32
    %add3A_550 = arith.addf %select_n3A_530, %select_n3A_540 : f32
    %le3A_551 = arith.constant 1 : i32
    %le3A_552 = arith.cmpi sle, %and3A_521, %le3A_551 : i32
    %jit3A_553 = arith.constant 0.000000e+00 : f32
    %select_n3A_554 = arith.select %le3A_552, %select_n3A_549, %jit3A_553 : f32
    %sub3A_555 = arith.subf %add3A_550, %select_n3A_554 : f32
    %add3A_556 = arith.addf %add3A_463, %sub3A_555 : f32
    %add3A_557 = arith.constant 6 : i32
    %add3A_558 = arith.addi %mul3A_2, %add3A_557 : i32
    %add3A_559 = arith.constant 3072 : i32
    %add3A_560 = arith.addi %add3A_559, %mul3A_2 : i32
    %get3A_561 = arith.index_cast %add3A_560 : i32 to index
    %get3A_562 = tpu.vector_load %arg4[%get3A_561] {strides = array<i32>} : memref<8192xf32, #tpu.memory_space<vmem>>, vector<16xf32>,
    %get3A_563 = vector.shape_cast %get3A_562 : vector<16xf32> to vector<16xf32>
    %slice3A_564 = vector.extract_strided_slice %get3A_563 {offsets = [6], sizes = [1], strides = [1]} : vector<16xf32> to vector<1xf32>
    %squeeze3A_565 = vector.extract %slice3A_564[0] : f32 from vector<1xf32>
    %broadcast_in_dim3A_566 = vector.broadcast %squeeze3A_565 : f32 to vector<16xf32>
    %scan3A_567 = arith.constant 0 : i32
    %scan3A_568 = arith.constant 32 : i32
    %scan3A_569 = arith.addi %scan3A_567, %scan3A_568 : i32
    %scan3A_570 = arith.constant 1 : i32
    %scan3A_571 = scf.for %scan3A_1499 = %scan3A_567 to %scan3A_569 step %scan3A_570 iter_args(%scan3A_1500 = %broadcast_in_dim3A_7) -> (vector<16xi32>)  : i32 {
      %mul3A_1501 = arith.constant 16 : i32
      %mul3A_1502 = arith.muli %scan3A_1499, %mul3A_1501 : i32
      %add3A_1503 = arith.constant 3072 : i32
      %add3A_1504 = arith.addi %add3A_1503, %mul3A_1502 : i32
      %get3A_1505 = arith.index_cast %add3A_1504 : i32 to index
      %get3A_1506 = tpu.vector_load %arg4[%get3A_1505] {strides = array<i32>} : memref<8192xf32, #tpu.memory_space<vmem>>, vector<16xf32>,
      %get3A_1507 = vector.shape_cast %get3A_1506 : vector<16xf32> to vector<16xf32>
      %mul3A_1508 = arith.constant 16 : i32
      %mul3A_1509 = arith.muli %scan3A_1499, %mul3A_1508 : i32
      %add3A_1510 = vector.broadcast %mul3A_1509 : i32 to vector<16xi32>
      %add3A_1511 = arith.addi %iota3A, %add3A_1510 : vector<16xi32>
      %gt3A_1512 = arith.cmpf ogt, %get3A_1507, %broadcast_in_dim3A_566 : vector<16xf32>
      %eq3A_1513 = arith.cmpf oeq, %get3A_1507, %broadcast_in_dim3A_566 : vector<16xf32>
      %lt3A_1514 = vector.broadcast %add3A_558 : i32 to vector<16xi32>
      %lt3A_1515 = arith.cmpi slt, %add3A_1511, %lt3A_1514 : vector<16xi32>
      %and3A_1516 = arith.andi %eq3A_1513, %lt3A_1515 : vector<16xi1>
      %or3A = arith.ori %gt3A_1512, %and3A_1516 : vector<16xi1>
      %gt3A_1517 = arith.constant 0.000000e+00 : f32
      %gt3A_1518 = vector.broadcast %gt3A_1517 : f32 to vector<16xf32>
      %gt3A_1519 = arith.cmpf ogt, %get3A_1507, %gt3A_1518 : vector<16xf32>
      %jit3A_1520 = arith.constant 1048576 : i32
      %jit3A_1521 = arith.constant 0 : i32
      %broadcast_in_dim3A_1522 = vector.broadcast %jit3A_1520 : i32 to vector<16xi32>
      %broadcast_in_dim3A_1523 = vector.broadcast %jit3A_1521 : i32 to vector<16xi32>
      %select_n3A_1524 = arith.select %gt3A_1519, %broadcast_in_dim3A_1522, %broadcast_in_dim3A_1523 : vector<16xi1>, vector<16xi32>
      %add3A_1525 = arith.addi %scan3A_1500, %select_n3A_1524 : vector<16xi32>
      %eq3A_1526 = arith.constant 0.000000e+00 : f32
      %eq3A_1527 = vector.broadcast %eq3A_1526 : f32 to vector<16xf32>
      %eq3A_1528 = arith.cmpf oeq, %get3A_1507, %eq3A_1527 : vector<16xf32>
      %jit3A_1529 = arith.constant 1024 : i32
      %jit3A_1530 = arith.constant 0 : i32
      %broadcast_in_dim3A_1531 = vector.broadcast %jit3A_1529 : i32 to vector<16xi32>
      %broadcast_in_dim3A_1532 = vector.broadcast %jit3A_1530 : i32 to vector<16xi32>
      %select_n3A_1533 = arith.select %eq3A_1528, %broadcast_in_dim3A_1531, %broadcast_in_dim3A_1532 : vector<16xi1>, vector<16xi32>
      %add3A_1534 = arith.addi %add3A_1525, %select_n3A_1533 : vector<16xi32>
      %jit3A_1535 = arith.constant 1 : i32
      %jit3A_1536 = arith.constant 0 : i32
      %broadcast_in_dim3A_1537 = vector.broadcast %jit3A_1535 : i32 to vector<16xi32>
      %broadcast_in_dim3A_1538 = vector.broadcast %jit3A_1536 : i32 to vector<16xi32>
      %select_n3A_1539 = arith.select %or3A, %broadcast_in_dim3A_1537, %broadcast_in_dim3A_1538 : vector<16xi1>, vector<16xi32>
      %add3A_1540 = arith.addi %add3A_1534, %select_n3A_1539 : vector<16xi32>
      scf.yield %add3A_1540 : vector<16xi32>
    }
    %scan3A_572 = arith.constant 32 : i32
    %swap3A_573 = arith.constant 0 : index
    %swap3A_574 = tpu.vector_load %arg5[%swap3A_573] {strides = array<i32>} : memref<32xi32, #tpu.memory_space<vmem>>, vector<16xi32>,
    %swap3A_575 = vector.shape_cast %swap3A_574 : vector<16xi32> to vector<16xi32>
    %swap3A_576 = vector.shape_cast %scan3A_571 : vector<16xi32> to vector<16xi32>
    tpu.vector_store %arg5[%swap3A_573], %swap3A_576 {strides = array<i32>} : memref<32xi32, #tpu.memory_space<vmem>>, vector<16xi32>,
    %get3A_577 = arith.constant 8 : index
    %get3A_578 = tpu.vector_load %arg5[%get3A_577] {strides = array<i32>} : memref<32xi32, #tpu.memory_space<vmem>>, vector<16xi32>,
    %get3A_579 = vector.shape_cast %get3A_578 : vector<16xi32> to vector<16xi32>
    %add3A_580 = arith.addi %scan3A_571, %get3A_579 : vector<16xi32>
    %swap3A_581 = arith.constant 0 : index
    %swap3A_582 = tpu.vector_load %arg5[%swap3A_581] {strides = array<i32>} : memref<32xi32, #tpu.memory_space<vmem>>, vector<16xi32>,
    %swap3A_583 = vector.shape_cast %swap3A_582 : vector<16xi32> to vector<16xi32>
    %swap3A_584 = vector.shape_cast %add3A_580 : vector<16xi32> to vector<16xi32>
    tpu.vector_store %arg5[%swap3A_581], %swap3A_584 {strides = array<i32>} : memref<32xi32, #tpu.memory_space<vmem>>, vector<16xi32>,
    %get3A_585 = arith.constant 4 : index
    %get3A_586 = tpu.vector_load %arg5[%get3A_585] {strides = array<i32>} : memref<32xi32, #tpu.memory_space<vmem>>, vector<16xi32>,
    %get3A_587 = vector.shape_cast %get3A_586 : vector<16xi32> to vector<16xi32>
    %add3A_588 = arith.addi %add3A_580, %get3A_587 : vector<16xi32>
    %swap3A_589 = arith.constant 0 : index
    %swap3A_590 = tpu.vector_load %arg5[%swap3A_589] {strides = array<i32>} : memref<32xi32, #tpu.memory_space<vmem>>, vector<16xi32>,
    %swap3A_591 = vector.shape_cast %swap3A_590 : vector<16xi32> to vector<16xi32>
    %swap3A_592 = vector.shape_cast %add3A_588 : vector<16xi32> to vector<16xi32>
    tpu.vector_store %arg5[%swap3A_589], %swap3A_592 {strides = array<i32>} : memref<32xi32, #tpu.memory_space<vmem>>, vector<16xi32>,
    %get3A_593 = arith.constant 2 : index
    %get3A_594 = tpu.vector_load %arg5[%get3A_593] {strides = array<i32>} : memref<32xi32, #tpu.memory_space<vmem>>, vector<16xi32>,
    %get3A_595 = vector.shape_cast %get3A_594 : vector<16xi32> to vector<16xi32>
    %add3A_596 = arith.addi %add3A_588, %get3A_595 : vector<16xi32>
    %swap3A_597 = arith.constant 0 : index
    %swap3A_598 = tpu.vector_load %arg5[%swap3A_597] {strides = array<i32>} : memref<32xi32, #tpu.memory_space<vmem>>, vector<16xi32>,
    %swap3A_599 = vector.shape_cast %swap3A_598 : vector<16xi32> to vector<16xi32>
    %swap3A_600 = vector.shape_cast %add3A_596 : vector<16xi32> to vector<16xi32>
    tpu.vector_store %arg5[%swap3A_597], %swap3A_600 {strides = array<i32>} : memref<32xi32, #tpu.memory_space<vmem>>, vector<16xi32>,
    %get3A_601 = arith.constant 1 : index
    %get3A_602 = tpu.vector_load %arg5[%get3A_601] {strides = array<i32>} : memref<32xi32, #tpu.memory_space<vmem>>, vector<16xi32>,
    %get3A_603 = vector.shape_cast %get3A_602 : vector<16xi32> to vector<16xi32>
    %add3A_604 = arith.addi %add3A_596, %get3A_603 : vector<16xi32>
    %slice3A_605 = vector.extract_strided_slice %add3A_604 {offsets = [0], sizes = [1], strides = [1]} : vector<16xi32> to vector<1xi32>
    %squeeze3A_606 = vector.extract %slice3A_605[0] : i32 from vector<1xi32>
    %shift_right_logical3A_607 = arith.constant 20 : i32
    %shift_right_logical3A_608 = arith.shrui %squeeze3A_606, %shift_right_logical3A_607 : i32
    %shift_right_logical3A_609 = arith.constant 10 : i32
    %shift_right_logical3A_610 = arith.shrui %squeeze3A_606, %shift_right_logical3A_609 : i32
    %and3A_611 = arith.constant 1023 : i32
    %and3A_612 = arith.andi %shift_right_logical3A_610, %and3A_611 : i32
    %and3A_613 = arith.constant 1023 : i32
    %and3A_614 = arith.andi %squeeze3A_606, %and3A_613 : i32
    %ge3A_615 = arith.constant 1 : i32
    %ge3A_616 = arith.cmpi sge, %shift_right_logical3A_608, %ge3A_615 : i32
    %ge3A_617 = arith.constant 1 : i32
    %ge3A_618 = arith.cmpi sge, %and3A_612, %ge3A_617 : i32
    %jit3A_619 = arith.constant 0.000000e+00 : f32
    %jit3A_620 = arith.constant -1.000000e+00 : f32
    %select_n3A_621 = arith.select %ge3A_618, %jit3A_619, %jit3A_620 : f32
    %jit3A_622 = arith.constant 1.000000e+00 : f32
    %select_n3A_623 = arith.select %ge3A_616, %jit3A_622, %select_n3A_621 : f32
    %ge3A_624 = arith.constant 2 : i32
    %ge3A_625 = arith.cmpi sge, %shift_right_logical3A_608, %ge3A_624 : i32
    %add3A_626 = arith.addi %shift_right_logical3A_608, %and3A_612 : i32
    %ge3A_627 = arith.constant 2 : i32
    %ge3A_628 = arith.cmpi sge, %add3A_626, %ge3A_627 : i32
    %jit3A_629 = arith.constant 0.000000e+00 : f32
    %jit3A_630 = arith.constant -1.000000e+00 : f32
    %select_n3A_631 = arith.select %ge3A_628, %jit3A_629, %jit3A_630 : f32
    %jit3A_632 = arith.constant 1.000000e+00 : f32
    %select_n3A_633 = arith.select %ge3A_625, %jit3A_632, %select_n3A_631 : f32
    %gt3A_634 = arith.constant 0.000000e+00 : f32
    %gt3A_635 = arith.cmpf ogt, %squeeze3A_565, %gt3A_634 : f32
    %lt3A_636 = arith.constant 0.000000e+00 : f32
    %lt3A_637 = arith.cmpf olt, %squeeze3A_565, %lt3A_636 : f32
    %jit3A_638 = arith.constant -1.000000e+00 : f32
    %jit3A_639 = arith.constant 0.000000e+00 : f32
    %select_n3A_640 = arith.select %lt3A_637, %jit3A_638, %jit3A_639 : f32
    %jit3A_641 = arith.constant 1.000000e+00 : f32
    %select_n3A_642 = arith.select %gt3A_635, %jit3A_641, %select_n3A_640 : f32
    %add3A_643 = arith.addf %select_n3A_623, %select_n3A_633 : f32
    %le3A_644 = arith.constant 1 : i32
    %le3A_645 = arith.cmpi sle, %and3A_614, %le3A_644 : i32
    %jit3A_646 = arith.constant 0.000000e+00 : f32
    %select_n3A_647 = arith.select %le3A_645, %select_n3A_642, %jit3A_646 : f32
    %sub3A_648 = arith.subf %add3A_643, %select_n3A_647 : f32
    %add3A_649 = arith.addf %add3A_556, %sub3A_648 : f32
    %add3A_650 = arith.constant 7 : i32
    %add3A_651 = arith.addi %mul3A_2, %add3A_650 : i32
    %add3A_652 = arith.constant 3584 : i32
    %add3A_653 = arith.addi %add3A_652, %mul3A_2 : i32
    %get3A_654 = arith.index_cast %add3A_653 : i32 to index
    %get3A_655 = tpu.vector_load %arg4[%get3A_654] {strides = array<i32>} : memref<8192xf32, #tpu.memory_space<vmem>>, vector<16xf32>,
    %get3A_656 = vector.shape_cast %get3A_655 : vector<16xf32> to vector<16xf32>
    %slice3A_657 = vector.extract_strided_slice %get3A_656 {offsets = [7], sizes = [1], strides = [1]} : vector<16xf32> to vector<1xf32>
    %squeeze3A_658 = vector.extract %slice3A_657[0] : f32 from vector<1xf32>
    %broadcast_in_dim3A_659 = vector.broadcast %squeeze3A_658 : f32 to vector<16xf32>
    %scan3A_660 = arith.constant 0 : i32
    %scan3A_661 = arith.constant 32 : i32
    %scan3A_662 = arith.addi %scan3A_660, %scan3A_661 : i32
    %scan3A_663 = arith.constant 1 : i32
    %scan3A_664 = scf.for %scan3A_1499 = %scan3A_660 to %scan3A_662 step %scan3A_663 iter_args(%scan3A_1500 = %broadcast_in_dim3A_7) -> (vector<16xi32>)  : i32 {
      %mul3A_1501 = arith.constant 16 : i32
      %mul3A_1502 = arith.muli %scan3A_1499, %mul3A_1501 : i32
      %add3A_1503 = arith.constant 3584 : i32
      %add3A_1504 = arith.addi %add3A_1503, %mul3A_1502 : i32
      %get3A_1505 = arith.index_cast %add3A_1504 : i32 to index
      %get3A_1506 = tpu.vector_load %arg4[%get3A_1505] {strides = array<i32>} : memref<8192xf32, #tpu.memory_space<vmem>>, vector<16xf32>,
      %get3A_1507 = vector.shape_cast %get3A_1506 : vector<16xf32> to vector<16xf32>
      %mul3A_1508 = arith.constant 16 : i32
      %mul3A_1509 = arith.muli %scan3A_1499, %mul3A_1508 : i32
      %add3A_1510 = vector.broadcast %mul3A_1509 : i32 to vector<16xi32>
      %add3A_1511 = arith.addi %iota3A, %add3A_1510 : vector<16xi32>
      %gt3A_1512 = arith.cmpf ogt, %get3A_1507, %broadcast_in_dim3A_659 : vector<16xf32>
      %eq3A_1513 = arith.cmpf oeq, %get3A_1507, %broadcast_in_dim3A_659 : vector<16xf32>
      %lt3A_1514 = vector.broadcast %add3A_651 : i32 to vector<16xi32>
      %lt3A_1515 = arith.cmpi slt, %add3A_1511, %lt3A_1514 : vector<16xi32>
      %and3A_1516 = arith.andi %eq3A_1513, %lt3A_1515 : vector<16xi1>
      %or3A = arith.ori %gt3A_1512, %and3A_1516 : vector<16xi1>
      %gt3A_1517 = arith.constant 0.000000e+00 : f32
      %gt3A_1518 = vector.broadcast %gt3A_1517 : f32 to vector<16xf32>
      %gt3A_1519 = arith.cmpf ogt, %get3A_1507, %gt3A_1518 : vector<16xf32>
      %jit3A_1520 = arith.constant 1048576 : i32
      %jit3A_1521 = arith.constant 0 : i32
      %broadcast_in_dim3A_1522 = vector.broadcast %jit3A_1520 : i32 to vector<16xi32>
      %broadcast_in_dim3A_1523 = vector.broadcast %jit3A_1521 : i32 to vector<16xi32>
      %select_n3A_1524 = arith.select %gt3A_1519, %broadcast_in_dim3A_1522, %broadcast_in_dim3A_1523 : vector<16xi1>, vector<16xi32>
      %add3A_1525 = arith.addi %scan3A_1500, %select_n3A_1524 : vector<16xi32>
      %eq3A_1526 = arith.constant 0.000000e+00 : f32
      %eq3A_1527 = vector.broadcast %eq3A_1526 : f32 to vector<16xf32>
      %eq3A_1528 = arith.cmpf oeq, %get3A_1507, %eq3A_1527 : vector<16xf32>
      %jit3A_1529 = arith.constant 1024 : i32
      %jit3A_1530 = arith.constant 0 : i32
      %broadcast_in_dim3A_1531 = vector.broadcast %jit3A_1529 : i32 to vector<16xi32>
      %broadcast_in_dim3A_1532 = vector.broadcast %jit3A_1530 : i32 to vector<16xi32>
      %select_n3A_1533 = arith.select %eq3A_1528, %broadcast_in_dim3A_1531, %broadcast_in_dim3A_1532 : vector<16xi1>, vector<16xi32>
      %add3A_1534 = arith.addi %add3A_1525, %select_n3A_1533 : vector<16xi32>
      %jit3A_1535 = arith.constant 1 : i32
      %jit3A_1536 = arith.constant 0 : i32
      %broadcast_in_dim3A_1537 = vector.broadcast %jit3A_1535 : i32 to vector<16xi32>
      %broadcast_in_dim3A_1538 = vector.broadcast %jit3A_1536 : i32 to vector<16xi32>
      %select_n3A_1539 = arith.select %or3A, %broadcast_in_dim3A_1537, %broadcast_in_dim3A_1538 : vector<16xi1>, vector<16xi32>
      %add3A_1540 = arith.addi %add3A_1534, %select_n3A_1539 : vector<16xi32>
      scf.yield %add3A_1540 : vector<16xi32>
    }
    %scan3A_665 = arith.constant 32 : i32
    %swap3A_666 = arith.constant 0 : index
    %swap3A_667 = tpu.vector_load %arg5[%swap3A_666] {strides = array<i32>} : memref<32xi32, #tpu.memory_space<vmem>>, vector<16xi32>,
    %swap3A_668 = vector.shape_cast %swap3A_667 : vector<16xi32> to vector<16xi32>
    %swap3A_669 = vector.shape_cast %scan3A_664 : vector<16xi32> to vector<16xi32>
    tpu.vector_store %arg5[%swap3A_666], %swap3A_669 {strides = array<i32>} : memref<32xi32, #tpu.memory_space<vmem>>, vector<16xi32>,
    %get3A_670 = arith.constant 8 : index
    %get3A_671 = tpu.vector_load %arg5[%get3A_670] {strides = array<i32>} : memref<32xi32, #tpu.memory_space<vmem>>, vector<16xi32>,
    %get3A_672 = vector.shape_cast %get3A_671 : vector<16xi32> to vector<16xi32>
    %add3A_673 = arith.addi %scan3A_664, %get3A_672 : vector<16xi32>
    %swap3A_674 = arith.constant 0 : index
    %swap3A_675 = tpu.vector_load %arg5[%swap3A_674] {strides = array<i32>} : memref<32xi32, #tpu.memory_space<vmem>>, vector<16xi32>,
    %swap3A_676 = vector.shape_cast %swap3A_675 : vector<16xi32> to vector<16xi32>
    %swap3A_677 = vector.shape_cast %add3A_673 : vector<16xi32> to vector<16xi32>
    tpu.vector_store %arg5[%swap3A_674], %swap3A_677 {strides = array<i32>} : memref<32xi32, #tpu.memory_space<vmem>>, vector<16xi32>,
    %get3A_678 = arith.constant 4 : index
    %get3A_679 = tpu.vector_load %arg5[%get3A_678] {strides = array<i32>} : memref<32xi32, #tpu.memory_space<vmem>>, vector<16xi32>,
    %get3A_680 = vector.shape_cast %get3A_679 : vector<16xi32> to vector<16xi32>
    %add3A_681 = arith.addi %add3A_673, %get3A_680 : vector<16xi32>
    %swap3A_682 = arith.constant 0 : index
    %swap3A_683 = tpu.vector_load %arg5[%swap3A_682] {strides = array<i32>} : memref<32xi32, #tpu.memory_space<vmem>>, vector<16xi32>,
    %swap3A_684 = vector.shape_cast %swap3A_683 : vector<16xi32> to vector<16xi32>
    %swap3A_685 = vector.shape_cast %add3A_681 : vector<16xi32> to vector<16xi32>
    tpu.vector_store %arg5[%swap3A_682], %swap3A_685 {strides = array<i32>} : memref<32xi32, #tpu.memory_space<vmem>>, vector<16xi32>,
    %get3A_686 = arith.constant 2 : index
    %get3A_687 = tpu.vector_load %arg5[%get3A_686] {strides = array<i32>} : memref<32xi32, #tpu.memory_space<vmem>>, vector<16xi32>,
    %get3A_688 = vector.shape_cast %get3A_687 : vector<16xi32> to vector<16xi32>
    %add3A_689 = arith.addi %add3A_681, %get3A_688 : vector<16xi32>
    %swap3A_690 = arith.constant 0 : index
    %swap3A_691 = tpu.vector_load %arg5[%swap3A_690] {strides = array<i32>} : memref<32xi32, #tpu.memory_space<vmem>>, vector<16xi32>,
    %swap3A_692 = vector.shape_cast %swap3A_691 : vector<16xi32> to vector<16xi32>
    %swap3A_693 = vector.shape_cast %add3A_689 : vector<16xi32> to vector<16xi32>
    tpu.vector_store %arg5[%swap3A_690], %swap3A_693 {strides = array<i32>} : memref<32xi32, #tpu.memory_space<vmem>>, vector<16xi32>,
    %get3A_694 = arith.constant 1 : index
    %get3A_695 = tpu.vector_load %arg5[%get3A_694] {strides = array<i32>} : memref<32xi32, #tpu.memory_space<vmem>>, vector<16xi32>,
    %get3A_696 = vector.shape_cast %get3A_695 : vector<16xi32> to vector<16xi32>
    %add3A_697 = arith.addi %add3A_689, %get3A_696 : vector<16xi32>
    %slice3A_698 = vector.extract_strided_slice %add3A_697 {offsets = [0], sizes = [1], strides = [1]} : vector<16xi32> to vector<1xi32>
    %squeeze3A_699 = vector.extract %slice3A_698[0] : i32 from vector<1xi32>
    %shift_right_logical3A_700 = arith.constant 20 : i32
    %shift_right_logical3A_701 = arith.shrui %squeeze3A_699, %shift_right_logical3A_700 : i32
    %shift_right_logical3A_702 = arith.constant 10 : i32
    %shift_right_logical3A_703 = arith.shrui %squeeze3A_699, %shift_right_logical3A_702 : i32
    %and3A_704 = arith.constant 1023 : i32
    %and3A_705 = arith.andi %shift_right_logical3A_703, %and3A_704 : i32
    %and3A_706 = arith.constant 1023 : i32
    %and3A_707 = arith.andi %squeeze3A_699, %and3A_706 : i32
    %ge3A_708 = arith.constant 1 : i32
    %ge3A_709 = arith.cmpi sge, %shift_right_logical3A_701, %ge3A_708 : i32
    %ge3A_710 = arith.constant 1 : i32
    %ge3A_711 = arith.cmpi sge, %and3A_705, %ge3A_710 : i32
    %jit3A_712 = arith.constant 0.000000e+00 : f32
    %jit3A_713 = arith.constant -1.000000e+00 : f32
    %select_n3A_714 = arith.select %ge3A_711, %jit3A_712, %jit3A_713 : f32
    %jit3A_715 = arith.constant 1.000000e+00 : f32
    %select_n3A_716 = arith.select %ge3A_709, %jit3A_715, %select_n3A_714 : f32
    %ge3A_717 = arith.constant 2 : i32
    %ge3A_718 = arith.cmpi sge, %shift_right_logical3A_701, %ge3A_717 : i32
    %add3A_719 = arith.addi %shift_right_logical3A_701, %and3A_705 : i32
    %ge3A_720 = arith.constant 2 : i32
    %ge3A_721 = arith.cmpi sge, %add3A_719, %ge3A_720 : i32
    %jit3A_722 = arith.constant 0.000000e+00 : f32
    %jit3A_723 = arith.constant -1.000000e+00 : f32
    %select_n3A_724 = arith.select %ge3A_721, %jit3A_722, %jit3A_723 : f32
    %jit3A_725 = arith.constant 1.000000e+00 : f32
    %select_n3A_726 = arith.select %ge3A_718, %jit3A_725, %select_n3A_724 : f32
    %gt3A_727 = arith.constant 0.000000e+00 : f32
    %gt3A_728 = arith.cmpf ogt, %squeeze3A_658, %gt3A_727 : f32
    %lt3A_729 = arith.constant 0.000000e+00 : f32
    %lt3A_730 = arith.cmpf olt, %squeeze3A_658, %lt3A_729 : f32
    %jit3A_731 = arith.constant -1.000000e+00 : f32
    %jit3A_732 = arith.constant 0.000000e+00 : f32
    %select_n3A_733 = arith.select %lt3A_730, %jit3A_731, %jit3A_732 : f32
    %jit3A_734 = arith.constant 1.000000e+00 : f32
    %select_n3A_735 = arith.select %gt3A_728, %jit3A_734, %select_n3A_733 : f32
    %add3A_736 = arith.addf %select_n3A_716, %select_n3A_726 : f32
    %le3A_737 = arith.constant 1 : i32
    %le3A_738 = arith.cmpi sle, %and3A_707, %le3A_737 : i32
    %jit3A_739 = arith.constant 0.000000e+00 : f32
    %select_n3A_740 = arith.select %le3A_738, %select_n3A_735, %jit3A_739 : f32
    %sub3A_741 = arith.subf %add3A_736, %select_n3A_740 : f32
    %add3A_742 = arith.addf %add3A_649, %sub3A_741 : f32
    %add3A_743 = arith.constant 8 : i32
    %add3A_744 = arith.addi %mul3A_2, %add3A_743 : i32
    %add3A_745 = arith.constant 4096 : i32
    %add3A_746 = arith.addi %add3A_745, %mul3A_2 : i32
    %get3A_747 = arith.index_cast %add3A_746 : i32 to index
    %get3A_748 = tpu.vector_load %arg4[%get3A_747] {strides = array<i32>} : memref<8192xf32, #tpu.memory_space<vmem>>, vector<16xf32>,
    %get3A_749 = vector.shape_cast %get3A_748 : vector<16xf32> to vector<16xf32>
    %slice3A_750 = vector.extract_strided_slice %get3A_749 {offsets = [8], sizes = [1], strides = [1]} : vector<16xf32> to vector<1xf32>
    %squeeze3A_751 = vector.extract %slice3A_750[0] : f32 from vector<1xf32>
    %broadcast_in_dim3A_752 = vector.broadcast %squeeze3A_751 : f32 to vector<16xf32>
    %scan3A_753 = arith.constant 0 : i32
    %scan3A_754 = arith.constant 32 : i32
    %scan3A_755 = arith.addi %scan3A_753, %scan3A_754 : i32
    %scan3A_756 = arith.constant 1 : i32
    %scan3A_757 = scf.for %scan3A_1499 = %scan3A_753 to %scan3A_755 step %scan3A_756 iter_args(%scan3A_1500 = %broadcast_in_dim3A_7) -> (vector<16xi32>)  : i32 {
      %mul3A_1501 = arith.constant 16 : i32
      %mul3A_1502 = arith.muli %scan3A_1499, %mul3A_1501 : i32
      %add3A_1503 = arith.constant 4096 : i32
      %add3A_1504 = arith.addi %add3A_1503, %mul3A_1502 : i32
      %get3A_1505 = arith.index_cast %add3A_1504 : i32 to index
      %get3A_1506 = tpu.vector_load %arg4[%get3A_1505] {strides = array<i32>} : memref<8192xf32, #tpu.memory_space<vmem>>, vector<16xf32>,
      %get3A_1507 = vector.shape_cast %get3A_1506 : vector<16xf32> to vector<16xf32>
      %mul3A_1508 = arith.constant 16 : i32
      %mul3A_1509 = arith.muli %scan3A_1499, %mul3A_1508 : i32
      %add3A_1510 = vector.broadcast %mul3A_1509 : i32 to vector<16xi32>
      %add3A_1511 = arith.addi %iota3A, %add3A_1510 : vector<16xi32>
      %gt3A_1512 = arith.cmpf ogt, %get3A_1507, %broadcast_in_dim3A_752 : vector<16xf32>
      %eq3A_1513 = arith.cmpf oeq, %get3A_1507, %broadcast_in_dim3A_752 : vector<16xf32>
      %lt3A_1514 = vector.broadcast %add3A_744 : i32 to vector<16xi32>
      %lt3A_1515 = arith.cmpi slt, %add3A_1511, %lt3A_1514 : vector<16xi32>
      %and3A_1516 = arith.andi %eq3A_1513, %lt3A_1515 : vector<16xi1>
      %or3A = arith.ori %gt3A_1512, %and3A_1516 : vector<16xi1>
      %gt3A_1517 = arith.constant 0.000000e+00 : f32
      %gt3A_1518 = vector.broadcast %gt3A_1517 : f32 to vector<16xf32>
      %gt3A_1519 = arith.cmpf ogt, %get3A_1507, %gt3A_1518 : vector<16xf32>
      %jit3A_1520 = arith.constant 1048576 : i32
      %jit3A_1521 = arith.constant 0 : i32
      %broadcast_in_dim3A_1522 = vector.broadcast %jit3A_1520 : i32 to vector<16xi32>
      %broadcast_in_dim3A_1523 = vector.broadcast %jit3A_1521 : i32 to vector<16xi32>
      %select_n3A_1524 = arith.select %gt3A_1519, %broadcast_in_dim3A_1522, %broadcast_in_dim3A_1523 : vector<16xi1>, vector<16xi32>
      %add3A_1525 = arith.addi %scan3A_1500, %select_n3A_1524 : vector<16xi32>
      %eq3A_1526 = arith.constant 0.000000e+00 : f32
      %eq3A_1527 = vector.broadcast %eq3A_1526 : f32 to vector<16xf32>
      %eq3A_1528 = arith.cmpf oeq, %get3A_1507, %eq3A_1527 : vector<16xf32>
      %jit3A_1529 = arith.constant 1024 : i32
      %jit3A_1530 = arith.constant 0 : i32
      %broadcast_in_dim3A_1531 = vector.broadcast %jit3A_1529 : i32 to vector<16xi32>
      %broadcast_in_dim3A_1532 = vector.broadcast %jit3A_1530 : i32 to vector<16xi32>
      %select_n3A_1533 = arith.select %eq3A_1528, %broadcast_in_dim3A_1531, %broadcast_in_dim3A_1532 : vector<16xi1>, vector<16xi32>
      %add3A_1534 = arith.addi %add3A_1525, %select_n3A_1533 : vector<16xi32>
      %jit3A_1535 = arith.constant 1 : i32
      %jit3A_1536 = arith.constant 0 : i32
      %broadcast_in_dim3A_1537 = vector.broadcast %jit3A_1535 : i32 to vector<16xi32>
      %broadcast_in_dim3A_1538 = vector.broadcast %jit3A_1536 : i32 to vector<16xi32>
      %select_n3A_1539 = arith.select %or3A, %broadcast_in_dim3A_1537, %broadcast_in_dim3A_1538 : vector<16xi1>, vector<16xi32>
      %add3A_1540 = arith.addi %add3A_1534, %select_n3A_1539 : vector<16xi32>
      scf.yield %add3A_1540 : vector<16xi32>
    }
    %scan3A_758 = arith.constant 32 : i32
    %swap3A_759 = arith.constant 0 : index
    %swap3A_760 = tpu.vector_load %arg5[%swap3A_759] {strides = array<i32>} : memref<32xi32, #tpu.memory_space<vmem>>, vector<16xi32>,
    %swap3A_761 = vector.shape_cast %swap3A_760 : vector<16xi32> to vector<16xi32>
    %swap3A_762 = vector.shape_cast %scan3A_757 : vector<16xi32> to vector<16xi32>
    tpu.vector_store %arg5[%swap3A_759], %swap3A_762 {strides = array<i32>} : memref<32xi32, #tpu.memory_space<vmem>>, vector<16xi32>,
    %get3A_763 = arith.constant 8 : index
    %get3A_764 = tpu.vector_load %arg5[%get3A_763] {strides = array<i32>} : memref<32xi32, #tpu.memory_space<vmem>>, vector<16xi32>,
    %get3A_765 = vector.shape_cast %get3A_764 : vector<16xi32> to vector<16xi32>
    %add3A_766 = arith.addi %scan3A_757, %get3A_765 : vector<16xi32>
    %swap3A_767 = arith.constant 0 : index
    %swap3A_768 = tpu.vector_load %arg5[%swap3A_767] {strides = array<i32>} : memref<32xi32, #tpu.memory_space<vmem>>, vector<16xi32>,
    %swap3A_769 = vector.shape_cast %swap3A_768 : vector<16xi32> to vector<16xi32>
    %swap3A_770 = vector.shape_cast %add3A_766 : vector<16xi32> to vector<16xi32>
    tpu.vector_store %arg5[%swap3A_767], %swap3A_770 {strides = array<i32>} : memref<32xi32, #tpu.memory_space<vmem>>, vector<16xi32>,
    %get3A_771 = arith.constant 4 : index
    %get3A_772 = tpu.vector_load %arg5[%get3A_771] {strides = array<i32>} : memref<32xi32, #tpu.memory_space<vmem>>, vector<16xi32>,
    %get3A_773 = vector.shape_cast %get3A_772 : vector<16xi32> to vector<16xi32>
    %add3A_774 = arith.addi %add3A_766, %get3A_773 : vector<16xi32>
    %swap3A_775 = arith.constant 0 : index
    %swap3A_776 = tpu.vector_load %arg5[%swap3A_775] {strides = array<i32>} : memref<32xi32, #tpu.memory_space<vmem>>, vector<16xi32>,
    %swap3A_777 = vector.shape_cast %swap3A_776 : vector<16xi32> to vector<16xi32>
    %swap3A_778 = vector.shape_cast %add3A_774 : vector<16xi32> to vector<16xi32>
    tpu.vector_store %arg5[%swap3A_775], %swap3A_778 {strides = array<i32>} : memref<32xi32, #tpu.memory_space<vmem>>, vector<16xi32>,
    %get3A_779 = arith.constant 2 : index
    %get3A_780 = tpu.vector_load %arg5[%get3A_779] {strides = array<i32>} : memref<32xi32, #tpu.memory_space<vmem>>, vector<16xi32>,
    %get3A_781 = vector.shape_cast %get3A_780 : vector<16xi32> to vector<16xi32>
    %add3A_782 = arith.addi %add3A_774, %get3A_781 : vector<16xi32>
    %swap3A_783 = arith.constant 0 : index
    %swap3A_784 = tpu.vector_load %arg5[%swap3A_783] {strides = array<i32>} : memref<32xi32, #tpu.memory_space<vmem>>, vector<16xi32>,
    %swap3A_785 = vector.shape_cast %swap3A_784 : vector<16xi32> to vector<16xi32>
    %swap3A_786 = vector.shape_cast %add3A_782 : vector<16xi32> to vector<16xi32>
    tpu.vector_store %arg5[%swap3A_783], %swap3A_786 {strides = array<i32>} : memref<32xi32, #tpu.memory_space<vmem>>, vector<16xi32>,
    %get3A_787 = arith.constant 1 : index
    %get3A_788 = tpu.vector_load %arg5[%get3A_787] {strides = array<i32>} : memref<32xi32, #tpu.memory_space<vmem>>, vector<16xi32>,
    %get3A_789 = vector.shape_cast %get3A_788 : vector<16xi32> to vector<16xi32>
    %add3A_790 = arith.addi %add3A_782, %get3A_789 : vector<16xi32>
    %slice3A_791 = vector.extract_strided_slice %add3A_790 {offsets = [0], sizes = [1], strides = [1]} : vector<16xi32> to vector<1xi32>
    %squeeze3A_792 = vector.extract %slice3A_791[0] : i32 from vector<1xi32>
    %shift_right_logical3A_793 = arith.constant 20 : i32
    %shift_right_logical3A_794 = arith.shrui %squeeze3A_792, %shift_right_logical3A_793 : i32
    %shift_right_logical3A_795 = arith.constant 10 : i32
    %shift_right_logical3A_796 = arith.shrui %squeeze3A_792, %shift_right_logical3A_795 : i32
    %and3A_797 = arith.constant 1023 : i32
    %and3A_798 = arith.andi %shift_right_logical3A_796, %and3A_797 : i32
    %and3A_799 = arith.constant 1023 : i32
    %and3A_800 = arith.andi %squeeze3A_792, %and3A_799 : i32
    %ge3A_801 = arith.constant 1 : i32
    %ge3A_802 = arith.cmpi sge, %shift_right_logical3A_794, %ge3A_801 : i32
    %ge3A_803 = arith.constant 1 : i32
    %ge3A_804 = arith.cmpi sge, %and3A_798, %ge3A_803 : i32
    %jit3A_805 = arith.constant 0.000000e+00 : f32
    %jit3A_806 = arith.constant -1.000000e+00 : f32
    %select_n3A_807 = arith.select %ge3A_804, %jit3A_805, %jit3A_806 : f32
    %jit3A_808 = arith.constant 1.000000e+00 : f32
    %select_n3A_809 = arith.select %ge3A_802, %jit3A_808, %select_n3A_807 : f32
    %ge3A_810 = arith.constant 2 : i32
    %ge3A_811 = arith.cmpi sge, %shift_right_logical3A_794, %ge3A_810 : i32
    %add3A_812 = arith.addi %shift_right_logical3A_794, %and3A_798 : i32
    %ge3A_813 = arith.constant 2 : i32
    %ge3A_814 = arith.cmpi sge, %add3A_812, %ge3A_813 : i32
    %jit3A_815 = arith.constant 0.000000e+00 : f32
    %jit3A_816 = arith.constant -1.000000e+00 : f32
    %select_n3A_817 = arith.select %ge3A_814, %jit3A_815, %jit3A_816 : f32
    %jit3A_818 = arith.constant 1.000000e+00 : f32
    %select_n3A_819 = arith.select %ge3A_811, %jit3A_818, %select_n3A_817 : f32
    %gt3A_820 = arith.constant 0.000000e+00 : f32
    %gt3A_821 = arith.cmpf ogt, %squeeze3A_751, %gt3A_820 : f32
    %lt3A_822 = arith.constant 0.000000e+00 : f32
    %lt3A_823 = arith.cmpf olt, %squeeze3A_751, %lt3A_822 : f32
    %jit3A_824 = arith.constant -1.000000e+00 : f32
    %jit3A_825 = arith.constant 0.000000e+00 : f32
    %select_n3A_826 = arith.select %lt3A_823, %jit3A_824, %jit3A_825 : f32
    %jit3A_827 = arith.constant 1.000000e+00 : f32
    %select_n3A_828 = arith.select %gt3A_821, %jit3A_827, %select_n3A_826 : f32
    %add3A_829 = arith.addf %select_n3A_809, %select_n3A_819 : f32
    %le3A_830 = arith.constant 1 : i32
    %le3A_831 = arith.cmpi sle, %and3A_800, %le3A_830 : i32
    %jit3A_832 = arith.constant 0.000000e+00 : f32
    %select_n3A_833 = arith.select %le3A_831, %select_n3A_828, %jit3A_832 : f32
    %sub3A_834 = arith.subf %add3A_829, %select_n3A_833 : f32
    %add3A_835 = arith.addf %add3A_742, %sub3A_834 : f32
    %add3A_836 = arith.constant 9 : i32
    %add3A_837 = arith.addi %mul3A_2, %add3A_836 : i32
    %add3A_838 = arith.constant 4608 : i32
    %add3A_839 = arith.addi %add3A_838, %mul3A_2 : i32
    %get3A_840 = arith.index_cast %add3A_839 : i32 to index
    %get3A_841 = tpu.vector_load %arg4[%get3A_840] {strides = array<i32>} : memref<8192xf32, #tpu.memory_space<vmem>>, vector<16xf32>,
    %get3A_842 = vector.shape_cast %get3A_841 : vector<16xf32> to vector<16xf32>
    %slice3A_843 = vector.extract_strided_slice %get3A_842 {offsets = [9], sizes = [1], strides = [1]} : vector<16xf32> to vector<1xf32>
    %squeeze3A_844 = vector.extract %slice3A_843[0] : f32 from vector<1xf32>
    %broadcast_in_dim3A_845 = vector.broadcast %squeeze3A_844 : f32 to vector<16xf32>
    %scan3A_846 = arith.constant 0 : i32
    %scan3A_847 = arith.constant 32 : i32
    %scan3A_848 = arith.addi %scan3A_846, %scan3A_847 : i32
    %scan3A_849 = arith.constant 1 : i32
    %scan3A_850 = scf.for %scan3A_1499 = %scan3A_846 to %scan3A_848 step %scan3A_849 iter_args(%scan3A_1500 = %broadcast_in_dim3A_7) -> (vector<16xi32>)  : i32 {
      %mul3A_1501 = arith.constant 16 : i32
      %mul3A_1502 = arith.muli %scan3A_1499, %mul3A_1501 : i32
      %add3A_1503 = arith.constant 4608 : i32
      %add3A_1504 = arith.addi %add3A_1503, %mul3A_1502 : i32
      %get3A_1505 = arith.index_cast %add3A_1504 : i32 to index
      %get3A_1506 = tpu.vector_load %arg4[%get3A_1505] {strides = array<i32>} : memref<8192xf32, #tpu.memory_space<vmem>>, vector<16xf32>,
      %get3A_1507 = vector.shape_cast %get3A_1506 : vector<16xf32> to vector<16xf32>
      %mul3A_1508 = arith.constant 16 : i32
      %mul3A_1509 = arith.muli %scan3A_1499, %mul3A_1508 : i32
      %add3A_1510 = vector.broadcast %mul3A_1509 : i32 to vector<16xi32>
      %add3A_1511 = arith.addi %iota3A, %add3A_1510 : vector<16xi32>
      %gt3A_1512 = arith.cmpf ogt, %get3A_1507, %broadcast_in_dim3A_845 : vector<16xf32>
      %eq3A_1513 = arith.cmpf oeq, %get3A_1507, %broadcast_in_dim3A_845 : vector<16xf32>
      %lt3A_1514 = vector.broadcast %add3A_837 : i32 to vector<16xi32>
      %lt3A_1515 = arith.cmpi slt, %add3A_1511, %lt3A_1514 : vector<16xi32>
      %and3A_1516 = arith.andi %eq3A_1513, %lt3A_1515 : vector<16xi1>
      %or3A = arith.ori %gt3A_1512, %and3A_1516 : vector<16xi1>
      %gt3A_1517 = arith.constant 0.000000e+00 : f32
      %gt3A_1518 = vector.broadcast %gt3A_1517 : f32 to vector<16xf32>
      %gt3A_1519 = arith.cmpf ogt, %get3A_1507, %gt3A_1518 : vector<16xf32>
      %jit3A_1520 = arith.constant 1048576 : i32
      %jit3A_1521 = arith.constant 0 : i32
      %broadcast_in_dim3A_1522 = vector.broadcast %jit3A_1520 : i32 to vector<16xi32>
      %broadcast_in_dim3A_1523 = vector.broadcast %jit3A_1521 : i32 to vector<16xi32>
      %select_n3A_1524 = arith.select %gt3A_1519, %broadcast_in_dim3A_1522, %broadcast_in_dim3A_1523 : vector<16xi1>, vector<16xi32>
      %add3A_1525 = arith.addi %scan3A_1500, %select_n3A_1524 : vector<16xi32>
      %eq3A_1526 = arith.constant 0.000000e+00 : f32
      %eq3A_1527 = vector.broadcast %eq3A_1526 : f32 to vector<16xf32>
      %eq3A_1528 = arith.cmpf oeq, %get3A_1507, %eq3A_1527 : vector<16xf32>
      %jit3A_1529 = arith.constant 1024 : i32
      %jit3A_1530 = arith.constant 0 : i32
      %broadcast_in_dim3A_1531 = vector.broadcast %jit3A_1529 : i32 to vector<16xi32>
      %broadcast_in_dim3A_1532 = vector.broadcast %jit3A_1530 : i32 to vector<16xi32>
      %select_n3A_1533 = arith.select %eq3A_1528, %broadcast_in_dim3A_1531, %broadcast_in_dim3A_1532 : vector<16xi1>, vector<16xi32>
      %add3A_1534 = arith.addi %add3A_1525, %select_n3A_1533 : vector<16xi32>
      %jit3A_1535 = arith.constant 1 : i32
      %jit3A_1536 = arith.constant 0 : i32
      %broadcast_in_dim3A_1537 = vector.broadcast %jit3A_1535 : i32 to vector<16xi32>
      %broadcast_in_dim3A_1538 = vector.broadcast %jit3A_1536 : i32 to vector<16xi32>
      %select_n3A_1539 = arith.select %or3A, %broadcast_in_dim3A_1537, %broadcast_in_dim3A_1538 : vector<16xi1>, vector<16xi32>
      %add3A_1540 = arith.addi %add3A_1534, %select_n3A_1539 : vector<16xi32>
      scf.yield %add3A_1540 : vector<16xi32>
    }
    %scan3A_851 = arith.constant 32 : i32
    %swap3A_852 = arith.constant 0 : index
    %swap3A_853 = tpu.vector_load %arg5[%swap3A_852] {strides = array<i32>} : memref<32xi32, #tpu.memory_space<vmem>>, vector<16xi32>,
    %swap3A_854 = vector.shape_cast %swap3A_853 : vector<16xi32> to vector<16xi32>
    %swap3A_855 = vector.shape_cast %scan3A_850 : vector<16xi32> to vector<16xi32>
    tpu.vector_store %arg5[%swap3A_852], %swap3A_855 {strides = array<i32>} : memref<32xi32, #tpu.memory_space<vmem>>, vector<16xi32>,
    %get3A_856 = arith.constant 8 : index
    %get3A_857 = tpu.vector_load %arg5[%get3A_856] {strides = array<i32>} : memref<32xi32, #tpu.memory_space<vmem>>, vector<16xi32>,
    %get3A_858 = vector.shape_cast %get3A_857 : vector<16xi32> to vector<16xi32>
    %add3A_859 = arith.addi %scan3A_850, %get3A_858 : vector<16xi32>
    %swap3A_860 = arith.constant 0 : index
    %swap3A_861 = tpu.vector_load %arg5[%swap3A_860] {strides = array<i32>} : memref<32xi32, #tpu.memory_space<vmem>>, vector<16xi32>,
    %swap3A_862 = vector.shape_cast %swap3A_861 : vector<16xi32> to vector<16xi32>
    %swap3A_863 = vector.shape_cast %add3A_859 : vector<16xi32> to vector<16xi32>
    tpu.vector_store %arg5[%swap3A_860], %swap3A_863 {strides = array<i32>} : memref<32xi32, #tpu.memory_space<vmem>>, vector<16xi32>,
    %get3A_864 = arith.constant 4 : index
    %get3A_865 = tpu.vector_load %arg5[%get3A_864] {strides = array<i32>} : memref<32xi32, #tpu.memory_space<vmem>>, vector<16xi32>,
    %get3A_866 = vector.shape_cast %get3A_865 : vector<16xi32> to vector<16xi32>
    %add3A_867 = arith.addi %add3A_859, %get3A_866 : vector<16xi32>
    %swap3A_868 = arith.constant 0 : index
    %swap3A_869 = tpu.vector_load %arg5[%swap3A_868] {strides = array<i32>} : memref<32xi32, #tpu.memory_space<vmem>>, vector<16xi32>,
    %swap3A_870 = vector.shape_cast %swap3A_869 : vector<16xi32> to vector<16xi32>
    %swap3A_871 = vector.shape_cast %add3A_867 : vector<16xi32> to vector<16xi32>
    tpu.vector_store %arg5[%swap3A_868], %swap3A_871 {strides = array<i32>} : memref<32xi32, #tpu.memory_space<vmem>>, vector<16xi32>,
    %get3A_872 = arith.constant 2 : index
    %get3A_873 = tpu.vector_load %arg5[%get3A_872] {strides = array<i32>} : memref<32xi32, #tpu.memory_space<vmem>>, vector<16xi32>,
    %get3A_874 = vector.shape_cast %get3A_873 : vector<16xi32> to vector<16xi32>
    %add3A_875 = arith.addi %add3A_867, %get3A_874 : vector<16xi32>
    %swap3A_876 = arith.constant 0 : index
    %swap3A_877 = tpu.vector_load %arg5[%swap3A_876] {strides = array<i32>} : memref<32xi32, #tpu.memory_space<vmem>>, vector<16xi32>,
    %swap3A_878 = vector.shape_cast %swap3A_877 : vector<16xi32> to vector<16xi32>
    %swap3A_879 = vector.shape_cast %add3A_875 : vector<16xi32> to vector<16xi32>
    tpu.vector_store %arg5[%swap3A_876], %swap3A_879 {strides = array<i32>} : memref<32xi32, #tpu.memory_space<vmem>>, vector<16xi32>,
    %get3A_880 = arith.constant 1 : index
    %get3A_881 = tpu.vector_load %arg5[%get3A_880] {strides = array<i32>} : memref<32xi32, #tpu.memory_space<vmem>>, vector<16xi32>,
    %get3A_882 = vector.shape_cast %get3A_881 : vector<16xi32> to vector<16xi32>
    %add3A_883 = arith.addi %add3A_875, %get3A_882 : vector<16xi32>
    %slice3A_884 = vector.extract_strided_slice %add3A_883 {offsets = [0], sizes = [1], strides = [1]} : vector<16xi32> to vector<1xi32>
    %squeeze3A_885 = vector.extract %slice3A_884[0] : i32 from vector<1xi32>
    %shift_right_logical3A_886 = arith.constant 20 : i32
    %shift_right_logical3A_887 = arith.shrui %squeeze3A_885, %shift_right_logical3A_886 : i32
    %shift_right_logical3A_888 = arith.constant 10 : i32
    %shift_right_logical3A_889 = arith.shrui %squeeze3A_885, %shift_right_logical3A_888 : i32
    %and3A_890 = arith.constant 1023 : i32
    %and3A_891 = arith.andi %shift_right_logical3A_889, %and3A_890 : i32
    %and3A_892 = arith.constant 1023 : i32
    %and3A_893 = arith.andi %squeeze3A_885, %and3A_892 : i32
    %ge3A_894 = arith.constant 1 : i32
    %ge3A_895 = arith.cmpi sge, %shift_right_logical3A_887, %ge3A_894 : i32
    %ge3A_896 = arith.constant 1 : i32
    %ge3A_897 = arith.cmpi sge, %and3A_891, %ge3A_896 : i32
    %jit3A_898 = arith.constant 0.000000e+00 : f32
    %jit3A_899 = arith.constant -1.000000e+00 : f32
    %select_n3A_900 = arith.select %ge3A_897, %jit3A_898, %jit3A_899 : f32
    %jit3A_901 = arith.constant 1.000000e+00 : f32
    %select_n3A_902 = arith.select %ge3A_895, %jit3A_901, %select_n3A_900 : f32
    %ge3A_903 = arith.constant 2 : i32
    %ge3A_904 = arith.cmpi sge, %shift_right_logical3A_887, %ge3A_903 : i32
    %add3A_905 = arith.addi %shift_right_logical3A_887, %and3A_891 : i32
    %ge3A_906 = arith.constant 2 : i32
    %ge3A_907 = arith.cmpi sge, %add3A_905, %ge3A_906 : i32
    %jit3A_908 = arith.constant 0.000000e+00 : f32
    %jit3A_909 = arith.constant -1.000000e+00 : f32
    %select_n3A_910 = arith.select %ge3A_907, %jit3A_908, %jit3A_909 : f32
    %jit3A_911 = arith.constant 1.000000e+00 : f32
    %select_n3A_912 = arith.select %ge3A_904, %jit3A_911, %select_n3A_910 : f32
    %gt3A_913 = arith.constant 0.000000e+00 : f32
    %gt3A_914 = arith.cmpf ogt, %squeeze3A_844, %gt3A_913 : f32
    %lt3A_915 = arith.constant 0.000000e+00 : f32
    %lt3A_916 = arith.cmpf olt, %squeeze3A_844, %lt3A_915 : f32
    %jit3A_917 = arith.constant -1.000000e+00 : f32
    %jit3A_918 = arith.constant 0.000000e+00 : f32
    %select_n3A_919 = arith.select %lt3A_916, %jit3A_917, %jit3A_918 : f32
    %jit3A_920 = arith.constant 1.000000e+00 : f32
    %select_n3A_921 = arith.select %gt3A_914, %jit3A_920, %select_n3A_919 : f32
    %add3A_922 = arith.addf %select_n3A_902, %select_n3A_912 : f32
    %le3A_923 = arith.constant 1 : i32
    %le3A_924 = arith.cmpi sle, %and3A_893, %le3A_923 : i32
    %jit3A_925 = arith.constant 0.000000e+00 : f32
    %select_n3A_926 = arith.select %le3A_924, %select_n3A_921, %jit3A_925 : f32
    %sub3A_927 = arith.subf %add3A_922, %select_n3A_926 : f32
    %add3A_928 = arith.addf %add3A_835, %sub3A_927 : f32
    %add3A_929 = arith.constant 10 : i32
    %add3A_930 = arith.addi %mul3A_2, %add3A_929 : i32
    %add3A_931 = arith.constant 5120 : i32
    %add3A_932 = arith.addi %add3A_931, %mul3A_2 : i32
    %get3A_933 = arith.index_cast %add3A_932 : i32 to index
    %get3A_934 = tpu.vector_load %arg4[%get3A_933] {strides = array<i32>} : memref<8192xf32, #tpu.memory_space<vmem>>, vector<16xf32>,
    %get3A_935 = vector.shape_cast %get3A_934 : vector<16xf32> to vector<16xf32>
    %slice3A_936 = vector.extract_strided_slice %get3A_935 {offsets = [10], sizes = [1], strides = [1]} : vector<16xf32> to vector<1xf32>
    %squeeze3A_937 = vector.extract %slice3A_936[0] : f32 from vector<1xf32>
    %broadcast_in_dim3A_938 = vector.broadcast %squeeze3A_937 : f32 to vector<16xf32>
    %scan3A_939 = arith.constant 0 : i32
    %scan3A_940 = arith.constant 32 : i32
    %scan3A_941 = arith.addi %scan3A_939, %scan3A_940 : i32
    %scan3A_942 = arith.constant 1 : i32
    %scan3A_943 = scf.for %scan3A_1499 = %scan3A_939 to %scan3A_941 step %scan3A_942 iter_args(%scan3A_1500 = %broadcast_in_dim3A_7) -> (vector<16xi32>)  : i32 {
      %mul3A_1501 = arith.constant 16 : i32
      %mul3A_1502 = arith.muli %scan3A_1499, %mul3A_1501 : i32
      %add3A_1503 = arith.constant 5120 : i32
      %add3A_1504 = arith.addi %add3A_1503, %mul3A_1502 : i32
      %get3A_1505 = arith.index_cast %add3A_1504 : i32 to index
      %get3A_1506 = tpu.vector_load %arg4[%get3A_1505] {strides = array<i32>} : memref<8192xf32, #tpu.memory_space<vmem>>, vector<16xf32>,
      %get3A_1507 = vector.shape_cast %get3A_1506 : vector<16xf32> to vector<16xf32>
      %mul3A_1508 = arith.constant 16 : i32
      %mul3A_1509 = arith.muli %scan3A_1499, %mul3A_1508 : i32
      %add3A_1510 = vector.broadcast %mul3A_1509 : i32 to vector<16xi32>
      %add3A_1511 = arith.addi %iota3A, %add3A_1510 : vector<16xi32>
      %gt3A_1512 = arith.cmpf ogt, %get3A_1507, %broadcast_in_dim3A_938 : vector<16xf32>
      %eq3A_1513 = arith.cmpf oeq, %get3A_1507, %broadcast_in_dim3A_938 : vector<16xf32>
      %lt3A_1514 = vector.broadcast %add3A_930 : i32 to vector<16xi32>
      %lt3A_1515 = arith.cmpi slt, %add3A_1511, %lt3A_1514 : vector<16xi32>
      %and3A_1516 = arith.andi %eq3A_1513, %lt3A_1515 : vector<16xi1>
      %or3A = arith.ori %gt3A_1512, %and3A_1516 : vector<16xi1>
      %gt3A_1517 = arith.constant 0.000000e+00 : f32
      %gt3A_1518 = vector.broadcast %gt3A_1517 : f32 to vector<16xf32>
      %gt3A_1519 = arith.cmpf ogt, %get3A_1507, %gt3A_1518 : vector<16xf32>
      %jit3A_1520 = arith.constant 1048576 : i32
      %jit3A_1521 = arith.constant 0 : i32
      %broadcast_in_dim3A_1522 = vector.broadcast %jit3A_1520 : i32 to vector<16xi32>
      %broadcast_in_dim3A_1523 = vector.broadcast %jit3A_1521 : i32 to vector<16xi32>
      %select_n3A_1524 = arith.select %gt3A_1519, %broadcast_in_dim3A_1522, %broadcast_in_dim3A_1523 : vector<16xi1>, vector<16xi32>
      %add3A_1525 = arith.addi %scan3A_1500, %select_n3A_1524 : vector<16xi32>
      %eq3A_1526 = arith.constant 0.000000e+00 : f32
      %eq3A_1527 = vector.broadcast %eq3A_1526 : f32 to vector<16xf32>
      %eq3A_1528 = arith.cmpf oeq, %get3A_1507, %eq3A_1527 : vector<16xf32>
      %jit3A_1529 = arith.constant 1024 : i32
      %jit3A_1530 = arith.constant 0 : i32
      %broadcast_in_dim3A_1531 = vector.broadcast %jit3A_1529 : i32 to vector<16xi32>
      %broadcast_in_dim3A_1532 = vector.broadcast %jit3A_1530 : i32 to vector<16xi32>
      %select_n3A_1533 = arith.select %eq3A_1528, %broadcast_in_dim3A_1531, %broadcast_in_dim3A_1532 : vector<16xi1>, vector<16xi32>
      %add3A_1534 = arith.addi %add3A_1525, %select_n3A_1533 : vector<16xi32>
      %jit3A_1535 = arith.constant 1 : i32
      %jit3A_1536 = arith.constant 0 : i32
      %broadcast_in_dim3A_1537 = vector.broadcast %jit3A_1535 : i32 to vector<16xi32>
      %broadcast_in_dim3A_1538 = vector.broadcast %jit3A_1536 : i32 to vector<16xi32>
      %select_n3A_1539 = arith.select %or3A, %broadcast_in_dim3A_1537, %broadcast_in_dim3A_1538 : vector<16xi1>, vector<16xi32>
      %add3A_1540 = arith.addi %add3A_1534, %select_n3A_1539 : vector<16xi32>
      scf.yield %add3A_1540 : vector<16xi32>
    }
    %scan3A_944 = arith.constant 32 : i32
    %swap3A_945 = arith.constant 0 : index
    %swap3A_946 = tpu.vector_load %arg5[%swap3A_945] {strides = array<i32>} : memref<32xi32, #tpu.memory_space<vmem>>, vector<16xi32>,
    %swap3A_947 = vector.shape_cast %swap3A_946 : vector<16xi32> to vector<16xi32>
    %swap3A_948 = vector.shape_cast %scan3A_943 : vector<16xi32> to vector<16xi32>
    tpu.vector_store %arg5[%swap3A_945], %swap3A_948 {strides = array<i32>} : memref<32xi32, #tpu.memory_space<vmem>>, vector<16xi32>,
    %get3A_949 = arith.constant 8 : index
    %get3A_950 = tpu.vector_load %arg5[%get3A_949] {strides = array<i32>} : memref<32xi32, #tpu.memory_space<vmem>>, vector<16xi32>,
    %get3A_951 = vector.shape_cast %get3A_950 : vector<16xi32> to vector<16xi32>
    %add3A_952 = arith.addi %scan3A_943, %get3A_951 : vector<16xi32>
    %swap3A_953 = arith.constant 0 : index
    %swap3A_954 = tpu.vector_load %arg5[%swap3A_953] {strides = array<i32>} : memref<32xi32, #tpu.memory_space<vmem>>, vector<16xi32>,
    %swap3A_955 = vector.shape_cast %swap3A_954 : vector<16xi32> to vector<16xi32>
    %swap3A_956 = vector.shape_cast %add3A_952 : vector<16xi32> to vector<16xi32>
    tpu.vector_store %arg5[%swap3A_953], %swap3A_956 {strides = array<i32>} : memref<32xi32, #tpu.memory_space<vmem>>, vector<16xi32>,
    %get3A_957 = arith.constant 4 : index
    %get3A_958 = tpu.vector_load %arg5[%get3A_957] {strides = array<i32>} : memref<32xi32, #tpu.memory_space<vmem>>, vector<16xi32>,
    %get3A_959 = vector.shape_cast %get3A_958 : vector<16xi32> to vector<16xi32>
    %add3A_960 = arith.addi %add3A_952, %get3A_959 : vector<16xi32>
    %swap3A_961 = arith.constant 0 : index
    %swap3A_962 = tpu.vector_load %arg5[%swap3A_961] {strides = array<i32>} : memref<32xi32, #tpu.memory_space<vmem>>, vector<16xi32>,
    %swap3A_963 = vector.shape_cast %swap3A_962 : vector<16xi32> to vector<16xi32>
    %swap3A_964 = vector.shape_cast %add3A_960 : vector<16xi32> to vector<16xi32>
    tpu.vector_store %arg5[%swap3A_961], %swap3A_964 {strides = array<i32>} : memref<32xi32, #tpu.memory_space<vmem>>, vector<16xi32>,
    %get3A_965 = arith.constant 2 : index
    %get3A_966 = tpu.vector_load %arg5[%get3A_965] {strides = array<i32>} : memref<32xi32, #tpu.memory_space<vmem>>, vector<16xi32>,
    %get3A_967 = vector.shape_cast %get3A_966 : vector<16xi32> to vector<16xi32>
    %add3A_968 = arith.addi %add3A_960, %get3A_967 : vector<16xi32>
    %swap3A_969 = arith.constant 0 : index
    %swap3A_970 = tpu.vector_load %arg5[%swap3A_969] {strides = array<i32>} : memref<32xi32, #tpu.memory_space<vmem>>, vector<16xi32>,
    %swap3A_971 = vector.shape_cast %swap3A_970 : vector<16xi32> to vector<16xi32>
    %swap3A_972 = vector.shape_cast %add3A_968 : vector<16xi32> to vector<16xi32>
    tpu.vector_store %arg5[%swap3A_969], %swap3A_972 {strides = array<i32>} : memref<32xi32, #tpu.memory_space<vmem>>, vector<16xi32>,
    %get3A_973 = arith.constant 1 : index
    %get3A_974 = tpu.vector_load %arg5[%get3A_973] {strides = array<i32>} : memref<32xi32, #tpu.memory_space<vmem>>, vector<16xi32>,
    %get3A_975 = vector.shape_cast %get3A_974 : vector<16xi32> to vector<16xi32>
    %add3A_976 = arith.addi %add3A_968, %get3A_975 : vector<16xi32>
    %slice3A_977 = vector.extract_strided_slice %add3A_976 {offsets = [0], sizes = [1], strides = [1]} : vector<16xi32> to vector<1xi32>
    %squeeze3A_978 = vector.extract %slice3A_977[0] : i32 from vector<1xi32>
    %shift_right_logical3A_979 = arith.constant 20 : i32
    %shift_right_logical3A_980 = arith.shrui %squeeze3A_978, %shift_right_logical3A_979 : i32
    %shift_right_logical3A_981 = arith.constant 10 : i32
    %shift_right_logical3A_982 = arith.shrui %squeeze3A_978, %shift_right_logical3A_981 : i32
    %and3A_983 = arith.constant 1023 : i32
    %and3A_984 = arith.andi %shift_right_logical3A_982, %and3A_983 : i32
    %and3A_985 = arith.constant 1023 : i32
    %and3A_986 = arith.andi %squeeze3A_978, %and3A_985 : i32
    %ge3A_987 = arith.constant 1 : i32
    %ge3A_988 = arith.cmpi sge, %shift_right_logical3A_980, %ge3A_987 : i32
    %ge3A_989 = arith.constant 1 : i32
    %ge3A_990 = arith.cmpi sge, %and3A_984, %ge3A_989 : i32
    %jit3A_991 = arith.constant 0.000000e+00 : f32
    %jit3A_992 = arith.constant -1.000000e+00 : f32
    %select_n3A_993 = arith.select %ge3A_990, %jit3A_991, %jit3A_992 : f32
    %jit3A_994 = arith.constant 1.000000e+00 : f32
    %select_n3A_995 = arith.select %ge3A_988, %jit3A_994, %select_n3A_993 : f32
    %ge3A_996 = arith.constant 2 : i32
    %ge3A_997 = arith.cmpi sge, %shift_right_logical3A_980, %ge3A_996 : i32
    %add3A_998 = arith.addi %shift_right_logical3A_980, %and3A_984 : i32
    %ge3A_999 = arith.constant 2 : i32
    %ge3A_1000 = arith.cmpi sge, %add3A_998, %ge3A_999 : i32
    %jit3A_1001 = arith.constant 0.000000e+00 : f32
    %jit3A_1002 = arith.constant -1.000000e+00 : f32
    %select_n3A_1003 = arith.select %ge3A_1000, %jit3A_1001, %jit3A_1002 : f32
    %jit3A_1004 = arith.constant 1.000000e+00 : f32
    %select_n3A_1005 = arith.select %ge3A_997, %jit3A_1004, %select_n3A_1003 : f32
    %gt3A_1006 = arith.constant 0.000000e+00 : f32
    %gt3A_1007 = arith.cmpf ogt, %squeeze3A_937, %gt3A_1006 : f32
    %lt3A_1008 = arith.constant 0.000000e+00 : f32
    %lt3A_1009 = arith.cmpf olt, %squeeze3A_937, %lt3A_1008 : f32
    %jit3A_1010 = arith.constant -1.000000e+00 : f32
    %jit3A_1011 = arith.constant 0.000000e+00 : f32
    %select_n3A_1012 = arith.select %lt3A_1009, %jit3A_1010, %jit3A_1011 : f32
    %jit3A_1013 = arith.constant 1.000000e+00 : f32
    %select_n3A_1014 = arith.select %gt3A_1007, %jit3A_1013, %select_n3A_1012 : f32
    %add3A_1015 = arith.addf %select_n3A_995, %select_n3A_1005 : f32
    %le3A_1016 = arith.constant 1 : i32
    %le3A_1017 = arith.cmpi sle, %and3A_986, %le3A_1016 : i32
    %jit3A_1018 = arith.constant 0.000000e+00 : f32
    %select_n3A_1019 = arith.select %le3A_1017, %select_n3A_1014, %jit3A_1018 : f32
    %sub3A_1020 = arith.subf %add3A_1015, %select_n3A_1019 : f32
    %add3A_1021 = arith.addf %add3A_928, %sub3A_1020 : f32
    %add3A_1022 = arith.constant 11 : i32
    %add3A_1023 = arith.addi %mul3A_2, %add3A_1022 : i32
    %add3A_1024 = arith.constant 5632 : i32
    %add3A_1025 = arith.addi %add3A_1024, %mul3A_2 : i32
    %get3A_1026 = arith.index_cast %add3A_1025 : i32 to index
    %get3A_1027 = tpu.vector_load %arg4[%get3A_1026] {strides = array<i32>} : memref<8192xf32, #tpu.memory_space<vmem>>, vector<16xf32>,
    %get3A_1028 = vector.shape_cast %get3A_1027 : vector<16xf32> to vector<16xf32>
    %slice3A_1029 = vector.extract_strided_slice %get3A_1028 {offsets = [11], sizes = [1], strides = [1]} : vector<16xf32> to vector<1xf32>
    %squeeze3A_1030 = vector.extract %slice3A_1029[0] : f32 from vector<1xf32>
    %broadcast_in_dim3A_1031 = vector.broadcast %squeeze3A_1030 : f32 to vector<16xf32>
    %scan3A_1032 = arith.constant 0 : i32
    %scan3A_1033 = arith.constant 32 : i32
    %scan3A_1034 = arith.addi %scan3A_1032, %scan3A_1033 : i32
    %scan3A_1035 = arith.constant 1 : i32
    %scan3A_1036 = scf.for %scan3A_1499 = %scan3A_1032 to %scan3A_1034 step %scan3A_1035 iter_args(%scan3A_1500 = %broadcast_in_dim3A_7) -> (vector<16xi32>)  : i32 {
      %mul3A_1501 = arith.constant 16 : i32
      %mul3A_1502 = arith.muli %scan3A_1499, %mul3A_1501 : i32
      %add3A_1503 = arith.constant 5632 : i32
      %add3A_1504 = arith.addi %add3A_1503, %mul3A_1502 : i32
      %get3A_1505 = arith.index_cast %add3A_1504 : i32 to index
      %get3A_1506 = tpu.vector_load %arg4[%get3A_1505] {strides = array<i32>} : memref<8192xf32, #tpu.memory_space<vmem>>, vector<16xf32>,
      %get3A_1507 = vector.shape_cast %get3A_1506 : vector<16xf32> to vector<16xf32>
      %mul3A_1508 = arith.constant 16 : i32
      %mul3A_1509 = arith.muli %scan3A_1499, %mul3A_1508 : i32
      %add3A_1510 = vector.broadcast %mul3A_1509 : i32 to vector<16xi32>
      %add3A_1511 = arith.addi %iota3A, %add3A_1510 : vector<16xi32>
      %gt3A_1512 = arith.cmpf ogt, %get3A_1507, %broadcast_in_dim3A_1031 : vector<16xf32>
      %eq3A_1513 = arith.cmpf oeq, %get3A_1507, %broadcast_in_dim3A_1031 : vector<16xf32>
      %lt3A_1514 = vector.broadcast %add3A_1023 : i32 to vector<16xi32>
      %lt3A_1515 = arith.cmpi slt, %add3A_1511, %lt3A_1514 : vector<16xi32>
      %and3A_1516 = arith.andi %eq3A_1513, %lt3A_1515 : vector<16xi1>
      %or3A = arith.ori %gt3A_1512, %and3A_1516 : vector<16xi1>
      %gt3A_1517 = arith.constant 0.000000e+00 : f32
      %gt3A_1518 = vector.broadcast %gt3A_1517 : f32 to vector<16xf32>
      %gt3A_1519 = arith.cmpf ogt, %get3A_1507, %gt3A_1518 : vector<16xf32>
      %jit3A_1520 = arith.constant 1048576 : i32
      %jit3A_1521 = arith.constant 0 : i32
      %broadcast_in_dim3A_1522 = vector.broadcast %jit3A_1520 : i32 to vector<16xi32>
      %broadcast_in_dim3A_1523 = vector.broadcast %jit3A_1521 : i32 to vector<16xi32>
      %select_n3A_1524 = arith.select %gt3A_1519, %broadcast_in_dim3A_1522, %broadcast_in_dim3A_1523 : vector<16xi1>, vector<16xi32>
      %add3A_1525 = arith.addi %scan3A_1500, %select_n3A_1524 : vector<16xi32>
      %eq3A_1526 = arith.constant 0.000000e+00 : f32
      %eq3A_1527 = vector.broadcast %eq3A_1526 : f32 to vector<16xf32>
      %eq3A_1528 = arith.cmpf oeq, %get3A_1507, %eq3A_1527 : vector<16xf32>
      %jit3A_1529 = arith.constant 1024 : i32
      %jit3A_1530 = arith.constant 0 : i32
      %broadcast_in_dim3A_1531 = vector.broadcast %jit3A_1529 : i32 to vector<16xi32>
      %broadcast_in_dim3A_1532 = vector.broadcast %jit3A_1530 : i32 to vector<16xi32>
      %select_n3A_1533 = arith.select %eq3A_1528, %broadcast_in_dim3A_1531, %broadcast_in_dim3A_1532 : vector<16xi1>, vector<16xi32>
      %add3A_1534 = arith.addi %add3A_1525, %select_n3A_1533 : vector<16xi32>
      %jit3A_1535 = arith.constant 1 : i32
      %jit3A_1536 = arith.constant 0 : i32
      %broadcast_in_dim3A_1537 = vector.broadcast %jit3A_1535 : i32 to vector<16xi32>
      %broadcast_in_dim3A_1538 = vector.broadcast %jit3A_1536 : i32 to vector<16xi32>
      %select_n3A_1539 = arith.select %or3A, %broadcast_in_dim3A_1537, %broadcast_in_dim3A_1538 : vector<16xi1>, vector<16xi32>
      %add3A_1540 = arith.addi %add3A_1534, %select_n3A_1539 : vector<16xi32>
      scf.yield %add3A_1540 : vector<16xi32>
    }
    %scan3A_1037 = arith.constant 32 : i32
    %swap3A_1038 = arith.constant 0 : index
    %swap3A_1039 = tpu.vector_load %arg5[%swap3A_1038] {strides = array<i32>} : memref<32xi32, #tpu.memory_space<vmem>>, vector<16xi32>,
    %swap3A_1040 = vector.shape_cast %swap3A_1039 : vector<16xi32> to vector<16xi32>
    %swap3A_1041 = vector.shape_cast %scan3A_1036 : vector<16xi32> to vector<16xi32>
    tpu.vector_store %arg5[%swap3A_1038], %swap3A_1041 {strides = array<i32>} : memref<32xi32, #tpu.memory_space<vmem>>, vector<16xi32>,
    %get3A_1042 = arith.constant 8 : index
    %get3A_1043 = tpu.vector_load %arg5[%get3A_1042] {strides = array<i32>} : memref<32xi32, #tpu.memory_space<vmem>>, vector<16xi32>,
    %get3A_1044 = vector.shape_cast %get3A_1043 : vector<16xi32> to vector<16xi32>
    %add3A_1045 = arith.addi %scan3A_1036, %get3A_1044 : vector<16xi32>
    %swap3A_1046 = arith.constant 0 : index
    %swap3A_1047 = tpu.vector_load %arg5[%swap3A_1046] {strides = array<i32>} : memref<32xi32, #tpu.memory_space<vmem>>, vector<16xi32>,
    %swap3A_1048 = vector.shape_cast %swap3A_1047 : vector<16xi32> to vector<16xi32>
    %swap3A_1049 = vector.shape_cast %add3A_1045 : vector<16xi32> to vector<16xi32>
    tpu.vector_store %arg5[%swap3A_1046], %swap3A_1049 {strides = array<i32>} : memref<32xi32, #tpu.memory_space<vmem>>, vector<16xi32>,
    %get3A_1050 = arith.constant 4 : index
    %get3A_1051 = tpu.vector_load %arg5[%get3A_1050] {strides = array<i32>} : memref<32xi32, #tpu.memory_space<vmem>>, vector<16xi32>,
    %get3A_1052 = vector.shape_cast %get3A_1051 : vector<16xi32> to vector<16xi32>
    %add3A_1053 = arith.addi %add3A_1045, %get3A_1052 : vector<16xi32>
    %swap3A_1054 = arith.constant 0 : index
    %swap3A_1055 = tpu.vector_load %arg5[%swap3A_1054] {strides = array<i32>} : memref<32xi32, #tpu.memory_space<vmem>>, vector<16xi32>,
    %swap3A_1056 = vector.shape_cast %swap3A_1055 : vector<16xi32> to vector<16xi32>
    %swap3A_1057 = vector.shape_cast %add3A_1053 : vector<16xi32> to vector<16xi32>
    tpu.vector_store %arg5[%swap3A_1054], %swap3A_1057 {strides = array<i32>} : memref<32xi32, #tpu.memory_space<vmem>>, vector<16xi32>,
    %get3A_1058 = arith.constant 2 : index
    %get3A_1059 = tpu.vector_load %arg5[%get3A_1058] {strides = array<i32>} : memref<32xi32, #tpu.memory_space<vmem>>, vector<16xi32>,
    %get3A_1060 = vector.shape_cast %get3A_1059 : vector<16xi32> to vector<16xi32>
    %add3A_1061 = arith.addi %add3A_1053, %get3A_1060 : vector<16xi32>
    %swap3A_1062 = arith.constant 0 : index
    %swap3A_1063 = tpu.vector_load %arg5[%swap3A_1062] {strides = array<i32>} : memref<32xi32, #tpu.memory_space<vmem>>, vector<16xi32>,
    %swap3A_1064 = vector.shape_cast %swap3A_1063 : vector<16xi32> to vector<16xi32>
    %swap3A_1065 = vector.shape_cast %add3A_1061 : vector<16xi32> to vector<16xi32>
    tpu.vector_store %arg5[%swap3A_1062], %swap3A_1065 {strides = array<i32>} : memref<32xi32, #tpu.memory_space<vmem>>, vector<16xi32>,
    %get3A_1066 = arith.constant 1 : index
    %get3A_1067 = tpu.vector_load %arg5[%get3A_1066] {strides = array<i32>} : memref<32xi32, #tpu.memory_space<vmem>>, vector<16xi32>,
    %get3A_1068 = vector.shape_cast %get3A_1067 : vector<16xi32> to vector<16xi32>
    %add3A_1069 = arith.addi %add3A_1061, %get3A_1068 : vector<16xi32>
    %slice3A_1070 = vector.extract_strided_slice %add3A_1069 {offsets = [0], sizes = [1], strides = [1]} : vector<16xi32> to vector<1xi32>
    %squeeze3A_1071 = vector.extract %slice3A_1070[0] : i32 from vector<1xi32>
    %shift_right_logical3A_1072 = arith.constant 20 : i32
    %shift_right_logical3A_1073 = arith.shrui %squeeze3A_1071, %shift_right_logical3A_1072 : i32
    %shift_right_logical3A_1074 = arith.constant 10 : i32
    %shift_right_logical3A_1075 = arith.shrui %squeeze3A_1071, %shift_right_logical3A_1074 : i32
    %and3A_1076 = arith.constant 1023 : i32
    %and3A_1077 = arith.andi %shift_right_logical3A_1075, %and3A_1076 : i32
    %and3A_1078 = arith.constant 1023 : i32
    %and3A_1079 = arith.andi %squeeze3A_1071, %and3A_1078 : i32
    %ge3A_1080 = arith.constant 1 : i32
    %ge3A_1081 = arith.cmpi sge, %shift_right_logical3A_1073, %ge3A_1080 : i32
    %ge3A_1082 = arith.constant 1 : i32
    %ge3A_1083 = arith.cmpi sge, %and3A_1077, %ge3A_1082 : i32
    %jit3A_1084 = arith.constant 0.000000e+00 : f32
    %jit3A_1085 = arith.constant -1.000000e+00 : f32
    %select_n3A_1086 = arith.select %ge3A_1083, %jit3A_1084, %jit3A_1085 : f32
    %jit3A_1087 = arith.constant 1.000000e+00 : f32
    %select_n3A_1088 = arith.select %ge3A_1081, %jit3A_1087, %select_n3A_1086 : f32
    %ge3A_1089 = arith.constant 2 : i32
    %ge3A_1090 = arith.cmpi sge, %shift_right_logical3A_1073, %ge3A_1089 : i32
    %add3A_1091 = arith.addi %shift_right_logical3A_1073, %and3A_1077 : i32
    %ge3A_1092 = arith.constant 2 : i32
    %ge3A_1093 = arith.cmpi sge, %add3A_1091, %ge3A_1092 : i32
    %jit3A_1094 = arith.constant 0.000000e+00 : f32
    %jit3A_1095 = arith.constant -1.000000e+00 : f32
    %select_n3A_1096 = arith.select %ge3A_1093, %jit3A_1094, %jit3A_1095 : f32
    %jit3A_1097 = arith.constant 1.000000e+00 : f32
    %select_n3A_1098 = arith.select %ge3A_1090, %jit3A_1097, %select_n3A_1096 : f32
    %gt3A_1099 = arith.constant 0.000000e+00 : f32
    %gt3A_1100 = arith.cmpf ogt, %squeeze3A_1030, %gt3A_1099 : f32
    %lt3A_1101 = arith.constant 0.000000e+00 : f32
    %lt3A_1102 = arith.cmpf olt, %squeeze3A_1030, %lt3A_1101 : f32
    %jit3A_1103 = arith.constant -1.000000e+00 : f32
    %jit3A_1104 = arith.constant 0.000000e+00 : f32
    %select_n3A_1105 = arith.select %lt3A_1102, %jit3A_1103, %jit3A_1104 : f32
    %jit3A_1106 = arith.constant 1.000000e+00 : f32
    %select_n3A_1107 = arith.select %gt3A_1100, %jit3A_1106, %select_n3A_1105 : f32
    %add3A_1108 = arith.addf %select_n3A_1088, %select_n3A_1098 : f32
    %le3A_1109 = arith.constant 1 : i32
    %le3A_1110 = arith.cmpi sle, %and3A_1079, %le3A_1109 : i32
    %jit3A_1111 = arith.constant 0.000000e+00 : f32
    %select_n3A_1112 = arith.select %le3A_1110, %select_n3A_1107, %jit3A_1111 : f32
    %sub3A_1113 = arith.subf %add3A_1108, %select_n3A_1112 : f32
    %add3A_1114 = arith.addf %add3A_1021, %sub3A_1113 : f32
    %add3A_1115 = arith.constant 12 : i32
    %add3A_1116 = arith.addi %mul3A_2, %add3A_1115 : i32
    %add3A_1117 = arith.constant 6144 : i32
    %add3A_1118 = arith.addi %add3A_1117, %mul3A_2 : i32
    %get3A_1119 = arith.index_cast %add3A_1118 : i32 to index
    %get3A_1120 = tpu.vector_load %arg4[%get3A_1119] {strides = array<i32>} : memref<8192xf32, #tpu.memory_space<vmem>>, vector<16xf32>,
    %get3A_1121 = vector.shape_cast %get3A_1120 : vector<16xf32> to vector<16xf32>
    %slice3A_1122 = vector.extract_strided_slice %get3A_1121 {offsets = [12], sizes = [1], strides = [1]} : vector<16xf32> to vector<1xf32>
    %squeeze3A_1123 = vector.extract %slice3A_1122[0] : f32 from vector<1xf32>
    %broadcast_in_dim3A_1124 = vector.broadcast %squeeze3A_1123 : f32 to vector<16xf32>
    %scan3A_1125 = arith.constant 0 : i32
    %scan3A_1126 = arith.constant 32 : i32
    %scan3A_1127 = arith.addi %scan3A_1125, %scan3A_1126 : i32
    %scan3A_1128 = arith.constant 1 : i32
    %scan3A_1129 = scf.for %scan3A_1499 = %scan3A_1125 to %scan3A_1127 step %scan3A_1128 iter_args(%scan3A_1500 = %broadcast_in_dim3A_7) -> (vector<16xi32>)  : i32 {
      %mul3A_1501 = arith.constant 16 : i32
      %mul3A_1502 = arith.muli %scan3A_1499, %mul3A_1501 : i32
      %add3A_1503 = arith.constant 6144 : i32
      %add3A_1504 = arith.addi %add3A_1503, %mul3A_1502 : i32
      %get3A_1505 = arith.index_cast %add3A_1504 : i32 to index
      %get3A_1506 = tpu.vector_load %arg4[%get3A_1505] {strides = array<i32>} : memref<8192xf32, #tpu.memory_space<vmem>>, vector<16xf32>,
      %get3A_1507 = vector.shape_cast %get3A_1506 : vector<16xf32> to vector<16xf32>
      %mul3A_1508 = arith.constant 16 : i32
      %mul3A_1509 = arith.muli %scan3A_1499, %mul3A_1508 : i32
      %add3A_1510 = vector.broadcast %mul3A_1509 : i32 to vector<16xi32>
      %add3A_1511 = arith.addi %iota3A, %add3A_1510 : vector<16xi32>
      %gt3A_1512 = arith.cmpf ogt, %get3A_1507, %broadcast_in_dim3A_1124 : vector<16xf32>
      %eq3A_1513 = arith.cmpf oeq, %get3A_1507, %broadcast_in_dim3A_1124 : vector<16xf32>
      %lt3A_1514 = vector.broadcast %add3A_1116 : i32 to vector<16xi32>
      %lt3A_1515 = arith.cmpi slt, %add3A_1511, %lt3A_1514 : vector<16xi32>
      %and3A_1516 = arith.andi %eq3A_1513, %lt3A_1515 : vector<16xi1>
      %or3A = arith.ori %gt3A_1512, %and3A_1516 : vector<16xi1>
      %gt3A_1517 = arith.constant 0.000000e+00 : f32
      %gt3A_1518 = vector.broadcast %gt3A_1517 : f32 to vector<16xf32>
      %gt3A_1519 = arith.cmpf ogt, %get3A_1507, %gt3A_1518 : vector<16xf32>
      %jit3A_1520 = arith.constant 1048576 : i32
      %jit3A_1521 = arith.constant 0 : i32
      %broadcast_in_dim3A_1522 = vector.broadcast %jit3A_1520 : i32 to vector<16xi32>
      %broadcast_in_dim3A_1523 = vector.broadcast %jit3A_1521 : i32 to vector<16xi32>
      %select_n3A_1524 = arith.select %gt3A_1519, %broadcast_in_dim3A_1522, %broadcast_in_dim3A_1523 : vector<16xi1>, vector<16xi32>
      %add3A_1525 = arith.addi %scan3A_1500, %select_n3A_1524 : vector<16xi32>
      %eq3A_1526 = arith.constant 0.000000e+00 : f32
      %eq3A_1527 = vector.broadcast %eq3A_1526 : f32 to vector<16xf32>
      %eq3A_1528 = arith.cmpf oeq, %get3A_1507, %eq3A_1527 : vector<16xf32>
      %jit3A_1529 = arith.constant 1024 : i32
      %jit3A_1530 = arith.constant 0 : i32
      %broadcast_in_dim3A_1531 = vector.broadcast %jit3A_1529 : i32 to vector<16xi32>
      %broadcast_in_dim3A_1532 = vector.broadcast %jit3A_1530 : i32 to vector<16xi32>
      %select_n3A_1533 = arith.select %eq3A_1528, %broadcast_in_dim3A_1531, %broadcast_in_dim3A_1532 : vector<16xi1>, vector<16xi32>
      %add3A_1534 = arith.addi %add3A_1525, %select_n3A_1533 : vector<16xi32>
      %jit3A_1535 = arith.constant 1 : i32
      %jit3A_1536 = arith.constant 0 : i32
      %broadcast_in_dim3A_1537 = vector.broadcast %jit3A_1535 : i32 to vector<16xi32>
      %broadcast_in_dim3A_1538 = vector.broadcast %jit3A_1536 : i32 to vector<16xi32>
      %select_n3A_1539 = arith.select %or3A, %broadcast_in_dim3A_1537, %broadcast_in_dim3A_1538 : vector<16xi1>, vector<16xi32>
      %add3A_1540 = arith.addi %add3A_1534, %select_n3A_1539 : vector<16xi32>
      scf.yield %add3A_1540 : vector<16xi32>
    }
    %scan3A_1130 = arith.constant 32 : i32
    %swap3A_1131 = arith.constant 0 : index
    %swap3A_1132 = tpu.vector_load %arg5[%swap3A_1131] {strides = array<i32>} : memref<32xi32, #tpu.memory_space<vmem>>, vector<16xi32>,
    %swap3A_1133 = vector.shape_cast %swap3A_1132 : vector<16xi32> to vector<16xi32>
    %swap3A_1134 = vector.shape_cast %scan3A_1129 : vector<16xi32> to vector<16xi32>
    tpu.vector_store %arg5[%swap3A_1131], %swap3A_1134 {strides = array<i32>} : memref<32xi32, #tpu.memory_space<vmem>>, vector<16xi32>,
    %get3A_1135 = arith.constant 8 : index
    %get3A_1136 = tpu.vector_load %arg5[%get3A_1135] {strides = array<i32>} : memref<32xi32, #tpu.memory_space<vmem>>, vector<16xi32>,
    %get3A_1137 = vector.shape_cast %get3A_1136 : vector<16xi32> to vector<16xi32>
    %add3A_1138 = arith.addi %scan3A_1129, %get3A_1137 : vector<16xi32>
    %swap3A_1139 = arith.constant 0 : index
    %swap3A_1140 = tpu.vector_load %arg5[%swap3A_1139] {strides = array<i32>} : memref<32xi32, #tpu.memory_space<vmem>>, vector<16xi32>,
    %swap3A_1141 = vector.shape_cast %swap3A_1140 : vector<16xi32> to vector<16xi32>
    %swap3A_1142 = vector.shape_cast %add3A_1138 : vector<16xi32> to vector<16xi32>
    tpu.vector_store %arg5[%swap3A_1139], %swap3A_1142 {strides = array<i32>} : memref<32xi32, #tpu.memory_space<vmem>>, vector<16xi32>,
    %get3A_1143 = arith.constant 4 : index
    %get3A_1144 = tpu.vector_load %arg5[%get3A_1143] {strides = array<i32>} : memref<32xi32, #tpu.memory_space<vmem>>, vector<16xi32>,
    %get3A_1145 = vector.shape_cast %get3A_1144 : vector<16xi32> to vector<16xi32>
    %add3A_1146 = arith.addi %add3A_1138, %get3A_1145 : vector<16xi32>
    %swap3A_1147 = arith.constant 0 : index
    %swap3A_1148 = tpu.vector_load %arg5[%swap3A_1147] {strides = array<i32>} : memref<32xi32, #tpu.memory_space<vmem>>, vector<16xi32>,
    %swap3A_1149 = vector.shape_cast %swap3A_1148 : vector<16xi32> to vector<16xi32>
    %swap3A_1150 = vector.shape_cast %add3A_1146 : vector<16xi32> to vector<16xi32>
    tpu.vector_store %arg5[%swap3A_1147], %swap3A_1150 {strides = array<i32>} : memref<32xi32, #tpu.memory_space<vmem>>, vector<16xi32>,
    %get3A_1151 = arith.constant 2 : index
    %get3A_1152 = tpu.vector_load %arg5[%get3A_1151] {strides = array<i32>} : memref<32xi32, #tpu.memory_space<vmem>>, vector<16xi32>,
    %get3A_1153 = vector.shape_cast %get3A_1152 : vector<16xi32> to vector<16xi32>
    %add3A_1154 = arith.addi %add3A_1146, %get3A_1153 : vector<16xi32>
    %swap3A_1155 = arith.constant 0 : index
    %swap3A_1156 = tpu.vector_load %arg5[%swap3A_1155] {strides = array<i32>} : memref<32xi32, #tpu.memory_space<vmem>>, vector<16xi32>,
    %swap3A_1157 = vector.shape_cast %swap3A_1156 : vector<16xi32> to vector<16xi32>
    %swap3A_1158 = vector.shape_cast %add3A_1154 : vector<16xi32> to vector<16xi32>
    tpu.vector_store %arg5[%swap3A_1155], %swap3A_1158 {strides = array<i32>} : memref<32xi32, #tpu.memory_space<vmem>>, vector<16xi32>,
    %get3A_1159 = arith.constant 1 : index
    %get3A_1160 = tpu.vector_load %arg5[%get3A_1159] {strides = array<i32>} : memref<32xi32, #tpu.memory_space<vmem>>, vector<16xi32>,
    %get3A_1161 = vector.shape_cast %get3A_1160 : vector<16xi32> to vector<16xi32>
    %add3A_1162 = arith.addi %add3A_1154, %get3A_1161 : vector<16xi32>
    %slice3A_1163 = vector.extract_strided_slice %add3A_1162 {offsets = [0], sizes = [1], strides = [1]} : vector<16xi32> to vector<1xi32>
    %squeeze3A_1164 = vector.extract %slice3A_1163[0] : i32 from vector<1xi32>
    %shift_right_logical3A_1165 = arith.constant 20 : i32
    %shift_right_logical3A_1166 = arith.shrui %squeeze3A_1164, %shift_right_logical3A_1165 : i32
    %shift_right_logical3A_1167 = arith.constant 10 : i32
    %shift_right_logical3A_1168 = arith.shrui %squeeze3A_1164, %shift_right_logical3A_1167 : i32
    %and3A_1169 = arith.constant 1023 : i32
    %and3A_1170 = arith.andi %shift_right_logical3A_1168, %and3A_1169 : i32
    %and3A_1171 = arith.constant 1023 : i32
    %and3A_1172 = arith.andi %squeeze3A_1164, %and3A_1171 : i32
    %ge3A_1173 = arith.constant 1 : i32
    %ge3A_1174 = arith.cmpi sge, %shift_right_logical3A_1166, %ge3A_1173 : i32
    %ge3A_1175 = arith.constant 1 : i32
    %ge3A_1176 = arith.cmpi sge, %and3A_1170, %ge3A_1175 : i32
    %jit3A_1177 = arith.constant 0.000000e+00 : f32
    %jit3A_1178 = arith.constant -1.000000e+00 : f32
    %select_n3A_1179 = arith.select %ge3A_1176, %jit3A_1177, %jit3A_1178 : f32
    %jit3A_1180 = arith.constant 1.000000e+00 : f32
    %select_n3A_1181 = arith.select %ge3A_1174, %jit3A_1180, %select_n3A_1179 : f32
    %ge3A_1182 = arith.constant 2 : i32
    %ge3A_1183 = arith.cmpi sge, %shift_right_logical3A_1166, %ge3A_1182 : i32
    %add3A_1184 = arith.addi %shift_right_logical3A_1166, %and3A_1170 : i32
    %ge3A_1185 = arith.constant 2 : i32
    %ge3A_1186 = arith.cmpi sge, %add3A_1184, %ge3A_1185 : i32
    %jit3A_1187 = arith.constant 0.000000e+00 : f32
    %jit3A_1188 = arith.constant -1.000000e+00 : f32
    %select_n3A_1189 = arith.select %ge3A_1186, %jit3A_1187, %jit3A_1188 : f32
    %jit3A_1190 = arith.constant 1.000000e+00 : f32
    %select_n3A_1191 = arith.select %ge3A_1183, %jit3A_1190, %select_n3A_1189 : f32
    %gt3A_1192 = arith.constant 0.000000e+00 : f32
    %gt3A_1193 = arith.cmpf ogt, %squeeze3A_1123, %gt3A_1192 : f32
    %lt3A_1194 = arith.constant 0.000000e+00 : f32
    %lt3A_1195 = arith.cmpf olt, %squeeze3A_1123, %lt3A_1194 : f32
    %jit3A_1196 = arith.constant -1.000000e+00 : f32
    %jit3A_1197 = arith.constant 0.000000e+00 : f32
    %select_n3A_1198 = arith.select %lt3A_1195, %jit3A_1196, %jit3A_1197 : f32
    %jit3A_1199 = arith.constant 1.000000e+00 : f32
    %select_n3A_1200 = arith.select %gt3A_1193, %jit3A_1199, %select_n3A_1198 : f32
    %add3A_1201 = arith.addf %select_n3A_1181, %select_n3A_1191 : f32
    %le3A_1202 = arith.constant 1 : i32
    %le3A_1203 = arith.cmpi sle, %and3A_1172, %le3A_1202 : i32
    %jit3A_1204 = arith.constant 0.000000e+00 : f32
    %select_n3A_1205 = arith.select %le3A_1203, %select_n3A_1200, %jit3A_1204 : f32
    %sub3A_1206 = arith.subf %add3A_1201, %select_n3A_1205 : f32
    %add3A_1207 = arith.addf %add3A_1114, %sub3A_1206 : f32
    %add3A_1208 = arith.constant 13 : i32
    %add3A_1209 = arith.addi %mul3A_2, %add3A_1208 : i32
    %add3A_1210 = arith.constant 6656 : i32
    %add3A_1211 = arith.addi %add3A_1210, %mul3A_2 : i32
    %get3A_1212 = arith.index_cast %add3A_1211 : i32 to index
    %get3A_1213 = tpu.vector_load %arg4[%get3A_1212] {strides = array<i32>} : memref<8192xf32, #tpu.memory_space<vmem>>, vector<16xf32>,
    %get3A_1214 = vector.shape_cast %get3A_1213 : vector<16xf32> to vector<16xf32>
    %slice3A_1215 = vector.extract_strided_slice %get3A_1214 {offsets = [13], sizes = [1], strides = [1]} : vector<16xf32> to vector<1xf32>
    %squeeze3A_1216 = vector.extract %slice3A_1215[0] : f32 from vector<1xf32>
    %broadcast_in_dim3A_1217 = vector.broadcast %squeeze3A_1216 : f32 to vector<16xf32>
    %scan3A_1218 = arith.constant 0 : i32
    %scan3A_1219 = arith.constant 32 : i32
    %scan3A_1220 = arith.addi %scan3A_1218, %scan3A_1219 : i32
    %scan3A_1221 = arith.constant 1 : i32
    %scan3A_1222 = scf.for %scan3A_1499 = %scan3A_1218 to %scan3A_1220 step %scan3A_1221 iter_args(%scan3A_1500 = %broadcast_in_dim3A_7) -> (vector<16xi32>)  : i32 {
      %mul3A_1501 = arith.constant 16 : i32
      %mul3A_1502 = arith.muli %scan3A_1499, %mul3A_1501 : i32
      %add3A_1503 = arith.constant 6656 : i32
      %add3A_1504 = arith.addi %add3A_1503, %mul3A_1502 : i32
      %get3A_1505 = arith.index_cast %add3A_1504 : i32 to index
      %get3A_1506 = tpu.vector_load %arg4[%get3A_1505] {strides = array<i32>} : memref<8192xf32, #tpu.memory_space<vmem>>, vector<16xf32>,
      %get3A_1507 = vector.shape_cast %get3A_1506 : vector<16xf32> to vector<16xf32>
      %mul3A_1508 = arith.constant 16 : i32
      %mul3A_1509 = arith.muli %scan3A_1499, %mul3A_1508 : i32
      %add3A_1510 = vector.broadcast %mul3A_1509 : i32 to vector<16xi32>
      %add3A_1511 = arith.addi %iota3A, %add3A_1510 : vector<16xi32>
      %gt3A_1512 = arith.cmpf ogt, %get3A_1507, %broadcast_in_dim3A_1217 : vector<16xf32>
      %eq3A_1513 = arith.cmpf oeq, %get3A_1507, %broadcast_in_dim3A_1217 : vector<16xf32>
      %lt3A_1514 = vector.broadcast %add3A_1209 : i32 to vector<16xi32>
      %lt3A_1515 = arith.cmpi slt, %add3A_1511, %lt3A_1514 : vector<16xi32>
      %and3A_1516 = arith.andi %eq3A_1513, %lt3A_1515 : vector<16xi1>
      %or3A = arith.ori %gt3A_1512, %and3A_1516 : vector<16xi1>
      %gt3A_1517 = arith.constant 0.000000e+00 : f32
      %gt3A_1518 = vector.broadcast %gt3A_1517 : f32 to vector<16xf32>
      %gt3A_1519 = arith.cmpf ogt, %get3A_1507, %gt3A_1518 : vector<16xf32>
      %jit3A_1520 = arith.constant 1048576 : i32
      %jit3A_1521 = arith.constant 0 : i32
      %broadcast_in_dim3A_1522 = vector.broadcast %jit3A_1520 : i32 to vector<16xi32>
      %broadcast_in_dim3A_1523 = vector.broadcast %jit3A_1521 : i32 to vector<16xi32>
      %select_n3A_1524 = arith.select %gt3A_1519, %broadcast_in_dim3A_1522, %broadcast_in_dim3A_1523 : vector<16xi1>, vector<16xi32>
      %add3A_1525 = arith.addi %scan3A_1500, %select_n3A_1524 : vector<16xi32>
      %eq3A_1526 = arith.constant 0.000000e+00 : f32
      %eq3A_1527 = vector.broadcast %eq3A_1526 : f32 to vector<16xf32>
      %eq3A_1528 = arith.cmpf oeq, %get3A_1507, %eq3A_1527 : vector<16xf32>
      %jit3A_1529 = arith.constant 1024 : i32
      %jit3A_1530 = arith.constant 0 : i32
      %broadcast_in_dim3A_1531 = vector.broadcast %jit3A_1529 : i32 to vector<16xi32>
      %broadcast_in_dim3A_1532 = vector.broadcast %jit3A_1530 : i32 to vector<16xi32>
      %select_n3A_1533 = arith.select %eq3A_1528, %broadcast_in_dim3A_1531, %broadcast_in_dim3A_1532 : vector<16xi1>, vector<16xi32>
      %add3A_1534 = arith.addi %add3A_1525, %select_n3A_1533 : vector<16xi32>
      %jit3A_1535 = arith.constant 1 : i32
      %jit3A_1536 = arith.constant 0 : i32
      %broadcast_in_dim3A_1537 = vector.broadcast %jit3A_1535 : i32 to vector<16xi32>
      %broadcast_in_dim3A_1538 = vector.broadcast %jit3A_1536 : i32 to vector<16xi32>
      %select_n3A_1539 = arith.select %or3A, %broadcast_in_dim3A_1537, %broadcast_in_dim3A_1538 : vector<16xi1>, vector<16xi32>
      %add3A_1540 = arith.addi %add3A_1534, %select_n3A_1539 : vector<16xi32>
      scf.yield %add3A_1540 : vector<16xi32>
    }
    %scan3A_1223 = arith.constant 32 : i32
    %swap3A_1224 = arith.constant 0 : index
    %swap3A_1225 = tpu.vector_load %arg5[%swap3A_1224] {strides = array<i32>} : memref<32xi32, #tpu.memory_space<vmem>>, vector<16xi32>,
    %swap3A_1226 = vector.shape_cast %swap3A_1225 : vector<16xi32> to vector<16xi32>
    %swap3A_1227 = vector.shape_cast %scan3A_1222 : vector<16xi32> to vector<16xi32>
    tpu.vector_store %arg5[%swap3A_1224], %swap3A_1227 {strides = array<i32>} : memref<32xi32, #tpu.memory_space<vmem>>, vector<16xi32>,
    %get3A_1228 = arith.constant 8 : index
    %get3A_1229 = tpu.vector_load %arg5[%get3A_1228] {strides = array<i32>} : memref<32xi32, #tpu.memory_space<vmem>>, vector<16xi32>,
    %get3A_1230 = vector.shape_cast %get3A_1229 : vector<16xi32> to vector<16xi32>
    %add3A_1231 = arith.addi %scan3A_1222, %get3A_1230 : vector<16xi32>
    %swap3A_1232 = arith.constant 0 : index
    %swap3A_1233 = tpu.vector_load %arg5[%swap3A_1232] {strides = array<i32>} : memref<32xi32, #tpu.memory_space<vmem>>, vector<16xi32>,
    %swap3A_1234 = vector.shape_cast %swap3A_1233 : vector<16xi32> to vector<16xi32>
    %swap3A_1235 = vector.shape_cast %add3A_1231 : vector<16xi32> to vector<16xi32>
    tpu.vector_store %arg5[%swap3A_1232], %swap3A_1235 {strides = array<i32>} : memref<32xi32, #tpu.memory_space<vmem>>, vector<16xi32>,
    %get3A_1236 = arith.constant 4 : index
    %get3A_1237 = tpu.vector_load %arg5[%get3A_1236] {strides = array<i32>} : memref<32xi32, #tpu.memory_space<vmem>>, vector<16xi32>,
    %get3A_1238 = vector.shape_cast %get3A_1237 : vector<16xi32> to vector<16xi32>
    %add3A_1239 = arith.addi %add3A_1231, %get3A_1238 : vector<16xi32>
    %swap3A_1240 = arith.constant 0 : index
    %swap3A_1241 = tpu.vector_load %arg5[%swap3A_1240] {strides = array<i32>} : memref<32xi32, #tpu.memory_space<vmem>>, vector<16xi32>,
    %swap3A_1242 = vector.shape_cast %swap3A_1241 : vector<16xi32> to vector<16xi32>
    %swap3A_1243 = vector.shape_cast %add3A_1239 : vector<16xi32> to vector<16xi32>
    tpu.vector_store %arg5[%swap3A_1240], %swap3A_1243 {strides = array<i32>} : memref<32xi32, #tpu.memory_space<vmem>>, vector<16xi32>,
    %get3A_1244 = arith.constant 2 : index
    %get3A_1245 = tpu.vector_load %arg5[%get3A_1244] {strides = array<i32>} : memref<32xi32, #tpu.memory_space<vmem>>, vector<16xi32>,
    %get3A_1246 = vector.shape_cast %get3A_1245 : vector<16xi32> to vector<16xi32>
    %add3A_1247 = arith.addi %add3A_1239, %get3A_1246 : vector<16xi32>
    %swap3A_1248 = arith.constant 0 : index
    %swap3A_1249 = tpu.vector_load %arg5[%swap3A_1248] {strides = array<i32>} : memref<32xi32, #tpu.memory_space<vmem>>, vector<16xi32>,
    %swap3A_1250 = vector.shape_cast %swap3A_1249 : vector<16xi32> to vector<16xi32>
    %swap3A_1251 = vector.shape_cast %add3A_1247 : vector<16xi32> to vector<16xi32>
    tpu.vector_store %arg5[%swap3A_1248], %swap3A_1251 {strides = array<i32>} : memref<32xi32, #tpu.memory_space<vmem>>, vector<16xi32>,
    %get3A_1252 = arith.constant 1 : index
    %get3A_1253 = tpu.vector_load %arg5[%get3A_1252] {strides = array<i32>} : memref<32xi32, #tpu.memory_space<vmem>>, vector<16xi32>,
    %get3A_1254 = vector.shape_cast %get3A_1253 : vector<16xi32> to vector<16xi32>
    %add3A_1255 = arith.addi %add3A_1247, %get3A_1254 : vector<16xi32>
    %slice3A_1256 = vector.extract_strided_slice %add3A_1255 {offsets = [0], sizes = [1], strides = [1]} : vector<16xi32> to vector<1xi32>
    %squeeze3A_1257 = vector.extract %slice3A_1256[0] : i32 from vector<1xi32>
    %shift_right_logical3A_1258 = arith.constant 20 : i32
    %shift_right_logical3A_1259 = arith.shrui %squeeze3A_1257, %shift_right_logical3A_1258 : i32
    %shift_right_logical3A_1260 = arith.constant 10 : i32
    %shift_right_logical3A_1261 = arith.shrui %squeeze3A_1257, %shift_right_logical3A_1260 : i32
    %and3A_1262 = arith.constant 1023 : i32
    %and3A_1263 = arith.andi %shift_right_logical3A_1261, %and3A_1262 : i32
    %and3A_1264 = arith.constant 1023 : i32
    %and3A_1265 = arith.andi %squeeze3A_1257, %and3A_1264 : i32
    %ge3A_1266 = arith.constant 1 : i32
    %ge3A_1267 = arith.cmpi sge, %shift_right_logical3A_1259, %ge3A_1266 : i32
    %ge3A_1268 = arith.constant 1 : i32
    %ge3A_1269 = arith.cmpi sge, %and3A_1263, %ge3A_1268 : i32
    %jit3A_1270 = arith.constant 0.000000e+00 : f32
    %jit3A_1271 = arith.constant -1.000000e+00 : f32
    %select_n3A_1272 = arith.select %ge3A_1269, %jit3A_1270, %jit3A_1271 : f32
    %jit3A_1273 = arith.constant 1.000000e+00 : f32
    %select_n3A_1274 = arith.select %ge3A_1267, %jit3A_1273, %select_n3A_1272 : f32
    %ge3A_1275 = arith.constant 2 : i32
    %ge3A_1276 = arith.cmpi sge, %shift_right_logical3A_1259, %ge3A_1275 : i32
    %add3A_1277 = arith.addi %shift_right_logical3A_1259, %and3A_1263 : i32
    %ge3A_1278 = arith.constant 2 : i32
    %ge3A_1279 = arith.cmpi sge, %add3A_1277, %ge3A_1278 : i32
    %jit3A_1280 = arith.constant 0.000000e+00 : f32
    %jit3A_1281 = arith.constant -1.000000e+00 : f32
    %select_n3A_1282 = arith.select %ge3A_1279, %jit3A_1280, %jit3A_1281 : f32
    %jit3A_1283 = arith.constant 1.000000e+00 : f32
    %select_n3A_1284 = arith.select %ge3A_1276, %jit3A_1283, %select_n3A_1282 : f32
    %gt3A_1285 = arith.constant 0.000000e+00 : f32
    %gt3A_1286 = arith.cmpf ogt, %squeeze3A_1216, %gt3A_1285 : f32
    %lt3A_1287 = arith.constant 0.000000e+00 : f32
    %lt3A_1288 = arith.cmpf olt, %squeeze3A_1216, %lt3A_1287 : f32
    %jit3A_1289 = arith.constant -1.000000e+00 : f32
    %jit3A_1290 = arith.constant 0.000000e+00 : f32
    %select_n3A_1291 = arith.select %lt3A_1288, %jit3A_1289, %jit3A_1290 : f32
    %jit3A_1292 = arith.constant 1.000000e+00 : f32
    %select_n3A_1293 = arith.select %gt3A_1286, %jit3A_1292, %select_n3A_1291 : f32
    %add3A_1294 = arith.addf %select_n3A_1274, %select_n3A_1284 : f32
    %le3A_1295 = arith.constant 1 : i32
    %le3A_1296 = arith.cmpi sle, %and3A_1265, %le3A_1295 : i32
    %jit3A_1297 = arith.constant 0.000000e+00 : f32
    %select_n3A_1298 = arith.select %le3A_1296, %select_n3A_1293, %jit3A_1297 : f32
    %sub3A_1299 = arith.subf %add3A_1294, %select_n3A_1298 : f32
    %add3A_1300 = arith.addf %add3A_1207, %sub3A_1299 : f32
    %add3A_1301 = arith.constant 14 : i32
    %add3A_1302 = arith.addi %mul3A_2, %add3A_1301 : i32
    %add3A_1303 = arith.constant 7168 : i32
    %add3A_1304 = arith.addi %add3A_1303, %mul3A_2 : i32
    %get3A_1305 = arith.index_cast %add3A_1304 : i32 to index
    %get3A_1306 = tpu.vector_load %arg4[%get3A_1305] {strides = array<i32>} : memref<8192xf32, #tpu.memory_space<vmem>>, vector<16xf32>,
    %get3A_1307 = vector.shape_cast %get3A_1306 : vector<16xf32> to vector<16xf32>
    %slice3A_1308 = vector.extract_strided_slice %get3A_1307 {offsets = [14], sizes = [1], strides = [1]} : vector<16xf32> to vector<1xf32>
    %squeeze3A_1309 = vector.extract %slice3A_1308[0] : f32 from vector<1xf32>
    %broadcast_in_dim3A_1310 = vector.broadcast %squeeze3A_1309 : f32 to vector<16xf32>
    %scan3A_1311 = arith.constant 0 : i32
    %scan3A_1312 = arith.constant 32 : i32
    %scan3A_1313 = arith.addi %scan3A_1311, %scan3A_1312 : i32
    %scan3A_1314 = arith.constant 1 : i32
    %scan3A_1315 = scf.for %scan3A_1499 = %scan3A_1311 to %scan3A_1313 step %scan3A_1314 iter_args(%scan3A_1500 = %broadcast_in_dim3A_7) -> (vector<16xi32>)  : i32 {
      %mul3A_1501 = arith.constant 16 : i32
      %mul3A_1502 = arith.muli %scan3A_1499, %mul3A_1501 : i32
      %add3A_1503 = arith.constant 7168 : i32
      %add3A_1504 = arith.addi %add3A_1503, %mul3A_1502 : i32
      %get3A_1505 = arith.index_cast %add3A_1504 : i32 to index
      %get3A_1506 = tpu.vector_load %arg4[%get3A_1505] {strides = array<i32>} : memref<8192xf32, #tpu.memory_space<vmem>>, vector<16xf32>,
      %get3A_1507 = vector.shape_cast %get3A_1506 : vector<16xf32> to vector<16xf32>
      %mul3A_1508 = arith.constant 16 : i32
      %mul3A_1509 = arith.muli %scan3A_1499, %mul3A_1508 : i32
      %add3A_1510 = vector.broadcast %mul3A_1509 : i32 to vector<16xi32>
      %add3A_1511 = arith.addi %iota3A, %add3A_1510 : vector<16xi32>
      %gt3A_1512 = arith.cmpf ogt, %get3A_1507, %broadcast_in_dim3A_1310 : vector<16xf32>
      %eq3A_1513 = arith.cmpf oeq, %get3A_1507, %broadcast_in_dim3A_1310 : vector<16xf32>
      %lt3A_1514 = vector.broadcast %add3A_1302 : i32 to vector<16xi32>
      %lt3A_1515 = arith.cmpi slt, %add3A_1511, %lt3A_1514 : vector<16xi32>
      %and3A_1516 = arith.andi %eq3A_1513, %lt3A_1515 : vector<16xi1>
      %or3A = arith.ori %gt3A_1512, %and3A_1516 : vector<16xi1>
      %gt3A_1517 = arith.constant 0.000000e+00 : f32
      %gt3A_1518 = vector.broadcast %gt3A_1517 : f32 to vector<16xf32>
      %gt3A_1519 = arith.cmpf ogt, %get3A_1507, %gt3A_1518 : vector<16xf32>
      %jit3A_1520 = arith.constant 1048576 : i32
      %jit3A_1521 = arith.constant 0 : i32
      %broadcast_in_dim3A_1522 = vector.broadcast %jit3A_1520 : i32 to vector<16xi32>
      %broadcast_in_dim3A_1523 = vector.broadcast %jit3A_1521 : i32 to vector<16xi32>
      %select_n3A_1524 = arith.select %gt3A_1519, %broadcast_in_dim3A_1522, %broadcast_in_dim3A_1523 : vector<16xi1>, vector<16xi32>
      %add3A_1525 = arith.addi %scan3A_1500, %select_n3A_1524 : vector<16xi32>
      %eq3A_1526 = arith.constant 0.000000e+00 : f32
      %eq3A_1527 = vector.broadcast %eq3A_1526 : f32 to vector<16xf32>
      %eq3A_1528 = arith.cmpf oeq, %get3A_1507, %eq3A_1527 : vector<16xf32>
      %jit3A_1529 = arith.constant 1024 : i32
      %jit3A_1530 = arith.constant 0 : i32
      %broadcast_in_dim3A_1531 = vector.broadcast %jit3A_1529 : i32 to vector<16xi32>
      %broadcast_in_dim3A_1532 = vector.broadcast %jit3A_1530 : i32 to vector<16xi32>
      %select_n3A_1533 = arith.select %eq3A_1528, %broadcast_in_dim3A_1531, %broadcast_in_dim3A_1532 : vector<16xi1>, vector<16xi32>
      %add3A_1534 = arith.addi %add3A_1525, %select_n3A_1533 : vector<16xi32>
      %jit3A_1535 = arith.constant 1 : i32
      %jit3A_1536 = arith.constant 0 : i32
      %broadcast_in_dim3A_1537 = vector.broadcast %jit3A_1535 : i32 to vector<16xi32>
      %broadcast_in_dim3A_1538 = vector.broadcast %jit3A_1536 : i32 to vector<16xi32>
      %select_n3A_1539 = arith.select %or3A, %broadcast_in_dim3A_1537, %broadcast_in_dim3A_1538 : vector<16xi1>, vector<16xi32>
      %add3A_1540 = arith.addi %add3A_1534, %select_n3A_1539 : vector<16xi32>
      scf.yield %add3A_1540 : vector<16xi32>
    }
    %scan3A_1316 = arith.constant 32 : i32
    %swap3A_1317 = arith.constant 0 : index
    %swap3A_1318 = tpu.vector_load %arg5[%swap3A_1317] {strides = array<i32>} : memref<32xi32, #tpu.memory_space<vmem>>, vector<16xi32>,
    %swap3A_1319 = vector.shape_cast %swap3A_1318 : vector<16xi32> to vector<16xi32>
    %swap3A_1320 = vector.shape_cast %scan3A_1315 : vector<16xi32> to vector<16xi32>
    tpu.vector_store %arg5[%swap3A_1317], %swap3A_1320 {strides = array<i32>} : memref<32xi32, #tpu.memory_space<vmem>>, vector<16xi32>,
    %get3A_1321 = arith.constant 8 : index
    %get3A_1322 = tpu.vector_load %arg5[%get3A_1321] {strides = array<i32>} : memref<32xi32, #tpu.memory_space<vmem>>, vector<16xi32>,
    %get3A_1323 = vector.shape_cast %get3A_1322 : vector<16xi32> to vector<16xi32>
    %add3A_1324 = arith.addi %scan3A_1315, %get3A_1323 : vector<16xi32>
    %swap3A_1325 = arith.constant 0 : index
    %swap3A_1326 = tpu.vector_load %arg5[%swap3A_1325] {strides = array<i32>} : memref<32xi32, #tpu.memory_space<vmem>>, vector<16xi32>,
    %swap3A_1327 = vector.shape_cast %swap3A_1326 : vector<16xi32> to vector<16xi32>
    %swap3A_1328 = vector.shape_cast %add3A_1324 : vector<16xi32> to vector<16xi32>
    tpu.vector_store %arg5[%swap3A_1325], %swap3A_1328 {strides = array<i32>} : memref<32xi32, #tpu.memory_space<vmem>>, vector<16xi32>,
    %get3A_1329 = arith.constant 4 : index
    %get3A_1330 = tpu.vector_load %arg5[%get3A_1329] {strides = array<i32>} : memref<32xi32, #tpu.memory_space<vmem>>, vector<16xi32>,
    %get3A_1331 = vector.shape_cast %get3A_1330 : vector<16xi32> to vector<16xi32>
    %add3A_1332 = arith.addi %add3A_1324, %get3A_1331 : vector<16xi32>
    %swap3A_1333 = arith.constant 0 : index
    %swap3A_1334 = tpu.vector_load %arg5[%swap3A_1333] {strides = array<i32>} : memref<32xi32, #tpu.memory_space<vmem>>, vector<16xi32>,
    %swap3A_1335 = vector.shape_cast %swap3A_1334 : vector<16xi32> to vector<16xi32>
    %swap3A_1336 = vector.shape_cast %add3A_1332 : vector<16xi32> to vector<16xi32>
    tpu.vector_store %arg5[%swap3A_1333], %swap3A_1336 {strides = array<i32>} : memref<32xi32, #tpu.memory_space<vmem>>, vector<16xi32>,
    %get3A_1337 = arith.constant 2 : index
    %get3A_1338 = tpu.vector_load %arg5[%get3A_1337] {strides = array<i32>} : memref<32xi32, #tpu.memory_space<vmem>>, vector<16xi32>,
    %get3A_1339 = vector.shape_cast %get3A_1338 : vector<16xi32> to vector<16xi32>
    %add3A_1340 = arith.addi %add3A_1332, %get3A_1339 : vector<16xi32>
    %swap3A_1341 = arith.constant 0 : index
    %swap3A_1342 = tpu.vector_load %arg5[%swap3A_1341] {strides = array<i32>} : memref<32xi32, #tpu.memory_space<vmem>>, vector<16xi32>,
    %swap3A_1343 = vector.shape_cast %swap3A_1342 : vector<16xi32> to vector<16xi32>
    %swap3A_1344 = vector.shape_cast %add3A_1340 : vector<16xi32> to vector<16xi32>
    tpu.vector_store %arg5[%swap3A_1341], %swap3A_1344 {strides = array<i32>} : memref<32xi32, #tpu.memory_space<vmem>>, vector<16xi32>,
    %get3A_1345 = arith.constant 1 : index
    %get3A_1346 = tpu.vector_load %arg5[%get3A_1345] {strides = array<i32>} : memref<32xi32, #tpu.memory_space<vmem>>, vector<16xi32>,
    %get3A_1347 = vector.shape_cast %get3A_1346 : vector<16xi32> to vector<16xi32>
    %add3A_1348 = arith.addi %add3A_1340, %get3A_1347 : vector<16xi32>
    %slice3A_1349 = vector.extract_strided_slice %add3A_1348 {offsets = [0], sizes = [1], strides = [1]} : vector<16xi32> to vector<1xi32>
    %squeeze3A_1350 = vector.extract %slice3A_1349[0] : i32 from vector<1xi32>
    %shift_right_logical3A_1351 = arith.constant 20 : i32
    %shift_right_logical3A_1352 = arith.shrui %squeeze3A_1350, %shift_right_logical3A_1351 : i32
    %shift_right_logical3A_1353 = arith.constant 10 : i32
    %shift_right_logical3A_1354 = arith.shrui %squeeze3A_1350, %shift_right_logical3A_1353 : i32
    %and3A_1355 = arith.constant 1023 : i32
    %and3A_1356 = arith.andi %shift_right_logical3A_1354, %and3A_1355 : i32
    %and3A_1357 = arith.constant 1023 : i32
    %and3A_1358 = arith.andi %squeeze3A_1350, %and3A_1357 : i32
    %ge3A_1359 = arith.constant 1 : i32
    %ge3A_1360 = arith.cmpi sge, %shift_right_logical3A_1352, %ge3A_1359 : i32
    %ge3A_1361 = arith.constant 1 : i32
    %ge3A_1362 = arith.cmpi sge, %and3A_1356, %ge3A_1361 : i32
    %jit3A_1363 = arith.constant 0.000000e+00 : f32
    %jit3A_1364 = arith.constant -1.000000e+00 : f32
    %select_n3A_1365 = arith.select %ge3A_1362, %jit3A_1363, %jit3A_1364 : f32
    %jit3A_1366 = arith.constant 1.000000e+00 : f32
    %select_n3A_1367 = arith.select %ge3A_1360, %jit3A_1366, %select_n3A_1365 : f32
    %ge3A_1368 = arith.constant 2 : i32
    %ge3A_1369 = arith.cmpi sge, %shift_right_logical3A_1352, %ge3A_1368 : i32
    %add3A_1370 = arith.addi %shift_right_logical3A_1352, %and3A_1356 : i32
    %ge3A_1371 = arith.constant 2 : i32
    %ge3A_1372 = arith.cmpi sge, %add3A_1370, %ge3A_1371 : i32
    %jit3A_1373 = arith.constant 0.000000e+00 : f32
    %jit3A_1374 = arith.constant -1.000000e+00 : f32
    %select_n3A_1375 = arith.select %ge3A_1372, %jit3A_1373, %jit3A_1374 : f32
    %jit3A_1376 = arith.constant 1.000000e+00 : f32
    %select_n3A_1377 = arith.select %ge3A_1369, %jit3A_1376, %select_n3A_1375 : f32
    %gt3A_1378 = arith.constant 0.000000e+00 : f32
    %gt3A_1379 = arith.cmpf ogt, %squeeze3A_1309, %gt3A_1378 : f32
    %lt3A_1380 = arith.constant 0.000000e+00 : f32
    %lt3A_1381 = arith.cmpf olt, %squeeze3A_1309, %lt3A_1380 : f32
    %jit3A_1382 = arith.constant -1.000000e+00 : f32
    %jit3A_1383 = arith.constant 0.000000e+00 : f32
    %select_n3A_1384 = arith.select %lt3A_1381, %jit3A_1382, %jit3A_1383 : f32
    %jit3A_1385 = arith.constant 1.000000e+00 : f32
    %select_n3A_1386 = arith.select %gt3A_1379, %jit3A_1385, %select_n3A_1384 : f32
    %add3A_1387 = arith.addf %select_n3A_1367, %select_n3A_1377 : f32
    %le3A_1388 = arith.constant 1 : i32
    %le3A_1389 = arith.cmpi sle, %and3A_1358, %le3A_1388 : i32
    %jit3A_1390 = arith.constant 0.000000e+00 : f32
    %select_n3A_1391 = arith.select %le3A_1389, %select_n3A_1386, %jit3A_1390 : f32
    %sub3A_1392 = arith.subf %add3A_1387, %select_n3A_1391 : f32
    %add3A_1393 = arith.addf %add3A_1300, %sub3A_1392 : f32
    %add3A_1394 = arith.constant 15 : i32
    %add3A_1395 = arith.addi %mul3A_2, %add3A_1394 : i32
    %add3A_1396 = arith.constant 7680 : i32
    %add3A_1397 = arith.addi %add3A_1396, %mul3A_2 : i32
    %get3A_1398 = arith.index_cast %add3A_1397 : i32 to index
    %get3A_1399 = tpu.vector_load %arg4[%get3A_1398] {strides = array<i32>} : memref<8192xf32, #tpu.memory_space<vmem>>, vector<16xf32>,
    %get3A_1400 = vector.shape_cast %get3A_1399 : vector<16xf32> to vector<16xf32>
    %slice3A_1401 = vector.extract_strided_slice %get3A_1400 {offsets = [15], sizes = [1], strides = [1]} : vector<16xf32> to vector<1xf32>
    %squeeze3A_1402 = vector.extract %slice3A_1401[0] : f32 from vector<1xf32>
    %broadcast_in_dim3A_1403 = vector.broadcast %squeeze3A_1402 : f32 to vector<16xf32>
    %scan3A_1404 = arith.constant 0 : i32
    %scan3A_1405 = arith.constant 32 : i32
    %scan3A_1406 = arith.addi %scan3A_1404, %scan3A_1405 : i32
    %scan3A_1407 = arith.constant 1 : i32
    %scan3A_1408 = scf.for %scan3A_1499 = %scan3A_1404 to %scan3A_1406 step %scan3A_1407 iter_args(%scan3A_1500 = %broadcast_in_dim3A_7) -> (vector<16xi32>)  : i32 {
      %mul3A_1501 = arith.constant 16 : i32
      %mul3A_1502 = arith.muli %scan3A_1499, %mul3A_1501 : i32
      %add3A_1503 = arith.constant 7680 : i32
      %add3A_1504 = arith.addi %add3A_1503, %mul3A_1502 : i32
      %get3A_1505 = arith.index_cast %add3A_1504 : i32 to index
      %get3A_1506 = tpu.vector_load %arg4[%get3A_1505] {strides = array<i32>} : memref<8192xf32, #tpu.memory_space<vmem>>, vector<16xf32>,
      %get3A_1507 = vector.shape_cast %get3A_1506 : vector<16xf32> to vector<16xf32>
      %mul3A_1508 = arith.constant 16 : i32
      %mul3A_1509 = arith.muli %scan3A_1499, %mul3A_1508 : i32
      %add3A_1510 = vector.broadcast %mul3A_1509 : i32 to vector<16xi32>
      %add3A_1511 = arith.addi %iota3A, %add3A_1510 : vector<16xi32>
      %gt3A_1512 = arith.cmpf ogt, %get3A_1507, %broadcast_in_dim3A_1403 : vector<16xf32>
      %eq3A_1513 = arith.cmpf oeq, %get3A_1507, %broadcast_in_dim3A_1403 : vector<16xf32>
      %lt3A_1514 = vector.broadcast %add3A_1395 : i32 to vector<16xi32>
      %lt3A_1515 = arith.cmpi slt, %add3A_1511, %lt3A_1514 : vector<16xi32>
      %and3A_1516 = arith.andi %eq3A_1513, %lt3A_1515 : vector<16xi1>
      %or3A = arith.ori %gt3A_1512, %and3A_1516 : vector<16xi1>
      %gt3A_1517 = arith.constant 0.000000e+00 : f32
      %gt3A_1518 = vector.broadcast %gt3A_1517 : f32 to vector<16xf32>
      %gt3A_1519 = arith.cmpf ogt, %get3A_1507, %gt3A_1518 : vector<16xf32>
      %jit3A_1520 = arith.constant 1048576 : i32
      %jit3A_1521 = arith.constant 0 : i32
      %broadcast_in_dim3A_1522 = vector.broadcast %jit3A_1520 : i32 to vector<16xi32>
      %broadcast_in_dim3A_1523 = vector.broadcast %jit3A_1521 : i32 to vector<16xi32>
      %select_n3A_1524 = arith.select %gt3A_1519, %broadcast_in_dim3A_1522, %broadcast_in_dim3A_1523 : vector<16xi1>, vector<16xi32>
      %add3A_1525 = arith.addi %scan3A_1500, %select_n3A_1524 : vector<16xi32>
      %eq3A_1526 = arith.constant 0.000000e+00 : f32
      %eq3A_1527 = vector.broadcast %eq3A_1526 : f32 to vector<16xf32>
      %eq3A_1528 = arith.cmpf oeq, %get3A_1507, %eq3A_1527 : vector<16xf32>
      %jit3A_1529 = arith.constant 1024 : i32
      %jit3A_1530 = arith.constant 0 : i32
      %broadcast_in_dim3A_1531 = vector.broadcast %jit3A_1529 : i32 to vector<16xi32>
      %broadcast_in_dim3A_1532 = vector.broadcast %jit3A_1530 : i32 to vector<16xi32>
      %select_n3A_1533 = arith.select %eq3A_1528, %broadcast_in_dim3A_1531, %broadcast_in_dim3A_1532 : vector<16xi1>, vector<16xi32>
      %add3A_1534 = arith.addi %add3A_1525, %select_n3A_1533 : vector<16xi32>
      %jit3A_1535 = arith.constant 1 : i32
      %jit3A_1536 = arith.constant 0 : i32
      %broadcast_in_dim3A_1537 = vector.broadcast %jit3A_1535 : i32 to vector<16xi32>
      %broadcast_in_dim3A_1538 = vector.broadcast %jit3A_1536 : i32 to vector<16xi32>
      %select_n3A_1539 = arith.select %or3A, %broadcast_in_dim3A_1537, %broadcast_in_dim3A_1538 : vector<16xi1>, vector<16xi32>
      %add3A_1540 = arith.addi %add3A_1534, %select_n3A_1539 : vector<16xi32>
      scf.yield %add3A_1540 : vector<16xi32>
    }
    %scan3A_1409 = arith.constant 32 : i32
    %swap3A_1410 = arith.constant 0 : index
    %swap3A_1411 = tpu.vector_load %arg5[%swap3A_1410] {strides = array<i32>} : memref<32xi32, #tpu.memory_space<vmem>>, vector<16xi32>,
    %swap3A_1412 = vector.shape_cast %swap3A_1411 : vector<16xi32> to vector<16xi32>
    %swap3A_1413 = vector.shape_cast %scan3A_1408 : vector<16xi32> to vector<16xi32>
    tpu.vector_store %arg5[%swap3A_1410], %swap3A_1413 {strides = array<i32>} : memref<32xi32, #tpu.memory_space<vmem>>, vector<16xi32>,
    %get3A_1414 = arith.constant 8 : index
    %get3A_1415 = tpu.vector_load %arg5[%get3A_1414] {strides = array<i32>} : memref<32xi32, #tpu.memory_space<vmem>>, vector<16xi32>,
    %get3A_1416 = vector.shape_cast %get3A_1415 : vector<16xi32> to vector<16xi32>
    %add3A_1417 = arith.addi %scan3A_1408, %get3A_1416 : vector<16xi32>
    %swap3A_1418 = arith.constant 0 : index
    %swap3A_1419 = tpu.vector_load %arg5[%swap3A_1418] {strides = array<i32>} : memref<32xi32, #tpu.memory_space<vmem>>, vector<16xi32>,
    %swap3A_1420 = vector.shape_cast %swap3A_1419 : vector<16xi32> to vector<16xi32>
    %swap3A_1421 = vector.shape_cast %add3A_1417 : vector<16xi32> to vector<16xi32>
    tpu.vector_store %arg5[%swap3A_1418], %swap3A_1421 {strides = array<i32>} : memref<32xi32, #tpu.memory_space<vmem>>, vector<16xi32>,
    %get3A_1422 = arith.constant 4 : index
    %get3A_1423 = tpu.vector_load %arg5[%get3A_1422] {strides = array<i32>} : memref<32xi32, #tpu.memory_space<vmem>>, vector<16xi32>,
    %get3A_1424 = vector.shape_cast %get3A_1423 : vector<16xi32> to vector<16xi32>
    %add3A_1425 = arith.addi %add3A_1417, %get3A_1424 : vector<16xi32>
    %swap3A_1426 = arith.constant 0 : index
    %swap3A_1427 = tpu.vector_load %arg5[%swap3A_1426] {strides = array<i32>} : memref<32xi32, #tpu.memory_space<vmem>>, vector<16xi32>,
    %swap3A_1428 = vector.shape_cast %swap3A_1427 : vector<16xi32> to vector<16xi32>
    %swap3A_1429 = vector.shape_cast %add3A_1425 : vector<16xi32> to vector<16xi32>
    tpu.vector_store %arg5[%swap3A_1426], %swap3A_1429 {strides = array<i32>} : memref<32xi32, #tpu.memory_space<vmem>>, vector<16xi32>,
    %get3A_1430 = arith.constant 2 : index
    %get3A_1431 = tpu.vector_load %arg5[%get3A_1430] {strides = array<i32>} : memref<32xi32, #tpu.memory_space<vmem>>, vector<16xi32>,
    %get3A_1432 = vector.shape_cast %get3A_1431 : vector<16xi32> to vector<16xi32>
    %add3A_1433 = arith.addi %add3A_1425, %get3A_1432 : vector<16xi32>
    %swap3A_1434 = arith.constant 0 : index
    %swap3A_1435 = tpu.vector_load %arg5[%swap3A_1434] {strides = array<i32>} : memref<32xi32, #tpu.memory_space<vmem>>, vector<16xi32>,
    %swap3A_1436 = vector.shape_cast %swap3A_1435 : vector<16xi32> to vector<16xi32>
    %swap3A_1437 = vector.shape_cast %add3A_1433 : vector<16xi32> to vector<16xi32>
    tpu.vector_store %arg5[%swap3A_1434], %swap3A_1437 {strides = array<i32>} : memref<32xi32, #tpu.memory_space<vmem>>, vector<16xi32>,
    %get3A_1438 = arith.constant 1 : index
    %get3A_1439 = tpu.vector_load %arg5[%get3A_1438] {strides = array<i32>} : memref<32xi32, #tpu.memory_space<vmem>>, vector<16xi32>,
    %get3A_1440 = vector.shape_cast %get3A_1439 : vector<16xi32> to vector<16xi32>
    %add3A_1441 = arith.addi %add3A_1433, %get3A_1440 : vector<16xi32>
    %slice3A_1442 = vector.extract_strided_slice %add3A_1441 {offsets = [0], sizes = [1], strides = [1]} : vector<16xi32> to vector<1xi32>
    %squeeze3A_1443 = vector.extract %slice3A_1442[0] : i32 from vector<1xi32>
    %shift_right_logical3A_1444 = arith.constant 20 : i32
    %shift_right_logical3A_1445 = arith.shrui %squeeze3A_1443, %shift_right_logical3A_1444 : i32
    %shift_right_logical3A_1446 = arith.constant 10 : i32
    %shift_right_logical3A_1447 = arith.shrui %squeeze3A_1443, %shift_right_logical3A_1446 : i32
    %and3A_1448 = arith.constant 1023 : i32
    %and3A_1449 = arith.andi %shift_right_logical3A_1447, %and3A_1448 : i32
    %and3A_1450 = arith.constant 1023 : i32
    %and3A_1451 = arith.andi %squeeze3A_1443, %and3A_1450 : i32
    %ge3A_1452 = arith.constant 1 : i32
    %ge3A_1453 = arith.cmpi sge, %shift_right_logical3A_1445, %ge3A_1452 : i32
    %ge3A_1454 = arith.constant 1 : i32
    %ge3A_1455 = arith.cmpi sge, %and3A_1449, %ge3A_1454 : i32
    %jit3A_1456 = arith.constant 0.000000e+00 : f32
    %jit3A_1457 = arith.constant -1.000000e+00 : f32
    %select_n3A_1458 = arith.select %ge3A_1455, %jit3A_1456, %jit3A_1457 : f32
    %jit3A_1459 = arith.constant 1.000000e+00 : f32
    %select_n3A_1460 = arith.select %ge3A_1453, %jit3A_1459, %select_n3A_1458 : f32
    %ge3A_1461 = arith.constant 2 : i32
    %ge3A_1462 = arith.cmpi sge, %shift_right_logical3A_1445, %ge3A_1461 : i32
    %add3A_1463 = arith.addi %shift_right_logical3A_1445, %and3A_1449 : i32
    %ge3A_1464 = arith.constant 2 : i32
    %ge3A_1465 = arith.cmpi sge, %add3A_1463, %ge3A_1464 : i32
    %jit3A_1466 = arith.constant 0.000000e+00 : f32
    %jit3A_1467 = arith.constant -1.000000e+00 : f32
    %select_n3A_1468 = arith.select %ge3A_1465, %jit3A_1466, %jit3A_1467 : f32
    %jit3A_1469 = arith.constant 1.000000e+00 : f32
    %select_n3A_1470 = arith.select %ge3A_1462, %jit3A_1469, %select_n3A_1468 : f32
    %gt3A_1471 = arith.constant 0.000000e+00 : f32
    %gt3A_1472 = arith.cmpf ogt, %squeeze3A_1402, %gt3A_1471 : f32
    %lt3A_1473 = arith.constant 0.000000e+00 : f32
    %lt3A_1474 = arith.cmpf olt, %squeeze3A_1402, %lt3A_1473 : f32
    %jit3A_1475 = arith.constant -1.000000e+00 : f32
    %jit3A_1476 = arith.constant 0.000000e+00 : f32
    %select_n3A_1477 = arith.select %lt3A_1474, %jit3A_1475, %jit3A_1476 : f32
    %jit3A_1478 = arith.constant 1.000000e+00 : f32
    %select_n3A_1479 = arith.select %gt3A_1472, %jit3A_1478, %select_n3A_1477 : f32
    %add3A_1480 = arith.addf %select_n3A_1460, %select_n3A_1470 : f32
    %le3A_1481 = arith.constant 1 : i32
    %le3A_1482 = arith.cmpi sle, %and3A_1451, %le3A_1481 : i32
    %jit3A_1483 = arith.constant 0.000000e+00 : f32
    %select_n3A_1484 = arith.select %le3A_1482, %select_n3A_1479, %jit3A_1483 : f32
    %sub3A_1485 = arith.subf %add3A_1480, %select_n3A_1484 : f32
    %add3A_1486 = arith.addf %add3A_1393, %sub3A_1485 : f32
    %eq3A = arith.constant 0 : i32
    %eq3A_1487 = vector.broadcast %eq3A : i32 to vector<16xi32>
    %eq3A_1488 = arith.cmpi eq, %iota3A, %eq3A_1487 : vector<16xi32>
    %broadcast_in_dim3A_1489 = vector.broadcast %add3A_1486 : f32 to vector<16xf32>
    %broadcast_in_dim3A_1490 = arith.constant 0.000000e+00 : f32
    %broadcast_in_dim3A_1491 = vector.broadcast %broadcast_in_dim3A_1490 : f32 to vector<16xf32>
    %select_n3A_1492 = arith.select %eq3A_1488, %broadcast_in_dim3A_1489, %broadcast_in_dim3A_1491 : vector<16xi1>, vector<16xf32>
    %swap3A_1493 = arith.constant 0 : index
    %swap3A_1494 = tpu.vector_load %arg6[%swap3A_1493] {strides = array<i32>} : memref<16xf32, #tpu.memory_space<vmem>>, vector<16xf32>,
    %swap3A_1495 = vector.shape_cast %swap3A_1494 : vector<16xf32> to vector<16xf32>
    %swap3A_1496 = vector.shape_cast %select_n3A_1492 : vector<16xf32> to vector<16xf32>
    tpu.vector_store %arg6[%swap3A_1493], %swap3A_1496 {strides = array<i32>} : memref<16xf32, #tpu.memory_space<vmem>>, vector<16xf32>,
    %mul3A_1497 = arith.constant 16 : i32
    %mul3A_1498 = arith.muli %add3A, %mul3A_1497 : i32
    "tpu.region"() ({
      %run_scoped3A = tpu.sem_alloc : memref<!tpu.dma_semaphore, #tpu.memory_space<semaphore_mem>>
      %dma_start3A = tpu.memref_slice %arg3[%mul3A_1498] : memref<512xf32, #tpu.memory_space<hbm>> -> memref<16xf32, #tpu.memory_space<hbm>>
      %dma_start3A_1499 = tpu.memref_slice %arg3[%mul3A_1498] : memref<512xf32, #tpu.memory_space<hbm>> -> memref<16xf32, #tpu.memory_space<hbm>>
      tpu.enqueue_dma source(%arg6 : memref<16xf32, #tpu.memory_space<vmem>>) target(%dma_start3A_1499 : memref<16xf32, #tpu.memory_space<hbm>>) target_semaphore(%run_scoped3A : memref<!tpu.dma_semaphore, #tpu.memory_space<semaphore_mem>>)
      %dma_wait3A = tpu.memref_slice %arg3[%mul3A_1498] : memref<512xf32, #tpu.memory_space<hbm>> -> memref<16xf32, #tpu.memory_space<hbm>>
      %dma_wait3A_1500 = tpu.memref_slice %arg3[%mul3A_1498] : memref<512xf32, #tpu.memory_space<hbm>> -> memref<16xf32, #tpu.memory_space<hbm>>
      tpu.wait_dma2 semaphore(%run_scoped3A : memref<!tpu.dma_semaphore, #tpu.memory_space<semaphore_mem>>) src(%arg6 : memref<16xf32, #tpu.memory_space<vmem>>) dst(%dma_wait3A_1500 : memref<16xf32, #tpu.memory_space<hbm>>)
      tpu.yield
    }) : () -> ()
    return
  }
}

module attributes {stable_mosaic.version = 14 : i64} {
  func.func @_lambda_(%arg0: i32, %arg1: memref<1x512x512xf32, #tpu.memory_space<vmem>>, %arg2: memref<1x512x512xf32, #tpu.memory_space<vmem>>, %arg3: memref<1x1xf32, #tpu.memory_space<vmem>>, %arg4: memref<8x512xf32, #tpu.memory_space<vmem>>) attributes {dimension_semantics = [#tpu.dimension_semantics<arbitrary>], iteration_bounds = array<i64: 32>, scalar_prefetch = 0 : i64, scratch_operands = 1 : i64, tpu.core_type = #tpu.core_type<tc>, window_params = [{transform_indices = @transform_0, window_bounds = array<i64: 1, 512, 512>}, {transform_indices = @transform_1, window_bounds = array<i64: 1, 512, 512>}, {pipeline_mode = #tpu.pipeline_mode<synchronous>, transform_indices = @transform_2, window_bounds = array<i64: 1, 1>}]} {
    %broadcast_in_dim3A = arith.constant 0.000000e+00 : f32
    %broadcast_in_dim3A_0 = vector.broadcast %broadcast_in_dim3A : f32 to vector<8x512xf32>
    %get3A = arith.constant 0 : index
    %get3A_1 = arith.constant 0 : index
    %get3A_2 = arith.constant 0 : index
    %get3A_3 = vector.load %arg1[%get3A, %get3A_1, %get3A_2] : memref<1x512x512xf32, #tpu.memory_space<vmem>>, vector<1x8x512xf32>
    %get3A_4 = vector.shape_cast %get3A_3 : vector<1x8x512xf32> to vector<8x512xf32>
    %get3A_5 = arith.constant 0 : index
    %get3A_6 = arith.constant 0 : index
    %get3A_7 = arith.constant 0 : index
    %get3A_8 = vector.load %arg2[%get3A_5, %get3A_6, %get3A_7] : memref<1x512x512xf32, #tpu.memory_space<vmem>>, vector<1x8x512xf32>
    %get3A_9 = vector.shape_cast %get3A_8 : vector<1x8x512xf32> to vector<8x512xf32>
    %mul3A = arith.constant 1.44269502 : f32
    %mul3A_10 = vector.broadcast %mul3A : f32 to vector<8x512xf32>
    %mul3A_11 = arith.mulf %get3A_4, %mul3A_10 : vector<8x512xf32>
    %exp23A = math.exp2 %mul3A_11 : vector<8x512xf32>
    %add3A = arith.constant 1.000000e+00 : f32
    %add3A_12 = vector.broadcast %add3A : f32 to vector<8x512xf32>
    %add3A_13 = arith.addf %add3A_12, %exp23A : vector<8x512xf32>
    %log3A = math.log %add3A_13 : vector<8x512xf32>
    %log3A_14 = arith.constant 2.000000e+00 : f32
    %log3A_15 = math.log %log3A_14 : f32
    %div3A = vector.broadcast %log3A_15 : f32 to vector<8x512xf32>
    %div3A_16 = arith.divf %log3A, %div3A : vector<8x512xf32>
    %mul3A_17 = arith.mulf %get3A_9, %mul3A_11 : vector<8x512xf32>
    %sub3A = arith.subf %div3A_16, %mul3A_17 : vector<8x512xf32>
    %add3A_18 = arith.addf %broadcast_in_dim3A_0, %sub3A : vector<8x512xf32>
    %get3A_19 = arith.constant 0 : index
    %get3A_20 = arith.constant 8 : index
    %get3A_21 = arith.constant 0 : index
    %get3A_22 = vector.load %arg1[%get3A_19, %get3A_20, %get3A_21] : memref<1x512x512xf32, #tpu.memory_space<vmem>>, vector<1x8x512xf32>
    %get3A_23 = vector.shape_cast %get3A_22 : vector<1x8x512xf32> to vector<8x512xf32>
    %get3A_24 = arith.constant 0 : index
    %get3A_25 = arith.constant 8 : index
    %get3A_26 = arith.constant 0 : index
    %get3A_27 = vector.load %arg2[%get3A_24, %get3A_25, %get3A_26] : memref<1x512x512xf32, #tpu.memory_space<vmem>>, vector<1x8x512xf32>
    %get3A_28 = vector.shape_cast %get3A_27 : vector<1x8x512xf32> to vector<8x512xf32>
    %mul3A_29 = arith.constant 1.44269502 : f32
    %mul3A_30 = vector.broadcast %mul3A_29 : f32 to vector<8x512xf32>
    %mul3A_31 = arith.mulf %get3A_23, %mul3A_30 : vector<8x512xf32>
    %exp23A_32 = math.exp2 %mul3A_31 : vector<8x512xf32>
    %add3A_33 = arith.constant 1.000000e+00 : f32
    %add3A_34 = vector.broadcast %add3A_33 : f32 to vector<8x512xf32>
    %add3A_35 = arith.addf %add3A_34, %exp23A_32 : vector<8x512xf32>
    %log3A_36 = math.log %add3A_35 : vector<8x512xf32>
    %log3A_37 = arith.constant 2.000000e+00 : f32
    %log3A_38 = math.log %log3A_37 : f32
    %div3A_39 = vector.broadcast %log3A_38 : f32 to vector<8x512xf32>
    %div3A_40 = arith.divf %log3A_36, %div3A_39 : vector<8x512xf32>
    %mul3A_41 = arith.mulf %get3A_28, %mul3A_31 : vector<8x512xf32>
    %sub3A_42 = arith.subf %div3A_40, %mul3A_41 : vector<8x512xf32>
    %add3A_43 = arith.addf %add3A_18, %sub3A_42 : vector<8x512xf32>
    %get3A_44 = arith.constant 0 : index
    %get3A_45 = arith.constant 16 : index
    %get3A_46 = arith.constant 0 : index
    %get3A_47 = vector.load %arg1[%get3A_44, %get3A_45, %get3A_46] : memref<1x512x512xf32, #tpu.memory_space<vmem>>, vector<1x8x512xf32>
    %get3A_48 = vector.shape_cast %get3A_47 : vector<1x8x512xf32> to vector<8x512xf32>
    %get3A_49 = arith.constant 0 : index
    %get3A_50 = arith.constant 16 : index
    %get3A_51 = arith.constant 0 : index
    %get3A_52 = vector.load %arg2[%get3A_49, %get3A_50, %get3A_51] : memref<1x512x512xf32, #tpu.memory_space<vmem>>, vector<1x8x512xf32>
    %get3A_53 = vector.shape_cast %get3A_52 : vector<1x8x512xf32> to vector<8x512xf32>
    %mul3A_54 = arith.constant 1.44269502 : f32
    %mul3A_55 = vector.broadcast %mul3A_54 : f32 to vector<8x512xf32>
    %mul3A_56 = arith.mulf %get3A_48, %mul3A_55 : vector<8x512xf32>
    %exp23A_57 = math.exp2 %mul3A_56 : vector<8x512xf32>
    %add3A_58 = arith.constant 1.000000e+00 : f32
    %add3A_59 = vector.broadcast %add3A_58 : f32 to vector<8x512xf32>
    %add3A_60 = arith.addf %add3A_59, %exp23A_57 : vector<8x512xf32>
    %log3A_61 = math.log %add3A_60 : vector<8x512xf32>
    %log3A_62 = arith.constant 2.000000e+00 : f32
    %log3A_63 = math.log %log3A_62 : f32
    %div3A_64 = vector.broadcast %log3A_63 : f32 to vector<8x512xf32>
    %div3A_65 = arith.divf %log3A_61, %div3A_64 : vector<8x512xf32>
    %mul3A_66 = arith.mulf %get3A_53, %mul3A_56 : vector<8x512xf32>
    %sub3A_67 = arith.subf %div3A_65, %mul3A_66 : vector<8x512xf32>
    %add3A_68 = arith.addf %add3A_43, %sub3A_67 : vector<8x512xf32>
    %get3A_69 = arith.constant 0 : index
    %get3A_70 = arith.constant 24 : index
    %get3A_71 = arith.constant 0 : index
    %get3A_72 = vector.load %arg1[%get3A_69, %get3A_70, %get3A_71] : memref<1x512x512xf32, #tpu.memory_space<vmem>>, vector<1x8x512xf32>
    %get3A_73 = vector.shape_cast %get3A_72 : vector<1x8x512xf32> to vector<8x512xf32>
    %get3A_74 = arith.constant 0 : index
    %get3A_75 = arith.constant 24 : index
    %get3A_76 = arith.constant 0 : index
    %get3A_77 = vector.load %arg2[%get3A_74, %get3A_75, %get3A_76] : memref<1x512x512xf32, #tpu.memory_space<vmem>>, vector<1x8x512xf32>
    %get3A_78 = vector.shape_cast %get3A_77 : vector<1x8x512xf32> to vector<8x512xf32>
    %mul3A_79 = arith.constant 1.44269502 : f32
    %mul3A_80 = vector.broadcast %mul3A_79 : f32 to vector<8x512xf32>
    %mul3A_81 = arith.mulf %get3A_73, %mul3A_80 : vector<8x512xf32>
    %exp23A_82 = math.exp2 %mul3A_81 : vector<8x512xf32>
    %add3A_83 = arith.constant 1.000000e+00 : f32
    %add3A_84 = vector.broadcast %add3A_83 : f32 to vector<8x512xf32>
    %add3A_85 = arith.addf %add3A_84, %exp23A_82 : vector<8x512xf32>
    %log3A_86 = math.log %add3A_85 : vector<8x512xf32>
    %log3A_87 = arith.constant 2.000000e+00 : f32
    %log3A_88 = math.log %log3A_87 : f32
    %div3A_89 = vector.broadcast %log3A_88 : f32 to vector<8x512xf32>
    %div3A_90 = arith.divf %log3A_86, %div3A_89 : vector<8x512xf32>
    %mul3A_91 = arith.mulf %get3A_78, %mul3A_81 : vector<8x512xf32>
    %sub3A_92 = arith.subf %div3A_90, %mul3A_91 : vector<8x512xf32>
    %add3A_93 = arith.addf %add3A_68, %sub3A_92 : vector<8x512xf32>
    %get3A_94 = arith.constant 0 : index
    %get3A_95 = arith.constant 32 : index
    %get3A_96 = arith.constant 0 : index
    %get3A_97 = vector.load %arg1[%get3A_94, %get3A_95, %get3A_96] : memref<1x512x512xf32, #tpu.memory_space<vmem>>, vector<1x8x512xf32>
    %get3A_98 = vector.shape_cast %get3A_97 : vector<1x8x512xf32> to vector<8x512xf32>
    %get3A_99 = arith.constant 0 : index
    %get3A_100 = arith.constant 32 : index
    %get3A_101 = arith.constant 0 : index
    %get3A_102 = vector.load %arg2[%get3A_99, %get3A_100, %get3A_101] : memref<1x512x512xf32, #tpu.memory_space<vmem>>, vector<1x8x512xf32>
    %get3A_103 = vector.shape_cast %get3A_102 : vector<1x8x512xf32> to vector<8x512xf32>
    %mul3A_104 = arith.constant 1.44269502 : f32
    %mul3A_105 = vector.broadcast %mul3A_104 : f32 to vector<8x512xf32>
    %mul3A_106 = arith.mulf %get3A_98, %mul3A_105 : vector<8x512xf32>
    %exp23A_107 = math.exp2 %mul3A_106 : vector<8x512xf32>
    %add3A_108 = arith.constant 1.000000e+00 : f32
    %add3A_109 = vector.broadcast %add3A_108 : f32 to vector<8x512xf32>
    %add3A_110 = arith.addf %add3A_109, %exp23A_107 : vector<8x512xf32>
    %log3A_111 = math.log %add3A_110 : vector<8x512xf32>
    %log3A_112 = arith.constant 2.000000e+00 : f32
    %log3A_113 = math.log %log3A_112 : f32
    %div3A_114 = vector.broadcast %log3A_113 : f32 to vector<8x512xf32>
    %div3A_115 = arith.divf %log3A_111, %div3A_114 : vector<8x512xf32>
    %mul3A_116 = arith.mulf %get3A_103, %mul3A_106 : vector<8x512xf32>
    %sub3A_117 = arith.subf %div3A_115, %mul3A_116 : vector<8x512xf32>
    %add3A_118 = arith.addf %add3A_93, %sub3A_117 : vector<8x512xf32>
    %get3A_119 = arith.constant 0 : index
    %get3A_120 = arith.constant 40 : index
    %get3A_121 = arith.constant 0 : index
    %get3A_122 = vector.load %arg1[%get3A_119, %get3A_120, %get3A_121] : memref<1x512x512xf32, #tpu.memory_space<vmem>>, vector<1x8x512xf32>
    %get3A_123 = vector.shape_cast %get3A_122 : vector<1x8x512xf32> to vector<8x512xf32>
    %get3A_124 = arith.constant 0 : index
    %get3A_125 = arith.constant 40 : index
    %get3A_126 = arith.constant 0 : index
    %get3A_127 = vector.load %arg2[%get3A_124, %get3A_125, %get3A_126] : memref<1x512x512xf32, #tpu.memory_space<vmem>>, vector<1x8x512xf32>
    %get3A_128 = vector.shape_cast %get3A_127 : vector<1x8x512xf32> to vector<8x512xf32>
    %mul3A_129 = arith.constant 1.44269502 : f32
    %mul3A_130 = vector.broadcast %mul3A_129 : f32 to vector<8x512xf32>
    %mul3A_131 = arith.mulf %get3A_123, %mul3A_130 : vector<8x512xf32>
    %exp23A_132 = math.exp2 %mul3A_131 : vector<8x512xf32>
    %add3A_133 = arith.constant 1.000000e+00 : f32
    %add3A_134 = vector.broadcast %add3A_133 : f32 to vector<8x512xf32>
    %add3A_135 = arith.addf %add3A_134, %exp23A_132 : vector<8x512xf32>
    %log3A_136 = math.log %add3A_135 : vector<8x512xf32>
    %log3A_137 = arith.constant 2.000000e+00 : f32
    %log3A_138 = math.log %log3A_137 : f32
    %div3A_139 = vector.broadcast %log3A_138 : f32 to vector<8x512xf32>
    %div3A_140 = arith.divf %log3A_136, %div3A_139 : vector<8x512xf32>
    %mul3A_141 = arith.mulf %get3A_128, %mul3A_131 : vector<8x512xf32>
    %sub3A_142 = arith.subf %div3A_140, %mul3A_141 : vector<8x512xf32>
    %add3A_143 = arith.addf %add3A_118, %sub3A_142 : vector<8x512xf32>
    %get3A_144 = arith.constant 0 : index
    %get3A_145 = arith.constant 48 : index
    %get3A_146 = arith.constant 0 : index
    %get3A_147 = vector.load %arg1[%get3A_144, %get3A_145, %get3A_146] : memref<1x512x512xf32, #tpu.memory_space<vmem>>, vector<1x8x512xf32>
    %get3A_148 = vector.shape_cast %get3A_147 : vector<1x8x512xf32> to vector<8x512xf32>
    %get3A_149 = arith.constant 0 : index
    %get3A_150 = arith.constant 48 : index
    %get3A_151 = arith.constant 0 : index
    %get3A_152 = vector.load %arg2[%get3A_149, %get3A_150, %get3A_151] : memref<1x512x512xf32, #tpu.memory_space<vmem>>, vector<1x8x512xf32>
    %get3A_153 = vector.shape_cast %get3A_152 : vector<1x8x512xf32> to vector<8x512xf32>
    %mul3A_154 = arith.constant 1.44269502 : f32
    %mul3A_155 = vector.broadcast %mul3A_154 : f32 to vector<8x512xf32>
    %mul3A_156 = arith.mulf %get3A_148, %mul3A_155 : vector<8x512xf32>
    %exp23A_157 = math.exp2 %mul3A_156 : vector<8x512xf32>
    %add3A_158 = arith.constant 1.000000e+00 : f32
    %add3A_159 = vector.broadcast %add3A_158 : f32 to vector<8x512xf32>
    %add3A_160 = arith.addf %add3A_159, %exp23A_157 : vector<8x512xf32>
    %log3A_161 = math.log %add3A_160 : vector<8x512xf32>
    %log3A_162 = arith.constant 2.000000e+00 : f32
    %log3A_163 = math.log %log3A_162 : f32
    %div3A_164 = vector.broadcast %log3A_163 : f32 to vector<8x512xf32>
    %div3A_165 = arith.divf %log3A_161, %div3A_164 : vector<8x512xf32>
    %mul3A_166 = arith.mulf %get3A_153, %mul3A_156 : vector<8x512xf32>
    %sub3A_167 = arith.subf %div3A_165, %mul3A_166 : vector<8x512xf32>
    %add3A_168 = arith.addf %add3A_143, %sub3A_167 : vector<8x512xf32>
    %get3A_169 = arith.constant 0 : index
    %get3A_170 = arith.constant 56 : index
    %get3A_171 = arith.constant 0 : index
    %get3A_172 = vector.load %arg1[%get3A_169, %get3A_170, %get3A_171] : memref<1x512x512xf32, #tpu.memory_space<vmem>>, vector<1x8x512xf32>
    %get3A_173 = vector.shape_cast %get3A_172 : vector<1x8x512xf32> to vector<8x512xf32>
    %get3A_174 = arith.constant 0 : index
    %get3A_175 = arith.constant 56 : index
    %get3A_176 = arith.constant 0 : index
    %get3A_177 = vector.load %arg2[%get3A_174, %get3A_175, %get3A_176] : memref<1x512x512xf32, #tpu.memory_space<vmem>>, vector<1x8x512xf32>
    %get3A_178 = vector.shape_cast %get3A_177 : vector<1x8x512xf32> to vector<8x512xf32>
    %mul3A_179 = arith.constant 1.44269502 : f32
    %mul3A_180 = vector.broadcast %mul3A_179 : f32 to vector<8x512xf32>
    %mul3A_181 = arith.mulf %get3A_173, %mul3A_180 : vector<8x512xf32>
    %exp23A_182 = math.exp2 %mul3A_181 : vector<8x512xf32>
    %add3A_183 = arith.constant 1.000000e+00 : f32
    %add3A_184 = vector.broadcast %add3A_183 : f32 to vector<8x512xf32>
    %add3A_185 = arith.addf %add3A_184, %exp23A_182 : vector<8x512xf32>
    %log3A_186 = math.log %add3A_185 : vector<8x512xf32>
    %log3A_187 = arith.constant 2.000000e+00 : f32
    %log3A_188 = math.log %log3A_187 : f32
    %div3A_189 = vector.broadcast %log3A_188 : f32 to vector<8x512xf32>
    %div3A_190 = arith.divf %log3A_186, %div3A_189 : vector<8x512xf32>
    %mul3A_191 = arith.mulf %get3A_178, %mul3A_181 : vector<8x512xf32>
    %sub3A_192 = arith.subf %div3A_190, %mul3A_191 : vector<8x512xf32>
    %add3A_193 = arith.addf %add3A_168, %sub3A_192 : vector<8x512xf32>
    %get3A_194 = arith.constant 0 : index
    %get3A_195 = arith.constant 64 : index
    %get3A_196 = arith.constant 0 : index
    %get3A_197 = vector.load %arg1[%get3A_194, %get3A_195, %get3A_196] : memref<1x512x512xf32, #tpu.memory_space<vmem>>, vector<1x8x512xf32>
    %get3A_198 = vector.shape_cast %get3A_197 : vector<1x8x512xf32> to vector<8x512xf32>
    %get3A_199 = arith.constant 0 : index
    %get3A_200 = arith.constant 64 : index
    %get3A_201 = arith.constant 0 : index
    %get3A_202 = vector.load %arg2[%get3A_199, %get3A_200, %get3A_201] : memref<1x512x512xf32, #tpu.memory_space<vmem>>, vector<1x8x512xf32>
    %get3A_203 = vector.shape_cast %get3A_202 : vector<1x8x512xf32> to vector<8x512xf32>
    %mul3A_204 = arith.constant 1.44269502 : f32
    %mul3A_205 = vector.broadcast %mul3A_204 : f32 to vector<8x512xf32>
    %mul3A_206 = arith.mulf %get3A_198, %mul3A_205 : vector<8x512xf32>
    %exp23A_207 = math.exp2 %mul3A_206 : vector<8x512xf32>
    %add3A_208 = arith.constant 1.000000e+00 : f32
    %add3A_209 = vector.broadcast %add3A_208 : f32 to vector<8x512xf32>
    %add3A_210 = arith.addf %add3A_209, %exp23A_207 : vector<8x512xf32>
    %log3A_211 = math.log %add3A_210 : vector<8x512xf32>
    %log3A_212 = arith.constant 2.000000e+00 : f32
    %log3A_213 = math.log %log3A_212 : f32
    %div3A_214 = vector.broadcast %log3A_213 : f32 to vector<8x512xf32>
    %div3A_215 = arith.divf %log3A_211, %div3A_214 : vector<8x512xf32>
    %mul3A_216 = arith.mulf %get3A_203, %mul3A_206 : vector<8x512xf32>
    %sub3A_217 = arith.subf %div3A_215, %mul3A_216 : vector<8x512xf32>
    %add3A_218 = arith.addf %add3A_193, %sub3A_217 : vector<8x512xf32>
    %get3A_219 = arith.constant 0 : index
    %get3A_220 = arith.constant 72 : index
    %get3A_221 = arith.constant 0 : index
    %get3A_222 = vector.load %arg1[%get3A_219, %get3A_220, %get3A_221] : memref<1x512x512xf32, #tpu.memory_space<vmem>>, vector<1x8x512xf32>
    %get3A_223 = vector.shape_cast %get3A_222 : vector<1x8x512xf32> to vector<8x512xf32>
    %get3A_224 = arith.constant 0 : index
    %get3A_225 = arith.constant 72 : index
    %get3A_226 = arith.constant 0 : index
    %get3A_227 = vector.load %arg2[%get3A_224, %get3A_225, %get3A_226] : memref<1x512x512xf32, #tpu.memory_space<vmem>>, vector<1x8x512xf32>
    %get3A_228 = vector.shape_cast %get3A_227 : vector<1x8x512xf32> to vector<8x512xf32>
    %mul3A_229 = arith.constant 1.44269502 : f32
    %mul3A_230 = vector.broadcast %mul3A_229 : f32 to vector<8x512xf32>
    %mul3A_231 = arith.mulf %get3A_223, %mul3A_230 : vector<8x512xf32>
    %exp23A_232 = math.exp2 %mul3A_231 : vector<8x512xf32>
    %add3A_233 = arith.constant 1.000000e+00 : f32
    %add3A_234 = vector.broadcast %add3A_233 : f32 to vector<8x512xf32>
    %add3A_235 = arith.addf %add3A_234, %exp23A_232 : vector<8x512xf32>
    %log3A_236 = math.log %add3A_235 : vector<8x512xf32>
    %log3A_237 = arith.constant 2.000000e+00 : f32
    %log3A_238 = math.log %log3A_237 : f32
    %div3A_239 = vector.broadcast %log3A_238 : f32 to vector<8x512xf32>
    %div3A_240 = arith.divf %log3A_236, %div3A_239 : vector<8x512xf32>
    %mul3A_241 = arith.mulf %get3A_228, %mul3A_231 : vector<8x512xf32>
    %sub3A_242 = arith.subf %div3A_240, %mul3A_241 : vector<8x512xf32>
    %add3A_243 = arith.addf %add3A_218, %sub3A_242 : vector<8x512xf32>
    %get3A_244 = arith.constant 0 : index
    %get3A_245 = arith.constant 80 : index
    %get3A_246 = arith.constant 0 : index
    %get3A_247 = vector.load %arg1[%get3A_244, %get3A_245, %get3A_246] : memref<1x512x512xf32, #tpu.memory_space<vmem>>, vector<1x8x512xf32>
    %get3A_248 = vector.shape_cast %get3A_247 : vector<1x8x512xf32> to vector<8x512xf32>
    %get3A_249 = arith.constant 0 : index
    %get3A_250 = arith.constant 80 : index
    %get3A_251 = arith.constant 0 : index
    %get3A_252 = vector.load %arg2[%get3A_249, %get3A_250, %get3A_251] : memref<1x512x512xf32, #tpu.memory_space<vmem>>, vector<1x8x512xf32>
    %get3A_253 = vector.shape_cast %get3A_252 : vector<1x8x512xf32> to vector<8x512xf32>
    %mul3A_254 = arith.constant 1.44269502 : f32
    %mul3A_255 = vector.broadcast %mul3A_254 : f32 to vector<8x512xf32>
    %mul3A_256 = arith.mulf %get3A_248, %mul3A_255 : vector<8x512xf32>
    %exp23A_257 = math.exp2 %mul3A_256 : vector<8x512xf32>
    %add3A_258 = arith.constant 1.000000e+00 : f32
    %add3A_259 = vector.broadcast %add3A_258 : f32 to vector<8x512xf32>
    %add3A_260 = arith.addf %add3A_259, %exp23A_257 : vector<8x512xf32>
    %log3A_261 = math.log %add3A_260 : vector<8x512xf32>
    %log3A_262 = arith.constant 2.000000e+00 : f32
    %log3A_263 = math.log %log3A_262 : f32
    %div3A_264 = vector.broadcast %log3A_263 : f32 to vector<8x512xf32>
    %div3A_265 = arith.divf %log3A_261, %div3A_264 : vector<8x512xf32>
    %mul3A_266 = arith.mulf %get3A_253, %mul3A_256 : vector<8x512xf32>
    %sub3A_267 = arith.subf %div3A_265, %mul3A_266 : vector<8x512xf32>
    %add3A_268 = arith.addf %add3A_243, %sub3A_267 : vector<8x512xf32>
    %get3A_269 = arith.constant 0 : index
    %get3A_270 = arith.constant 88 : index
    %get3A_271 = arith.constant 0 : index
    %get3A_272 = vector.load %arg1[%get3A_269, %get3A_270, %get3A_271] : memref<1x512x512xf32, #tpu.memory_space<vmem>>, vector<1x8x512xf32>
    %get3A_273 = vector.shape_cast %get3A_272 : vector<1x8x512xf32> to vector<8x512xf32>
    %get3A_274 = arith.constant 0 : index
    %get3A_275 = arith.constant 88 : index
    %get3A_276 = arith.constant 0 : index
    %get3A_277 = vector.load %arg2[%get3A_274, %get3A_275, %get3A_276] : memref<1x512x512xf32, #tpu.memory_space<vmem>>, vector<1x8x512xf32>
    %get3A_278 = vector.shape_cast %get3A_277 : vector<1x8x512xf32> to vector<8x512xf32>
    %mul3A_279 = arith.constant 1.44269502 : f32
    %mul3A_280 = vector.broadcast %mul3A_279 : f32 to vector<8x512xf32>
    %mul3A_281 = arith.mulf %get3A_273, %mul3A_280 : vector<8x512xf32>
    %exp23A_282 = math.exp2 %mul3A_281 : vector<8x512xf32>
    %add3A_283 = arith.constant 1.000000e+00 : f32
    %add3A_284 = vector.broadcast %add3A_283 : f32 to vector<8x512xf32>
    %add3A_285 = arith.addf %add3A_284, %exp23A_282 : vector<8x512xf32>
    %log3A_286 = math.log %add3A_285 : vector<8x512xf32>
    %log3A_287 = arith.constant 2.000000e+00 : f32
    %log3A_288 = math.log %log3A_287 : f32
    %div3A_289 = vector.broadcast %log3A_288 : f32 to vector<8x512xf32>
    %div3A_290 = arith.divf %log3A_286, %div3A_289 : vector<8x512xf32>
    %mul3A_291 = arith.mulf %get3A_278, %mul3A_281 : vector<8x512xf32>
    %sub3A_292 = arith.subf %div3A_290, %mul3A_291 : vector<8x512xf32>
    %add3A_293 = arith.addf %add3A_268, %sub3A_292 : vector<8x512xf32>
    %get3A_294 = arith.constant 0 : index
    %get3A_295 = arith.constant 96 : index
    %get3A_296 = arith.constant 0 : index
    %get3A_297 = vector.load %arg1[%get3A_294, %get3A_295, %get3A_296] : memref<1x512x512xf32, #tpu.memory_space<vmem>>, vector<1x8x512xf32>
    %get3A_298 = vector.shape_cast %get3A_297 : vector<1x8x512xf32> to vector<8x512xf32>
    %get3A_299 = arith.constant 0 : index
    %get3A_300 = arith.constant 96 : index
    %get3A_301 = arith.constant 0 : index
    %get3A_302 = vector.load %arg2[%get3A_299, %get3A_300, %get3A_301] : memref<1x512x512xf32, #tpu.memory_space<vmem>>, vector<1x8x512xf32>
    %get3A_303 = vector.shape_cast %get3A_302 : vector<1x8x512xf32> to vector<8x512xf32>
    %mul3A_304 = arith.constant 1.44269502 : f32
    %mul3A_305 = vector.broadcast %mul3A_304 : f32 to vector<8x512xf32>
    %mul3A_306 = arith.mulf %get3A_298, %mul3A_305 : vector<8x512xf32>
    %exp23A_307 = math.exp2 %mul3A_306 : vector<8x512xf32>
    %add3A_308 = arith.constant 1.000000e+00 : f32
    %add3A_309 = vector.broadcast %add3A_308 : f32 to vector<8x512xf32>
    %add3A_310 = arith.addf %add3A_309, %exp23A_307 : vector<8x512xf32>
    %log3A_311 = math.log %add3A_310 : vector<8x512xf32>
    %log3A_312 = arith.constant 2.000000e+00 : f32
    %log3A_313 = math.log %log3A_312 : f32
    %div3A_314 = vector.broadcast %log3A_313 : f32 to vector<8x512xf32>
    %div3A_315 = arith.divf %log3A_311, %div3A_314 : vector<8x512xf32>
    %mul3A_316 = arith.mulf %get3A_303, %mul3A_306 : vector<8x512xf32>
    %sub3A_317 = arith.subf %div3A_315, %mul3A_316 : vector<8x512xf32>
    %add3A_318 = arith.addf %add3A_293, %sub3A_317 : vector<8x512xf32>
    %get3A_319 = arith.constant 0 : index
    %get3A_320 = arith.constant 104 : index
    %get3A_321 = arith.constant 0 : index
    %get3A_322 = vector.load %arg1[%get3A_319, %get3A_320, %get3A_321] : memref<1x512x512xf32, #tpu.memory_space<vmem>>, vector<1x8x512xf32>
    %get3A_323 = vector.shape_cast %get3A_322 : vector<1x8x512xf32> to vector<8x512xf32>
    %get3A_324 = arith.constant 0 : index
    %get3A_325 = arith.constant 104 : index
    %get3A_326 = arith.constant 0 : index
    %get3A_327 = vector.load %arg2[%get3A_324, %get3A_325, %get3A_326] : memref<1x512x512xf32, #tpu.memory_space<vmem>>, vector<1x8x512xf32>
    %get3A_328 = vector.shape_cast %get3A_327 : vector<1x8x512xf32> to vector<8x512xf32>
    %mul3A_329 = arith.constant 1.44269502 : f32
    %mul3A_330 = vector.broadcast %mul3A_329 : f32 to vector<8x512xf32>
    %mul3A_331 = arith.mulf %get3A_323, %mul3A_330 : vector<8x512xf32>
    %exp23A_332 = math.exp2 %mul3A_331 : vector<8x512xf32>
    %add3A_333 = arith.constant 1.000000e+00 : f32
    %add3A_334 = vector.broadcast %add3A_333 : f32 to vector<8x512xf32>
    %add3A_335 = arith.addf %add3A_334, %exp23A_332 : vector<8x512xf32>
    %log3A_336 = math.log %add3A_335 : vector<8x512xf32>
    %log3A_337 = arith.constant 2.000000e+00 : f32
    %log3A_338 = math.log %log3A_337 : f32
    %div3A_339 = vector.broadcast %log3A_338 : f32 to vector<8x512xf32>
    %div3A_340 = arith.divf %log3A_336, %div3A_339 : vector<8x512xf32>
    %mul3A_341 = arith.mulf %get3A_328, %mul3A_331 : vector<8x512xf32>
    %sub3A_342 = arith.subf %div3A_340, %mul3A_341 : vector<8x512xf32>
    %add3A_343 = arith.addf %add3A_318, %sub3A_342 : vector<8x512xf32>
    %get3A_344 = arith.constant 0 : index
    %get3A_345 = arith.constant 112 : index
    %get3A_346 = arith.constant 0 : index
    %get3A_347 = vector.load %arg1[%get3A_344, %get3A_345, %get3A_346] : memref<1x512x512xf32, #tpu.memory_space<vmem>>, vector<1x8x512xf32>
    %get3A_348 = vector.shape_cast %get3A_347 : vector<1x8x512xf32> to vector<8x512xf32>
    %get3A_349 = arith.constant 0 : index
    %get3A_350 = arith.constant 112 : index
    %get3A_351 = arith.constant 0 : index
    %get3A_352 = vector.load %arg2[%get3A_349, %get3A_350, %get3A_351] : memref<1x512x512xf32, #tpu.memory_space<vmem>>, vector<1x8x512xf32>
    %get3A_353 = vector.shape_cast %get3A_352 : vector<1x8x512xf32> to vector<8x512xf32>
    %mul3A_354 = arith.constant 1.44269502 : f32
    %mul3A_355 = vector.broadcast %mul3A_354 : f32 to vector<8x512xf32>
    %mul3A_356 = arith.mulf %get3A_348, %mul3A_355 : vector<8x512xf32>
    %exp23A_357 = math.exp2 %mul3A_356 : vector<8x512xf32>
    %add3A_358 = arith.constant 1.000000e+00 : f32
    %add3A_359 = vector.broadcast %add3A_358 : f32 to vector<8x512xf32>
    %add3A_360 = arith.addf %add3A_359, %exp23A_357 : vector<8x512xf32>
    %log3A_361 = math.log %add3A_360 : vector<8x512xf32>
    %log3A_362 = arith.constant 2.000000e+00 : f32
    %log3A_363 = math.log %log3A_362 : f32
    %div3A_364 = vector.broadcast %log3A_363 : f32 to vector<8x512xf32>
    %div3A_365 = arith.divf %log3A_361, %div3A_364 : vector<8x512xf32>
    %mul3A_366 = arith.mulf %get3A_353, %mul3A_356 : vector<8x512xf32>
    %sub3A_367 = arith.subf %div3A_365, %mul3A_366 : vector<8x512xf32>
    %add3A_368 = arith.addf %add3A_343, %sub3A_367 : vector<8x512xf32>
    %get3A_369 = arith.constant 0 : index
    %get3A_370 = arith.constant 120 : index
    %get3A_371 = arith.constant 0 : index
    %get3A_372 = vector.load %arg1[%get3A_369, %get3A_370, %get3A_371] : memref<1x512x512xf32, #tpu.memory_space<vmem>>, vector<1x8x512xf32>
    %get3A_373 = vector.shape_cast %get3A_372 : vector<1x8x512xf32> to vector<8x512xf32>
    %get3A_374 = arith.constant 0 : index
    %get3A_375 = arith.constant 120 : index
    %get3A_376 = arith.constant 0 : index
    %get3A_377 = vector.load %arg2[%get3A_374, %get3A_375, %get3A_376] : memref<1x512x512xf32, #tpu.memory_space<vmem>>, vector<1x8x512xf32>
    %get3A_378 = vector.shape_cast %get3A_377 : vector<1x8x512xf32> to vector<8x512xf32>
    %mul3A_379 = arith.constant 1.44269502 : f32
    %mul3A_380 = vector.broadcast %mul3A_379 : f32 to vector<8x512xf32>
    %mul3A_381 = arith.mulf %get3A_373, %mul3A_380 : vector<8x512xf32>
    %exp23A_382 = math.exp2 %mul3A_381 : vector<8x512xf32>
    %add3A_383 = arith.constant 1.000000e+00 : f32
    %add3A_384 = vector.broadcast %add3A_383 : f32 to vector<8x512xf32>
    %add3A_385 = arith.addf %add3A_384, %exp23A_382 : vector<8x512xf32>
    %log3A_386 = math.log %add3A_385 : vector<8x512xf32>
    %log3A_387 = arith.constant 2.000000e+00 : f32
    %log3A_388 = math.log %log3A_387 : f32
    %div3A_389 = vector.broadcast %log3A_388 : f32 to vector<8x512xf32>
    %div3A_390 = arith.divf %log3A_386, %div3A_389 : vector<8x512xf32>
    %mul3A_391 = arith.mulf %get3A_378, %mul3A_381 : vector<8x512xf32>
    %sub3A_392 = arith.subf %div3A_390, %mul3A_391 : vector<8x512xf32>
    %add3A_393 = arith.addf %add3A_368, %sub3A_392 : vector<8x512xf32>
    %get3A_394 = arith.constant 0 : index
    %get3A_395 = arith.constant 128 : index
    %get3A_396 = arith.constant 0 : index
    %get3A_397 = vector.load %arg1[%get3A_394, %get3A_395, %get3A_396] : memref<1x512x512xf32, #tpu.memory_space<vmem>>, vector<1x8x512xf32>
    %get3A_398 = vector.shape_cast %get3A_397 : vector<1x8x512xf32> to vector<8x512xf32>
    %get3A_399 = arith.constant 0 : index
    %get3A_400 = arith.constant 128 : index
    %get3A_401 = arith.constant 0 : index
    %get3A_402 = vector.load %arg2[%get3A_399, %get3A_400, %get3A_401] : memref<1x512x512xf32, #tpu.memory_space<vmem>>, vector<1x8x512xf32>
    %get3A_403 = vector.shape_cast %get3A_402 : vector<1x8x512xf32> to vector<8x512xf32>
    %mul3A_404 = arith.constant 1.44269502 : f32
    %mul3A_405 = vector.broadcast %mul3A_404 : f32 to vector<8x512xf32>
    %mul3A_406 = arith.mulf %get3A_398, %mul3A_405 : vector<8x512xf32>
    %exp23A_407 = math.exp2 %mul3A_406 : vector<8x512xf32>
    %add3A_408 = arith.constant 1.000000e+00 : f32
    %add3A_409 = vector.broadcast %add3A_408 : f32 to vector<8x512xf32>
    %add3A_410 = arith.addf %add3A_409, %exp23A_407 : vector<8x512xf32>
    %log3A_411 = math.log %add3A_410 : vector<8x512xf32>
    %log3A_412 = arith.constant 2.000000e+00 : f32
    %log3A_413 = math.log %log3A_412 : f32
    %div3A_414 = vector.broadcast %log3A_413 : f32 to vector<8x512xf32>
    %div3A_415 = arith.divf %log3A_411, %div3A_414 : vector<8x512xf32>
    %mul3A_416 = arith.mulf %get3A_403, %mul3A_406 : vector<8x512xf32>
    %sub3A_417 = arith.subf %div3A_415, %mul3A_416 : vector<8x512xf32>
    %add3A_418 = arith.addf %add3A_393, %sub3A_417 : vector<8x512xf32>
    %get3A_419 = arith.constant 0 : index
    %get3A_420 = arith.constant 136 : index
    %get3A_421 = arith.constant 0 : index
    %get3A_422 = vector.load %arg1[%get3A_419, %get3A_420, %get3A_421] : memref<1x512x512xf32, #tpu.memory_space<vmem>>, vector<1x8x512xf32>
    %get3A_423 = vector.shape_cast %get3A_422 : vector<1x8x512xf32> to vector<8x512xf32>
    %get3A_424 = arith.constant 0 : index
    %get3A_425 = arith.constant 136 : index
    %get3A_426 = arith.constant 0 : index
    %get3A_427 = vector.load %arg2[%get3A_424, %get3A_425, %get3A_426] : memref<1x512x512xf32, #tpu.memory_space<vmem>>, vector<1x8x512xf32>
    %get3A_428 = vector.shape_cast %get3A_427 : vector<1x8x512xf32> to vector<8x512xf32>
    %mul3A_429 = arith.constant 1.44269502 : f32
    %mul3A_430 = vector.broadcast %mul3A_429 : f32 to vector<8x512xf32>
    %mul3A_431 = arith.mulf %get3A_423, %mul3A_430 : vector<8x512xf32>
    %exp23A_432 = math.exp2 %mul3A_431 : vector<8x512xf32>
    %add3A_433 = arith.constant 1.000000e+00 : f32
    %add3A_434 = vector.broadcast %add3A_433 : f32 to vector<8x512xf32>
    %add3A_435 = arith.addf %add3A_434, %exp23A_432 : vector<8x512xf32>
    %log3A_436 = math.log %add3A_435 : vector<8x512xf32>
    %log3A_437 = arith.constant 2.000000e+00 : f32
    %log3A_438 = math.log %log3A_437 : f32
    %div3A_439 = vector.broadcast %log3A_438 : f32 to vector<8x512xf32>
    %div3A_440 = arith.divf %log3A_436, %div3A_439 : vector<8x512xf32>
    %mul3A_441 = arith.mulf %get3A_428, %mul3A_431 : vector<8x512xf32>
    %sub3A_442 = arith.subf %div3A_440, %mul3A_441 : vector<8x512xf32>
    %add3A_443 = arith.addf %add3A_418, %sub3A_442 : vector<8x512xf32>
    %get3A_444 = arith.constant 0 : index
    %get3A_445 = arith.constant 144 : index
    %get3A_446 = arith.constant 0 : index
    %get3A_447 = vector.load %arg1[%get3A_444, %get3A_445, %get3A_446] : memref<1x512x512xf32, #tpu.memory_space<vmem>>, vector<1x8x512xf32>
    %get3A_448 = vector.shape_cast %get3A_447 : vector<1x8x512xf32> to vector<8x512xf32>
    %get3A_449 = arith.constant 0 : index
    %get3A_450 = arith.constant 144 : index
    %get3A_451 = arith.constant 0 : index
    %get3A_452 = vector.load %arg2[%get3A_449, %get3A_450, %get3A_451] : memref<1x512x512xf32, #tpu.memory_space<vmem>>, vector<1x8x512xf32>
    %get3A_453 = vector.shape_cast %get3A_452 : vector<1x8x512xf32> to vector<8x512xf32>
    %mul3A_454 = arith.constant 1.44269502 : f32
    %mul3A_455 = vector.broadcast %mul3A_454 : f32 to vector<8x512xf32>
    %mul3A_456 = arith.mulf %get3A_448, %mul3A_455 : vector<8x512xf32>
    %exp23A_457 = math.exp2 %mul3A_456 : vector<8x512xf32>
    %add3A_458 = arith.constant 1.000000e+00 : f32
    %add3A_459 = vector.broadcast %add3A_458 : f32 to vector<8x512xf32>
    %add3A_460 = arith.addf %add3A_459, %exp23A_457 : vector<8x512xf32>
    %log3A_461 = math.log %add3A_460 : vector<8x512xf32>
    %log3A_462 = arith.constant 2.000000e+00 : f32
    %log3A_463 = math.log %log3A_462 : f32
    %div3A_464 = vector.broadcast %log3A_463 : f32 to vector<8x512xf32>
    %div3A_465 = arith.divf %log3A_461, %div3A_464 : vector<8x512xf32>
    %mul3A_466 = arith.mulf %get3A_453, %mul3A_456 : vector<8x512xf32>
    %sub3A_467 = arith.subf %div3A_465, %mul3A_466 : vector<8x512xf32>
    %add3A_468 = arith.addf %add3A_443, %sub3A_467 : vector<8x512xf32>
    %get3A_469 = arith.constant 0 : index
    %get3A_470 = arith.constant 152 : index
    %get3A_471 = arith.constant 0 : index
    %get3A_472 = vector.load %arg1[%get3A_469, %get3A_470, %get3A_471] : memref<1x512x512xf32, #tpu.memory_space<vmem>>, vector<1x8x512xf32>
    %get3A_473 = vector.shape_cast %get3A_472 : vector<1x8x512xf32> to vector<8x512xf32>
    %get3A_474 = arith.constant 0 : index
    %get3A_475 = arith.constant 152 : index
    %get3A_476 = arith.constant 0 : index
    %get3A_477 = vector.load %arg2[%get3A_474, %get3A_475, %get3A_476] : memref<1x512x512xf32, #tpu.memory_space<vmem>>, vector<1x8x512xf32>
    %get3A_478 = vector.shape_cast %get3A_477 : vector<1x8x512xf32> to vector<8x512xf32>
    %mul3A_479 = arith.constant 1.44269502 : f32
    %mul3A_480 = vector.broadcast %mul3A_479 : f32 to vector<8x512xf32>
    %mul3A_481 = arith.mulf %get3A_473, %mul3A_480 : vector<8x512xf32>
    %exp23A_482 = math.exp2 %mul3A_481 : vector<8x512xf32>
    %add3A_483 = arith.constant 1.000000e+00 : f32
    %add3A_484 = vector.broadcast %add3A_483 : f32 to vector<8x512xf32>
    %add3A_485 = arith.addf %add3A_484, %exp23A_482 : vector<8x512xf32>
    %log3A_486 = math.log %add3A_485 : vector<8x512xf32>
    %log3A_487 = arith.constant 2.000000e+00 : f32
    %log3A_488 = math.log %log3A_487 : f32
    %div3A_489 = vector.broadcast %log3A_488 : f32 to vector<8x512xf32>
    %div3A_490 = arith.divf %log3A_486, %div3A_489 : vector<8x512xf32>
    %mul3A_491 = arith.mulf %get3A_478, %mul3A_481 : vector<8x512xf32>
    %sub3A_492 = arith.subf %div3A_490, %mul3A_491 : vector<8x512xf32>
    %add3A_493 = arith.addf %add3A_468, %sub3A_492 : vector<8x512xf32>
    %get3A_494 = arith.constant 0 : index
    %get3A_495 = arith.constant 160 : index
    %get3A_496 = arith.constant 0 : index
    %get3A_497 = vector.load %arg1[%get3A_494, %get3A_495, %get3A_496] : memref<1x512x512xf32, #tpu.memory_space<vmem>>, vector<1x8x512xf32>
    %get3A_498 = vector.shape_cast %get3A_497 : vector<1x8x512xf32> to vector<8x512xf32>
    %get3A_499 = arith.constant 0 : index
    %get3A_500 = arith.constant 160 : index
    %get3A_501 = arith.constant 0 : index
    %get3A_502 = vector.load %arg2[%get3A_499, %get3A_500, %get3A_501] : memref<1x512x512xf32, #tpu.memory_space<vmem>>, vector<1x8x512xf32>
    %get3A_503 = vector.shape_cast %get3A_502 : vector<1x8x512xf32> to vector<8x512xf32>
    %mul3A_504 = arith.constant 1.44269502 : f32
    %mul3A_505 = vector.broadcast %mul3A_504 : f32 to vector<8x512xf32>
    %mul3A_506 = arith.mulf %get3A_498, %mul3A_505 : vector<8x512xf32>
    %exp23A_507 = math.exp2 %mul3A_506 : vector<8x512xf32>
    %add3A_508 = arith.constant 1.000000e+00 : f32
    %add3A_509 = vector.broadcast %add3A_508 : f32 to vector<8x512xf32>
    %add3A_510 = arith.addf %add3A_509, %exp23A_507 : vector<8x512xf32>
    %log3A_511 = math.log %add3A_510 : vector<8x512xf32>
    %log3A_512 = arith.constant 2.000000e+00 : f32
    %log3A_513 = math.log %log3A_512 : f32
    %div3A_514 = vector.broadcast %log3A_513 : f32 to vector<8x512xf32>
    %div3A_515 = arith.divf %log3A_511, %div3A_514 : vector<8x512xf32>
    %mul3A_516 = arith.mulf %get3A_503, %mul3A_506 : vector<8x512xf32>
    %sub3A_517 = arith.subf %div3A_515, %mul3A_516 : vector<8x512xf32>
    %add3A_518 = arith.addf %add3A_493, %sub3A_517 : vector<8x512xf32>
    %get3A_519 = arith.constant 0 : index
    %get3A_520 = arith.constant 168 : index
    %get3A_521 = arith.constant 0 : index
    %get3A_522 = vector.load %arg1[%get3A_519, %get3A_520, %get3A_521] : memref<1x512x512xf32, #tpu.memory_space<vmem>>, vector<1x8x512xf32>
    %get3A_523 = vector.shape_cast %get3A_522 : vector<1x8x512xf32> to vector<8x512xf32>
    %get3A_524 = arith.constant 0 : index
    %get3A_525 = arith.constant 168 : index
    %get3A_526 = arith.constant 0 : index
    %get3A_527 = vector.load %arg2[%get3A_524, %get3A_525, %get3A_526] : memref<1x512x512xf32, #tpu.memory_space<vmem>>, vector<1x8x512xf32>
    %get3A_528 = vector.shape_cast %get3A_527 : vector<1x8x512xf32> to vector<8x512xf32>
    %mul3A_529 = arith.constant 1.44269502 : f32
    %mul3A_530 = vector.broadcast %mul3A_529 : f32 to vector<8x512xf32>
    %mul3A_531 = arith.mulf %get3A_523, %mul3A_530 : vector<8x512xf32>
    %exp23A_532 = math.exp2 %mul3A_531 : vector<8x512xf32>
    %add3A_533 = arith.constant 1.000000e+00 : f32
    %add3A_534 = vector.broadcast %add3A_533 : f32 to vector<8x512xf32>
    %add3A_535 = arith.addf %add3A_534, %exp23A_532 : vector<8x512xf32>
    %log3A_536 = math.log %add3A_535 : vector<8x512xf32>
    %log3A_537 = arith.constant 2.000000e+00 : f32
    %log3A_538 = math.log %log3A_537 : f32
    %div3A_539 = vector.broadcast %log3A_538 : f32 to vector<8x512xf32>
    %div3A_540 = arith.divf %log3A_536, %div3A_539 : vector<8x512xf32>
    %mul3A_541 = arith.mulf %get3A_528, %mul3A_531 : vector<8x512xf32>
    %sub3A_542 = arith.subf %div3A_540, %mul3A_541 : vector<8x512xf32>
    %add3A_543 = arith.addf %add3A_518, %sub3A_542 : vector<8x512xf32>
    %get3A_544 = arith.constant 0 : index
    %get3A_545 = arith.constant 176 : index
    %get3A_546 = arith.constant 0 : index
    %get3A_547 = vector.load %arg1[%get3A_544, %get3A_545, %get3A_546] : memref<1x512x512xf32, #tpu.memory_space<vmem>>, vector<1x8x512xf32>
    %get3A_548 = vector.shape_cast %get3A_547 : vector<1x8x512xf32> to vector<8x512xf32>
    %get3A_549 = arith.constant 0 : index
    %get3A_550 = arith.constant 176 : index
    %get3A_551 = arith.constant 0 : index
    %get3A_552 = vector.load %arg2[%get3A_549, %get3A_550, %get3A_551] : memref<1x512x512xf32, #tpu.memory_space<vmem>>, vector<1x8x512xf32>
    %get3A_553 = vector.shape_cast %get3A_552 : vector<1x8x512xf32> to vector<8x512xf32>
    %mul3A_554 = arith.constant 1.44269502 : f32
    %mul3A_555 = vector.broadcast %mul3A_554 : f32 to vector<8x512xf32>
    %mul3A_556 = arith.mulf %get3A_548, %mul3A_555 : vector<8x512xf32>
    %exp23A_557 = math.exp2 %mul3A_556 : vector<8x512xf32>
    %add3A_558 = arith.constant 1.000000e+00 : f32
    %add3A_559 = vector.broadcast %add3A_558 : f32 to vector<8x512xf32>
    %add3A_560 = arith.addf %add3A_559, %exp23A_557 : vector<8x512xf32>
    %log3A_561 = math.log %add3A_560 : vector<8x512xf32>
    %log3A_562 = arith.constant 2.000000e+00 : f32
    %log3A_563 = math.log %log3A_562 : f32
    %div3A_564 = vector.broadcast %log3A_563 : f32 to vector<8x512xf32>
    %div3A_565 = arith.divf %log3A_561, %div3A_564 : vector<8x512xf32>
    %mul3A_566 = arith.mulf %get3A_553, %mul3A_556 : vector<8x512xf32>
    %sub3A_567 = arith.subf %div3A_565, %mul3A_566 : vector<8x512xf32>
    %add3A_568 = arith.addf %add3A_543, %sub3A_567 : vector<8x512xf32>
    %get3A_569 = arith.constant 0 : index
    %get3A_570 = arith.constant 184 : index
    %get3A_571 = arith.constant 0 : index
    %get3A_572 = vector.load %arg1[%get3A_569, %get3A_570, %get3A_571] : memref<1x512x512xf32, #tpu.memory_space<vmem>>, vector<1x8x512xf32>
    %get3A_573 = vector.shape_cast %get3A_572 : vector<1x8x512xf32> to vector<8x512xf32>
    %get3A_574 = arith.constant 0 : index
    %get3A_575 = arith.constant 184 : index
    %get3A_576 = arith.constant 0 : index
    %get3A_577 = vector.load %arg2[%get3A_574, %get3A_575, %get3A_576] : memref<1x512x512xf32, #tpu.memory_space<vmem>>, vector<1x8x512xf32>
    %get3A_578 = vector.shape_cast %get3A_577 : vector<1x8x512xf32> to vector<8x512xf32>
    %mul3A_579 = arith.constant 1.44269502 : f32
    %mul3A_580 = vector.broadcast %mul3A_579 : f32 to vector<8x512xf32>
    %mul3A_581 = arith.mulf %get3A_573, %mul3A_580 : vector<8x512xf32>
    %exp23A_582 = math.exp2 %mul3A_581 : vector<8x512xf32>
    %add3A_583 = arith.constant 1.000000e+00 : f32
    %add3A_584 = vector.broadcast %add3A_583 : f32 to vector<8x512xf32>
    %add3A_585 = arith.addf %add3A_584, %exp23A_582 : vector<8x512xf32>
    %log3A_586 = math.log %add3A_585 : vector<8x512xf32>
    %log3A_587 = arith.constant 2.000000e+00 : f32
    %log3A_588 = math.log %log3A_587 : f32
    %div3A_589 = vector.broadcast %log3A_588 : f32 to vector<8x512xf32>
    %div3A_590 = arith.divf %log3A_586, %div3A_589 : vector<8x512xf32>
    %mul3A_591 = arith.mulf %get3A_578, %mul3A_581 : vector<8x512xf32>
    %sub3A_592 = arith.subf %div3A_590, %mul3A_591 : vector<8x512xf32>
    %add3A_593 = arith.addf %add3A_568, %sub3A_592 : vector<8x512xf32>
    %get3A_594 = arith.constant 0 : index
    %get3A_595 = arith.constant 192 : index
    %get3A_596 = arith.constant 0 : index
    %get3A_597 = vector.load %arg1[%get3A_594, %get3A_595, %get3A_596] : memref<1x512x512xf32, #tpu.memory_space<vmem>>, vector<1x8x512xf32>
    %get3A_598 = vector.shape_cast %get3A_597 : vector<1x8x512xf32> to vector<8x512xf32>
    %get3A_599 = arith.constant 0 : index
    %get3A_600 = arith.constant 192 : index
    %get3A_601 = arith.constant 0 : index
    %get3A_602 = vector.load %arg2[%get3A_599, %get3A_600, %get3A_601] : memref<1x512x512xf32, #tpu.memory_space<vmem>>, vector<1x8x512xf32>
    %get3A_603 = vector.shape_cast %get3A_602 : vector<1x8x512xf32> to vector<8x512xf32>
    %mul3A_604 = arith.constant 1.44269502 : f32
    %mul3A_605 = vector.broadcast %mul3A_604 : f32 to vector<8x512xf32>
    %mul3A_606 = arith.mulf %get3A_598, %mul3A_605 : vector<8x512xf32>
    %exp23A_607 = math.exp2 %mul3A_606 : vector<8x512xf32>
    %add3A_608 = arith.constant 1.000000e+00 : f32
    %add3A_609 = vector.broadcast %add3A_608 : f32 to vector<8x512xf32>
    %add3A_610 = arith.addf %add3A_609, %exp23A_607 : vector<8x512xf32>
    %log3A_611 = math.log %add3A_610 : vector<8x512xf32>
    %log3A_612 = arith.constant 2.000000e+00 : f32
    %log3A_613 = math.log %log3A_612 : f32
    %div3A_614 = vector.broadcast %log3A_613 : f32 to vector<8x512xf32>
    %div3A_615 = arith.divf %log3A_611, %div3A_614 : vector<8x512xf32>
    %mul3A_616 = arith.mulf %get3A_603, %mul3A_606 : vector<8x512xf32>
    %sub3A_617 = arith.subf %div3A_615, %mul3A_616 : vector<8x512xf32>
    %add3A_618 = arith.addf %add3A_593, %sub3A_617 : vector<8x512xf32>
    %get3A_619 = arith.constant 0 : index
    %get3A_620 = arith.constant 200 : index
    %get3A_621 = arith.constant 0 : index
    %get3A_622 = vector.load %arg1[%get3A_619, %get3A_620, %get3A_621] : memref<1x512x512xf32, #tpu.memory_space<vmem>>, vector<1x8x512xf32>
    %get3A_623 = vector.shape_cast %get3A_622 : vector<1x8x512xf32> to vector<8x512xf32>
    %get3A_624 = arith.constant 0 : index
    %get3A_625 = arith.constant 200 : index
    %get3A_626 = arith.constant 0 : index
    %get3A_627 = vector.load %arg2[%get3A_624, %get3A_625, %get3A_626] : memref<1x512x512xf32, #tpu.memory_space<vmem>>, vector<1x8x512xf32>
    %get3A_628 = vector.shape_cast %get3A_627 : vector<1x8x512xf32> to vector<8x512xf32>
    %mul3A_629 = arith.constant 1.44269502 : f32
    %mul3A_630 = vector.broadcast %mul3A_629 : f32 to vector<8x512xf32>
    %mul3A_631 = arith.mulf %get3A_623, %mul3A_630 : vector<8x512xf32>
    %exp23A_632 = math.exp2 %mul3A_631 : vector<8x512xf32>
    %add3A_633 = arith.constant 1.000000e+00 : f32
    %add3A_634 = vector.broadcast %add3A_633 : f32 to vector<8x512xf32>
    %add3A_635 = arith.addf %add3A_634, %exp23A_632 : vector<8x512xf32>
    %log3A_636 = math.log %add3A_635 : vector<8x512xf32>
    %log3A_637 = arith.constant 2.000000e+00 : f32
    %log3A_638 = math.log %log3A_637 : f32
    %div3A_639 = vector.broadcast %log3A_638 : f32 to vector<8x512xf32>
    %div3A_640 = arith.divf %log3A_636, %div3A_639 : vector<8x512xf32>
    %mul3A_641 = arith.mulf %get3A_628, %mul3A_631 : vector<8x512xf32>
    %sub3A_642 = arith.subf %div3A_640, %mul3A_641 : vector<8x512xf32>
    %add3A_643 = arith.addf %add3A_618, %sub3A_642 : vector<8x512xf32>
    %get3A_644 = arith.constant 0 : index
    %get3A_645 = arith.constant 208 : index
    %get3A_646 = arith.constant 0 : index
    %get3A_647 = vector.load %arg1[%get3A_644, %get3A_645, %get3A_646] : memref<1x512x512xf32, #tpu.memory_space<vmem>>, vector<1x8x512xf32>
    %get3A_648 = vector.shape_cast %get3A_647 : vector<1x8x512xf32> to vector<8x512xf32>
    %get3A_649 = arith.constant 0 : index
    %get3A_650 = arith.constant 208 : index
    %get3A_651 = arith.constant 0 : index
    %get3A_652 = vector.load %arg2[%get3A_649, %get3A_650, %get3A_651] : memref<1x512x512xf32, #tpu.memory_space<vmem>>, vector<1x8x512xf32>
    %get3A_653 = vector.shape_cast %get3A_652 : vector<1x8x512xf32> to vector<8x512xf32>
    %mul3A_654 = arith.constant 1.44269502 : f32
    %mul3A_655 = vector.broadcast %mul3A_654 : f32 to vector<8x512xf32>
    %mul3A_656 = arith.mulf %get3A_648, %mul3A_655 : vector<8x512xf32>
    %exp23A_657 = math.exp2 %mul3A_656 : vector<8x512xf32>
    %add3A_658 = arith.constant 1.000000e+00 : f32
    %add3A_659 = vector.broadcast %add3A_658 : f32 to vector<8x512xf32>
    %add3A_660 = arith.addf %add3A_659, %exp23A_657 : vector<8x512xf32>
    %log3A_661 = math.log %add3A_660 : vector<8x512xf32>
    %log3A_662 = arith.constant 2.000000e+00 : f32
    %log3A_663 = math.log %log3A_662 : f32
    %div3A_664 = vector.broadcast %log3A_663 : f32 to vector<8x512xf32>
    %div3A_665 = arith.divf %log3A_661, %div3A_664 : vector<8x512xf32>
    %mul3A_666 = arith.mulf %get3A_653, %mul3A_656 : vector<8x512xf32>
    %sub3A_667 = arith.subf %div3A_665, %mul3A_666 : vector<8x512xf32>
    %add3A_668 = arith.addf %add3A_643, %sub3A_667 : vector<8x512xf32>
    %get3A_669 = arith.constant 0 : index
    %get3A_670 = arith.constant 216 : index
    %get3A_671 = arith.constant 0 : index
    %get3A_672 = vector.load %arg1[%get3A_669, %get3A_670, %get3A_671] : memref<1x512x512xf32, #tpu.memory_space<vmem>>, vector<1x8x512xf32>
    %get3A_673 = vector.shape_cast %get3A_672 : vector<1x8x512xf32> to vector<8x512xf32>
    %get3A_674 = arith.constant 0 : index
    %get3A_675 = arith.constant 216 : index
    %get3A_676 = arith.constant 0 : index
    %get3A_677 = vector.load %arg2[%get3A_674, %get3A_675, %get3A_676] : memref<1x512x512xf32, #tpu.memory_space<vmem>>, vector<1x8x512xf32>
    %get3A_678 = vector.shape_cast %get3A_677 : vector<1x8x512xf32> to vector<8x512xf32>
    %mul3A_679 = arith.constant 1.44269502 : f32
    %mul3A_680 = vector.broadcast %mul3A_679 : f32 to vector<8x512xf32>
    %mul3A_681 = arith.mulf %get3A_673, %mul3A_680 : vector<8x512xf32>
    %exp23A_682 = math.exp2 %mul3A_681 : vector<8x512xf32>
    %add3A_683 = arith.constant 1.000000e+00 : f32
    %add3A_684 = vector.broadcast %add3A_683 : f32 to vector<8x512xf32>
    %add3A_685 = arith.addf %add3A_684, %exp23A_682 : vector<8x512xf32>
    %log3A_686 = math.log %add3A_685 : vector<8x512xf32>
    %log3A_687 = arith.constant 2.000000e+00 : f32
    %log3A_688 = math.log %log3A_687 : f32
    %div3A_689 = vector.broadcast %log3A_688 : f32 to vector<8x512xf32>
    %div3A_690 = arith.divf %log3A_686, %div3A_689 : vector<8x512xf32>
    %mul3A_691 = arith.mulf %get3A_678, %mul3A_681 : vector<8x512xf32>
    %sub3A_692 = arith.subf %div3A_690, %mul3A_691 : vector<8x512xf32>
    %add3A_693 = arith.addf %add3A_668, %sub3A_692 : vector<8x512xf32>
    %get3A_694 = arith.constant 0 : index
    %get3A_695 = arith.constant 224 : index
    %get3A_696 = arith.constant 0 : index
    %get3A_697 = vector.load %arg1[%get3A_694, %get3A_695, %get3A_696] : memref<1x512x512xf32, #tpu.memory_space<vmem>>, vector<1x8x512xf32>
    %get3A_698 = vector.shape_cast %get3A_697 : vector<1x8x512xf32> to vector<8x512xf32>
    %get3A_699 = arith.constant 0 : index
    %get3A_700 = arith.constant 224 : index
    %get3A_701 = arith.constant 0 : index
    %get3A_702 = vector.load %arg2[%get3A_699, %get3A_700, %get3A_701] : memref<1x512x512xf32, #tpu.memory_space<vmem>>, vector<1x8x512xf32>
    %get3A_703 = vector.shape_cast %get3A_702 : vector<1x8x512xf32> to vector<8x512xf32>
    %mul3A_704 = arith.constant 1.44269502 : f32
    %mul3A_705 = vector.broadcast %mul3A_704 : f32 to vector<8x512xf32>
    %mul3A_706 = arith.mulf %get3A_698, %mul3A_705 : vector<8x512xf32>
    %exp23A_707 = math.exp2 %mul3A_706 : vector<8x512xf32>
    %add3A_708 = arith.constant 1.000000e+00 : f32
    %add3A_709 = vector.broadcast %add3A_708 : f32 to vector<8x512xf32>
    %add3A_710 = arith.addf %add3A_709, %exp23A_707 : vector<8x512xf32>
    %log3A_711 = math.log %add3A_710 : vector<8x512xf32>
    %log3A_712 = arith.constant 2.000000e+00 : f32
    %log3A_713 = math.log %log3A_712 : f32
    %div3A_714 = vector.broadcast %log3A_713 : f32 to vector<8x512xf32>
    %div3A_715 = arith.divf %log3A_711, %div3A_714 : vector<8x512xf32>
    %mul3A_716 = arith.mulf %get3A_703, %mul3A_706 : vector<8x512xf32>
    %sub3A_717 = arith.subf %div3A_715, %mul3A_716 : vector<8x512xf32>
    %add3A_718 = arith.addf %add3A_693, %sub3A_717 : vector<8x512xf32>
    %get3A_719 = arith.constant 0 : index
    %get3A_720 = arith.constant 232 : index
    %get3A_721 = arith.constant 0 : index
    %get3A_722 = vector.load %arg1[%get3A_719, %get3A_720, %get3A_721] : memref<1x512x512xf32, #tpu.memory_space<vmem>>, vector<1x8x512xf32>
    %get3A_723 = vector.shape_cast %get3A_722 : vector<1x8x512xf32> to vector<8x512xf32>
    %get3A_724 = arith.constant 0 : index
    %get3A_725 = arith.constant 232 : index
    %get3A_726 = arith.constant 0 : index
    %get3A_727 = vector.load %arg2[%get3A_724, %get3A_725, %get3A_726] : memref<1x512x512xf32, #tpu.memory_space<vmem>>, vector<1x8x512xf32>
    %get3A_728 = vector.shape_cast %get3A_727 : vector<1x8x512xf32> to vector<8x512xf32>
    %mul3A_729 = arith.constant 1.44269502 : f32
    %mul3A_730 = vector.broadcast %mul3A_729 : f32 to vector<8x512xf32>
    %mul3A_731 = arith.mulf %get3A_723, %mul3A_730 : vector<8x512xf32>
    %exp23A_732 = math.exp2 %mul3A_731 : vector<8x512xf32>
    %add3A_733 = arith.constant 1.000000e+00 : f32
    %add3A_734 = vector.broadcast %add3A_733 : f32 to vector<8x512xf32>
    %add3A_735 = arith.addf %add3A_734, %exp23A_732 : vector<8x512xf32>
    %log3A_736 = math.log %add3A_735 : vector<8x512xf32>
    %log3A_737 = arith.constant 2.000000e+00 : f32
    %log3A_738 = math.log %log3A_737 : f32
    %div3A_739 = vector.broadcast %log3A_738 : f32 to vector<8x512xf32>
    %div3A_740 = arith.divf %log3A_736, %div3A_739 : vector<8x512xf32>
    %mul3A_741 = arith.mulf %get3A_728, %mul3A_731 : vector<8x512xf32>
    %sub3A_742 = arith.subf %div3A_740, %mul3A_741 : vector<8x512xf32>
    %add3A_743 = arith.addf %add3A_718, %sub3A_742 : vector<8x512xf32>
    %get3A_744 = arith.constant 0 : index
    %get3A_745 = arith.constant 240 : index
    %get3A_746 = arith.constant 0 : index
    %get3A_747 = vector.load %arg1[%get3A_744, %get3A_745, %get3A_746] : memref<1x512x512xf32, #tpu.memory_space<vmem>>, vector<1x8x512xf32>
    %get3A_748 = vector.shape_cast %get3A_747 : vector<1x8x512xf32> to vector<8x512xf32>
    %get3A_749 = arith.constant 0 : index
    %get3A_750 = arith.constant 240 : index
    %get3A_751 = arith.constant 0 : index
    %get3A_752 = vector.load %arg2[%get3A_749, %get3A_750, %get3A_751] : memref<1x512x512xf32, #tpu.memory_space<vmem>>, vector<1x8x512xf32>
    %get3A_753 = vector.shape_cast %get3A_752 : vector<1x8x512xf32> to vector<8x512xf32>
    %mul3A_754 = arith.constant 1.44269502 : f32
    %mul3A_755 = vector.broadcast %mul3A_754 : f32 to vector<8x512xf32>
    %mul3A_756 = arith.mulf %get3A_748, %mul3A_755 : vector<8x512xf32>
    %exp23A_757 = math.exp2 %mul3A_756 : vector<8x512xf32>
    %add3A_758 = arith.constant 1.000000e+00 : f32
    %add3A_759 = vector.broadcast %add3A_758 : f32 to vector<8x512xf32>
    %add3A_760 = arith.addf %add3A_759, %exp23A_757 : vector<8x512xf32>
    %log3A_761 = math.log %add3A_760 : vector<8x512xf32>
    %log3A_762 = arith.constant 2.000000e+00 : f32
    %log3A_763 = math.log %log3A_762 : f32
    %div3A_764 = vector.broadcast %log3A_763 : f32 to vector<8x512xf32>
    %div3A_765 = arith.divf %log3A_761, %div3A_764 : vector<8x512xf32>
    %mul3A_766 = arith.mulf %get3A_753, %mul3A_756 : vector<8x512xf32>
    %sub3A_767 = arith.subf %div3A_765, %mul3A_766 : vector<8x512xf32>
    %add3A_768 = arith.addf %add3A_743, %sub3A_767 : vector<8x512xf32>
    %get3A_769 = arith.constant 0 : index
    %get3A_770 = arith.constant 248 : index
    %get3A_771 = arith.constant 0 : index
    %get3A_772 = vector.load %arg1[%get3A_769, %get3A_770, %get3A_771] : memref<1x512x512xf32, #tpu.memory_space<vmem>>, vector<1x8x512xf32>
    %get3A_773 = vector.shape_cast %get3A_772 : vector<1x8x512xf32> to vector<8x512xf32>
    %get3A_774 = arith.constant 0 : index
    %get3A_775 = arith.constant 248 : index
    %get3A_776 = arith.constant 0 : index
    %get3A_777 = vector.load %arg2[%get3A_774, %get3A_775, %get3A_776] : memref<1x512x512xf32, #tpu.memory_space<vmem>>, vector<1x8x512xf32>
    %get3A_778 = vector.shape_cast %get3A_777 : vector<1x8x512xf32> to vector<8x512xf32>
    %mul3A_779 = arith.constant 1.44269502 : f32
    %mul3A_780 = vector.broadcast %mul3A_779 : f32 to vector<8x512xf32>
    %mul3A_781 = arith.mulf %get3A_773, %mul3A_780 : vector<8x512xf32>
    %exp23A_782 = math.exp2 %mul3A_781 : vector<8x512xf32>
    %add3A_783 = arith.constant 1.000000e+00 : f32
    %add3A_784 = vector.broadcast %add3A_783 : f32 to vector<8x512xf32>
    %add3A_785 = arith.addf %add3A_784, %exp23A_782 : vector<8x512xf32>
    %log3A_786 = math.log %add3A_785 : vector<8x512xf32>
    %log3A_787 = arith.constant 2.000000e+00 : f32
    %log3A_788 = math.log %log3A_787 : f32
    %div3A_789 = vector.broadcast %log3A_788 : f32 to vector<8x512xf32>
    %div3A_790 = arith.divf %log3A_786, %div3A_789 : vector<8x512xf32>
    %mul3A_791 = arith.mulf %get3A_778, %mul3A_781 : vector<8x512xf32>
    %sub3A_792 = arith.subf %div3A_790, %mul3A_791 : vector<8x512xf32>
    %add3A_793 = arith.addf %add3A_768, %sub3A_792 : vector<8x512xf32>
    %get3A_794 = arith.constant 0 : index
    %get3A_795 = arith.constant 256 : index
    %get3A_796 = arith.constant 0 : index
    %get3A_797 = vector.load %arg1[%get3A_794, %get3A_795, %get3A_796] : memref<1x512x512xf32, #tpu.memory_space<vmem>>, vector<1x8x512xf32>
    %get3A_798 = vector.shape_cast %get3A_797 : vector<1x8x512xf32> to vector<8x512xf32>
    %get3A_799 = arith.constant 0 : index
    %get3A_800 = arith.constant 256 : index
    %get3A_801 = arith.constant 0 : index
    %get3A_802 = vector.load %arg2[%get3A_799, %get3A_800, %get3A_801] : memref<1x512x512xf32, #tpu.memory_space<vmem>>, vector<1x8x512xf32>
    %get3A_803 = vector.shape_cast %get3A_802 : vector<1x8x512xf32> to vector<8x512xf32>
    %mul3A_804 = arith.constant 1.44269502 : f32
    %mul3A_805 = vector.broadcast %mul3A_804 : f32 to vector<8x512xf32>
    %mul3A_806 = arith.mulf %get3A_798, %mul3A_805 : vector<8x512xf32>
    %exp23A_807 = math.exp2 %mul3A_806 : vector<8x512xf32>
    %add3A_808 = arith.constant 1.000000e+00 : f32
    %add3A_809 = vector.broadcast %add3A_808 : f32 to vector<8x512xf32>
    %add3A_810 = arith.addf %add3A_809, %exp23A_807 : vector<8x512xf32>
    %log3A_811 = math.log %add3A_810 : vector<8x512xf32>
    %log3A_812 = arith.constant 2.000000e+00 : f32
    %log3A_813 = math.log %log3A_812 : f32
    %div3A_814 = vector.broadcast %log3A_813 : f32 to vector<8x512xf32>
    %div3A_815 = arith.divf %log3A_811, %div3A_814 : vector<8x512xf32>
    %mul3A_816 = arith.mulf %get3A_803, %mul3A_806 : vector<8x512xf32>
    %sub3A_817 = arith.subf %div3A_815, %mul3A_816 : vector<8x512xf32>
    %add3A_818 = arith.addf %add3A_793, %sub3A_817 : vector<8x512xf32>
    %get3A_819 = arith.constant 0 : index
    %get3A_820 = arith.constant 264 : index
    %get3A_821 = arith.constant 0 : index
    %get3A_822 = vector.load %arg1[%get3A_819, %get3A_820, %get3A_821] : memref<1x512x512xf32, #tpu.memory_space<vmem>>, vector<1x8x512xf32>
    %get3A_823 = vector.shape_cast %get3A_822 : vector<1x8x512xf32> to vector<8x512xf32>
    %get3A_824 = arith.constant 0 : index
    %get3A_825 = arith.constant 264 : index
    %get3A_826 = arith.constant 0 : index
    %get3A_827 = vector.load %arg2[%get3A_824, %get3A_825, %get3A_826] : memref<1x512x512xf32, #tpu.memory_space<vmem>>, vector<1x8x512xf32>
    %get3A_828 = vector.shape_cast %get3A_827 : vector<1x8x512xf32> to vector<8x512xf32>
    %mul3A_829 = arith.constant 1.44269502 : f32
    %mul3A_830 = vector.broadcast %mul3A_829 : f32 to vector<8x512xf32>
    %mul3A_831 = arith.mulf %get3A_823, %mul3A_830 : vector<8x512xf32>
    %exp23A_832 = math.exp2 %mul3A_831 : vector<8x512xf32>
    %add3A_833 = arith.constant 1.000000e+00 : f32
    %add3A_834 = vector.broadcast %add3A_833 : f32 to vector<8x512xf32>
    %add3A_835 = arith.addf %add3A_834, %exp23A_832 : vector<8x512xf32>
    %log3A_836 = math.log %add3A_835 : vector<8x512xf32>
    %log3A_837 = arith.constant 2.000000e+00 : f32
    %log3A_838 = math.log %log3A_837 : f32
    %div3A_839 = vector.broadcast %log3A_838 : f32 to vector<8x512xf32>
    %div3A_840 = arith.divf %log3A_836, %div3A_839 : vector<8x512xf32>
    %mul3A_841 = arith.mulf %get3A_828, %mul3A_831 : vector<8x512xf32>
    %sub3A_842 = arith.subf %div3A_840, %mul3A_841 : vector<8x512xf32>
    %add3A_843 = arith.addf %add3A_818, %sub3A_842 : vector<8x512xf32>
    %get3A_844 = arith.constant 0 : index
    %get3A_845 = arith.constant 272 : index
    %get3A_846 = arith.constant 0 : index
    %get3A_847 = vector.load %arg1[%get3A_844, %get3A_845, %get3A_846] : memref<1x512x512xf32, #tpu.memory_space<vmem>>, vector<1x8x512xf32>
    %get3A_848 = vector.shape_cast %get3A_847 : vector<1x8x512xf32> to vector<8x512xf32>
    %get3A_849 = arith.constant 0 : index
    %get3A_850 = arith.constant 272 : index
    %get3A_851 = arith.constant 0 : index
    %get3A_852 = vector.load %arg2[%get3A_849, %get3A_850, %get3A_851] : memref<1x512x512xf32, #tpu.memory_space<vmem>>, vector<1x8x512xf32>
    %get3A_853 = vector.shape_cast %get3A_852 : vector<1x8x512xf32> to vector<8x512xf32>
    %mul3A_854 = arith.constant 1.44269502 : f32
    %mul3A_855 = vector.broadcast %mul3A_854 : f32 to vector<8x512xf32>
    %mul3A_856 = arith.mulf %get3A_848, %mul3A_855 : vector<8x512xf32>
    %exp23A_857 = math.exp2 %mul3A_856 : vector<8x512xf32>
    %add3A_858 = arith.constant 1.000000e+00 : f32
    %add3A_859 = vector.broadcast %add3A_858 : f32 to vector<8x512xf32>
    %add3A_860 = arith.addf %add3A_859, %exp23A_857 : vector<8x512xf32>
    %log3A_861 = math.log %add3A_860 : vector<8x512xf32>
    %log3A_862 = arith.constant 2.000000e+00 : f32
    %log3A_863 = math.log %log3A_862 : f32
    %div3A_864 = vector.broadcast %log3A_863 : f32 to vector<8x512xf32>
    %div3A_865 = arith.divf %log3A_861, %div3A_864 : vector<8x512xf32>
    %mul3A_866 = arith.mulf %get3A_853, %mul3A_856 : vector<8x512xf32>
    %sub3A_867 = arith.subf %div3A_865, %mul3A_866 : vector<8x512xf32>
    %add3A_868 = arith.addf %add3A_843, %sub3A_867 : vector<8x512xf32>
    %get3A_869 = arith.constant 0 : index
    %get3A_870 = arith.constant 280 : index
    %get3A_871 = arith.constant 0 : index
    %get3A_872 = vector.load %arg1[%get3A_869, %get3A_870, %get3A_871] : memref<1x512x512xf32, #tpu.memory_space<vmem>>, vector<1x8x512xf32>
    %get3A_873 = vector.shape_cast %get3A_872 : vector<1x8x512xf32> to vector<8x512xf32>
    %get3A_874 = arith.constant 0 : index
    %get3A_875 = arith.constant 280 : index
    %get3A_876 = arith.constant 0 : index
    %get3A_877 = vector.load %arg2[%get3A_874, %get3A_875, %get3A_876] : memref<1x512x512xf32, #tpu.memory_space<vmem>>, vector<1x8x512xf32>
    %get3A_878 = vector.shape_cast %get3A_877 : vector<1x8x512xf32> to vector<8x512xf32>
    %mul3A_879 = arith.constant 1.44269502 : f32
    %mul3A_880 = vector.broadcast %mul3A_879 : f32 to vector<8x512xf32>
    %mul3A_881 = arith.mulf %get3A_873, %mul3A_880 : vector<8x512xf32>
    %exp23A_882 = math.exp2 %mul3A_881 : vector<8x512xf32>
    %add3A_883 = arith.constant 1.000000e+00 : f32
    %add3A_884 = vector.broadcast %add3A_883 : f32 to vector<8x512xf32>
    %add3A_885 = arith.addf %add3A_884, %exp23A_882 : vector<8x512xf32>
    %log3A_886 = math.log %add3A_885 : vector<8x512xf32>
    %log3A_887 = arith.constant 2.000000e+00 : f32
    %log3A_888 = math.log %log3A_887 : f32
    %div3A_889 = vector.broadcast %log3A_888 : f32 to vector<8x512xf32>
    %div3A_890 = arith.divf %log3A_886, %div3A_889 : vector<8x512xf32>
    %mul3A_891 = arith.mulf %get3A_878, %mul3A_881 : vector<8x512xf32>
    %sub3A_892 = arith.subf %div3A_890, %mul3A_891 : vector<8x512xf32>
    %add3A_893 = arith.addf %add3A_868, %sub3A_892 : vector<8x512xf32>
    %get3A_894 = arith.constant 0 : index
    %get3A_895 = arith.constant 288 : index
    %get3A_896 = arith.constant 0 : index
    %get3A_897 = vector.load %arg1[%get3A_894, %get3A_895, %get3A_896] : memref<1x512x512xf32, #tpu.memory_space<vmem>>, vector<1x8x512xf32>
    %get3A_898 = vector.shape_cast %get3A_897 : vector<1x8x512xf32> to vector<8x512xf32>
    %get3A_899 = arith.constant 0 : index
    %get3A_900 = arith.constant 288 : index
    %get3A_901 = arith.constant 0 : index
    %get3A_902 = vector.load %arg2[%get3A_899, %get3A_900, %get3A_901] : memref<1x512x512xf32, #tpu.memory_space<vmem>>, vector<1x8x512xf32>
    %get3A_903 = vector.shape_cast %get3A_902 : vector<1x8x512xf32> to vector<8x512xf32>
    %mul3A_904 = arith.constant 1.44269502 : f32
    %mul3A_905 = vector.broadcast %mul3A_904 : f32 to vector<8x512xf32>
    %mul3A_906 = arith.mulf %get3A_898, %mul3A_905 : vector<8x512xf32>
    %exp23A_907 = math.exp2 %mul3A_906 : vector<8x512xf32>
    %add3A_908 = arith.constant 1.000000e+00 : f32
    %add3A_909 = vector.broadcast %add3A_908 : f32 to vector<8x512xf32>
    %add3A_910 = arith.addf %add3A_909, %exp23A_907 : vector<8x512xf32>
    %log3A_911 = math.log %add3A_910 : vector<8x512xf32>
    %log3A_912 = arith.constant 2.000000e+00 : f32
    %log3A_913 = math.log %log3A_912 : f32
    %div3A_914 = vector.broadcast %log3A_913 : f32 to vector<8x512xf32>
    %div3A_915 = arith.divf %log3A_911, %div3A_914 : vector<8x512xf32>
    %mul3A_916 = arith.mulf %get3A_903, %mul3A_906 : vector<8x512xf32>
    %sub3A_917 = arith.subf %div3A_915, %mul3A_916 : vector<8x512xf32>
    %add3A_918 = arith.addf %add3A_893, %sub3A_917 : vector<8x512xf32>
    %get3A_919 = arith.constant 0 : index
    %get3A_920 = arith.constant 296 : index
    %get3A_921 = arith.constant 0 : index
    %get3A_922 = vector.load %arg1[%get3A_919, %get3A_920, %get3A_921] : memref<1x512x512xf32, #tpu.memory_space<vmem>>, vector<1x8x512xf32>
    %get3A_923 = vector.shape_cast %get3A_922 : vector<1x8x512xf32> to vector<8x512xf32>
    %get3A_924 = arith.constant 0 : index
    %get3A_925 = arith.constant 296 : index
    %get3A_926 = arith.constant 0 : index
    %get3A_927 = vector.load %arg2[%get3A_924, %get3A_925, %get3A_926] : memref<1x512x512xf32, #tpu.memory_space<vmem>>, vector<1x8x512xf32>
    %get3A_928 = vector.shape_cast %get3A_927 : vector<1x8x512xf32> to vector<8x512xf32>
    %mul3A_929 = arith.constant 1.44269502 : f32
    %mul3A_930 = vector.broadcast %mul3A_929 : f32 to vector<8x512xf32>
    %mul3A_931 = arith.mulf %get3A_923, %mul3A_930 : vector<8x512xf32>
    %exp23A_932 = math.exp2 %mul3A_931 : vector<8x512xf32>
    %add3A_933 = arith.constant 1.000000e+00 : f32
    %add3A_934 = vector.broadcast %add3A_933 : f32 to vector<8x512xf32>
    %add3A_935 = arith.addf %add3A_934, %exp23A_932 : vector<8x512xf32>
    %log3A_936 = math.log %add3A_935 : vector<8x512xf32>
    %log3A_937 = arith.constant 2.000000e+00 : f32
    %log3A_938 = math.log %log3A_937 : f32
    %div3A_939 = vector.broadcast %log3A_938 : f32 to vector<8x512xf32>
    %div3A_940 = arith.divf %log3A_936, %div3A_939 : vector<8x512xf32>
    %mul3A_941 = arith.mulf %get3A_928, %mul3A_931 : vector<8x512xf32>
    %sub3A_942 = arith.subf %div3A_940, %mul3A_941 : vector<8x512xf32>
    %add3A_943 = arith.addf %add3A_918, %sub3A_942 : vector<8x512xf32>
    %get3A_944 = arith.constant 0 : index
    %get3A_945 = arith.constant 304 : index
    %get3A_946 = arith.constant 0 : index
    %get3A_947 = vector.load %arg1[%get3A_944, %get3A_945, %get3A_946] : memref<1x512x512xf32, #tpu.memory_space<vmem>>, vector<1x8x512xf32>
    %get3A_948 = vector.shape_cast %get3A_947 : vector<1x8x512xf32> to vector<8x512xf32>
    %get3A_949 = arith.constant 0 : index
    %get3A_950 = arith.constant 304 : index
    %get3A_951 = arith.constant 0 : index
    %get3A_952 = vector.load %arg2[%get3A_949, %get3A_950, %get3A_951] : memref<1x512x512xf32, #tpu.memory_space<vmem>>, vector<1x8x512xf32>
    %get3A_953 = vector.shape_cast %get3A_952 : vector<1x8x512xf32> to vector<8x512xf32>
    %mul3A_954 = arith.constant 1.44269502 : f32
    %mul3A_955 = vector.broadcast %mul3A_954 : f32 to vector<8x512xf32>
    %mul3A_956 = arith.mulf %get3A_948, %mul3A_955 : vector<8x512xf32>
    %exp23A_957 = math.exp2 %mul3A_956 : vector<8x512xf32>
    %add3A_958 = arith.constant 1.000000e+00 : f32
    %add3A_959 = vector.broadcast %add3A_958 : f32 to vector<8x512xf32>
    %add3A_960 = arith.addf %add3A_959, %exp23A_957 : vector<8x512xf32>
    %log3A_961 = math.log %add3A_960 : vector<8x512xf32>
    %log3A_962 = arith.constant 2.000000e+00 : f32
    %log3A_963 = math.log %log3A_962 : f32
    %div3A_964 = vector.broadcast %log3A_963 : f32 to vector<8x512xf32>
    %div3A_965 = arith.divf %log3A_961, %div3A_964 : vector<8x512xf32>
    %mul3A_966 = arith.mulf %get3A_953, %mul3A_956 : vector<8x512xf32>
    %sub3A_967 = arith.subf %div3A_965, %mul3A_966 : vector<8x512xf32>
    %add3A_968 = arith.addf %add3A_943, %sub3A_967 : vector<8x512xf32>
    %get3A_969 = arith.constant 0 : index
    %get3A_970 = arith.constant 312 : index
    %get3A_971 = arith.constant 0 : index
    %get3A_972 = vector.load %arg1[%get3A_969, %get3A_970, %get3A_971] : memref<1x512x512xf32, #tpu.memory_space<vmem>>, vector<1x8x512xf32>
    %get3A_973 = vector.shape_cast %get3A_972 : vector<1x8x512xf32> to vector<8x512xf32>
    %get3A_974 = arith.constant 0 : index
    %get3A_975 = arith.constant 312 : index
    %get3A_976 = arith.constant 0 : index
    %get3A_977 = vector.load %arg2[%get3A_974, %get3A_975, %get3A_976] : memref<1x512x512xf32, #tpu.memory_space<vmem>>, vector<1x8x512xf32>
    %get3A_978 = vector.shape_cast %get3A_977 : vector<1x8x512xf32> to vector<8x512xf32>
    %mul3A_979 = arith.constant 1.44269502 : f32
    %mul3A_980 = vector.broadcast %mul3A_979 : f32 to vector<8x512xf32>
    %mul3A_981 = arith.mulf %get3A_973, %mul3A_980 : vector<8x512xf32>
    %exp23A_982 = math.exp2 %mul3A_981 : vector<8x512xf32>
    %add3A_983 = arith.constant 1.000000e+00 : f32
    %add3A_984 = vector.broadcast %add3A_983 : f32 to vector<8x512xf32>
    %add3A_985 = arith.addf %add3A_984, %exp23A_982 : vector<8x512xf32>
    %log3A_986 = math.log %add3A_985 : vector<8x512xf32>
    %log3A_987 = arith.constant 2.000000e+00 : f32
    %log3A_988 = math.log %log3A_987 : f32
    %div3A_989 = vector.broadcast %log3A_988 : f32 to vector<8x512xf32>
    %div3A_990 = arith.divf %log3A_986, %div3A_989 : vector<8x512xf32>
    %mul3A_991 = arith.mulf %get3A_978, %mul3A_981 : vector<8x512xf32>
    %sub3A_992 = arith.subf %div3A_990, %mul3A_991 : vector<8x512xf32>
    %add3A_993 = arith.addf %add3A_968, %sub3A_992 : vector<8x512xf32>
    %get3A_994 = arith.constant 0 : index
    %get3A_995 = arith.constant 320 : index
    %get3A_996 = arith.constant 0 : index
    %get3A_997 = vector.load %arg1[%get3A_994, %get3A_995, %get3A_996] : memref<1x512x512xf32, #tpu.memory_space<vmem>>, vector<1x8x512xf32>
    %get3A_998 = vector.shape_cast %get3A_997 : vector<1x8x512xf32> to vector<8x512xf32>
    %get3A_999 = arith.constant 0 : index
    %get3A_1000 = arith.constant 320 : index
    %get3A_1001 = arith.constant 0 : index
    %get3A_1002 = vector.load %arg2[%get3A_999, %get3A_1000, %get3A_1001] : memref<1x512x512xf32, #tpu.memory_space<vmem>>, vector<1x8x512xf32>
    %get3A_1003 = vector.shape_cast %get3A_1002 : vector<1x8x512xf32> to vector<8x512xf32>
    %mul3A_1004 = arith.constant 1.44269502 : f32
    %mul3A_1005 = vector.broadcast %mul3A_1004 : f32 to vector<8x512xf32>
    %mul3A_1006 = arith.mulf %get3A_998, %mul3A_1005 : vector<8x512xf32>
    %exp23A_1007 = math.exp2 %mul3A_1006 : vector<8x512xf32>
    %add3A_1008 = arith.constant 1.000000e+00 : f32
    %add3A_1009 = vector.broadcast %add3A_1008 : f32 to vector<8x512xf32>
    %add3A_1010 = arith.addf %add3A_1009, %exp23A_1007 : vector<8x512xf32>
    %log3A_1011 = math.log %add3A_1010 : vector<8x512xf32>
    %log3A_1012 = arith.constant 2.000000e+00 : f32
    %log3A_1013 = math.log %log3A_1012 : f32
    %div3A_1014 = vector.broadcast %log3A_1013 : f32 to vector<8x512xf32>
    %div3A_1015 = arith.divf %log3A_1011, %div3A_1014 : vector<8x512xf32>
    %mul3A_1016 = arith.mulf %get3A_1003, %mul3A_1006 : vector<8x512xf32>
    %sub3A_1017 = arith.subf %div3A_1015, %mul3A_1016 : vector<8x512xf32>
    %add3A_1018 = arith.addf %add3A_993, %sub3A_1017 : vector<8x512xf32>
    %get3A_1019 = arith.constant 0 : index
    %get3A_1020 = arith.constant 328 : index
    %get3A_1021 = arith.constant 0 : index
    %get3A_1022 = vector.load %arg1[%get3A_1019, %get3A_1020, %get3A_1021] : memref<1x512x512xf32, #tpu.memory_space<vmem>>, vector<1x8x512xf32>
    %get3A_1023 = vector.shape_cast %get3A_1022 : vector<1x8x512xf32> to vector<8x512xf32>
    %get3A_1024 = arith.constant 0 : index
    %get3A_1025 = arith.constant 328 : index
    %get3A_1026 = arith.constant 0 : index
    %get3A_1027 = vector.load %arg2[%get3A_1024, %get3A_1025, %get3A_1026] : memref<1x512x512xf32, #tpu.memory_space<vmem>>, vector<1x8x512xf32>
    %get3A_1028 = vector.shape_cast %get3A_1027 : vector<1x8x512xf32> to vector<8x512xf32>
    %mul3A_1029 = arith.constant 1.44269502 : f32
    %mul3A_1030 = vector.broadcast %mul3A_1029 : f32 to vector<8x512xf32>
    %mul3A_1031 = arith.mulf %get3A_1023, %mul3A_1030 : vector<8x512xf32>
    %exp23A_1032 = math.exp2 %mul3A_1031 : vector<8x512xf32>
    %add3A_1033 = arith.constant 1.000000e+00 : f32
    %add3A_1034 = vector.broadcast %add3A_1033 : f32 to vector<8x512xf32>
    %add3A_1035 = arith.addf %add3A_1034, %exp23A_1032 : vector<8x512xf32>
    %log3A_1036 = math.log %add3A_1035 : vector<8x512xf32>
    %log3A_1037 = arith.constant 2.000000e+00 : f32
    %log3A_1038 = math.log %log3A_1037 : f32
    %div3A_1039 = vector.broadcast %log3A_1038 : f32 to vector<8x512xf32>
    %div3A_1040 = arith.divf %log3A_1036, %div3A_1039 : vector<8x512xf32>
    %mul3A_1041 = arith.mulf %get3A_1028, %mul3A_1031 : vector<8x512xf32>
    %sub3A_1042 = arith.subf %div3A_1040, %mul3A_1041 : vector<8x512xf32>
    %add3A_1043 = arith.addf %add3A_1018, %sub3A_1042 : vector<8x512xf32>
    %get3A_1044 = arith.constant 0 : index
    %get3A_1045 = arith.constant 336 : index
    %get3A_1046 = arith.constant 0 : index
    %get3A_1047 = vector.load %arg1[%get3A_1044, %get3A_1045, %get3A_1046] : memref<1x512x512xf32, #tpu.memory_space<vmem>>, vector<1x8x512xf32>
    %get3A_1048 = vector.shape_cast %get3A_1047 : vector<1x8x512xf32> to vector<8x512xf32>
    %get3A_1049 = arith.constant 0 : index
    %get3A_1050 = arith.constant 336 : index
    %get3A_1051 = arith.constant 0 : index
    %get3A_1052 = vector.load %arg2[%get3A_1049, %get3A_1050, %get3A_1051] : memref<1x512x512xf32, #tpu.memory_space<vmem>>, vector<1x8x512xf32>
    %get3A_1053 = vector.shape_cast %get3A_1052 : vector<1x8x512xf32> to vector<8x512xf32>
    %mul3A_1054 = arith.constant 1.44269502 : f32
    %mul3A_1055 = vector.broadcast %mul3A_1054 : f32 to vector<8x512xf32>
    %mul3A_1056 = arith.mulf %get3A_1048, %mul3A_1055 : vector<8x512xf32>
    %exp23A_1057 = math.exp2 %mul3A_1056 : vector<8x512xf32>
    %add3A_1058 = arith.constant 1.000000e+00 : f32
    %add3A_1059 = vector.broadcast %add3A_1058 : f32 to vector<8x512xf32>
    %add3A_1060 = arith.addf %add3A_1059, %exp23A_1057 : vector<8x512xf32>
    %log3A_1061 = math.log %add3A_1060 : vector<8x512xf32>
    %log3A_1062 = arith.constant 2.000000e+00 : f32
    %log3A_1063 = math.log %log3A_1062 : f32
    %div3A_1064 = vector.broadcast %log3A_1063 : f32 to vector<8x512xf32>
    %div3A_1065 = arith.divf %log3A_1061, %div3A_1064 : vector<8x512xf32>
    %mul3A_1066 = arith.mulf %get3A_1053, %mul3A_1056 : vector<8x512xf32>
    %sub3A_1067 = arith.subf %div3A_1065, %mul3A_1066 : vector<8x512xf32>
    %add3A_1068 = arith.addf %add3A_1043, %sub3A_1067 : vector<8x512xf32>
    %get3A_1069 = arith.constant 0 : index
    %get3A_1070 = arith.constant 344 : index
    %get3A_1071 = arith.constant 0 : index
    %get3A_1072 = vector.load %arg1[%get3A_1069, %get3A_1070, %get3A_1071] : memref<1x512x512xf32, #tpu.memory_space<vmem>>, vector<1x8x512xf32>
    %get3A_1073 = vector.shape_cast %get3A_1072 : vector<1x8x512xf32> to vector<8x512xf32>
    %get3A_1074 = arith.constant 0 : index
    %get3A_1075 = arith.constant 344 : index
    %get3A_1076 = arith.constant 0 : index
    %get3A_1077 = vector.load %arg2[%get3A_1074, %get3A_1075, %get3A_1076] : memref<1x512x512xf32, #tpu.memory_space<vmem>>, vector<1x8x512xf32>
    %get3A_1078 = vector.shape_cast %get3A_1077 : vector<1x8x512xf32> to vector<8x512xf32>
    %mul3A_1079 = arith.constant 1.44269502 : f32
    %mul3A_1080 = vector.broadcast %mul3A_1079 : f32 to vector<8x512xf32>
    %mul3A_1081 = arith.mulf %get3A_1073, %mul3A_1080 : vector<8x512xf32>
    %exp23A_1082 = math.exp2 %mul3A_1081 : vector<8x512xf32>
    %add3A_1083 = arith.constant 1.000000e+00 : f32
    %add3A_1084 = vector.broadcast %add3A_1083 : f32 to vector<8x512xf32>
    %add3A_1085 = arith.addf %add3A_1084, %exp23A_1082 : vector<8x512xf32>
    %log3A_1086 = math.log %add3A_1085 : vector<8x512xf32>
    %log3A_1087 = arith.constant 2.000000e+00 : f32
    %log3A_1088 = math.log %log3A_1087 : f32
    %div3A_1089 = vector.broadcast %log3A_1088 : f32 to vector<8x512xf32>
    %div3A_1090 = arith.divf %log3A_1086, %div3A_1089 : vector<8x512xf32>
    %mul3A_1091 = arith.mulf %get3A_1078, %mul3A_1081 : vector<8x512xf32>
    %sub3A_1092 = arith.subf %div3A_1090, %mul3A_1091 : vector<8x512xf32>
    %add3A_1093 = arith.addf %add3A_1068, %sub3A_1092 : vector<8x512xf32>
    %get3A_1094 = arith.constant 0 : index
    %get3A_1095 = arith.constant 352 : index
    %get3A_1096 = arith.constant 0 : index
    %get3A_1097 = vector.load %arg1[%get3A_1094, %get3A_1095, %get3A_1096] : memref<1x512x512xf32, #tpu.memory_space<vmem>>, vector<1x8x512xf32>
    %get3A_1098 = vector.shape_cast %get3A_1097 : vector<1x8x512xf32> to vector<8x512xf32>
    %get3A_1099 = arith.constant 0 : index
    %get3A_1100 = arith.constant 352 : index
    %get3A_1101 = arith.constant 0 : index
    %get3A_1102 = vector.load %arg2[%get3A_1099, %get3A_1100, %get3A_1101] : memref<1x512x512xf32, #tpu.memory_space<vmem>>, vector<1x8x512xf32>
    %get3A_1103 = vector.shape_cast %get3A_1102 : vector<1x8x512xf32> to vector<8x512xf32>
    %mul3A_1104 = arith.constant 1.44269502 : f32
    %mul3A_1105 = vector.broadcast %mul3A_1104 : f32 to vector<8x512xf32>
    %mul3A_1106 = arith.mulf %get3A_1098, %mul3A_1105 : vector<8x512xf32>
    %exp23A_1107 = math.exp2 %mul3A_1106 : vector<8x512xf32>
    %add3A_1108 = arith.constant 1.000000e+00 : f32
    %add3A_1109 = vector.broadcast %add3A_1108 : f32 to vector<8x512xf32>
    %add3A_1110 = arith.addf %add3A_1109, %exp23A_1107 : vector<8x512xf32>
    %log3A_1111 = math.log %add3A_1110 : vector<8x512xf32>
    %log3A_1112 = arith.constant 2.000000e+00 : f32
    %log3A_1113 = math.log %log3A_1112 : f32
    %div3A_1114 = vector.broadcast %log3A_1113 : f32 to vector<8x512xf32>
    %div3A_1115 = arith.divf %log3A_1111, %div3A_1114 : vector<8x512xf32>
    %mul3A_1116 = arith.mulf %get3A_1103, %mul3A_1106 : vector<8x512xf32>
    %sub3A_1117 = arith.subf %div3A_1115, %mul3A_1116 : vector<8x512xf32>
    %add3A_1118 = arith.addf %add3A_1093, %sub3A_1117 : vector<8x512xf32>
    %get3A_1119 = arith.constant 0 : index
    %get3A_1120 = arith.constant 360 : index
    %get3A_1121 = arith.constant 0 : index
    %get3A_1122 = vector.load %arg1[%get3A_1119, %get3A_1120, %get3A_1121] : memref<1x512x512xf32, #tpu.memory_space<vmem>>, vector<1x8x512xf32>
    %get3A_1123 = vector.shape_cast %get3A_1122 : vector<1x8x512xf32> to vector<8x512xf32>
    %get3A_1124 = arith.constant 0 : index
    %get3A_1125 = arith.constant 360 : index
    %get3A_1126 = arith.constant 0 : index
    %get3A_1127 = vector.load %arg2[%get3A_1124, %get3A_1125, %get3A_1126] : memref<1x512x512xf32, #tpu.memory_space<vmem>>, vector<1x8x512xf32>
    %get3A_1128 = vector.shape_cast %get3A_1127 : vector<1x8x512xf32> to vector<8x512xf32>
    %mul3A_1129 = arith.constant 1.44269502 : f32
    %mul3A_1130 = vector.broadcast %mul3A_1129 : f32 to vector<8x512xf32>
    %mul3A_1131 = arith.mulf %get3A_1123, %mul3A_1130 : vector<8x512xf32>
    %exp23A_1132 = math.exp2 %mul3A_1131 : vector<8x512xf32>
    %add3A_1133 = arith.constant 1.000000e+00 : f32
    %add3A_1134 = vector.broadcast %add3A_1133 : f32 to vector<8x512xf32>
    %add3A_1135 = arith.addf %add3A_1134, %exp23A_1132 : vector<8x512xf32>
    %log3A_1136 = math.log %add3A_1135 : vector<8x512xf32>
    %log3A_1137 = arith.constant 2.000000e+00 : f32
    %log3A_1138 = math.log %log3A_1137 : f32
    %div3A_1139 = vector.broadcast %log3A_1138 : f32 to vector<8x512xf32>
    %div3A_1140 = arith.divf %log3A_1136, %div3A_1139 : vector<8x512xf32>
    %mul3A_1141 = arith.mulf %get3A_1128, %mul3A_1131 : vector<8x512xf32>
    %sub3A_1142 = arith.subf %div3A_1140, %mul3A_1141 : vector<8x512xf32>
    %add3A_1143 = arith.addf %add3A_1118, %sub3A_1142 : vector<8x512xf32>
    %get3A_1144 = arith.constant 0 : index
    %get3A_1145 = arith.constant 368 : index
    %get3A_1146 = arith.constant 0 : index
    %get3A_1147 = vector.load %arg1[%get3A_1144, %get3A_1145, %get3A_1146] : memref<1x512x512xf32, #tpu.memory_space<vmem>>, vector<1x8x512xf32>
    %get3A_1148 = vector.shape_cast %get3A_1147 : vector<1x8x512xf32> to vector<8x512xf32>
    %get3A_1149 = arith.constant 0 : index
    %get3A_1150 = arith.constant 368 : index
    %get3A_1151 = arith.constant 0 : index
    %get3A_1152 = vector.load %arg2[%get3A_1149, %get3A_1150, %get3A_1151] : memref<1x512x512xf32, #tpu.memory_space<vmem>>, vector<1x8x512xf32>
    %get3A_1153 = vector.shape_cast %get3A_1152 : vector<1x8x512xf32> to vector<8x512xf32>
    %mul3A_1154 = arith.constant 1.44269502 : f32
    %mul3A_1155 = vector.broadcast %mul3A_1154 : f32 to vector<8x512xf32>
    %mul3A_1156 = arith.mulf %get3A_1148, %mul3A_1155 : vector<8x512xf32>
    %exp23A_1157 = math.exp2 %mul3A_1156 : vector<8x512xf32>
    %add3A_1158 = arith.constant 1.000000e+00 : f32
    %add3A_1159 = vector.broadcast %add3A_1158 : f32 to vector<8x512xf32>
    %add3A_1160 = arith.addf %add3A_1159, %exp23A_1157 : vector<8x512xf32>
    %log3A_1161 = math.log %add3A_1160 : vector<8x512xf32>
    %log3A_1162 = arith.constant 2.000000e+00 : f32
    %log3A_1163 = math.log %log3A_1162 : f32
    %div3A_1164 = vector.broadcast %log3A_1163 : f32 to vector<8x512xf32>
    %div3A_1165 = arith.divf %log3A_1161, %div3A_1164 : vector<8x512xf32>
    %mul3A_1166 = arith.mulf %get3A_1153, %mul3A_1156 : vector<8x512xf32>
    %sub3A_1167 = arith.subf %div3A_1165, %mul3A_1166 : vector<8x512xf32>
    %add3A_1168 = arith.addf %add3A_1143, %sub3A_1167 : vector<8x512xf32>
    %get3A_1169 = arith.constant 0 : index
    %get3A_1170 = arith.constant 376 : index
    %get3A_1171 = arith.constant 0 : index
    %get3A_1172 = vector.load %arg1[%get3A_1169, %get3A_1170, %get3A_1171] : memref<1x512x512xf32, #tpu.memory_space<vmem>>, vector<1x8x512xf32>
    %get3A_1173 = vector.shape_cast %get3A_1172 : vector<1x8x512xf32> to vector<8x512xf32>
    %get3A_1174 = arith.constant 0 : index
    %get3A_1175 = arith.constant 376 : index
    %get3A_1176 = arith.constant 0 : index
    %get3A_1177 = vector.load %arg2[%get3A_1174, %get3A_1175, %get3A_1176] : memref<1x512x512xf32, #tpu.memory_space<vmem>>, vector<1x8x512xf32>
    %get3A_1178 = vector.shape_cast %get3A_1177 : vector<1x8x512xf32> to vector<8x512xf32>
    %mul3A_1179 = arith.constant 1.44269502 : f32
    %mul3A_1180 = vector.broadcast %mul3A_1179 : f32 to vector<8x512xf32>
    %mul3A_1181 = arith.mulf %get3A_1173, %mul3A_1180 : vector<8x512xf32>
    %exp23A_1182 = math.exp2 %mul3A_1181 : vector<8x512xf32>
    %add3A_1183 = arith.constant 1.000000e+00 : f32
    %add3A_1184 = vector.broadcast %add3A_1183 : f32 to vector<8x512xf32>
    %add3A_1185 = arith.addf %add3A_1184, %exp23A_1182 : vector<8x512xf32>
    %log3A_1186 = math.log %add3A_1185 : vector<8x512xf32>
    %log3A_1187 = arith.constant 2.000000e+00 : f32
    %log3A_1188 = math.log %log3A_1187 : f32
    %div3A_1189 = vector.broadcast %log3A_1188 : f32 to vector<8x512xf32>
    %div3A_1190 = arith.divf %log3A_1186, %div3A_1189 : vector<8x512xf32>
    %mul3A_1191 = arith.mulf %get3A_1178, %mul3A_1181 : vector<8x512xf32>
    %sub3A_1192 = arith.subf %div3A_1190, %mul3A_1191 : vector<8x512xf32>
    %add3A_1193 = arith.addf %add3A_1168, %sub3A_1192 : vector<8x512xf32>
    %get3A_1194 = arith.constant 0 : index
    %get3A_1195 = arith.constant 384 : index
    %get3A_1196 = arith.constant 0 : index
    %get3A_1197 = vector.load %arg1[%get3A_1194, %get3A_1195, %get3A_1196] : memref<1x512x512xf32, #tpu.memory_space<vmem>>, vector<1x8x512xf32>
    %get3A_1198 = vector.shape_cast %get3A_1197 : vector<1x8x512xf32> to vector<8x512xf32>
    %get3A_1199 = arith.constant 0 : index
    %get3A_1200 = arith.constant 384 : index
    %get3A_1201 = arith.constant 0 : index
    %get3A_1202 = vector.load %arg2[%get3A_1199, %get3A_1200, %get3A_1201] : memref<1x512x512xf32, #tpu.memory_space<vmem>>, vector<1x8x512xf32>
    %get3A_1203 = vector.shape_cast %get3A_1202 : vector<1x8x512xf32> to vector<8x512xf32>
    %mul3A_1204 = arith.constant 1.44269502 : f32
    %mul3A_1205 = vector.broadcast %mul3A_1204 : f32 to vector<8x512xf32>
    %mul3A_1206 = arith.mulf %get3A_1198, %mul3A_1205 : vector<8x512xf32>
    %exp23A_1207 = math.exp2 %mul3A_1206 : vector<8x512xf32>
    %add3A_1208 = arith.constant 1.000000e+00 : f32
    %add3A_1209 = vector.broadcast %add3A_1208 : f32 to vector<8x512xf32>
    %add3A_1210 = arith.addf %add3A_1209, %exp23A_1207 : vector<8x512xf32>
    %log3A_1211 = math.log %add3A_1210 : vector<8x512xf32>
    %log3A_1212 = arith.constant 2.000000e+00 : f32
    %log3A_1213 = math.log %log3A_1212 : f32
    %div3A_1214 = vector.broadcast %log3A_1213 : f32 to vector<8x512xf32>
    %div3A_1215 = arith.divf %log3A_1211, %div3A_1214 : vector<8x512xf32>
    %mul3A_1216 = arith.mulf %get3A_1203, %mul3A_1206 : vector<8x512xf32>
    %sub3A_1217 = arith.subf %div3A_1215, %mul3A_1216 : vector<8x512xf32>
    %add3A_1218 = arith.addf %add3A_1193, %sub3A_1217 : vector<8x512xf32>
    %get3A_1219 = arith.constant 0 : index
    %get3A_1220 = arith.constant 392 : index
    %get3A_1221 = arith.constant 0 : index
    %get3A_1222 = vector.load %arg1[%get3A_1219, %get3A_1220, %get3A_1221] : memref<1x512x512xf32, #tpu.memory_space<vmem>>, vector<1x8x512xf32>
    %get3A_1223 = vector.shape_cast %get3A_1222 : vector<1x8x512xf32> to vector<8x512xf32>
    %get3A_1224 = arith.constant 0 : index
    %get3A_1225 = arith.constant 392 : index
    %get3A_1226 = arith.constant 0 : index
    %get3A_1227 = vector.load %arg2[%get3A_1224, %get3A_1225, %get3A_1226] : memref<1x512x512xf32, #tpu.memory_space<vmem>>, vector<1x8x512xf32>
    %get3A_1228 = vector.shape_cast %get3A_1227 : vector<1x8x512xf32> to vector<8x512xf32>
    %mul3A_1229 = arith.constant 1.44269502 : f32
    %mul3A_1230 = vector.broadcast %mul3A_1229 : f32 to vector<8x512xf32>
    %mul3A_1231 = arith.mulf %get3A_1223, %mul3A_1230 : vector<8x512xf32>
    %exp23A_1232 = math.exp2 %mul3A_1231 : vector<8x512xf32>
    %add3A_1233 = arith.constant 1.000000e+00 : f32
    %add3A_1234 = vector.broadcast %add3A_1233 : f32 to vector<8x512xf32>
    %add3A_1235 = arith.addf %add3A_1234, %exp23A_1232 : vector<8x512xf32>
    %log3A_1236 = math.log %add3A_1235 : vector<8x512xf32>
    %log3A_1237 = arith.constant 2.000000e+00 : f32
    %log3A_1238 = math.log %log3A_1237 : f32
    %div3A_1239 = vector.broadcast %log3A_1238 : f32 to vector<8x512xf32>
    %div3A_1240 = arith.divf %log3A_1236, %div3A_1239 : vector<8x512xf32>
    %mul3A_1241 = arith.mulf %get3A_1228, %mul3A_1231 : vector<8x512xf32>
    %sub3A_1242 = arith.subf %div3A_1240, %mul3A_1241 : vector<8x512xf32>
    %add3A_1243 = arith.addf %add3A_1218, %sub3A_1242 : vector<8x512xf32>
    %get3A_1244 = arith.constant 0 : index
    %get3A_1245 = arith.constant 400 : index
    %get3A_1246 = arith.constant 0 : index
    %get3A_1247 = vector.load %arg1[%get3A_1244, %get3A_1245, %get3A_1246] : memref<1x512x512xf32, #tpu.memory_space<vmem>>, vector<1x8x512xf32>
    %get3A_1248 = vector.shape_cast %get3A_1247 : vector<1x8x512xf32> to vector<8x512xf32>
    %get3A_1249 = arith.constant 0 : index
    %get3A_1250 = arith.constant 400 : index
    %get3A_1251 = arith.constant 0 : index
    %get3A_1252 = vector.load %arg2[%get3A_1249, %get3A_1250, %get3A_1251] : memref<1x512x512xf32, #tpu.memory_space<vmem>>, vector<1x8x512xf32>
    %get3A_1253 = vector.shape_cast %get3A_1252 : vector<1x8x512xf32> to vector<8x512xf32>
    %mul3A_1254 = arith.constant 1.44269502 : f32
    %mul3A_1255 = vector.broadcast %mul3A_1254 : f32 to vector<8x512xf32>
    %mul3A_1256 = arith.mulf %get3A_1248, %mul3A_1255 : vector<8x512xf32>
    %exp23A_1257 = math.exp2 %mul3A_1256 : vector<8x512xf32>
    %add3A_1258 = arith.constant 1.000000e+00 : f32
    %add3A_1259 = vector.broadcast %add3A_1258 : f32 to vector<8x512xf32>
    %add3A_1260 = arith.addf %add3A_1259, %exp23A_1257 : vector<8x512xf32>
    %log3A_1261 = math.log %add3A_1260 : vector<8x512xf32>
    %log3A_1262 = arith.constant 2.000000e+00 : f32
    %log3A_1263 = math.log %log3A_1262 : f32
    %div3A_1264 = vector.broadcast %log3A_1263 : f32 to vector<8x512xf32>
    %div3A_1265 = arith.divf %log3A_1261, %div3A_1264 : vector<8x512xf32>
    %mul3A_1266 = arith.mulf %get3A_1253, %mul3A_1256 : vector<8x512xf32>
    %sub3A_1267 = arith.subf %div3A_1265, %mul3A_1266 : vector<8x512xf32>
    %add3A_1268 = arith.addf %add3A_1243, %sub3A_1267 : vector<8x512xf32>
    %get3A_1269 = arith.constant 0 : index
    %get3A_1270 = arith.constant 408 : index
    %get3A_1271 = arith.constant 0 : index
    %get3A_1272 = vector.load %arg1[%get3A_1269, %get3A_1270, %get3A_1271] : memref<1x512x512xf32, #tpu.memory_space<vmem>>, vector<1x8x512xf32>
    %get3A_1273 = vector.shape_cast %get3A_1272 : vector<1x8x512xf32> to vector<8x512xf32>
    %get3A_1274 = arith.constant 0 : index
    %get3A_1275 = arith.constant 408 : index
    %get3A_1276 = arith.constant 0 : index
    %get3A_1277 = vector.load %arg2[%get3A_1274, %get3A_1275, %get3A_1276] : memref<1x512x512xf32, #tpu.memory_space<vmem>>, vector<1x8x512xf32>
    %get3A_1278 = vector.shape_cast %get3A_1277 : vector<1x8x512xf32> to vector<8x512xf32>
    %mul3A_1279 = arith.constant 1.44269502 : f32
    %mul3A_1280 = vector.broadcast %mul3A_1279 : f32 to vector<8x512xf32>
    %mul3A_1281 = arith.mulf %get3A_1273, %mul3A_1280 : vector<8x512xf32>
    %exp23A_1282 = math.exp2 %mul3A_1281 : vector<8x512xf32>
    %add3A_1283 = arith.constant 1.000000e+00 : f32
    %add3A_1284 = vector.broadcast %add3A_1283 : f32 to vector<8x512xf32>
    %add3A_1285 = arith.addf %add3A_1284, %exp23A_1282 : vector<8x512xf32>
    %log3A_1286 = math.log %add3A_1285 : vector<8x512xf32>
    %log3A_1287 = arith.constant 2.000000e+00 : f32
    %log3A_1288 = math.log %log3A_1287 : f32
    %div3A_1289 = vector.broadcast %log3A_1288 : f32 to vector<8x512xf32>
    %div3A_1290 = arith.divf %log3A_1286, %div3A_1289 : vector<8x512xf32>
    %mul3A_1291 = arith.mulf %get3A_1278, %mul3A_1281 : vector<8x512xf32>
    %sub3A_1292 = arith.subf %div3A_1290, %mul3A_1291 : vector<8x512xf32>
    %add3A_1293 = arith.addf %add3A_1268, %sub3A_1292 : vector<8x512xf32>
    %get3A_1294 = arith.constant 0 : index
    %get3A_1295 = arith.constant 416 : index
    %get3A_1296 = arith.constant 0 : index
    %get3A_1297 = vector.load %arg1[%get3A_1294, %get3A_1295, %get3A_1296] : memref<1x512x512xf32, #tpu.memory_space<vmem>>, vector<1x8x512xf32>
    %get3A_1298 = vector.shape_cast %get3A_1297 : vector<1x8x512xf32> to vector<8x512xf32>
    %get3A_1299 = arith.constant 0 : index
    %get3A_1300 = arith.constant 416 : index
    %get3A_1301 = arith.constant 0 : index
    %get3A_1302 = vector.load %arg2[%get3A_1299, %get3A_1300, %get3A_1301] : memref<1x512x512xf32, #tpu.memory_space<vmem>>, vector<1x8x512xf32>
    %get3A_1303 = vector.shape_cast %get3A_1302 : vector<1x8x512xf32> to vector<8x512xf32>
    %mul3A_1304 = arith.constant 1.44269502 : f32
    %mul3A_1305 = vector.broadcast %mul3A_1304 : f32 to vector<8x512xf32>
    %mul3A_1306 = arith.mulf %get3A_1298, %mul3A_1305 : vector<8x512xf32>
    %exp23A_1307 = math.exp2 %mul3A_1306 : vector<8x512xf32>
    %add3A_1308 = arith.constant 1.000000e+00 : f32
    %add3A_1309 = vector.broadcast %add3A_1308 : f32 to vector<8x512xf32>
    %add3A_1310 = arith.addf %add3A_1309, %exp23A_1307 : vector<8x512xf32>
    %log3A_1311 = math.log %add3A_1310 : vector<8x512xf32>
    %log3A_1312 = arith.constant 2.000000e+00 : f32
    %log3A_1313 = math.log %log3A_1312 : f32
    %div3A_1314 = vector.broadcast %log3A_1313 : f32 to vector<8x512xf32>
    %div3A_1315 = arith.divf %log3A_1311, %div3A_1314 : vector<8x512xf32>
    %mul3A_1316 = arith.mulf %get3A_1303, %mul3A_1306 : vector<8x512xf32>
    %sub3A_1317 = arith.subf %div3A_1315, %mul3A_1316 : vector<8x512xf32>
    %add3A_1318 = arith.addf %add3A_1293, %sub3A_1317 : vector<8x512xf32>
    %get3A_1319 = arith.constant 0 : index
    %get3A_1320 = arith.constant 424 : index
    %get3A_1321 = arith.constant 0 : index
    %get3A_1322 = vector.load %arg1[%get3A_1319, %get3A_1320, %get3A_1321] : memref<1x512x512xf32, #tpu.memory_space<vmem>>, vector<1x8x512xf32>
    %get3A_1323 = vector.shape_cast %get3A_1322 : vector<1x8x512xf32> to vector<8x512xf32>
    %get3A_1324 = arith.constant 0 : index
    %get3A_1325 = arith.constant 424 : index
    %get3A_1326 = arith.constant 0 : index
    %get3A_1327 = vector.load %arg2[%get3A_1324, %get3A_1325, %get3A_1326] : memref<1x512x512xf32, #tpu.memory_space<vmem>>, vector<1x8x512xf32>
    %get3A_1328 = vector.shape_cast %get3A_1327 : vector<1x8x512xf32> to vector<8x512xf32>
    %mul3A_1329 = arith.constant 1.44269502 : f32
    %mul3A_1330 = vector.broadcast %mul3A_1329 : f32 to vector<8x512xf32>
    %mul3A_1331 = arith.mulf %get3A_1323, %mul3A_1330 : vector<8x512xf32>
    %exp23A_1332 = math.exp2 %mul3A_1331 : vector<8x512xf32>
    %add3A_1333 = arith.constant 1.000000e+00 : f32
    %add3A_1334 = vector.broadcast %add3A_1333 : f32 to vector<8x512xf32>
    %add3A_1335 = arith.addf %add3A_1334, %exp23A_1332 : vector<8x512xf32>
    %log3A_1336 = math.log %add3A_1335 : vector<8x512xf32>
    %log3A_1337 = arith.constant 2.000000e+00 : f32
    %log3A_1338 = math.log %log3A_1337 : f32
    %div3A_1339 = vector.broadcast %log3A_1338 : f32 to vector<8x512xf32>
    %div3A_1340 = arith.divf %log3A_1336, %div3A_1339 : vector<8x512xf32>
    %mul3A_1341 = arith.mulf %get3A_1328, %mul3A_1331 : vector<8x512xf32>
    %sub3A_1342 = arith.subf %div3A_1340, %mul3A_1341 : vector<8x512xf32>
    %add3A_1343 = arith.addf %add3A_1318, %sub3A_1342 : vector<8x512xf32>
    %get3A_1344 = arith.constant 0 : index
    %get3A_1345 = arith.constant 432 : index
    %get3A_1346 = arith.constant 0 : index
    %get3A_1347 = vector.load %arg1[%get3A_1344, %get3A_1345, %get3A_1346] : memref<1x512x512xf32, #tpu.memory_space<vmem>>, vector<1x8x512xf32>
    %get3A_1348 = vector.shape_cast %get3A_1347 : vector<1x8x512xf32> to vector<8x512xf32>
    %get3A_1349 = arith.constant 0 : index
    %get3A_1350 = arith.constant 432 : index
    %get3A_1351 = arith.constant 0 : index
    %get3A_1352 = vector.load %arg2[%get3A_1349, %get3A_1350, %get3A_1351] : memref<1x512x512xf32, #tpu.memory_space<vmem>>, vector<1x8x512xf32>
    %get3A_1353 = vector.shape_cast %get3A_1352 : vector<1x8x512xf32> to vector<8x512xf32>
    %mul3A_1354 = arith.constant 1.44269502 : f32
    %mul3A_1355 = vector.broadcast %mul3A_1354 : f32 to vector<8x512xf32>
    %mul3A_1356 = arith.mulf %get3A_1348, %mul3A_1355 : vector<8x512xf32>
    %exp23A_1357 = math.exp2 %mul3A_1356 : vector<8x512xf32>
    %add3A_1358 = arith.constant 1.000000e+00 : f32
    %add3A_1359 = vector.broadcast %add3A_1358 : f32 to vector<8x512xf32>
    %add3A_1360 = arith.addf %add3A_1359, %exp23A_1357 : vector<8x512xf32>
    %log3A_1361 = math.log %add3A_1360 : vector<8x512xf32>
    %log3A_1362 = arith.constant 2.000000e+00 : f32
    %log3A_1363 = math.log %log3A_1362 : f32
    %div3A_1364 = vector.broadcast %log3A_1363 : f32 to vector<8x512xf32>
    %div3A_1365 = arith.divf %log3A_1361, %div3A_1364 : vector<8x512xf32>
    %mul3A_1366 = arith.mulf %get3A_1353, %mul3A_1356 : vector<8x512xf32>
    %sub3A_1367 = arith.subf %div3A_1365, %mul3A_1366 : vector<8x512xf32>
    %add3A_1368 = arith.addf %add3A_1343, %sub3A_1367 : vector<8x512xf32>
    %get3A_1369 = arith.constant 0 : index
    %get3A_1370 = arith.constant 440 : index
    %get3A_1371 = arith.constant 0 : index
    %get3A_1372 = vector.load %arg1[%get3A_1369, %get3A_1370, %get3A_1371] : memref<1x512x512xf32, #tpu.memory_space<vmem>>, vector<1x8x512xf32>
    %get3A_1373 = vector.shape_cast %get3A_1372 : vector<1x8x512xf32> to vector<8x512xf32>
    %get3A_1374 = arith.constant 0 : index
    %get3A_1375 = arith.constant 440 : index
    %get3A_1376 = arith.constant 0 : index
    %get3A_1377 = vector.load %arg2[%get3A_1374, %get3A_1375, %get3A_1376] : memref<1x512x512xf32, #tpu.memory_space<vmem>>, vector<1x8x512xf32>
    %get3A_1378 = vector.shape_cast %get3A_1377 : vector<1x8x512xf32> to vector<8x512xf32>
    %mul3A_1379 = arith.constant 1.44269502 : f32
    %mul3A_1380 = vector.broadcast %mul3A_1379 : f32 to vector<8x512xf32>
    %mul3A_1381 = arith.mulf %get3A_1373, %mul3A_1380 : vector<8x512xf32>
    %exp23A_1382 = math.exp2 %mul3A_1381 : vector<8x512xf32>
    %add3A_1383 = arith.constant 1.000000e+00 : f32
    %add3A_1384 = vector.broadcast %add3A_1383 : f32 to vector<8x512xf32>
    %add3A_1385 = arith.addf %add3A_1384, %exp23A_1382 : vector<8x512xf32>
    %log3A_1386 = math.log %add3A_1385 : vector<8x512xf32>
    %log3A_1387 = arith.constant 2.000000e+00 : f32
    %log3A_1388 = math.log %log3A_1387 : f32
    %div3A_1389 = vector.broadcast %log3A_1388 : f32 to vector<8x512xf32>
    %div3A_1390 = arith.divf %log3A_1386, %div3A_1389 : vector<8x512xf32>
    %mul3A_1391 = arith.mulf %get3A_1378, %mul3A_1381 : vector<8x512xf32>
    %sub3A_1392 = arith.subf %div3A_1390, %mul3A_1391 : vector<8x512xf32>
    %add3A_1393 = arith.addf %add3A_1368, %sub3A_1392 : vector<8x512xf32>
    %get3A_1394 = arith.constant 0 : index
    %get3A_1395 = arith.constant 448 : index
    %get3A_1396 = arith.constant 0 : index
    %get3A_1397 = vector.load %arg1[%get3A_1394, %get3A_1395, %get3A_1396] : memref<1x512x512xf32, #tpu.memory_space<vmem>>, vector<1x8x512xf32>
    %get3A_1398 = vector.shape_cast %get3A_1397 : vector<1x8x512xf32> to vector<8x512xf32>
    %get3A_1399 = arith.constant 0 : index
    %get3A_1400 = arith.constant 448 : index
    %get3A_1401 = arith.constant 0 : index
    %get3A_1402 = vector.load %arg2[%get3A_1399, %get3A_1400, %get3A_1401] : memref<1x512x512xf32, #tpu.memory_space<vmem>>, vector<1x8x512xf32>
    %get3A_1403 = vector.shape_cast %get3A_1402 : vector<1x8x512xf32> to vector<8x512xf32>
    %mul3A_1404 = arith.constant 1.44269502 : f32
    %mul3A_1405 = vector.broadcast %mul3A_1404 : f32 to vector<8x512xf32>
    %mul3A_1406 = arith.mulf %get3A_1398, %mul3A_1405 : vector<8x512xf32>
    %exp23A_1407 = math.exp2 %mul3A_1406 : vector<8x512xf32>
    %add3A_1408 = arith.constant 1.000000e+00 : f32
    %add3A_1409 = vector.broadcast %add3A_1408 : f32 to vector<8x512xf32>
    %add3A_1410 = arith.addf %add3A_1409, %exp23A_1407 : vector<8x512xf32>
    %log3A_1411 = math.log %add3A_1410 : vector<8x512xf32>
    %log3A_1412 = arith.constant 2.000000e+00 : f32
    %log3A_1413 = math.log %log3A_1412 : f32
    %div3A_1414 = vector.broadcast %log3A_1413 : f32 to vector<8x512xf32>
    %div3A_1415 = arith.divf %log3A_1411, %div3A_1414 : vector<8x512xf32>
    %mul3A_1416 = arith.mulf %get3A_1403, %mul3A_1406 : vector<8x512xf32>
    %sub3A_1417 = arith.subf %div3A_1415, %mul3A_1416 : vector<8x512xf32>
    %add3A_1418 = arith.addf %add3A_1393, %sub3A_1417 : vector<8x512xf32>
    %get3A_1419 = arith.constant 0 : index
    %get3A_1420 = arith.constant 456 : index
    %get3A_1421 = arith.constant 0 : index
    %get3A_1422 = vector.load %arg1[%get3A_1419, %get3A_1420, %get3A_1421] : memref<1x512x512xf32, #tpu.memory_space<vmem>>, vector<1x8x512xf32>
    %get3A_1423 = vector.shape_cast %get3A_1422 : vector<1x8x512xf32> to vector<8x512xf32>
    %get3A_1424 = arith.constant 0 : index
    %get3A_1425 = arith.constant 456 : index
    %get3A_1426 = arith.constant 0 : index
    %get3A_1427 = vector.load %arg2[%get3A_1424, %get3A_1425, %get3A_1426] : memref<1x512x512xf32, #tpu.memory_space<vmem>>, vector<1x8x512xf32>
    %get3A_1428 = vector.shape_cast %get3A_1427 : vector<1x8x512xf32> to vector<8x512xf32>
    %mul3A_1429 = arith.constant 1.44269502 : f32
    %mul3A_1430 = vector.broadcast %mul3A_1429 : f32 to vector<8x512xf32>
    %mul3A_1431 = arith.mulf %get3A_1423, %mul3A_1430 : vector<8x512xf32>
    %exp23A_1432 = math.exp2 %mul3A_1431 : vector<8x512xf32>
    %add3A_1433 = arith.constant 1.000000e+00 : f32
    %add3A_1434 = vector.broadcast %add3A_1433 : f32 to vector<8x512xf32>
    %add3A_1435 = arith.addf %add3A_1434, %exp23A_1432 : vector<8x512xf32>
    %log3A_1436 = math.log %add3A_1435 : vector<8x512xf32>
    %log3A_1437 = arith.constant 2.000000e+00 : f32
    %log3A_1438 = math.log %log3A_1437 : f32
    %div3A_1439 = vector.broadcast %log3A_1438 : f32 to vector<8x512xf32>
    %div3A_1440 = arith.divf %log3A_1436, %div3A_1439 : vector<8x512xf32>
    %mul3A_1441 = arith.mulf %get3A_1428, %mul3A_1431 : vector<8x512xf32>
    %sub3A_1442 = arith.subf %div3A_1440, %mul3A_1441 : vector<8x512xf32>
    %add3A_1443 = arith.addf %add3A_1418, %sub3A_1442 : vector<8x512xf32>
    %get3A_1444 = arith.constant 0 : index
    %get3A_1445 = arith.constant 464 : index
    %get3A_1446 = arith.constant 0 : index
    %get3A_1447 = vector.load %arg1[%get3A_1444, %get3A_1445, %get3A_1446] : memref<1x512x512xf32, #tpu.memory_space<vmem>>, vector<1x8x512xf32>
    %get3A_1448 = vector.shape_cast %get3A_1447 : vector<1x8x512xf32> to vector<8x512xf32>
    %get3A_1449 = arith.constant 0 : index
    %get3A_1450 = arith.constant 464 : index
    %get3A_1451 = arith.constant 0 : index
    %get3A_1452 = vector.load %arg2[%get3A_1449, %get3A_1450, %get3A_1451] : memref<1x512x512xf32, #tpu.memory_space<vmem>>, vector<1x8x512xf32>
    %get3A_1453 = vector.shape_cast %get3A_1452 : vector<1x8x512xf32> to vector<8x512xf32>
    %mul3A_1454 = arith.constant 1.44269502 : f32
    %mul3A_1455 = vector.broadcast %mul3A_1454 : f32 to vector<8x512xf32>
    %mul3A_1456 = arith.mulf %get3A_1448, %mul3A_1455 : vector<8x512xf32>
    %exp23A_1457 = math.exp2 %mul3A_1456 : vector<8x512xf32>
    %add3A_1458 = arith.constant 1.000000e+00 : f32
    %add3A_1459 = vector.broadcast %add3A_1458 : f32 to vector<8x512xf32>
    %add3A_1460 = arith.addf %add3A_1459, %exp23A_1457 : vector<8x512xf32>
    %log3A_1461 = math.log %add3A_1460 : vector<8x512xf32>
    %log3A_1462 = arith.constant 2.000000e+00 : f32
    %log3A_1463 = math.log %log3A_1462 : f32
    %div3A_1464 = vector.broadcast %log3A_1463 : f32 to vector<8x512xf32>
    %div3A_1465 = arith.divf %log3A_1461, %div3A_1464 : vector<8x512xf32>
    %mul3A_1466 = arith.mulf %get3A_1453, %mul3A_1456 : vector<8x512xf32>
    %sub3A_1467 = arith.subf %div3A_1465, %mul3A_1466 : vector<8x512xf32>
    %add3A_1468 = arith.addf %add3A_1443, %sub3A_1467 : vector<8x512xf32>
    %get3A_1469 = arith.constant 0 : index
    %get3A_1470 = arith.constant 472 : index
    %get3A_1471 = arith.constant 0 : index
    %get3A_1472 = vector.load %arg1[%get3A_1469, %get3A_1470, %get3A_1471] : memref<1x512x512xf32, #tpu.memory_space<vmem>>, vector<1x8x512xf32>
    %get3A_1473 = vector.shape_cast %get3A_1472 : vector<1x8x512xf32> to vector<8x512xf32>
    %get3A_1474 = arith.constant 0 : index
    %get3A_1475 = arith.constant 472 : index
    %get3A_1476 = arith.constant 0 : index
    %get3A_1477 = vector.load %arg2[%get3A_1474, %get3A_1475, %get3A_1476] : memref<1x512x512xf32, #tpu.memory_space<vmem>>, vector<1x8x512xf32>
    %get3A_1478 = vector.shape_cast %get3A_1477 : vector<1x8x512xf32> to vector<8x512xf32>
    %mul3A_1479 = arith.constant 1.44269502 : f32
    %mul3A_1480 = vector.broadcast %mul3A_1479 : f32 to vector<8x512xf32>
    %mul3A_1481 = arith.mulf %get3A_1473, %mul3A_1480 : vector<8x512xf32>
    %exp23A_1482 = math.exp2 %mul3A_1481 : vector<8x512xf32>
    %add3A_1483 = arith.constant 1.000000e+00 : f32
    %add3A_1484 = vector.broadcast %add3A_1483 : f32 to vector<8x512xf32>
    %add3A_1485 = arith.addf %add3A_1484, %exp23A_1482 : vector<8x512xf32>
    %log3A_1486 = math.log %add3A_1485 : vector<8x512xf32>
    %log3A_1487 = arith.constant 2.000000e+00 : f32
    %log3A_1488 = math.log %log3A_1487 : f32
    %div3A_1489 = vector.broadcast %log3A_1488 : f32 to vector<8x512xf32>
    %div3A_1490 = arith.divf %log3A_1486, %div3A_1489 : vector<8x512xf32>
    %mul3A_1491 = arith.mulf %get3A_1478, %mul3A_1481 : vector<8x512xf32>
    %sub3A_1492 = arith.subf %div3A_1490, %mul3A_1491 : vector<8x512xf32>
    %add3A_1493 = arith.addf %add3A_1468, %sub3A_1492 : vector<8x512xf32>
    %get3A_1494 = arith.constant 0 : index
    %get3A_1495 = arith.constant 480 : index
    %get3A_1496 = arith.constant 0 : index
    %get3A_1497 = vector.load %arg1[%get3A_1494, %get3A_1495, %get3A_1496] : memref<1x512x512xf32, #tpu.memory_space<vmem>>, vector<1x8x512xf32>
    %get3A_1498 = vector.shape_cast %get3A_1497 : vector<1x8x512xf32> to vector<8x512xf32>
    %get3A_1499 = arith.constant 0 : index
    %get3A_1500 = arith.constant 480 : index
    %get3A_1501 = arith.constant 0 : index
    %get3A_1502 = vector.load %arg2[%get3A_1499, %get3A_1500, %get3A_1501] : memref<1x512x512xf32, #tpu.memory_space<vmem>>, vector<1x8x512xf32>
    %get3A_1503 = vector.shape_cast %get3A_1502 : vector<1x8x512xf32> to vector<8x512xf32>
    %mul3A_1504 = arith.constant 1.44269502 : f32
    %mul3A_1505 = vector.broadcast %mul3A_1504 : f32 to vector<8x512xf32>
    %mul3A_1506 = arith.mulf %get3A_1498, %mul3A_1505 : vector<8x512xf32>
    %exp23A_1507 = math.exp2 %mul3A_1506 : vector<8x512xf32>
    %add3A_1508 = arith.constant 1.000000e+00 : f32
    %add3A_1509 = vector.broadcast %add3A_1508 : f32 to vector<8x512xf32>
    %add3A_1510 = arith.addf %add3A_1509, %exp23A_1507 : vector<8x512xf32>
    %log3A_1511 = math.log %add3A_1510 : vector<8x512xf32>
    %log3A_1512 = arith.constant 2.000000e+00 : f32
    %log3A_1513 = math.log %log3A_1512 : f32
    %div3A_1514 = vector.broadcast %log3A_1513 : f32 to vector<8x512xf32>
    %div3A_1515 = arith.divf %log3A_1511, %div3A_1514 : vector<8x512xf32>
    %mul3A_1516 = arith.mulf %get3A_1503, %mul3A_1506 : vector<8x512xf32>
    %sub3A_1517 = arith.subf %div3A_1515, %mul3A_1516 : vector<8x512xf32>
    %add3A_1518 = arith.addf %add3A_1493, %sub3A_1517 : vector<8x512xf32>
    %get3A_1519 = arith.constant 0 : index
    %get3A_1520 = arith.constant 488 : index
    %get3A_1521 = arith.constant 0 : index
    %get3A_1522 = vector.load %arg1[%get3A_1519, %get3A_1520, %get3A_1521] : memref<1x512x512xf32, #tpu.memory_space<vmem>>, vector<1x8x512xf32>
    %get3A_1523 = vector.shape_cast %get3A_1522 : vector<1x8x512xf32> to vector<8x512xf32>
    %get3A_1524 = arith.constant 0 : index
    %get3A_1525 = arith.constant 488 : index
    %get3A_1526 = arith.constant 0 : index
    %get3A_1527 = vector.load %arg2[%get3A_1524, %get3A_1525, %get3A_1526] : memref<1x512x512xf32, #tpu.memory_space<vmem>>, vector<1x8x512xf32>
    %get3A_1528 = vector.shape_cast %get3A_1527 : vector<1x8x512xf32> to vector<8x512xf32>
    %mul3A_1529 = arith.constant 1.44269502 : f32
    %mul3A_1530 = vector.broadcast %mul3A_1529 : f32 to vector<8x512xf32>
    %mul3A_1531 = arith.mulf %get3A_1523, %mul3A_1530 : vector<8x512xf32>
    %exp23A_1532 = math.exp2 %mul3A_1531 : vector<8x512xf32>
    %add3A_1533 = arith.constant 1.000000e+00 : f32
    %add3A_1534 = vector.broadcast %add3A_1533 : f32 to vector<8x512xf32>
    %add3A_1535 = arith.addf %add3A_1534, %exp23A_1532 : vector<8x512xf32>
    %log3A_1536 = math.log %add3A_1535 : vector<8x512xf32>
    %log3A_1537 = arith.constant 2.000000e+00 : f32
    %log3A_1538 = math.log %log3A_1537 : f32
    %div3A_1539 = vector.broadcast %log3A_1538 : f32 to vector<8x512xf32>
    %div3A_1540 = arith.divf %log3A_1536, %div3A_1539 : vector<8x512xf32>
    %mul3A_1541 = arith.mulf %get3A_1528, %mul3A_1531 : vector<8x512xf32>
    %sub3A_1542 = arith.subf %div3A_1540, %mul3A_1541 : vector<8x512xf32>
    %add3A_1543 = arith.addf %add3A_1518, %sub3A_1542 : vector<8x512xf32>
    %get3A_1544 = arith.constant 0 : index
    %get3A_1545 = arith.constant 496 : index
    %get3A_1546 = arith.constant 0 : index
    %get3A_1547 = vector.load %arg1[%get3A_1544, %get3A_1545, %get3A_1546] : memref<1x512x512xf32, #tpu.memory_space<vmem>>, vector<1x8x512xf32>
    %get3A_1548 = vector.shape_cast %get3A_1547 : vector<1x8x512xf32> to vector<8x512xf32>
    %get3A_1549 = arith.constant 0 : index
    %get3A_1550 = arith.constant 496 : index
    %get3A_1551 = arith.constant 0 : index
    %get3A_1552 = vector.load %arg2[%get3A_1549, %get3A_1550, %get3A_1551] : memref<1x512x512xf32, #tpu.memory_space<vmem>>, vector<1x8x512xf32>
    %get3A_1553 = vector.shape_cast %get3A_1552 : vector<1x8x512xf32> to vector<8x512xf32>
    %mul3A_1554 = arith.constant 1.44269502 : f32
    %mul3A_1555 = vector.broadcast %mul3A_1554 : f32 to vector<8x512xf32>
    %mul3A_1556 = arith.mulf %get3A_1548, %mul3A_1555 : vector<8x512xf32>
    %exp23A_1557 = math.exp2 %mul3A_1556 : vector<8x512xf32>
    %add3A_1558 = arith.constant 1.000000e+00 : f32
    %add3A_1559 = vector.broadcast %add3A_1558 : f32 to vector<8x512xf32>
    %add3A_1560 = arith.addf %add3A_1559, %exp23A_1557 : vector<8x512xf32>
    %log3A_1561 = math.log %add3A_1560 : vector<8x512xf32>
    %log3A_1562 = arith.constant 2.000000e+00 : f32
    %log3A_1563 = math.log %log3A_1562 : f32
    %div3A_1564 = vector.broadcast %log3A_1563 : f32 to vector<8x512xf32>
    %div3A_1565 = arith.divf %log3A_1561, %div3A_1564 : vector<8x512xf32>
    %mul3A_1566 = arith.mulf %get3A_1553, %mul3A_1556 : vector<8x512xf32>
    %sub3A_1567 = arith.subf %div3A_1565, %mul3A_1566 : vector<8x512xf32>
    %add3A_1568 = arith.addf %add3A_1543, %sub3A_1567 : vector<8x512xf32>
    %get3A_1569 = arith.constant 0 : index
    %get3A_1570 = arith.constant 504 : index
    %get3A_1571 = arith.constant 0 : index
    %get3A_1572 = vector.load %arg1[%get3A_1569, %get3A_1570, %get3A_1571] : memref<1x512x512xf32, #tpu.memory_space<vmem>>, vector<1x8x512xf32>
    %get3A_1573 = vector.shape_cast %get3A_1572 : vector<1x8x512xf32> to vector<8x512xf32>
    %get3A_1574 = arith.constant 0 : index
    %get3A_1575 = arith.constant 504 : index
    %get3A_1576 = arith.constant 0 : index
    %get3A_1577 = vector.load %arg2[%get3A_1574, %get3A_1575, %get3A_1576] : memref<1x512x512xf32, #tpu.memory_space<vmem>>, vector<1x8x512xf32>
    %get3A_1578 = vector.shape_cast %get3A_1577 : vector<1x8x512xf32> to vector<8x512xf32>
    %mul3A_1579 = arith.constant 1.44269502 : f32
    %mul3A_1580 = vector.broadcast %mul3A_1579 : f32 to vector<8x512xf32>
    %mul3A_1581 = arith.mulf %get3A_1573, %mul3A_1580 : vector<8x512xf32>
    %exp23A_1582 = math.exp2 %mul3A_1581 : vector<8x512xf32>
    %add3A_1583 = arith.constant 1.000000e+00 : f32
    %add3A_1584 = vector.broadcast %add3A_1583 : f32 to vector<8x512xf32>
    %add3A_1585 = arith.addf %add3A_1584, %exp23A_1582 : vector<8x512xf32>
    %log3A_1586 = math.log %add3A_1585 : vector<8x512xf32>
    %log3A_1587 = arith.constant 2.000000e+00 : f32
    %log3A_1588 = math.log %log3A_1587 : f32
    %div3A_1589 = vector.broadcast %log3A_1588 : f32 to vector<8x512xf32>
    %div3A_1590 = arith.divf %log3A_1586, %div3A_1589 : vector<8x512xf32>
    %mul3A_1591 = arith.mulf %get3A_1578, %mul3A_1581 : vector<8x512xf32>
    %sub3A_1592 = arith.subf %div3A_1590, %mul3A_1591 : vector<8x512xf32>
    %add3A_1593 = arith.addf %add3A_1568, %sub3A_1592 : vector<8x512xf32>
    %eq3A = arith.constant 0 : i32
    %eq3A_1594 = arith.cmpi eq, %arg0, %eq3A : i32
    %convert_element_type3A = arith.extui %eq3A_1594 : i1 to i32
    %cond3A = arith.constant 0 : i32
    %cond3A_1595 = arith.cmpi ne, %convert_element_type3A, %cond3A : i32
    scf.if %cond3A_1595 {
      %swap3A = arith.constant 0 : index
      %swap3A_1605 = arith.constant 0 : index
      %swap3A_1606 = vector.load %arg4[%swap3A, %swap3A_1605] : memref<8x512xf32, #tpu.memory_space<vmem>>, vector<8x512xf32>
      tpu.vector_store %arg4[%swap3A, %swap3A_1605], %add3A_1593 {strides = array<i32>} : memref<8x512xf32, #tpu.memory_space<vmem>>, vector<8x512xf32>,
    } else {
    }
    %ne3A = arith.constant 0 : i32
    %ne3A_1596 = arith.cmpi ne, %arg0, %ne3A : i32
    %convert_element_type3A_1597 = arith.extui %ne3A_1596 : i1 to i32
    %cond3A_1598 = arith.constant 0 : i32
    %cond3A_1599 = arith.cmpi ne, %convert_element_type3A_1597, %cond3A_1598 : i32
    scf.if %cond3A_1599 {
      %get3A_1605 = arith.constant 0 : index
      %get3A_1606 = arith.constant 0 : index
      %get3A_1607 = vector.load %arg4[%get3A_1605, %get3A_1606] : memref<8x512xf32, #tpu.memory_space<vmem>>, vector<8x512xf32>
      %add3A_1608 = arith.addf %get3A_1607, %add3A_1593 : vector<8x512xf32>
      %swap3A = arith.constant 0 : index
      %swap3A_1609 = arith.constant 0 : index
      %swap3A_1610 = vector.load %arg4[%swap3A, %swap3A_1609] : memref<8x512xf32, #tpu.memory_space<vmem>>, vector<8x512xf32>
      tpu.vector_store %arg4[%swap3A, %swap3A_1609], %add3A_1608 {strides = array<i32>} : memref<8x512xf32, #tpu.memory_space<vmem>>, vector<8x512xf32>,
    } else {
    }
    %eq3A_1600 = arith.constant 31 : i32
    %eq3A_1601 = arith.cmpi eq, %arg0, %eq3A_1600 : i32
    %convert_element_type3A_1602 = arith.extui %eq3A_1601 : i1 to i32
    %cond3A_1603 = arith.constant 0 : i32
    %cond3A_1604 = arith.cmpi ne, %convert_element_type3A_1602, %cond3A_1603 : i32
    scf.if %cond3A_1604 {
      %get3A_1605 = arith.constant 0 : index
      %get3A_1606 = arith.constant 0 : index
      %get3A_1607 = vector.load %arg4[%get3A_1605, %get3A_1606] : memref<8x512xf32, #tpu.memory_space<vmem>>, vector<8x512xf32>
      %reduce_sum3A = vector.shape_cast %get3A_1607 : vector<8x512xf32> to vector<1x8x512xf32>
      %reduce_sum3A_1608 = arith.constant dense<0.000000e+00> : vector<1xf32>
      %reduce_sum3A_1609 = vector.multi_reduction <add>, %reduce_sum3A, %reduce_sum3A_1608 [1, 2] : vector<1x8x512xf32> to vector<1xf32>
      %reduce_sum3A_1610 = vector.shape_cast %reduce_sum3A_1609 : vector<1xf32> to vector<1x1x1xf32>
      %reduce_sum3A_1611 = vector.extract %reduce_sum3A_1610[0, 0, 0] : f32 from vector<1x1x1xf32>
      %mul3A_1612 = arith.constant 0.693147182 : f32
      %mul3A_1613 = arith.mulf %mul3A_1612, %reduce_sum3A_1611 : f32
      %div3A_1614 = arith.constant 0x4B000000 : f32
      %div3A_1615 = arith.divf %mul3A_1613, %div3A_1614 : f32
      %broadcast_in_dim3A_1616 = vector.broadcast %div3A_1615 : f32 to vector<1x1xf32>
      %swap3A = arith.constant 0 : index
      %swap3A_1617 = arith.constant 0 : index
      %swap3A_1618 = vector.load %arg3[%swap3A, %swap3A_1617] : memref<1x1xf32, #tpu.memory_space<vmem>>, vector<1x1xf32>
      tpu.vector_store %arg3[%swap3A, %swap3A_1617], %broadcast_in_dim3A_1616 {strides = array<i32>} : memref<1x1xf32, #tpu.memory_space<vmem>>, vector<1x1xf32>,
    } else {
    }
    return
  }
  func.func @transform_0(%arg0: i32) -> (i32, i32, i32) {
    %c0_i32 = arith.constant 0 : i32
    %c0_i32_0 = arith.constant 0 : i32
    %c0_i32_1 = arith.constant 0 : i32
    return %arg0, %c0_i32, %c0_i32_0 : i32, i32, i32
  }
  func.func @transform_1(%arg0: i32) -> (i32, i32, i32) {
    %c0_i32 = arith.constant 0 : i32
    %c0_i32_0 = arith.constant 0 : i32
    %c0_i32_1 = arith.constant 0 : i32
    return %arg0, %c0_i32, %c0_i32_0 : i32, i32, i32
  }
  func.func @transform_2(%arg0: i32) -> (i32, i32) {
    %c0_i32 = arith.constant 0 : i32
    %c0_i32_0 = arith.constant 0 : i32
    %c0_i32_1 = arith.constant 0 : i32
    return %c0_i32, %c0_i32_0 : i32, i32
  }
}

</mosaic_0001>

<sc_bundles>
// kernel: kernel.4.cloned.1.call-start
scs
__scs_entry_jumppad:
0x0: {  	(pc) =	sbr.rel $0x88, $3  }
0x1: {  	(tag) =	ssettag $0x0;
	lr =	simm.s32 $0x1  }
0x2: {  	[smem:$0x3F9F] =	sst lr;
	_ =	strace $0xD0000000  }
0x3: {  	_ = 	snop  }
0x4: {  	_ = 	snop  }
0x5: {  	_ = 	snop  }
0x6: {  	_ = 	snop  }
0x7: {  	_ = 	snop  }
__scs_overlays_trampoline_lowered:
0x8: {  	[smem:$0x3FAE] =	sst s0  }
0x9: {  	[smem:$0x3FAF] =	sst s1  }
0xa: {  	[smem:$0x3FB0] =	sst s2  }
0xb: {  	[smem:$0x3FB1] =	sst s3  }
0xc: {  	[smem:$0x3FB2] =	sst s4  }
0xd: {  	[smem:$0x3FB3] =	sst s5  }
0xe: {  	[smem:$0x3FB4] =	sst s6  }
0xf: {  	[smem:$0x3FB5] =	sst s7  }
0x10: {  	[smem:$0x3FB6] =	sst s8  }
0x11: {  	[smem:$0x3FB7] =	sst s9;
	s0 =	simm.s32 @!p0 $0x0  }
0x12: {  	s1 =	sld [smem:$0x3F9D];
	s0 =	simm.s32 @p0 $0x1  }
0x13: {  	[smem:$0x3FB8] =	sst s0;
	s0 =	simm.s32 @!p1 $0x0  }
0x14: {  	s2 =	sld [smem:$0x3F9C];
	s0 =	simm.s32 @p1 $0x1  }
0x15: {  	[smem:$0x3FB9] =	sst s0;
	s0 =	simm.s32 @!p2 $0x0  }
0x16: {  	s3 =	sld [smem:$0x3FDB];
	s0 =	simm.s32 @p2 $0x1  }
0x17: {  	s4 =	simm.s32 $0x1BF5;
	[smem:$0x3FBB] =	sst s0  }
0x18: {  	s0 =	sld [smem:$0x3F9E];
	_ =	swait.ge [sflag:s4], $0x0  }
0x19: {  	s7 =	sld [smem:$0x3F9F]  }
0x1a: {  	s8 =	sadd.s32 $0xFFFFE003, lr  }
0x1b: {  	s9 =	sadd.s32 $0xFFFFFEF7, lr;
	s5 =	simm.s32 $0xFFFFFFFF;
	p2 =	slt.u32 s8, $0xFFFFF086  }
0x1c: {  	p1 =	slt.u32 s9, $0xF7A;
	s5 =	simm.s32 @!p2 $0x0  }
0x1d: {  	s5 =	simm.s32 @p1 $0x1;
	p0 =	seq.s32 s7, s2  }
0x1e: {  	s7 =	smul.u32 @!p0 $0xF7A, s2;
	p2 =	seq.s32 @!p0 s5, $0x0  }
0x1f: {  	s9 =	smul.u32 $0xF7A, s1;
	s8 =	simm.s32 @!p0 $0x1BF5;
	p2 =	por !p2, p0  }
0x20: {  	[sflag:s8] =	ssyncset.s32 @!p0 $0xFFFFF086;
	s6 =	sadd.s32 @!p0 s3, s7;
	s7 =	simm.s32 @!p0 $0x108  }
0x21: {  	s3 =	sadd.s32 s3, s9;
	s6 =	sadd.s32 @!p0 $0x88, s6;
	s7 =	simm.s32 @p2 $0x1082  }
0x22: {  	[simem:s7], [sflag:s8] =	dma.local @!p0 [hbm:s6], $0xF7A  }
0x23: {  	s9 =	sor.u32 $0xD0000000, s2;
	s6 =	simm.s32 $0x108;
	_ =	swait.ge @!p0 [sflag:s8], $0x0  }
0x24: {  	s3 =	sadd.s32 $0x88, s3;
	s6 =	simm.s32 @!p1 $0x1082;
	[sflag:s4] =	ssyncset.s32 $0xFFFFF086  }
0x25: {  	[simem:s6], [sflag:s4] =	dma.local [hbm:s3], $0xF7A  }
0x26: {  	[smem:$0x3F9F] =	sst s1;
	(tag) =	ssettag s2;
	_ =	strace s9  }
0x27: {  	s1 =	sld [smem:$0x3FAF]  }
0x28: {  	s2 =	sld [smem:$0x3FB0]  }
0x29: {  	s4 =	sld [smem:$0x3FB2]  }
0x2a: {  	p0 =	seq.s32 s5, $0x0;
	s5 =	sld [smem:$0x3FB3]  }
0x2b: {  	s6 =	sld [smem:$0x3FB4]  }
0x2c: {  	s7 =	sld [smem:$0x3FB5]  }
0x2d: {  	s3 =	simm.s32 $0x108;
	s8 =	sld [smem:$0x3FB6]  }
0x2e: {  	s3 =	simm.s32 @!p0 $0x1082;
	s9 =	sld [smem:$0x3FB7]  }
0x2f: {  	lr =	sadd.s32 s0, s3;
	s0 =	sld [smem:$0x3FAE]  }
0x30: {  	s3 =	sld [smem:$0x3FB1]  }
0x31: {  	[smem:$0x3FBA] =	sst s10  }
0x32: {  	s10 =	sld [smem:$0x3FB8];
	_ =	sdelay $0x3  }
0x33: {  	p0 =	seq.s32 s10, $0x1;
	s10 =	sld [smem:$0x3FBA];
	_ =	sdelay $0x3  }
0x34: {  	[smem:$0x3FBA] =	sst s10  }
0x35: {  	s10 =	sld [smem:$0x3FB9];
	_ =	sdelay $0x3  }
0x36: {  	p1 =	seq.s32 s10, $0x1;
	s10 =	sld [smem:$0x3FBA];
	_ =	sdelay $0x3  }
0x37: {  	[smem:$0x3FBA] =	sst s10  }
0x38: {  	s10 =	sld [smem:$0x3FBB]  }
0x39: {  	_ = 	snop;
	(pc) =	sbr.ind lr, $3  }
0x3a: {  	_ = 	snop  }
0x3b: {  	_ = 	snop  }
0x3c: {  	p2 =	seq.s32 s10, $0x1;
	s10 =	sld [smem:$0x3FBA]  }
0x3d: {  	_ =	shalt  }
0x3e: {  	_ =	shalt  }
0x3f: {  	_ =	shalt  }
0x40: {  	_ =	shalt  }
0x41: {  	_ =	shalt  }
0x42: {  	_ =	shalt  }
0x43: {  	_ =	shalt  }
0x44: {  	_ =	shalt  }
0x45: {  	_ =	shalt  }
0x46: {  	_ =	shalt  }
0x47: {  	_ =	shalt  }
0x48: {  	_ =	shalt  }
0x49: {  	_ =	shalt  }
0x4a: {  	_ =	shalt  }
0x4b: {  	_ =	shalt  }
0x4c: {  	_ =	shalt  }
0x4d: {  	_ =	shalt  }
0x4e: {  	_ =	shalt  }
0x4f: {  	_ =	shalt  }
0x50: {  	_ =	shalt  }
0x51: {  	_ =	shalt  }
0x52: {  	_ =	shalt  }
0x53: {  	_ =	shalt  }
0x54: {  	_ =	shalt  }
0x55: {  	_ =	shalt  }
0x56: {  	_ =	shalt  }
0x57: {  	_ =	shalt  }
0x58: {  	_ =	shalt  }
0x59: {  	_ =	shalt  }
0x5a: {  	_ =	shalt  }
0x5b: {  	_ =	shalt  }
0x5c: {  	_ =	shalt  }
0x5d: {  	_ =	shalt  }
0x5e: {  	_ =	shalt  }
0x5f: {  	_ =	shalt  }
0x60: {  	_ =	shalt  }
0x61: {  	_ =	shalt  }
0x62: {  	_ =	shalt  }
0x63: {  	_ =	shalt  }
0x64: {  	_ =	shalt  }
0x65: {  	_ =	shalt  }
0x66: {  	_ =	shalt  }
0x67: {  	_ =	shalt  }
0x68: {  	_ =	shalt  }
0x69: {  	_ =	shalt  }
0x6a: {  	_ =	shalt  }
0x6b: {  	_ =	shalt  }
0x6c: {  	_ =	shalt  }
0x6d: {  	_ =	shalt  }
0x6e: {  	_ =	shalt  }
0x6f: {  	_ =	shalt  }
0x70: {  	_ =	shalt  }
0x71: {  	_ =	shalt  }
0x72: {  	_ =	shalt  }
0x73: {  	_ =	shalt  }
0x74: {  	_ =	shalt  }
0x75: {  	_ =	shalt  }
0x76: {  	_ =	shalt  }
0x77: {  	_ =	shalt  }
0x78: {  	_ =	shalt  }
0x79: {  	_ =	shalt  }
0x7a: {  	_ =	shalt  }
0x7b: {  	_ =	shalt  }
0x7c: {  	_ =	shalt  }
0x7d: {  	_ =	shalt  }
0x7e: {  	_ =	shalt  }
0x7f: {  	_ =	shalt  }
0x80: {  	_ =	shalt  }
0x81: {  	_ =	shalt  }
0x82: {  	_ =	shalt  }
0x83: {  	_ =	shalt  }
0x84: {  	_ =	shalt  }
0x85: {  	_ =	shalt  }
0x86: {  	_ =	shalt  }
0x87: {  	_ =	shalt  }
.Lfunc_end0:
.L_simem_size_0:
called_computation.1_lowered:
.L_overlay_start_0:
0x88: {  	s2 =	sld [smem:$0x3FD9]  }
0x89: {  	s3 =	sld [smem:$0x3FFE];
	_ =	sdelay $0x1  }
0x8a: {  	s1 =	srdreg.scid  }
0x8b: {  	s0 =	sand.u32 $0x1, s1  }
0x8c: {  	s16 =	sshll.u32 s0, $0xA;
	s2 =	sadd.s32 s3, s2  }
0x8d: {  	s2 =	sadd.s32 s2, s16  }
0x8e: {  	[smem:$0x3FC6] =	sst s2  }
0x8f: {  	_ = 	snop  }
0x90: {  	(tm) =	ssettm $0x1  }
0x91: {  	s17 =	sld [smem:$0x3FFB];
	_ =	sdelay $0x3  }
0x92: {  	_ =	strace s17  }
0x93: {  	s2 =	sld [smem:$0x3FFC];
	_ =	sdelay $0x3  }
0x94: {  	_ =	strace s2  }
0x95: {  	s2 =	sld [smem:$0x3FFD];
	_ =	sdelay $0x3  }
0x96: {  	_ =	strace s2  }
0x97: {  	_ =	strace $0x8FFFFFFF  }
0x98: {  	s18 =	sld [smem:$0x3FDB];
	_ =	sdelay $0x1  }
0x99: {  	s19 =	simm.s32 $_scs_section_size  }
0x9a: {  	s4 =	simm.s32 $_size__tile_overlayer_lowered;
	s5 =	simm.s32 $_tile_overlayer_lowered  }
0x9b: {  	s22 =	simm.s32 $0x1BFF;
	s21 =	sshll.u32 s5, $0x1;
	s2 =	sadd.s32 s19, s18  }
0x9c: {  	s6 =	simm.s32 $0x0;
	s20 =	sshll.u32 s4, $0x1;
	s4 =	sadd.s32 s21, s2  }
0x9d: {  	[timem:s6], [sflag:s22] =	dma.local [hbm:s4], s20  }
0x9e: {  	_ =	swait.ge [sflag:s22], s20  }
0x9f: {  	s3 =	ssub.s32 $0x0, s20;
	[sflag:s22] =	ssyncset.done $0x0  }
0xa0: {  	[sflag:s22] =	ssyncadd.s32 s3;
	_ =	sdelay $0x1  }
0xa1: {  	s23 =	simm.s32 $0x1B8B  }
0xa2: {  	_ =	swait.ge [sflag:s23], $0x1  }
0xa3: {  	[sflag:s23] =	ssyncset.done $0x0  }
0xa4: {  	s25 =	simm.s32 $0x1B8E;
	s24 =	sld [smem:$0x3FFE];
	[sflag:s23] =	ssyncadd.s32 $0xFFFFFFFF  }
0xa5: {  	s26 =	simm.s32 $execute0_lowered;
	[smem:$0x3FD2] =	sst s25  }
0xa6: {  	s4 =	sshll.u32 s26, $0x1;
	_ =	strace $0x80000049;
	[dreg:$0x1] =	wrdreg $0xFFFFFFFF  }
0xa7: {  	s28 =	simm.s32 $_size_execute0_lowered;
	s2 =	sadd.s32 s2, s4;
	[dreg:$0x0] =	wrdreg $0x0  }
0xa8: {  	s4 =	sshll.u32 s28, $0x1;
	[dreg:$0x2] =	wrdreg s2  }
0xa9: {  	[dreg:$0x3] =	wrdreg s4  }
0xaa: {  	[dreg:$0x4] =	wrdreg $0xC0  }
0xab: {  	_ =	task [dreg:s6], $0x5FFFF  }
0xac: {  	[dreg:$0x1] =	wrdreg $0xFFFFFFFF  }
0xad: {  	[dreg:$0x0] =	wrdreg $0x60  }
0xae: {  	[dreg:$0x2] =	wrdreg s24  }
0xaf: {  	[dreg:$0x3] =	wrdreg $0x9  }
0xb0: {  	_ =	task.clear_ibuf [dreg:s6], $0x4FFFF;
	_ =	strace $0x90000049  }
0xb1: {  	s29 =	simm.s32 $0x9;
	_ =	strace $0x8000004B  }
0xb2: {  	_ =	swait.ge [sflag:s29], $0x1  }
0xb3: {  	[sflag:s29] =	ssyncadd.s32 $0xFFFFFFFF  }
0xb4: {  	_ =	strace $0x9000004B  }
0xb5: {  	_ =	sfence  }
0xb6: {  	s30 =	sld [smem:$0x0];
	_ =	sdelay $0x2  }
0xb7: {  	s31 =	sshll.u32 s1, $0xD;
	s1 =	sshrl.u32 s1, $0x2  }
0xb8: {  	s3 =	sand.u32 $0x4000, s31;
	s1 =	sadd.s32 s1, s30  }
0xb9: {  	s0 =	sor.u32 s3, s0;
	s1 =	sshll.u32 s1, $0x11  }
0xba: {  	s0 =	sor.u32 s1, s0  }
0xbb: {  	s0 =	sadd.s32 $0x8F2B, s0  }
0xbc: {  	[sflag:s0] =	ssyncadd.remote.s32 $0x1  }
0xbd: {  	_ =	sfence.sel $0xFFFF  }
0xbe: {  	[dreg:$0x0] =	wrdreg $0xFFFFFFFF;
	(pc) =	sbr.abs _section_cstart, $3  }
0xbf: {  	[dreg:$0x1] =	wrdreg $0xFFFFFFFF  }
0xc0: {  	_ =	task.clear_ibuf [dreg:s6], $0x2FFFF;
	_ =	strace $0x9FFFFFFF  }
0xc1: {  	(tm) =	ssettm $0x7FFFFFFF  }
tec
execute0_lowered:
.L_overlay_start_1:
0x0: {  	(tag) =	ssettag $0x1  }
0x1: {  	s3 =	rddreg [dreg:$0x0]  }
0x2: {  	s4 =	srdreg.scid;
	s0 =	stileid.u32  }
0x3: {  	s2 =	simm.s32 $0x0;
	s4 =	sand.u32 $0x1, s4;
	s5 =	sshll.u32 s0, $0x1  }
0x4: {  	[smem:$0x7FF] =	sst s2;
	s19 =	sor.u32 s4, s5  }
0x5: {  	_ =	strace $0x8000004A;
	s4 =	ssub.s32 $0x2, s4;
	s5 =	sshll.u32 s19, $0xA  }
0x6: {  	s6 =	sshll.u32 s19, $0x1;
	s7 =	sshrl.u32 s4, $0x1;
	s31 =	sshllo.u32 s19, $0x4  }
0x7: {  	s5 =	sadd.s32 s5, s3;
	s20 =	sadd.s32 s6, s3;
	s3 =	sshll.u32 s19, $0x4  }
0x8: {  	s21 =	ssub.s32 s4, s7;
	s4 =	sadd.s32 $0xF0400, s5;
	s12 =	sor.u32 $0x1, s3  }
0x9: {  	s5 =	sor.u32 $0x200, s3;
	s13 =	sor.u32 $0x2, s3;
	s6 =	sor.u32 $0x400, s3  }
0xa: {  	s14 =	sor.u32 $0x3, s3;
	s7 =	sor.u32 $0x600, s3;
	s15 =	sor.u32 $0x4, s3  }
0xb: {  	v10 =	vlaneseq.u32;
	s8 =	sor.u32 $0x800, s3;
	s16 =	sor.u32 $0x5, s3;
	s9 =	sor.u32 $0xA00, s3  }
0xc: {  	v16 =	vmul.u32 $0xFFFFFFFF, v10;
	s17 =	sor.u32 $0x6, s3;
	s10 =	sor.u32 $0xC00, s3;
	s18 =	sor.u32 $0x7, s3  }
0xd: {  	s11 =	sor.u32 $0xE00, s3;
	s22 =	sor.u32 $0x8, s3;
	s23 =	sor.u32 $0x9, s3  }
0xe: {  	v17 =	vimm.s32 $0x0;
	vm0 =	vcmask $0x300;
	v16 =	vadd.s32 s31, v16;
	s24 =	sor.u32 $0xA, s3;
	s28 =	sor.u32 $0xB, s3;
	s25 =	sor.u32 $0xC, s3  }
0xf: {  	v0 =	vmov s3;
	s29 =	sor.u32 $0xD, s3;
	s30 =	sor.u32 $0xE, s3;
	s19 =	sor.u32 $0x1E00, s3;
	v1 =	vmov s12;
	v2 =	vmov s13  }
0x10: {  	s20 =	sadd.s32 $0x100400, s20;
	s21 =	smax.u32 s21, $0x1;
	s12 =	sor.u32 $0x1000, s3;
	v3 =	vmov s14;
	v4 =	vmov s15;
	v5 =	vmov s16  }
0x11: {  	s13 =	sor.u32 $0x1200, s3;
	s14 =	sor.u32 $0x1400, s3;
	v6 =	vmov s17;
	v7 =	vmov s18;
	s15 =	sor.u32 $0x1600, s3;
	v8 =	vmov s22  }
0x12: {  	v9 =	vmov s23;
	s16 =	sor.u32 $0x1800, s3;
	s17 =	sor.u32 $0x1A00, s3;
	v11 =	vmov s24;
	v12 =	vmov s28;
	s18 =	sor.u32 $0x1C00, s3  }
0x13: {  	v13 =	vmov s25;
	v14 =	vmov s29;
	v15 =	vmov s30;
	s22 =	simm.s32 $0x1;
	s23 =	simm.s32 $0x2080;
	s24 =	simm.s32 $0x0  }
.LBB2_1:
0x14: {  	[tilespmem:s2], [sflag:$0x1] =	stream.linear.gather [hbm4b:s4+s2], $0x2000, $0x38;
	[tilespmem:$0x2100] =	vst v63  }
0x15: {  	_ =	swait.ge [sflag:s22], $0x2000  }
0x16: {  	[sflag:s22] =	ssyncset.done $0x0  }
0x17: {  	[sflag:s22] =	ssyncadd.s32 $0xFFFFE000  }
0x18: {  	[tilespmem:$0x2010] =	vst v17  }
0x19: {  	v18 =	vld [tilespmem:s3+$0x0];
	_ =	sdelay $0x1  }
0x1a: {  	v19 =	vld [tilespmem:s2+$0x0];
	_ =	sdelay $0x2  }
0x1b: {  	v21 =	vor.u32 s2, v10;
	v20 =	vbroadcast v18, $0x0  }
0x1c: {  	vm2 =	vlt.u32 v21, v0;
	v21 =	vimm.s32 $0x0  }
0x1d: {  	s25 =	simm.s32 $0x10;
	s26 =	simm.s32 $0x10;
	vm4 =	vgt.f32 v19, $0.0e+00;
	vm1 =	vgt.f32 v19, v20;
	vm3 =	veq.f32 v19, v20  }
.LBB2_2:
0x1e: {  	p0 =	sne.s32 s25, $0x1F0;
	vm2 =	vmand vm2, vm3;
	v22 =	vsel vm4, $0x100000, v17;
	vm3 =	veq.f32 v19, $0.0e+00;
	v19 =	vld [tilespmem:s26+$0x0];
	s28 =	smov.u32 s25;
	s25 =	sadd.s32 $0x10, s25  }
.Ltmp0:
0x1f: {  	vm1 =	vmor vm1, vm2;
	v21 =	vadd.s32 v21, v22;
	v22 =	vsel vm3, $0x400, v17;
	(pc) =	sbr.rel @p0 .LBB2_2-.Ltmp0, $4  }
0x20: {  	v21 =	vadd.s32 v22, v21;
	v22 =	vsel vm1, $0x1, v17  }
0x21: {  	v23 =	vor.u32 s28, v10;
	v21 =	vadd.s32 v22, v21  }
0x22: {  	vm2 =	vlt.u32 v23, v0  }
0x23: {  	s26 =	sadd.s32 $0x10, s26;
	vm1 =	vgt.f32 v19, v20;
	vm3 =	veq.f32 v19, v20;
	vm4 =	vgt.f32 v19, $0.0e+00  }
0x24: {  	vm2 =	vmand vm2, vm3;
	v20 =	vsel vm4, $0x100000, v17;
	vm3 =	veq.f32 v19, $0.0e+00  }
0x25: {  	vm1 =	vmor vm1, vm2;
	v19 =	vadd.s32 v21, v20;
	v20 =	vsel vm3, $0x400, v17  }
0x26: {  	v19 =	vadd.s32 v20, v19;
	v20 =	vsel vm1, $0x1, v17  }
0x27: {  	v19 =	vadd.s32 v20, v19  }
0x28: {  	[tilespmem:$0x2000] =	vst v19  }
0x29: {  	v20 =	vld [tilespmem:$0x2008];
	_ =	sdelay $0x4  }
0x2a: {  	v19 =	vadd.s32 v19, v20  }
0x2b: {  	[tilespmem:$0x2000] =	vst v19  }
0x2c: {  	v20 =	vld [tilespmem:$0x2004];
	_ =	sdelay $0x4  }
0x2d: {  	v19 =	vadd.s32 v19, v20  }
0x2e: {  	[tilespmem:$0x2000] =	vst v19  }
0x2f: {  	v20 =	vld [tilespmem:$0x2002];
	_ =	sdelay $0x4  }
0x30: {  	v19 =	vadd.s32 v19, v20  }
0x31: {  	[tilespmem:$0x2000] =	vst v19  }
0x32: {  	v20 =	vld [tilespmem:s5+$0x0]  }
0x33: {  	s25 =	simm.s32 $0x0;
	v21 =	vld [tilespmem:$0x2001]  }
0x34: {  	s26 =	sand.u32 $0x1F0, s25  }
0x35: {  	v22 =	vld [tilespmem:s26+$0x200];
	_ =	sdelay $0x1  }
0x36: {  	v24 =	vor.u32 s25, v10  }
0x37: {  	v23 =	vimm.s32 $0x0;
	s25 =	simm.s32 $0x10;
	vm1 =	vlt.u32 v24, v1;
	[tilespmem:$0x1FFF0] =	vst v21;
	v21 =	vbroadcast v20, $0x1  }
.LBB2_4:
0x38: {  	s26 =	sand.u32 $0x1F0, s25  }
0x39: {  	p0 =	sne.s32 s25, $0x1F0;
	vm2 =	vgt.f32 v22, v21;
	vm3 =	veq.f32 v22, v21;
	vm4 =	vgt.f32 v22, $0.0e+00;
	s28 =	smov.u32 s25;
	s25 =	sadd.s32 $0x10, s25  }
.Ltmp1:
0x3a: {  	vm1 =	vmand vm1, vm3;
	v24 =	vsel vm4, $0x100000, v17;
	vm3 =	veq.f32 v22, $0.0e+00;
	v22 =	vld [tilespmem:s26+$0x200];
	(pc) =	sbr.rel @p0 .LBB2_4-.Ltmp1, $4  }
0x3b: {  	vm1 =	vmor vm2, vm1;
	v23 =	vadd.s32 v23, v24;
	v24 =	vsel vm3, $0x400, v17  }
0x3c: {  	v23 =	vadd.s32 v24, v23;
	v24 =	vsel vm1, $0x1, v17  }
0x3d: {  	v25 =	vor.u32 s28, v10;
	v23 =	vadd.s32 v24, v23  }
0x3e: {  	vm1 =	vlt.u32 v25, v1  }
0x3f: {  	vm2 =	vgt.f32 v22, v21;
	vm3 =	veq.f32 v22, v21;
	vm4 =	vgt.f32 v22, $0.0e+00  }
0x40: {  	vm1 =	vmand vm1, vm3;
	v21 =	vsel vm4, $0x100000, v17;
	vm3 =	veq.f32 v22, $0.0e+00  }
0x41: {  	vm1 =	vmor vm2, vm1;
	v21 =	vadd.s32 v23, v21;
	v22 =	vsel vm3, $0x400, v17  }
0x42: {  	v21 =	vadd.s32 v22, v21;
	v22 =	vsel vm1, $0x1, v17  }
0x43: {  	v21 =	vadd.s32 v22, v21  }
0x44: {  	[tilespmem:$0x2000] =	vst v21  }
0x45: {  	v22 =	vld [tilespmem:$0x2008];
	_ =	sdelay $0x4  }
0x46: {  	v21 =	vadd.s32 v21, v22  }
0x47: {  	[tilespmem:$0x2000] =	vst v21  }
0x48: {  	v22 =	vld [tilespmem:$0x2004];
	_ =	sdelay $0x4  }
0x49: {  	v21 =	vadd.s32 v21, v22  }
0x4a: {  	[tilespmem:$0x2000] =	vst v21  }
0x4b: {  	v22 =	vld [tilespmem:$0x2002];
	_ =	sdelay $0x4  }
0x4c: {  	v23 =	vadd.s32 v21, v22  }
0x4d: {  	[tilespmem:$0x2000] =	vst v23  }
0x4e: {  	v22 =	vld [tilespmem:s6+$0x0]  }
0x4f: {  	s25 =	simm.s32 $0x0;
	v21 =	vld [tilespmem:$0x2001]  }
0x50: {  	s26 =	sand.u32 $0x1F0, s25  }
0x51: {  	v24 =	vld [tilespmem:s26+$0x400];
	_ =	sdelay $0x1  }
0x52: {  	v26 =	vor.u32 s25, v10  }
0x53: {  	v25 =	vimm.s32 $0x0;
	s25 =	simm.s32 $0x10;
	vm1 =	vlt.u32 v26, v2;
	[tilespmem:$0x1FFE0] =	vst v21;
	v21 =	vbroadcast v22, $0x2  }
.LBB2_6:
0x54: {  	s26 =	sand.u32 $0x1F0, s25  }
0x55: {  	p0 =	sne.s32 s25, $0x1F0;
	vm2 =	vgt.f32 v24, v21;
	vm3 =	veq.f32 v24, v21;
	vm4 =	vgt.f32 v24, $0.0e+00;
	s28 =	smov.u32 s25;
	s25 =	sadd.s32 $0x10, s25  }
.Ltmp2:
0x56: {  	vm1 =	vmand vm1, vm3;
	v26 =	vsel vm4, $0x100000, v17;
	vm3 =	veq.f32 v24, $0.0e+00;
	v24 =	vld [tilespmem:s26+$0x400];
	(pc) =	sbr.rel @p0 .LBB2_6-.Ltmp2, $4  }
0x57: {  	vm1 =	vmor vm2, vm1;
	v25 =	vadd.s32 v25, v26;
	v26 =	vsel vm3, $0x400, v17  }
0x58: {  	v25 =	vadd.s32 v26, v25;
	v26 =	vsel vm1, $0x1, v17  }
0x59: {  	v27 =	vor.u32 s28, v10;
	v25 =	vadd.s32 v26, v25  }
0x5a: {  	vm1 =	vlt.u32 v27, v2  }
0x5b: {  	vm2 =	vgt.f32 v24, v21;
	vm3 =	veq.f32 v24, v21;
	vm4 =	vgt.f32 v24, $0.0e+00  }
0x5c: {  	vm1 =	vmand vm1, vm3;
	v21 =	vsel vm4, $0x100000, v17;
	vm3 =	veq.f32 v24, $0.0e+00  }
0x5d: {  	vm1 =	vmor vm2, vm1;
	v21 =	vadd.s32 v25, v21;
	v24 =	vsel vm3, $0x400, v17  }
0x5e: {  	v21 =	vadd.s32 v24, v21;
	v24 =	vsel vm1, $0x1, v17  }
0x5f: {  	v21 =	vadd.s32 v24, v21  }
0x60: {  	[tilespmem:$0x2000] =	vst v21  }
0x61: {  	v24 =	vld [tilespmem:$0x2008];
	_ =	sdelay $0x4  }
0x62: {  	v21 =	vadd.s32 v21, v24  }
0x63: {  	[tilespmem:$0x2000] =	vst v21  }
0x64: {  	v24 =	vld [tilespmem:$0x2004];
	_ =	sdelay $0x4  }
0x65: {  	v21 =	vadd.s32 v21, v24  }
0x66: {  	[tilespmem:$0x2000] =	vst v21  }
0x67: {  	v24 =	vld [tilespmem:$0x2002];
	_ =	sdelay $0x4  }
0x68: {  	v26 =	vadd.s32 v21, v24  }
0x69: {  	[tilespmem:$0x2000] =	vst v26  }
0x6a: {  	v25 =	vld [tilespmem:s7+$0x0]  }
0x6b: {  	s25 =	simm.s32 $0x0;
	v21 =	vld [tilespmem:$0x2001]  }
0x6c: {  	s26 =	sand.u32 $0x1F0, s25  }
0x6d: {  	v24 =	vld [tilespmem:s26+$0x600];
	_ =	sdelay $0x1  }
0x6e: {  	v28 =	vor.u32 s25, v10  }
0x6f: {  	v27 =	vimm.s32 $0x0;
	s25 =	simm.s32 $0x10;
	vm1 =	vlt.u32 v28, v3;
	[tilespmem:$0x1FFD0] =	vst v21;
	v21 =	vbroadcast v25, $0x3  }
.LBB2_8:
0x70: {  	s26 =	sand.u32 $0x1F0, s25  }
0x71: {  	p0 =	sne.s32 s25, $0x1F0;
	vm2 =	vgt.f32 v24, v21;
	vm3 =	veq.f32 v24, v21;
	vm4 =	vgt.f32 v24, $0.0e+00;
	s28 =	smov.u32 s25;
	s25 =	sadd.s32 $0x10, s25  }
.Ltmp3:
0x72: {  	vm1 =	vmand vm1, vm3;
	v28 =	vsel vm4, $0x100000, v17;
	vm3 =	veq.f32 v24, $0.0e+00;
	v24 =	vld [tilespmem:s26+$0x600];
	(pc) =	sbr.rel @p0 .LBB2_8-.Ltmp3, $4  }
0x73: {  	vm1 =	vmor vm2, vm1;
	v27 =	vadd.s32 v27, v28;
	v28 =	vsel vm3, $0x400, v17  }
0x74: {  	v27 =	vadd.s32 v28, v27;
	v28 =	vsel vm1, $0x1, v17  }
0x75: {  	v29 =	vor.u32 s28, v10;
	v27 =	vadd.s32 v28, v27  }
0x76: {  	vm1 =	vlt.u32 v29, v3  }
0x77: {  	vm2 =	vgt.f32 v24, v21;
	vm3 =	veq.f32 v24, v21;
	vm4 =	vgt.f32 v24, $0.0e+00  }
0x78: {  	vm1 =	vmand vm1, vm3;
	v21 =	vsel vm4, $0x100000, v17;
	vm3 =	veq.f32 v24, $0.0e+00  }
0x79: {  	vm1 =	vmor vm2, vm1;
	v21 =	vadd.s32 v27, v21;
	v24 =	vsel vm3, $0x400, v17  }
0x7a: {  	v21 =	vadd.s32 v24, v21;
	v24 =	vsel vm1, $0x1, v17  }
0x7b: {  	v21 =	vadd.s32 v24, v21  }
0x7c: {  	[tilespmem:$0x2000] =	vst v21  }
0x7d: {  	v24 =	vld [tilespmem:$0x2008];
	_ =	sdelay $0x4  }
0x7e: {  	v21 =	vadd.s32 v21, v24  }
0x7f: {  	[tilespmem:$0x2000] =	vst v21  }
0x80: {  	v24 =	vld [tilespmem:$0x2004];
	_ =	sdelay $0x4  }
0x81: {  	v21 =	vadd.s32 v21, v24  }
0x82: {  	[tilespmem:$0x2000] =	vst v21  }
0x83: {  	v24 =	vld [tilespmem:$0x2002];
	_ =	sdelay $0x4  }
0x84: {  	v29 =	vadd.s32 v21, v24  }
0x85: {  	[tilespmem:$0x2000] =	vst v29  }
0x86: {  	v28 =	vld [tilespmem:s8+$0x0]  }
0x87: {  	s25 =	simm.s32 $0x0;
	v21 =	vld [tilespmem:$0x2001]  }
0x88: {  	s26 =	sand.u32 $0x1F0, s25  }
0x89: {  	v24 =	vld [tilespmem:s26+$0x800];
	_ =	sdelay $0x1  }
0x8a: {  	v31 =	vor.u32 s25, v10  }
0x8b: {  	s25 =	simm.s32 $0x10;
	v27 =	vimm.s32 $0x0;
	vm1 =	vlt.u32 v31, v4;
	[tilespmem:$0x1FFC0] =	vst v21;
	v21 =	vbroadcast v28, $0x4  }
.LBB2_10:
0x8c: {  	s26 =	sand.u32 $0x1F0, s25  }
0x8d: {  	p0 =	sne.s32 s25, $0x1F0;
	vm2 =	vgt.f32 v24, v21;
	vm3 =	veq.f32 v24, v21;
	vm4 =	vgt.f32 v24, $0.0e+00;
	s28 =	smov.u32 s25;
	s25 =	sadd.s32 $0x10, s25  }
.Ltmp4:
0x8e: {  	vm1 =	vmand vm1, vm3;
	v31 =	vsel vm4, $0x100000, v17;
	vm3 =	veq.f32 v24, $0.0e+00;
	v24 =	vld [tilespmem:s26+$0x800];
	(pc) =	sbr.rel @p0 .LBB2_10-.Ltmp4, $4  }
0x8f: {  	vm1 =	vmor vm2, vm1;
	v27 =	vadd.s32 v27, v31;
	v31 =	vsel vm3, $0x400, v17  }
0x90: {  	v27 =	vadd.s32 v31, v27;
	v31 =	vsel vm1, $0x1, v17  }
0x91: {  	v32 =	vor.u32 s28, v10;
	v27 =	vadd.s32 v31, v27  }
0x92: {  	vm1 =	vlt.u32 v32, v4  }
0x93: {  	vm2 =	vgt.f32 v24, v21;
	vm3 =	veq.f32 v24, v21;
	vm4 =	vgt.f32 v24, $0.0e+00  }
0x94: {  	vm1 =	vmand vm1, vm3;
	v21 =	vsel vm4, $0x100000, v17;
	vm3 =	veq.f32 v24, $0.0e+00  }
0x95: {  	vm1 =	vmor vm2, vm1;
	v21 =	vadd.s32 v27, v21;
	v24 =	vsel vm3, $0x400, v17  }
0x96: {  	v21 =	vadd.s32 v24, v21;
	v24 =	vsel vm1, $0x1, v17  }
0x97: {  	v21 =	vadd.s32 v24, v21  }
0x98: {  	[tilespmem:$0x2000] =	vst v21  }
0x99: {  	v24 =	vld [tilespmem:$0x2008];
	_ =	sdelay $0x4  }
0x9a: {  	v21 =	vadd.s32 v21, v24  }
0x9b: {  	[tilespmem:$0x2000] =	vst v21  }
0x9c: {  	v24 =	vld [tilespmem:$0x2004];
	_ =	sdelay $0x4  }
0x9d: {  	v21 =	vadd.s32 v21, v24  }
0x9e: {  	[tilespmem:$0x2000] =	vst v21  }
0x9f: {  	v24 =	vld [tilespmem:$0x2002];
	_ =	sdelay $0x4  }
0xa0: {  	v32 =	vadd.s32 v21, v24  }
0xa1: {  	[tilespmem:$0x2000] =	vst v32  }
0xa2: {  	v31 =	vld [tilespmem:s9+$0x0]  }
0xa3: {  	s25 =	simm.s32 $0x0;
	v21 =	vld [tilespmem:$0x2001]  }
0xa4: {  	s26 =	sand.u32 $0x1F0, s25  }
0xa5: {  	v24 =	vld [tilespmem:s26+$0xA00];
	_ =	sdelay $0x1  }
0xa6: {  	v34 =	vor.u32 s25, v10  }
0xa7: {  	s25 =	simm.s32 $0x10;
	v27 =	vimm.s32 $0x0;
	vm1 =	vlt.u32 v34, v5;
	[tilespmem:$0x1FFB0] =	vst v21;
	v21 =	vbroadcast v31, $0x5  }
.LBB2_12:
0xa8: {  	s26 =	sand.u32 $0x1F0, s25  }
0xa9: {  	p0 =	sne.s32 s25, $0x1F0;
	vm2 =	vgt.f32 v24, v21;
	vm3 =	veq.f32 v24, v21;
	vm4 =	vgt.f32 v24, $0.0e+00;
	s28 =	smov.u32 s25;
	s25 =	sadd.s32 $0x10, s25  }
.Ltmp5:
0xaa: {  	vm1 =	vmand vm1, vm3;
	v34 =	vsel vm4, $0x100000, v17;
	vm3 =	veq.f32 v24, $0.0e+00;
	v24 =	vld [tilespmem:s26+$0xA00];
	(pc) =	sbr.rel @p0 .LBB2_12-.Ltmp5, $4  }
0xab: {  	vm1 =	vmor vm2, vm1;
	v27 =	vadd.s32 v27, v34;
	v34 =	vsel vm3, $0x400, v17  }
0xac: {  	v27 =	vadd.s32 v34, v27;
	v34 =	vsel vm1, $0x1, v17  }
0xad: {  	v35 =	vor.u32 s28, v10;
	v27 =	vadd.s32 v34, v27  }
0xae: {  	vm1 =	vlt.u32 v35, v5  }
0xaf: {  	vm2 =	vgt.f32 v24, v21;
	vm3 =	veq.f32 v24, v21;
	vm4 =	vgt.f32 v24, $0.0e+00  }
0xb0: {  	vm1 =	vmand vm1, vm3;
	v21 =	vsel vm4, $0x100000, v17;
	vm3 =	veq.f32 v24, $0.0e+00  }
0xb1: {  	vm1 =	vmor vm2, vm1;
	v21 =	vadd.s32 v27, v21;
	v24 =	vsel vm3, $0x400, v17  }
0xb2: {  	v21 =	vadd.s32 v24, v21;
	v24 =	vsel vm1, $0x1, v17  }
0xb3: {  	v21 =	vadd.s32 v24, v21  }
0xb4: {  	[tilespmem:$0x2000] =	vst v21  }
0xb5: {  	v24 =	vld [tilespmem:$0x2008];
	_ =	sdelay $0x4  }
0xb6: {  	v21 =	vadd.s32 v21, v24  }
0xb7: {  	[tilespmem:$0x2000] =	vst v21  }
0xb8: {  	v24 =	vld [tilespmem:$0x2004];
	_ =	sdelay $0x4  }
0xb9: {  	v21 =	vadd.s32 v21, v24  }
0xba: {  	[tilespmem:$0x2000] =	vst v21  }
0xbb: {  	v24 =	vld [tilespmem:$0x2002];
	_ =	sdelay $0x4  }
0xbc: {  	v35 =	vadd.s32 v21, v24  }
0xbd: {  	[tilespmem:$0x2000] =	vst v35  }
0xbe: {  	s25 =	simm.s32 $0x0;
	v34 =	vld [tilespmem:s10+$0x0]  }
0xbf: {  	s26 =	sand.u32 $0x1F0, s25  }
0xc0: {  	v24 =	vld [tilespmem:s26+$0xC00];
	_ =	sdelay $0x1  }
0xc1: {  	v37 =	vor.u32 s25, v10  }
0xc2: {  	s25 =	simm.s32 $0x10;
	v27 =	vimm.s32 $0x0;
	vm1 =	vlt.u32 v37, v6;
	v36 =	vld [tilespmem:$0x2001];
	v21 =	vbroadcast v34, $0x6  }
.LBB2_14:
0xc3: {  	s26 =	sand.u32 $0x1F0, s25  }
0xc4: {  	p0 =	sne.s32 s25, $0x1F0;
	vm2 =	vgt.f32 v24, v21;
	vm3 =	veq.f32 v24, v21;
	vm4 =	vgt.f32 v24, $0.0e+00;
	s28 =	smov.u32 s25;
	s25 =	sadd.s32 $0x10, s25  }
.Ltmp6:
0xc5: {  	vm1 =	vmand vm1, vm3;
	v37 =	vsel vm4, $0x100000, v17;
	vm3 =	veq.f32 v24, $0.0e+00;
	v24 =	vld [tilespmem:s26+$0xC00];
	(pc) =	sbr.rel @p0 .LBB2_14-.Ltmp6, $4  }
0xc6: {  	vm1 =	vmor vm2, vm1;
	v27 =	vadd.s32 v27, v37;
	v37 =	vsel vm3, $0x400, v17  }
0xc7: {  	v27 =	vadd.s32 v37, v27;
	v37 =	vsel vm1, $0x1, v17  }
0xc8: {  	v38 =	vor.u32 s28, v10;
	v27 =	vadd.s32 v37, v27  }
0xc9: {  	vm1 =	vlt.u32 v38, v6  }
0xca: {  	vm2 =	vgt.f32 v24, v21;
	vm3 =	veq.f32 v24, v21;
	vm4 =	vgt.f32 v24, $0.0e+00  }
0xcb: {  	vm1 =	vmand vm1, vm3;
	v21 =	vsel vm4, $0x100000, v17;
	vm3 =	veq.f32 v24, $0.0e+00  }
0xcc: {  	vm1 =	vmor vm2, vm1;
	v21 =	vadd.s32 v27, v21;
	v24 =	vsel vm3, $0x400, v17  }
0xcd: {  	v21 =	vadd.s32 v24, v21;
	v24 =	vsel vm1, $0x1, v17  }
0xce: {  	v21 =	vadd.s32 v24, v21  }
0xcf: {  	[tilespmem:$0x2000] =	vst v21  }
0xd0: {  	v24 =	vld [tilespmem:$0x2008];
	_ =	sdelay $0x4  }
0xd1: {  	v21 =	vadd.s32 v21, v24  }
0xd2: {  	[tilespmem:$0x2000] =	vst v21  }
0xd3: {  	v24 =	vld [tilespmem:$0x2004];
	_ =	sdelay $0x4  }
0xd4: {  	v21 =	vadd.s32 v21, v24  }
0xd5: {  	[tilespmem:$0x2000] =	vst v21  }
0xd6: {  	v24 =	vld [tilespmem:$0x2002];
	_ =	sdelay $0x4  }
0xd7: {  	v38 =	vadd.s32 v21, v24  }
0xd8: {  	[tilespmem:$0x2000] =	vst v38  }
0xd9: {  	s25 =	simm.s32 $0x0;
	v37 =	vld [tilespmem:s11+$0x0]  }
0xda: {  	s26 =	sand.u32 $0x1F0, s25  }
0xdb: {  	v24 =	vld [tilespmem:s26+$0xE00];
	_ =	sdelay $0x1  }
0xdc: {  	v40 =	vor.u32 s25, v10  }
0xdd: {  	s25 =	simm.s32 $0x10;
	v27 =	vimm.s32 $0x0;
	vm1 =	vlt.u32 v40, v7;
	v39 =	vld [tilespmem:$0x2001];
	v21 =	vbroadcast v37, $0x7  }
.LBB2_16:
0xde: {  	s26 =	sand.u32 $0x1F0, s25  }
0xdf: {  	p0 =	sne.s32 s25, $0x1F0;
	vm2 =	vgt.f32 v24, v21;
	vm3 =	veq.f32 v24, v21;
	vm4 =	vgt.f32 v24, $0.0e+00;
	s28 =	smov.u32 s25;
	s25 =	sadd.s32 $0x10, s25  }
.Ltmp7:
0xe0: {  	vm1 =	vmand vm1, vm3;
	v40 =	vsel vm4, $0x100000, v17;
	vm3 =	veq.f32 v24, $0.0e+00;
	v24 =	vld [tilespmem:s26+$0xE00];
	(pc) =	sbr.rel @p0 .LBB2_16-.Ltmp7, $4  }
0xe1: {  	vm1 =	vmor vm2, vm1;
	v27 =	vadd.s32 v27, v40;
	v40 =	vsel vm3, $0x400, v17  }
0xe2: {  	v27 =	vadd.s32 v40, v27;
	v40 =	vsel vm1, $0x1, v17  }
0xe3: {  	v41 =	vor.u32 s28, v10;
	v27 =	vadd.s32 v40, v27  }
0xe4: {  	vm1 =	vlt.u32 v41, v7  }
0xe5: {  	vm2 =	vgt.f32 v24, v21;
	vm3 =	veq.f32 v24, v21;
	vm4 =	vgt.f32 v24, $0.0e+00  }
0xe6: {  	vm1 =	vmand vm1, vm3;
	v21 =	vsel vm4, $0x100000, v17;
	vm3 =	veq.f32 v24, $0.0e+00  }
0xe7: {  	vm1 =	vmor vm2, vm1;
	v21 =	vadd.s32 v27, v21;
	v24 =	vsel vm3, $0x400, v17  }
0xe8: {  	v21 =	vadd.s32 v24, v21;
	v24 =	vsel vm1, $0x1, v17  }
0xe9: {  	v21 =	vadd.s32 v24, v21  }
0xea: {  	[tilespmem:$0x2000] =	vst v21  }
0xeb: {  	v24 =	vld [tilespmem:$0x2008];
	_ =	sdelay $0x4  }
0xec: {  	v21 =	vadd.s32 v21, v24  }
0xed: {  	[tilespmem:$0x2000] =	vst v21  }
0xee: {  	v24 =	vld [tilespmem:$0x2004];
	_ =	sdelay $0x4  }
0xef: {  	v21 =	vadd.s32 v21, v24  }
0xf0: {  	[tilespmem:$0x2000] =	vst v21  }
0xf1: {  	v24 =	vld [tilespmem:$0x2002];
	_ =	sdelay $0x4  }
0xf2: {  	v41 =	vadd.s32 v21, v24  }
0xf3: {  	[tilespmem:$0x2000] =	vst v41  }
0xf4: {  	s25 =	simm.s32 $0x0;
	v40 =	vld [tilespmem:s12+$0x0]  }
0xf5: {  	s26 =	sand.u32 $0x1F0, s25  }
0xf6: {  	v24 =	vld [tilespmem:s26+$0x1000];
	_ =	sdelay $0x1  }
0xf7: {  	v43 =	vor.u32 s25, v10  }
0xf8: {  	s25 =	simm.s32 $0x10;
	v27 =	vimm.s32 $0x0;
	vm1 =	vlt.u32 v43, v8;
	v42 =	vld [tilespmem:$0x2001];
	v21 =	vbroadcast v40, $0x8  }
.LBB2_18:
0xf9: {  	s26 =	sand.u32 $0x1F0, s25  }
0xfa: {  	p0 =	sne.s32 s25, $0x1F0;
	vm2 =	vgt.f32 v24, v21;
	vm3 =	veq.f32 v24, v21;
	vm4 =	vgt.f32 v24, $0.0e+00;
	s28 =	smov.u32 s25;
	s25 =	sadd.s32 $0x10, s25  }
.Ltmp8:
0xfb: {  	vm1 =	vmand vm1, vm3;
	v43 =	vsel vm4, $0x100000, v17;
	vm3 =	veq.f32 v24, $0.0e+00;
	v24 =	vld [tilespmem:s26+$0x1000];
	(pc) =	sbr.rel @p0 .LBB2_18-.Ltmp8, $4  }
0xfc: {  	vm1 =	vmor vm2, vm1;
	v27 =	vadd.s32 v27, v43;
	v43 =	vsel vm3, $0x400, v17  }
0xfd: {  	v27 =	vadd.s32 v43, v27;
	v43 =	vsel vm1, $0x1, v17  }
0xfe: {  	v44 =	vor.u32 s28, v10;
	v27 =	vadd.s32 v43, v27  }
0xff: {  	vm1 =	vlt.u32 v44, v8  }
0x100: {  	vm2 =	vgt.f32 v24, v21;
	vm3 =	veq.f32 v24, v21;
	vm4 =	vgt.f32 v24, $0.0e+00  }
0x101: {  	vm1 =	vmand vm1, vm3;
	v21 =	vsel vm4, $0x100000, v17;
	vm3 =	veq.f32 v24, $0.0e+00  }
0x102: {  	vm1 =	vmor vm2, vm1;
	v21 =	vadd.s32 v27, v21;
	v24 =	vsel vm3, $0x400, v17  }
0x103: {  	v21 =	vadd.s32 v24, v21;
	v24 =	vsel vm1, $0x1, v17  }
0x104: {  	v21 =	vadd.s32 v24, v21  }
0x105: {  	[tilespmem:$0x2000] =	vst v21  }
0x106: {  	v24 =	vld [tilespmem:$0x2008];
	_ =	sdelay $0x4  }
0x107: {  	v21 =	vadd.s32 v21, v24  }
0x108: {  	[tilespmem:$0x2000] =	vst v21  }
0x109: {  	v24 =	vld [tilespmem:$0x2004];
	_ =	sdelay $0x4  }
0x10a: {  	v21 =	vadd.s32 v21, v24  }
0x10b: {  	[tilespmem:$0x2000] =	vst v21  }
0x10c: {  	v24 =	vld [tilespmem:$0x2002];
	_ =	sdelay $0x4  }
0x10d: {  	v44 =	vadd.s32 v21, v24  }
0x10e: {  	[tilespmem:$0x2000] =	vst v44  }
0x10f: {  	s25 =	simm.s32 $0x0;
	v43 =	vld [tilespmem:s13+$0x0]  }
0x110: {  	s26 =	sand.u32 $0x1F0, s25  }
0x111: {  	v24 =	vld [tilespmem:s26+$0x1200];
	_ =	sdelay $0x1  }
0x112: {  	v46 =	vor.u32 s25, v10  }
0x113: {  	s25 =	simm.s32 $0x10;
	v27 =	vimm.s32 $0x0;
	vm1 =	vlt.u32 v46, v9;
	v45 =	vld [tilespmem:$0x2001];
	v21 =	vbroadcast v43, $0x9  }
.LBB2_20:
0x114: {  	s26 =	sand.u32 $0x1F0, s25  }
0x115: {  	p0 =	sne.s32 s25, $0x1F0;
	vm2 =	vgt.f32 v24, v21;
	vm3 =	veq.f32 v24, v21;
	vm4 =	vgt.f32 v24, $0.0e+00;
	s28 =	smov.u32 s25;
	s25 =	sadd.s32 $0x10, s25  }
.Ltmp9:
0x116: {  	vm1 =	vmand vm1, vm3;
	v46 =	vsel vm4, $0x100000, v17;
	vm3 =	veq.f32 v24, $0.0e+00;
	v24 =	vld [tilespmem:s26+$0x1200];
	(pc) =	sbr.rel @p0 .LBB2_20-.Ltmp9, $4  }
0x117: {  	vm1 =	vmor vm2, vm1;
	v27 =	vadd.s32 v27, v46;
	v46 =	vsel vm3, $0x400, v17  }
0x118: {  	v27 =	vadd.s32 v46, v27;
	v46 =	vsel vm1, $0x1, v17  }
0x119: {  	v47 =	vor.u32 s28, v10;
	v27 =	vadd.s32 v46, v27  }
0x11a: {  	vm1 =	vlt.u32 v47, v9  }
0x11b: {  	vm2 =	vgt.f32 v24, v21;
	vm3 =	veq.f32 v24, v21;
	vm4 =	vgt.f32 v24, $0.0e+00  }
0x11c: {  	vm1 =	vmand vm1, vm3;
	v21 =	vsel vm4, $0x100000, v17;
	vm3 =	veq.f32 v24, $0.0e+00  }
0x11d: {  	vm1 =	vmor vm2, vm1;
	v21 =	vadd.s32 v27, v21;
	v24 =	vsel vm3, $0x400, v17  }
0x11e: {  	v21 =	vadd.s32 v24, v21;
	v24 =	vsel vm1, $0x1, v17  }
0x11f: {  	v21 =	vadd.s32 v24, v21  }
0x120: {  	[tilespmem:$0x2000] =	vst v21  }
0x121: {  	v24 =	vld [tilespmem:$0x2008];
	_ =	sdelay $0x4  }
0x122: {  	v21 =	vadd.s32 v21, v24  }
0x123: {  	[tilespmem:$0x2000] =	vst v21  }
0x124: {  	v24 =	vld [tilespmem:$0x2004];
	_ =	sdelay $0x4  }
0x125: {  	v21 =	vadd.s32 v21, v24  }
0x126: {  	[tilespmem:$0x2000] =	vst v21  }
0x127: {  	v24 =	vld [tilespmem:$0x2002];
	_ =	sdelay $0x4  }
0x128: {  	v47 =	vadd.s32 v21, v24  }
0x129: {  	[tilespmem:$0x2000] =	vst v47  }
0x12a: {  	s25 =	simm.s32 $0x0;
	v46 =	vld [tilespmem:s14+$0x0]  }
0x12b: {  	s26 =	sand.u32 $0x1F0, s25  }
0x12c: {  	v24 =	vld [tilespmem:s26+$0x1400];
	_ =	sdelay $0x1  }
0x12d: {  	v49 =	vor.u32 s25, v10  }
0x12e: {  	s25 =	simm.s32 $0x10;
	v27 =	vimm.s32 $0x0;
	vm1 =	vlt.u32 v49, v11;
	v48 =	vld [tilespmem:$0x2001];
	v21 =	vbroadcast v46, $0xA  }
.LBB2_22:
0x12f: {  	s26 =	sand.u32 $0x1F0, s25  }
0x130: {  	p0 =	sne.s32 s25, $0x1F0;
	vm2 =	vgt.f32 v24, v21;
	vm3 =	veq.f32 v24, v21;
	vm4 =	vgt.f32 v24, $0.0e+00;
	s28 =	smov.u32 s25;
	s25 =	sadd.s32 $0x10, s25  }
.Ltmp10:
0x131: {  	vm1 =	vmand vm1, vm3;
	v49 =	vsel vm4, $0x100000, v17;
	vm3 =	veq.f32 v24, $0.0e+00;
	v24 =	vld [tilespmem:s26+$0x1400];
	(pc) =	sbr.rel @p0 .LBB2_22-.Ltmp10, $4  }
0x132: {  	vm1 =	vmor vm2, vm1;
	v27 =	vadd.s32 v27, v49;
	v49 =	vsel vm3, $0x400, v17  }
0x133: {  	v27 =	vadd.s32 v49, v27;
	v49 =	vsel vm1, $0x1, v17  }
0x134: {  	v50 =	vor.u32 s28, v10;
	v27 =	vadd.s32 v49, v27  }
0x135: {  	vm1 =	vlt.u32 v50, v11  }
0x136: {  	vm2 =	vgt.f32 v24, v21;
	vm3 =	veq.f32 v24, v21;
	vm4 =	vgt.f32 v24, $0.0e+00  }
0x137: {  	vm1 =	vmand vm1, vm3;
	v21 =	vsel vm4, $0x100000, v17;
	vm3 =	veq.f32 v24, $0.0e+00  }
0x138: {  	vm1 =	vmor vm2, vm1;
	v21 =	vadd.s32 v27, v21;
	v24 =	vsel vm3, $0x400, v17  }
0x139: {  	v21 =	vadd.s32 v24, v21;
	v24 =	vsel vm1, $0x1, v17  }
0x13a: {  	v21 =	vadd.s32 v24, v21  }
0x13b: {  	[tilespmem:$0x2000] =	vst v21  }
0x13c: {  	v24 =	vld [tilespmem:$0x2008];
	_ =	sdelay $0x4  }
0x13d: {  	v21 =	vadd.s32 v21, v24  }
0x13e: {  	[tilespmem:$0x2000] =	vst v21  }
0x13f: {  	v24 =	vld [tilespmem:$0x2004];
	_ =	sdelay $0x4  }
0x140: {  	v21 =	vadd.s32 v21, v24  }
0x141: {  	[tilespmem:$0x2000] =	vst v21  }
0x142: {  	v24 =	vld [tilespmem:$0x2002];
	_ =	sdelay $0x4  }
0x143: {  	v51 =	vadd.s32 v21, v24  }
0x144: {  	[tilespmem:$0x2000] =	vst v51  }
0x145: {  	s25 =	simm.s32 $0x0;
	v49 =	vld [tilespmem:s15+$0x0]  }
0x146: {  	s26 =	sand.u32 $0x1F0, s25  }
0x147: {  	v24 =	vld [tilespmem:s26+$0x1600];
	_ =	sdelay $0x1  }
0x148: {  	v52 =	vor.u32 s25, v10  }
0x149: {  	s25 =	simm.s32 $0x10;
	v27 =	vimm.s32 $0x0;
	vm1 =	vlt.u32 v52, v12;
	v50 =	vld [tilespmem:$0x2001];
	v21 =	vbroadcast v49, $0xB  }
.LBB2_24:
0x14a: {  	s26 =	sand.u32 $0x1F0, s25  }
0x14b: {  	p0 =	sne.s32 s25, $0x1F0;
	vm2 =	vgt.f32 v24, v21;
	vm3 =	veq.f32 v24, v21;
	vm4 =	vgt.f32 v24, $0.0e+00;
	s28 =	smov.u32 s25;
	s25 =	sadd.s32 $0x10, s25  }
.Ltmp11:
0x14c: {  	vm1 =	vmand vm1, vm3;
	v52 =	vsel vm4, $0x100000, v17;
	vm3 =	veq.f32 v24, $0.0e+00;
	v24 =	vld [tilespmem:s26+$0x1600];
	(pc) =	sbr.rel @p0 .LBB2_24-.Ltmp11, $4  }
0x14d: {  	vm1 =	vmor vm2, vm1;
	v27 =	vadd.s32 v27, v52;
	v52 =	vsel vm3, $0x400, v17  }
0x14e: {  	v27 =	vadd.s32 v52, v27;
	v52 =	vsel vm1, $0x1, v17  }
0x14f: {  	v53 =	vor.u32 s28, v10;
	v27 =	vadd.s32 v52, v27  }
0x150: {  	vm1 =	vlt.u32 v53, v12  }
0x151: {  	vm2 =	vgt.f32 v24, v21;
	vm3 =	veq.f32 v24, v21;
	vm4 =	vgt.f32 v24, $0.0e+00  }
0x152: {  	vm1 =	vmand vm1, vm3;
	v21 =	vsel vm4, $0x100000, v17;
	vm3 =	veq.f32 v24, $0.0e+00  }
0x153: {  	vm1 =	vmor vm2, vm1;
	v21 =	vadd.s32 v27, v21;
	v24 =	vsel vm3, $0x400, v17  }
0x154: {  	v21 =	vadd.s32 v24, v21;
	v24 =	vsel vm1, $0x1, v17  }
0x155: {  	v21 =	vadd.s32 v24, v21  }
0x156: {  	[tilespmem:$0x2000] =	vst v21  }
0x157: {  	v24 =	vld [tilespmem:$0x2008];
	_ =	sdelay $0x4  }
0x158: {  	v21 =	vadd.s32 v21, v24  }
0x159: {  	[tilespmem:$0x2000] =	vst v21  }
0x15a: {  	v24 =	vld [tilespmem:$0x2004];
	_ =	sdelay $0x4  }
0x15b: {  	v21 =	vadd.s32 v21, v24  }
0x15c: {  	[tilespmem:$0x2000] =	vst v21  }
0x15d: {  	v24 =	vld [tilespmem:$0x2002];
	_ =	sdelay $0x4  }
0x15e: {  	v54 =	vadd.s32 v21, v24  }
0x15f: {  	[tilespmem:$0x2000] =	vst v54  }
0x160: {  	s25 =	simm.s32 $0x0;
	v52 =	vld [tilespmem:s16+$0x0]  }
0x161: {  	s26 =	sand.u32 $0x1F0, s25  }
0x162: {  	v24 =	vld [tilespmem:s26+$0x1800];
	_ =	sdelay $0x1  }
0x163: {  	v53 =	vor.u32 s25, v10  }
0x164: {  	s25 =	simm.s32 $0x10;
	v27 =	vimm.s32 $0x0;
	vm1 =	vlt.u32 v53, v13;
	v55 =	vld [tilespmem:$0x2001];
	v21 =	vbroadcast v52, $0xC  }
.LBB2_26:
0x165: {  	s26 =	sand.u32 $0x1F0, s25  }
0x166: {  	p0 =	sne.s32 s25, $0x1F0;
	vm2 =	vgt.f32 v24, v21;
	vm3 =	veq.f32 v24, v21;
	vm4 =	vgt.f32 v24, $0.0e+00;
	s28 =	smov.u32 s25;
	s25 =	sadd.s32 $0x10, s25  }
.Ltmp12:
0x167: {  	vm1 =	vmand vm1, vm3;
	v53 =	vsel vm4, $0x100000, v17;
	vm3 =	veq.f32 v24, $0.0e+00;
	v24 =	vld [tilespmem:s26+$0x1800];
	(pc) =	sbr.rel @p0 .LBB2_26-.Ltmp12, $4  }
0x168: {  	vm1 =	vmor vm2, vm1;
	v27 =	vadd.s32 v27, v53;
	v53 =	vsel vm3, $0x400, v17  }
0x169: {  	v27 =	vadd.s32 v53, v27;
	v53 =	vsel vm1, $0x1, v17  }
0x16a: {  	v56 =	vor.u32 s28, v10;
	v27 =	vadd.s32 v53, v27  }
0x16b: {  	vm1 =	vlt.u32 v56, v13  }
0x16c: {  	vm2 =	vgt.f32 v24, v21;
	vm3 =	veq.f32 v24, v21;
	vm4 =	vgt.f32 v24, $0.0e+00  }
0x16d: {  	vm1 =	vmand vm1, vm3;
	v21 =	vsel vm4, $0x100000, v17;
	vm3 =	veq.f32 v24, $0.0e+00  }
0x16e: {  	vm1 =	vmor vm2, vm1;
	v21 =	vadd.s32 v27, v21;
	v24 =	vsel vm3, $0x400, v17  }
0x16f: {  	v21 =	vadd.s32 v24, v21;
	v24 =	vsel vm1, $0x1, v17  }
0x170: {  	v21 =	vadd.s32 v24, v21  }
0x171: {  	[tilespmem:$0x2000] =	vst v21  }
0x172: {  	v24 =	vld [tilespmem:$0x2008];
	_ =	sdelay $0x4  }
0x173: {  	v21 =	vadd.s32 v21, v24  }
0x174: {  	[tilespmem:$0x2000] =	vst v21  }
0x175: {  	v24 =	vld [tilespmem:$0x2004];
	_ =	sdelay $0x4  }
0x176: {  	v21 =	vadd.s32 v21, v24  }
0x177: {  	[tilespmem:$0x2000] =	vst v21  }
0x178: {  	v24 =	vld [tilespmem:$0x2002];
	_ =	sdelay $0x4  }
0x179: {  	v57 =	vadd.s32 v21, v24  }
0x17a: {  	[tilespmem:$0x2000] =	vst v57  }
0x17b: {  	s25 =	simm.s32 $0x0;
	v53 =	vld [tilespmem:s17+$0x0]  }
0x17c: {  	s26 =	sand.u32 $0x1F0, s25  }
0x17d: {  	v24 =	vld [tilespmem:s26+$0x1A00];
	_ =	sdelay $0x1  }
0x17e: {  	v58 =	vor.u32 s25, v10  }
0x17f: {  	s25 =	simm.s32 $0x10;
	v27 =	vimm.s32 $0x0;
	vm1 =	vlt.u32 v58, v14;
	v56 =	vld [tilespmem:$0x2001];
	v21 =	vbroadcast v53, $0xD  }
.LBB2_28:
0x180: {  	s26 =	sand.u32 $0x1F0, s25  }
0x181: {  	p0 =	sne.s32 s25, $0x1F0;
	vm2 =	vgt.f32 v24, v21;
	vm3 =	veq.f32 v24, v21;
	vm4 =	vgt.f32 v24, $0.0e+00;
	s28 =	smov.u32 s25;
	s25 =	sadd.s32 $0x10, s25  }
.Ltmp13:
0x182: {  	vm1 =	vmand vm1, vm3;
	v58 =	vsel vm4, $0x100000, v17;
	vm3 =	veq.f32 v24, $0.0e+00;
	v24 =	vld [tilespmem:s26+$0x1A00];
	(pc) =	sbr.rel @p0 .LBB2_28-.Ltmp13, $4  }
0x183: {  	vm1 =	vmor vm2, vm1;
	v27 =	vadd.s32 v27, v58;
	v58 =	vsel vm3, $0x400, v17  }
0x184: {  	v27 =	vadd.s32 v58, v27;
	v58 =	vsel vm1, $0x1, v17  }
0x185: {  	v59 =	vor.u32 s28, v10;
	v27 =	vadd.s32 v58, v27  }
0x186: {  	vm1 =	vlt.u32 v59, v14  }
0x187: {  	vm2 =	vgt.f32 v24, v21;
	vm3 =	veq.f32 v24, v21;
	vm4 =	vgt.f32 v24, $0.0e+00  }
0x188: {  	vm1 =	vmand vm1, vm3;
	v21 =	vsel vm4, $0x100000, v17;
	vm3 =	veq.f32 v24, $0.0e+00  }
0x189: {  	vm1 =	vmor vm2, vm1;
	v21 =	vadd.s32 v27, v21;
	v24 =	vsel vm3, $0x400, v17  }
0x18a: {  	v21 =	vadd.s32 v24, v21;
	v24 =	vsel vm1, $0x1, v17  }
0x18b: {  	v21 =	vadd.s32 v24, v21  }
0x18c: {  	[tilespmem:$0x2000] =	vst v21  }
0x18d: {  	v24 =	vld [tilespmem:$0x2008];
	_ =	sdelay $0x4  }
0x18e: {  	v21 =	vadd.s32 v21, v24  }
0x18f: {  	[tilespmem:$0x2000] =	vst v21  }
0x190: {  	v24 =	vld [tilespmem:$0x2004];
	_ =	sdelay $0x4  }
0x191: {  	v21 =	vadd.s32 v21, v24  }
0x192: {  	[tilespmem:$0x2000] =	vst v21  }
0x193: {  	v24 =	vld [tilespmem:$0x2002];
	_ =	sdelay $0x4  }
0x194: {  	v59 =	vadd.s32 v21, v24  }
0x195: {  	[tilespmem:$0x2000] =	vst v59  }
0x196: {  	s25 =	simm.s32 $0x0;
	v58 =	vld [tilespmem:s18+$0x0]  }
0x197: {  	s26 =	sand.u32 $0x1F0, s25  }
0x198: {  	v24 =	vld [tilespmem:s26+$0x1C00];
	_ =	sdelay $0x1  }
0x199: {  	v61 =	vor.u32 s25, v10  }
0x19a: {  	s25 =	simm.s32 $0x10;
	v27 =	vimm.s32 $0x0;
	vm1 =	vlt.u32 v61, v15;
	v60 =	vld [tilespmem:$0x2001];
	v21 =	vbroadcast v58, $0xE  }
.LBB2_30:
0x19b: {  	s26 =	sand.u32 $0x1F0, s25  }
0x19c: {  	p0 =	sne.s32 s25, $0x1F0;
	vm2 =	vgt.f32 v24, v21;
	vm3 =	veq.f32 v24, v21;
	vm4 =	vgt.f32 v24, $0.0e+00;
	s28 =	smov.u32 s25;
	s25 =	sadd.s32 $0x10, s25  }
.Ltmp14:
0x19d: {  	vm1 =	vmand vm1, vm3;
	v61 =	vsel vm4, $0x100000, v17;
	vm3 =	veq.f32 v24, $0.0e+00;
	v24 =	vld [tilespmem:s26+$0x1C00];
	(pc) =	sbr.rel @p0 .LBB2_30-.Ltmp14, $4  }
0x19e: {  	vm1 =	vmor vm2, vm1;
	v27 =	vadd.s32 v27, v61;
	v61 =	vsel vm3, $0x400, v17  }
0x19f: {  	v27 =	vadd.s32 v61, v27;
	v61 =	vsel vm1, $0x1, v17  }
0x1a0: {  	v62 =	vor.u32 s28, v10;
	v27 =	vadd.s32 v61, v27  }
0x1a1: {  	vm1 =	vlt.u32 v62, v15  }
0x1a2: {  	vm2 =	vgt.f32 v24, v21;
	vm3 =	veq.f32 v24, v21;
	vm4 =	vgt.f32 v24, $0.0e+00  }
0x1a3: {  	vm1 =	vmand vm1, vm3;
	v21 =	vsel vm4, $0x100000, v17;
	vm3 =	veq.f32 v24, $0.0e+00  }
0x1a4: {  	vm1 =	vmor vm2, vm1;
	v21 =	vadd.s32 v27, v21;
	v24 =	vsel vm3, $0x400, v17  }
0x1a5: {  	v21 =	vadd.s32 v24, v21;
	v24 =	vsel vm1, $0x1, v17  }
0x1a6: {  	v21 =	vadd.s32 v24, v21  }
0x1a7: {  	[tilespmem:$0x2000] =	vst v21  }
0x1a8: {  	v24 =	vld [tilespmem:$0x2008];
	_ =	sdelay $0x4  }
0x1a9: {  	v21 =	vadd.s32 v21, v24  }
0x1aa: {  	[tilespmem:$0x2000] =	vst v21  }
0x1ab: {  	v24 =	vld [tilespmem:$0x2004];
	_ =	sdelay $0x4  }
0x1ac: {  	v21 =	vadd.s32 v21, v24  }
0x1ad: {  	[tilespmem:$0x2000] =	vst v21  }
0x1ae: {  	v24 =	vld [tilespmem:$0x2002];
	_ =	sdelay $0x4  }
0x1af: {  	v63 =	vadd.s32 v21, v24  }
0x1b0: {  	[tilespmem:$0x2000] =	vst v63  }
0x1b1: {  	s25 =	simm.s32 $0x0;
	v61 =	vld [tilespmem:s19+$0x0]  }
0x1b2: {  	s26 =	sand.u32 $0x1F0, s25  }
0x1b3: {  	v24 =	vld [tilespmem:s26+$0x1E00];
	_ =	sdelay $0x1  }
0x1b4: {  	v30 =	vmov s25  }
0x1b5: {  	s25 =	simm.s32 $0x10;
	vm1 =	vlt.u32 v30, v16;
	v21 =	vimm.s32 $0x0;
	v62 =	vld [tilespmem:$0x2001];
	v27 =	vbroadcast v61, $0xF  }
.LBB2_32:
0x1b6: {  	s26 =	sand.u32 $0x1F0, s25  }
0x1b7: {  	p0 =	sne.s32 s25, $0x1F0;
	vm2 =	vgt.f32 v24, v27;
	vm3 =	veq.f32 v24, v27;
	vm4 =	vgt.f32 v24, $0.0e+00;
	s28 =	smov.u32 s25;
	s25 =	sadd.s32 $0x10, s25  }
.Ltmp15:
0x1b8: {  	vm1 =	vmand vm1, vm3;
	v30 =	vsel vm4, $0x100000, v17;
	vm3 =	veq.f32 v24, $0.0e+00;
	v24 =	vld [tilespmem:s26+$0x1E00];
	(pc) =	sbr.rel @p0 .LBB2_32-.Ltmp15, $4  }
0x1b9: {  	vm1 =	vmor vm2, vm1;
	v21 =	vadd.s32 v21, v30;
	v30 =	vsel vm3, $0x400, v17  }
0x1ba: {  	v21 =	vadd.s32 v30, v21;
	v30 =	vsel vm1, $0x1, v17  }
0x1bb: {  	v33 =	vmov s28;
	v21 =	vadd.s32 v30, v21  }
0x1bc: {  	vm1 =	vlt.u32 v33, v16  }
0x1bd: {  	(v2sf) =	vpush v18, $0x0;
	v18 =	vld [tilespmem:$0x1FFF0];
	_ =	sdelay $0x3  }
0x1be: {  	(v2sf) =	vpush v19, $0x0  }
0x1bf: {  	(v2sf) =	vpush v18, $0x0  }
0x1c0: {  	v18 =	vld [tilespmem:$0x1FFE0]  }
0x1c1: {  	(v2sf) =	vpush v20, $0x1  }
0x1c2: {  	(v2sf) =	vpush v23, $0x0;
	_ =	sdelay $0x2  }
0x1c3: {  	(v2sf) =	vpush v18, $0x0;
	_ =	sdelay $0x5  }
0x1c4: {  	s25 =	spop (v2sf);
	(v2sf) =	vpush v22, $0x2  }
0x1c5: {  	v18 =	vld [tilespmem:$0x1FFD0]  }
0x1c6: {  	s26 =	spop (v2sf)  }
0x1c7: {  	(v2sf) =	vpush v26, $0x0;
	s28 =	spop (v2sf)  }
0x1c8: {  	s30 =	simm.f32 $-1.000000000e+00;
	s26 =	sadd.s32 s26, s28  }
0x1c9: {  	s31 =	spop (v2sf);
	s28 =	sshrl.u32 s26, $0xA;
	s29 =	sshrl.u32 s26, $0x14  }
0x1ca: {  	(v2sf) =	vpush v18, $0x0;
	s0 =	spop (v2sf);
	p2 =	sgt.u32 s26, $0x1FFFFF;
	s28 =	sand.u32 $0x3FF, s28  }
0x1cb: {  	p1 =	seq.s32 s29, $0x0;
	p0 =	seq.s32 s28, $0x0;
	s28 =	sadd.s32 s29, s28  }
0x1cc: {  	s29 =	sand.u32 $0x3FE, s26;
	s30 =	simm.s32 @!p0 $0x0;
	p0 =	sgt.u32 s28, $0x1  }
0x1cd: {  	(v2sf) =	vpush v25, $0x3;
	s28 =	simm.f32 $0.0e+00;
	s1 =	spop (v2sf);
	s30 =	simm.s32 @!p1 $0x3F800000  }
0x1ce: {  	v18 =	vld [tilespmem:$0x1FFC0];
	s28 =	simm.s32 @!p0 $0xBF800000;
	p0 =	slt.f32 s25, $0.0e+00;
	p1 =	sgt.f32 s25, $0.0e+00  }
0x1cf: {  	(v2sf) =	vpush v29, $0x0;
	s25 =	simm.f32 $-1.000000000e+00;
	s0 =	sadd.s32 s0, s1;
	s28 =	simm.s32 @p2 $0x3F800000  }
0x1d0: {  	s1 =	sshrl.u32 s0, $0x14;
	s25 =	simm.s32 @!p0 $0x0;
	s26 =	sadd.f32 s28, s30  }
0x1d1: {  	p0 =	seq.s32 s29, $0x0;
	s30 =	sshrl.u32 s0, $0xA;
	s25 =	simm.s32 @p1 $0x3F800000  }
0x1d2: {  	s28 =	sand.u32 $0x3FF, s30;
	s30 =	simm.f32 $-1.000000000e+00;
	s25 =	simm.s32 @!p0 $0x0  }
0x1d3: {  	p0 =	seq.s32 s1, $0x0;
	p1 =	seq.s32 s28, $0x0;
	s29 =	spop (v2sf);
	(v2sf) =	vpush v18, $0x0  }
0x1d4: {  	s28 =	sadd.s32 s1, s28;
	s30 =	simm.s32 @!p1 $0x0;
	p1 =	sgt.u32 s0, $0x1FFFFF  }
0x1d5: {  	s30 =	simm.s32 @!p0 $0x3F800000;
	p0 =	sgt.u32 s28, $0x1;
	s28 =	simm.f32 $0.0e+00  }
0x1d6: {  	s1 =	spop (v2sf);
	s28 =	simm.s32 @!p0 $0xBF800000;
	p0 =	slt.f32 s31, $0.0e+00  }
0x1d7: {  	(v2sf) =	vpush v28, $0x4;
	s28 =	simm.s32 @p1 $0x3F800000;
	p1 =	sgt.f32 s31, $0.0e+00;
	s31 =	simm.f32 $-1.000000000e+00  }
0x1d8: {  	v18 =	vld [tilespmem:$0x1FFB0];
	s0 =	sand.u32 $0x3FE, s0;
	s31 =	simm.s32 @!p0 $0x0;
	s28 =	sadd.f32 s28, s30  }
0x1d9: {  	s30 =	spop (v2sf);
	p0 =	seq.s32 s0, $0x0;
	(v2sf) =	vpush v32, $0x0;
	s31 =	simm.s32 @p1 $0x3F800000  }
0x1da: {  	s0 =	sadd.s32 s1, s30;
	s1 =	ssub.f32 s26, s25;
	s31 =	simm.s32 @!p0 $0x0  }
0x1db: {  	s30 =	sshrl.u32 s0, $0xA;
	s26 =	ssub.f32 s28, s31;
	s31 =	sshrl.u32 s0, $0x14  }
0x1dc: {  	s25 =	sand.u32 $0x3FF, s30;
	s30 =	simm.f32 $-1.000000000e+00;
	s28 =	spop (v2sf)  }
0x1dd: {  	(v2sf) =	vpush v18, $0x0;
	p0 =	seq.s32 s31, $0x0;
	p1 =	seq.s32 s25, $0x0;
	s25 =	sadd.s32 s31, s25  }
0x1de: {  	s31 =	spop (v2sf);
	s30 =	simm.s32 @!p1 $0x0;
	p1 =	sgt.u32 s0, $0x1FFFFF  }
0x1df: {  	s30 =	simm.s32 @!p0 $0x3F800000;
	p0 =	sgt.u32 s25, $0x1;
	s25 =	simm.f32 $0.0e+00  }
0x1e0: {  	s0 =	sand.u32 $0x3FE, s0;
	s25 =	simm.s32 @!p0 $0xBF800000;
	p0 =	slt.f32 s29, $0.0e+00  }
0x1e1: {  	s25 =	simm.s32 @p1 $0x3F800000;
	p1 =	sgt.f32 s29, $0.0e+00;
	s29 =	simm.f32 $-1.000000000e+00  }
0x1e2: {  	s29 =	simm.s32 @!p0 $0x0;
	s25 =	sadd.f32 s25, s30;
	s30 =	spop (v2sf);
	(v2sf) =	vpush v31, $0x5  }
0x1e3: {  	p0 =	seq.s32 s0, $0x0;
	s29 =	simm.s32 @p1 $0x3F800000  }
0x1e4: {  	s1 =	sadd.f32 s26, s1;
	s0 =	sadd.s32 s31, s30;
	s29 =	simm.s32 @!p0 $0x0  }
0x1e5: {  	(v2sf) =	vpush v35, $0x0;
	s30 =	sshrl.u32 s0, $0xA;
	s25 =	ssub.f32 s25, s29;
	s31 =	sshrl.u32 s0, $0x14  }
0x1e6: {  	s29 =	spop (v2sf);
	(v2sf) =	vpush v36, $0x0;
	s26 =	sand.u32 $0x3FF, s30;
	p0 =	seq.s32 s31, $0x0  }
0x1e7: {  	s30 =	simm.f32 $-1.000000000e+00;
	p1 =	seq.s32 s26, $0x0;
	s26 =	sadd.s32 s31, s26  }
0x1e8: {  	s30 =	simm.s32 @!p1 $0x0;
	p1 =	sgt.u32 s0, $0x1FFFFF;
	s31 =	spop (v2sf)  }
0x1e9: {  	s30 =	simm.s32 @!p0 $0x3F800000;
	p0 =	sgt.u32 s26, $0x1;
	s26 =	simm.f32 $0.0e+00  }
0x1ea: {  	s0 =	sand.u32 $0x3FE, s0;
	s26 =	simm.s32 @!p0 $0xBF800000;
	p0 =	slt.f32 s28, $0.0e+00  }
0x1eb: {  	(v2sf) =	vpush v34, $0x6;
	s26 =	simm.s32 @p1 $0x3F800000;
	p1 =	sgt.f32 s28, $0.0e+00;
	s28 =	simm.f32 $-1.000000000e+00  }
0x1ec: {  	s28 =	simm.s32 @!p0 $0x0;
	s26 =	sadd.f32 s26, s30;
	s30 =	spop (v2sf)  }
0x1ed: {  	p0 =	seq.s32 s0, $0x0;
	s28 =	simm.s32 @p1 $0x3F800000;
	s0 =	sadd.s32 s31, s30  }
0x1ee: {  	s1 =	sadd.f32 s25, s1;
	s28 =	simm.s32 @!p0 $0x0;
	s30 =	sshrl.u32 s0, $0xA  }
0x1ef: {  	(v2sf) =	vpush v38, $0x0;
	s31 =	sshrl.u32 s0, $0x14;
	s26 =	ssub.f32 s26, s28;
	s25 =	sand.u32 $0x3FF, s30  }
0x1f0: {  	p0 =	seq.s32 s31, $0x0;
	s30 =	simm.f32 $-1.000000000e+00;
	p1 =	seq.s32 s25, $0x0  }
0x1f1: {  	s25 =	sadd.s32 s31, s25;
	s30 =	simm.s32 @!p1 $0x0;
	s28 =	spop (v2sf);
	(v2sf) =	vpush v39, $0x0  }
0x1f2: {  	s30 =	simm.s32 @!p0 $0x3F800000;
	p0 =	sgt.u32 s25, $0x1;
	s25 =	simm.f32 $0.0e+00  }
0x1f3: {  	p1 =	sgt.u32 s0, $0x1FFFFF;
	s25 =	simm.s32 @!p0 $0xBF800000;
	p0 =	slt.f32 s29, $0.0e+00  }
0x1f4: {  	s31 =	spop (v2sf);
	s25 =	simm.s32 @p1 $0x3F800000;
	p1 =	sgt.f32 s29, $0.0e+00  }
0x1f5: {  	s29 =	simm.f32 $-1.000000000e+00;
	s25 =	sadd.f32 s25, s30;
	s30 =	spop (v2sf);
	(v2sf) =	vpush v37, $0x7  }
0x1f6: {  	s0 =	sand.u32 $0x3FE, s0;
	s29 =	simm.s32 @!p0 $0x0  }
0x1f7: {  	p0 =	seq.s32 s0, $0x0;
	s29 =	simm.s32 @p1 $0x3F800000  }
0x1f8: {  	s1 =	sadd.f32 s26, s1;
	s0 =	sadd.s32 s31, s30;
	(v2sf) =	vpush v41, $0x0;
	s29 =	simm.s32 @!p0 $0x0  }
0x1f9: {  	s30 =	sshrl.u32 s0, $0xA;
	s31 =	sshrl.u32 s0, $0x14;
	s25 =	ssub.f32 s25, s29  }
0x1fa: {  	s26 =	sand.u32 $0x3FF, s30;
	p0 =	seq.s32 s31, $0x0;
	s29 =	spop (v2sf);
	(v2sf) =	vpush v42, $0x0  }
0x1fb: {  	s30 =	simm.f32 $-1.000000000e+00;
	p1 =	seq.s32 s26, $0x0;
	s26 =	sadd.s32 s31, s26  }
0x1fc: {  	s30 =	simm.s32 @!p1 $0x0;
	p1 =	sgt.u32 s0, $0x1FFFFF;
	s0 =	sand.u32 $0x3FE, s0  }
0x1fd: {  	s30 =	simm.s32 @!p0 $0x3F800000;
	p0 =	sgt.u32 s26, $0x1;
	s26 =	simm.f32 $0.0e+00  }
0x1fe: {  	s31 =	spop (v2sf);
	s26 =	simm.s32 @!p0 $0xBF800000;
	p0 =	slt.f32 s28, $0.0e+00  }
0x1ff: {  	s26 =	simm.s32 @p1 $0x3F800000;
	p1 =	sgt.f32 s28, $0.0e+00;
	s28 =	simm.f32 $-1.000000000e+00  }
0x200: {  	s28 =	simm.s32 @!p0 $0x0;
	s26 =	sadd.f32 s26, s30;
	s30 =	spop (v2sf);
	(v2sf) =	vpush v40, $0x8  }
0x201: {  	p0 =	seq.s32 s0, $0x0;
	s28 =	simm.s32 @p1 $0x3F800000;
	s0 =	sadd.s32 s31, s30  }
0x202: {  	s1 =	sadd.f32 s25, s1;
	s28 =	simm.s32 @!p0 $0x0;
	s30 =	sshrl.u32 s0, $0xA  }
0x203: {  	s26 =	ssub.f32 s26, s28;
	(v2sf) =	vpush v44, $0x0;
	s31 =	sshrl.u32 s0, $0x14;
	s25 =	sand.u32 $0x3FF, s30  }
0x204: {  	s30 =	simm.f32 $-1.000000000e+00;
	s28 =	spop (v2sf);
	(v2sf) =	vpush v45, $0x0;
	p1 =	seq.s32 s25, $0x0  }
0x205: {  	p0 =	seq.s32 s31, $0x0;
	s25 =	sadd.s32 s31, s25;
	s30 =	simm.s32 @!p1 $0x0  }
0x206: {  	s30 =	simm.s32 @!p0 $0x3F800000;
	p0 =	sgt.u32 s25, $0x1;
	s25 =	simm.f32 $0.0e+00  }
0x207: {  	s31 =	spop (v2sf);
	p1 =	sgt.u32 s0, $0x1FFFFF;
	s25 =	simm.s32 @!p0 $0xBF800000  }
0x208: {  	p0 =	slt.f32 s29, $0.0e+00;
	s25 =	simm.s32 @p1 $0x3F800000;
	p1 =	sgt.f32 s29, $0.0e+00  }
0x209: {  	s29 =	simm.f32 $-1.000000000e+00;
	s25 =	sadd.f32 s25, s30;
	s30 =	spop (v2sf);
	(v2sf) =	vpush v43, $0x9  }
0x20a: {  	s0 =	sand.u32 $0x3FE, s0;
	s29 =	simm.s32 @!p0 $0x0  }
0x20b: {  	p0 =	seq.s32 s0, $0x0;
	s29 =	simm.s32 @p1 $0x3F800000;
	s0 =	sadd.s32 s31, s30  }
0x20c: {  	s1 =	sadd.f32 s26, s1;
	s29 =	simm.s32 @!p0 $0x0;
	s30 =	sshrl.u32 s0, $0xA  }
0x20d: {  	(v2sf) =	vpush v47, $0x0;
	s31 =	sshrl.u32 s0, $0x14;
	s25 =	ssub.f32 s25, s29;
	s26 =	sand.u32 $0x3FF, s30  }
0x20e: {  	p0 =	seq.s32 s31, $0x0;
	s30 =	simm.f32 $-1.000000000e+00;
	p1 =	seq.s32 s26, $0x0  }
0x20f: {  	s26 =	sadd.s32 s31, s26;
	s30 =	simm.s32 @!p1 $0x0;
	s29 =	spop (v2sf);
	(v2sf) =	vpush v48, $0x0  }
0x210: {  	s30 =	simm.s32 @!p0 $0x3F800000;
	p0 =	sgt.u32 s26, $0x1;
	s26 =	simm.f32 $0.0e+00  }
0x211: {  	p1 =	sgt.u32 s0, $0x1FFFFF;
	s26 =	simm.s32 @!p0 $0xBF800000;
	p0 =	slt.f32 s28, $0.0e+00  }
0x212: {  	s31 =	spop (v2sf);
	s26 =	simm.s32 @p1 $0x3F800000;
	p1 =	sgt.f32 s28, $0.0e+00  }
0x213: {  	s28 =	simm.f32 $-1.000000000e+00;
	s26 =	sadd.f32 s26, s30;
	s30 =	spop (v2sf);
	(v2sf) =	vpush v46, $0xA  }
0x214: {  	s0 =	sand.u32 $0x3FE, s0;
	s28 =	simm.s32 @!p0 $0x0  }
0x215: {  	p0 =	seq.s32 s0, $0x0;
	s28 =	simm.s32 @p1 $0x3F800000;
	s0 =	sadd.s32 s31, s30  }
0x216: {  	s1 =	sadd.f32 s25, s1;
	(v2sf) =	vpush v51, $0x0;
	s28 =	simm.s32 @!p0 $0x0;
	s30 =	sshrl.u32 s0, $0xA  }
0x217: {  	s31 =	sshrl.u32 s0, $0x14;
	s26 =	ssub.f32 s26, s28;
	s25 =	sand.u32 $0x3FF, s30  }
0x218: {  	s30 =	simm.f32 $-1.000000000e+00;
	p1 =	seq.s32 s25, $0x0;
	s28 =	spop (v2sf);
	(v2sf) =	vpush v50, $0x0  }
0x219: {  	p0 =	seq.s32 s31, $0x0;
	s25 =	sadd.s32 s31, s25;
	s30 =	simm.s32 @!p1 $0x0  }
0x21a: {  	p1 =	sgt.u32 s0, $0x1FFFFF;
	s0 =	sand.u32 $0x3FE, s0;
	s1 =	sadd.f32 s26, s1  }
0x21b: {  	s30 =	simm.s32 @!p0 $0x3F800000;
	p0 =	sgt.u32 s25, $0x1;
	s25 =	simm.f32 $0.0e+00  }
0x21c: {  	s25 =	simm.s32 @!p0 $0xBF800000;
	p0 =	slt.f32 s29, $0.0e+00;
	s31 =	spop (v2sf)  }
0x21d: {  	s25 =	simm.s32 @p1 $0x3F800000;
	p1 =	sgt.f32 s29, $0.0e+00;
	s29 =	simm.f32 $-1.000000000e+00  }
0x21e: {  	s29 =	simm.s32 @!p0 $0x0;
	s25 =	sadd.f32 s25, s30;
	s30 =	spop (v2sf);
	(v2sf) =	vpush v49, $0xB  }
0x21f: {  	p0 =	seq.s32 s0, $0x0;
	s29 =	simm.s32 @p1 $0x3F800000;
	s0 =	sadd.s32 s31, s30  }
0x220: {  	p2 =	sgt.f32 s28, $0.0e+00;
	s29 =	simm.s32 @!p0 $0x0;
	(v2sf) =	vpush v54, $0x0;
	s30 =	sshrl.u32 s0, $0xA  }
0x221: {  	s25 =	ssub.f32 s25, s29;
	s31 =	sshrl.u32 s0, $0x14;
	s26 =	sand.u32 $0x3FF, s30  }
0x222: {  	s30 =	simm.f32 $-1.000000000e+00;
	s29 =	spop (v2sf);
	(v2sf) =	vpush v55, $0x0;
	p1 =	seq.s32 s26, $0x0  }
0x223: {  	p0 =	seq.s32 s31, $0x0;
	s26 =	sadd.s32 s31, s26;
	s30 =	simm.s32 @!p1 $0x0  }
0x224: {  	s30 =	simm.s32 @!p0 $0x3F800000;
	p0 =	sgt.u32 s26, $0x1;
	s26 =	simm.f32 $0.0e+00  }
0x225: {  	s31 =	spop (v2sf);
	(v2sf) =	vpush v52, $0xC;
	p1 =	sgt.u32 s0, $0x1FFFFF;
	s26 =	simm.s32 @!p0 $0xBF800000  }
0x226: {  	s0 =	sand.u32 $0x3FE, s0;
	p0 =	slt.f32 s28, $0.0e+00;
	s26 =	simm.s32 @p1 $0x3F800000  }
0x227: {  	s28 =	simm.f32 $-1.000000000e+00;
	s26 =	sadd.f32 s26, s30;
	s30 =	spop (v2sf)  }
0x228: {  	vm2 =	veq.f32 v24, v27;
	s28 =	simm.s32 @!p0 $0x0;
	p0 =	seq.s32 s0, $0x0;
	s0 =	sadd.s32 s31, s30  }
0x229: {  	vm3 =	vgt.f32 v24, v27;
	vm4 =	vgt.f32 v24, $0.0e+00;
	vm1 =	vmand vm1, vm2;
	s1 =	sadd.f32 s25, s1;
	s28 =	simm.s32 @p2 $0x3F800000;
	s30 =	sshrl.u32 s0, $0xA  }
0x22a: {  	vm2 =	veq.f32 v24, $0.0e+00;
	vm1 =	vmor vm3, vm1;
	v18 =	vsel vm4, $0x100000, v17;
	s28 =	simm.s32 @!p0 $0x0;
	s31 =	sshrl.u32 s0, $0x14;
	s25 =	sand.u32 $0x3FF, s30  }
0x22b: {  	v19 =	vsel vm2, $0x400, v17;
	v18 =	vadd.s32 v21, v18;
	(v2sf) =	vpush v57, $0x0;
	s26 =	ssub.f32 s26, s28;
	s30 =	simm.f32 $-1.000000000e+00;
	p1 =	seq.s32 s25, $0x0  }
0x22c: {  	v18 =	vadd.s32 v19, v18;
	v19 =	vsel vm1, $0x1, v17;
	p0 =	seq.s32 s31, $0x0;
	s25 =	sadd.s32 s31, s25;
	s30 =	simm.s32 @!p1 $0x0  }
0x22d: {  	v18 =	vadd.s32 v19, v18;
	p1 =	sgt.u32 s0, $0x1FFFFF;
	s0 =	sand.u32 $0x3FE, s0;
	s28 =	spop (v2sf);
	(v2sf) =	vpush v56, $0x0  }
0x22e: {  	[tilespmem:$0x2000] =	vst v18;
	s30 =	simm.s32 @!p0 $0x3F800000;
	p0 =	sgt.u32 s25, $0x1;
	s25 =	simm.f32 $0.0e+00  }
0x22f: {  	v19 =	vld [tilespmem:$0x2008];
	s25 =	simm.s32 @!p0 $0xBF800000;
	p0 =	slt.f32 s29, $0.0e+00;
	s31 =	spop (v2sf)  }
0x230: {  	s25 =	simm.s32 @p1 $0x3F800000;
	p1 =	sgt.f32 s29, $0.0e+00;
	s29 =	simm.f32 $-1.000000000e+00  }
0x231: {  	s29 =	simm.s32 @!p0 $0x0;
	s25 =	sadd.f32 s25, s30;
	s30 =	spop (v2sf);
	(v2sf) =	vpush v53, $0xD  }
0x232: {  	p0 =	seq.s32 s0, $0x0;
	s29 =	simm.s32 @p1 $0x3F800000;
	s0 =	sadd.s32 s31, s30;
	(v2sf) =	vpush v59, $0x0  }
0x233: {  	s1 =	sadd.f32 s26, s1;
	s29 =	simm.s32 @!p0 $0x0;
	s31 =	sshrl.u32 s0, $0xA  }
0x234: {  	v18 =	vadd.s32 v18, v19;
	s25 =	ssub.f32 s25, s29;
	s26 =	sand.u32 $0x3FF, s31;
	s29 =	spop (v2sf);
	(v2sf) =	vpush v60, $0x0  }
0x235: {  	[tilespmem:$0x2000] =	vst v18;
	s30 =	sshrl.u32 s0, $0x14;
	s31 =	simm.f32 $-1.000000000e+00;
	p0 =	seq.s32 s26, $0x0  }
0x236: {  	v19 =	vld [tilespmem:$0x2004];
	p1 =	seq.s32 s30, $0x0;
	s26 =	sadd.s32 s30, s26;
	s31 =	simm.s32 @!p0 $0x0  }
0x237: {  	p0 =	sgt.u32 s26, $0x1;
	s26 =	simm.f32 $0.0e+00;
	s31 =	simm.s32 @!p1 $0x3F800000  }
0x238: {  	p1 =	sgt.u32 s0, $0x1FFFFF;
	s26 =	simm.s32 @!p0 $0xBF800000;
	p0 =	slt.f32 s28, $0.0e+00  }
0x239: {  	s26 =	simm.s32 @p1 $0x3F800000;
	p1 =	sgt.f32 s28, $0.0e+00;
	s28 =	simm.f32 $-1.000000000e+00  }
0x23a: {  	s30 =	spop (v2sf);
	(v2sf) =	vpush v58, $0xE;
	s0 =	sand.u32 $0x3FE, s0;
	s28 =	simm.s32 @!p0 $0x0  }
0x23b: {  	v18 =	vadd.s32 v18, v19;
	s26 =	sadd.f32 s26, s31;
	p0 =	seq.s32 s0, $0x0;
	s28 =	simm.s32 @p1 $0x3F800000  }
0x23c: {  	[tilespmem:$0x2000] =	vst v18;
	s1 =	sadd.f32 s25, s1;
	s28 =	simm.s32 @!p0 $0x0;
	s31 =	spop (v2sf)  }
0x23d: {  	v19 =	vld [tilespmem:$0x2002];
	s26 =	ssub.f32 s26, s28;
	s0 =	sadd.s32 s30, s31  }
0x23e: {  	p2 =	sgt.f32 s29, $0.0e+00;
	s30 =	sshrl.u32 s0, $0xA;
	s31 =	sshrl.u32 s0, $0x14  }
0x23f: {  	(v2sf) =	vpush v63, $0x0;
	s1 =	sadd.f32 s26, s1;
	s25 =	sand.u32 $0x3FF, s30;
	p0 =	seq.s32 s31, $0x0  }
0x240: {  	s30 =	simm.f32 $-1.000000000e+00;
	s28 =	spop (v2sf);
	p1 =	seq.s32 s25, $0x0  }
0x241: {  	(v2sf) =	vpush v62, $0x0;
	s25 =	sadd.s32 s31, s25;
	s26 =	spop (v2sf);
	s30 =	simm.s32 @!p1 $0x0  }
0x242: {  	v18 =	vadd.s32 v18, v19;
	p1 =	slt.f32 s29, $0.0e+00;
	s29 =	simm.f32 $-1.000000000e+00;
	s30 =	simm.s32 @!p0 $0x3F800000  }
0x243: {  	[tilespmem:$0x2000] =	vst v18;
	(v2sf) =	vpush v61, $0xF;
	p0 =	sgt.u32 s25, $0x1;
	s25 =	simm.f32 $0.0e+00;
	s31 =	spop (v2sf)  }
0x244: {  	(v2sf) =	vpush v18, $0x0;
	v18 =	vld [tilespmem:$0x2001];
	s25 =	simm.s32 @!p0 $0xBF800000;
	p0 =	sgt.u32 s0, $0x1FFFFF;
	s29 =	simm.s32 @!p1 $0x0  }
0x245: {  	s0 =	sand.u32 $0x3FE, s0;
	s25 =	simm.s32 @p0 $0x3F800000;
	s29 =	simm.s32 @p2 $0x3F800000  }
0x246: {  	p0 =	seq.s32 s0, $0x0;
	s0 =	sadd.s32 s26, s31;
	s25 =	sadd.f32 s25, s30  }
0x247: {  	s29 =	simm.s32 @!p0 $0x0;
	s31 =	sshrl.u32 s0, $0xA  }
0x248: {  	s26 =	sshrl.u32 s0, $0x14;
	s25 =	ssub.f32 s25, s29;
	s29 =	sand.u32 $0x3FF, s31  }
0x249: {  	s30 =	simm.f32 $-1.000000000e+00;
	s31 =	spop (v2sf);
	(v2sf) =	vpush v18, $0x0;
	p1 =	seq.s32 s29, $0x0  }
0x24a: {  	p0 =	seq.s32 s26, $0x0;
	s26 =	sadd.s32 s26, s29;
	s30 =	simm.s32 @!p1 $0x0  }
0x24b: {  	s30 =	simm.s32 @!p0 $0x3F800000;
	p0 =	sgt.u32 s26, $0x1;
	s26 =	simm.f32 $0.0e+00  }
0x24c: {  	p1 =	sgt.u32 s0, $0x1FFFFF;
	s26 =	simm.s32 @!p0 $0xBF800000;
	p0 =	slt.f32 s28, $0.0e+00  }
0x24d: {  	s26 =	simm.s32 @p1 $0x3F800000;
	p1 =	sgt.f32 s28, $0.0e+00;
	s28 =	simm.f32 $-1.000000000e+00  }
0x24e: {  	s0 =	sand.u32 $0x3FE, s0;
	s29 =	spop (v2sf);
	s28 =	simm.s32 @!p0 $0x0  }
0x24f: {  	s26 =	sadd.f32 s26, s30;
	p0 =	seq.s32 s0, $0x0;
	s28 =	simm.s32 @p1 $0x3F800000  }
0x250: {  	s0 =	sadd.f32 s25, s1;
	s30 =	spop (v2sf);
	s28 =	simm.s32 @!p0 $0x0  }
0x251: {  	s25 =	ssub.f32 s26, s28;
	s26 =	sadd.s32 s29, s30  }
0x252: {  	p2 =	sgt.f32 s31, $0.0e+00;
	s1 =	spop (v2sf);
	s29 =	sshrl.u32 s26, $0xA  }
0x253: {  	s30 =	simm.f32 $-1.000000000e+00;
	s28 =	spop (v2sf);
	s29 =	sand.u32 $0x3FF, s29  }
0x254: {  	s0 =	sadd.f32 s25, s0;
	s25 =	sshrl.u32 s26, $0x14;
	p1 =	seq.s32 s29, $0x0  }
0x255: {  	p0 =	seq.s32 s25, $0x0;
	s25 =	sadd.s32 s25, s29;
	s30 =	simm.s32 @!p1 $0x0  }
0x256: {  	s30 =	simm.s32 @!p0 $0x3F800000;
	p0 =	sgt.u32 s25, $0x1;
	s25 =	simm.f32 $0.0e+00  }
0x257: {  	s29 =	sand.u32 $0x3FE, s26;
	s25 =	simm.s32 @!p0 $0xBF800000;
	p0 =	slt.f32 s31, $0.0e+00  }
0x258: {  	p1 =	sgt.u32 s26, $0x1FFFFF;
	s26 =	simm.f32 $-1.000000000e+00;
	s31 =	spop (v2sf)  }
0x259: {  	s25 =	simm.s32 @p1 $0x3F800000;
	s28 =	sadd.s32 s28, s31;
	s26 =	simm.s32 @!p0 $0x0  }
0x25a: {  	s25 =	sadd.f32 s25, s30;
	s31 =	sshrl.u32 s28, $0xA;
	p0 =	seq.s32 s29, $0x0  }
0x25b: {  	s29 =	sshrl.u32 s28, $0x14;
	s26 =	simm.s32 @p2 $0x3F800000;
	s30 =	sand.u32 $0x3FF, s31  }
0x25c: {  	p1 =	seq.s32 s29, $0x0;
	s31 =	simm.f32 $-1.000000000e+00;
	p2 =	seq.s32 s30, $0x0  }
0x25d: {  	s29 =	sadd.s32 s29, s30;
	s26 =	simm.s32 @!p0 $0x0;
	s31 =	simm.s32 @!p2 $0x0  }
0x25e: {  	p0 =	sgt.u32 s29, $0x1;
	s29 =	simm.f32 $0.0e+00;
	s31 =	simm.s32 @!p1 $0x3F800000  }
0x25f: {  	p1 =	sgt.u32 s28, $0x1FFFFF;
	s29 =	simm.s32 @!p0 $0xBF800000;
	p0 =	slt.f32 s1, $0.0e+00  }
0x260: {  	s29 =	simm.s32 @p1 $0x3F800000;
	p1 =	sgt.f32 s1, $0.0e+00;
	s1 =	simm.f32 $-1.000000000e+00  }
0x261: {  	s30 =	sand.u32 $0x3FE, s28;
	s25 =	ssub.f32 s25, s26;
	s1 =	simm.s32 @!p0 $0x0  }
0x262: {  	s31 =	sadd.f32 s29, s31;
	p0 =	seq.s32 s30, $0x0;
	s1 =	simm.s32 @p1 $0x3F800000  }
0x263: {  	s0 =	sadd.f32 s25, s0;
	s1 =	simm.s32 @!p0 $0x0  }
0x264: {  	s1 =	ssub.f32 s31, s1;
	_ =	sdelay $0x1  }
0x265: {  	s0 =	sadd.f32 s1, s0;
	_ =	sdelay $0x1  }
0x266: {  	s24 =	sadd.s32 $0x1, s24;
	v18 =	vmov s0  }
0x267: {  	p0 =	sne.s32 s24, s21;
	v18 =	vnsel vm0, $0x0, v18  }
.Ltmp16:
0x268: {  	[tilespmem:$0x2080] =	vst v18;
	(pc) =	sbr.rel @p0 .LBB2_1-.Ltmp16, $4  }
0x269: {  	[hbm4b:s20+s2] =	stream.linear.scatter [tilespmem:s23], [sflag:$0x1], $0x10, $0x38;
	[tilespmem:$0x2100] =	vst v63  }
0x26a: {  	_ =	swait.ge [sflag:s22], $0x10  }
0x26b: {  	[sflag:s22] =	ssyncset.done $0x0  }
0x26c: {  	[sflag:s22] =	ssyncadd.s32 $0xFFFFFFF0  }
0x26d: {  	_ =	sfence.sel $0x180000  }
0x26e: {  	[bflag:$0x0] =	sbarrier.arrive $0xFFFF  }
0x26f: {  	_ =	strace $0x9000004A  }
0x270: {  	s0 =	stileid.u32;
	[bflag:$0x2] =	sbarrier.arrive $0xFFFF  }
0x271: {  	p0 =	sne.s32 s0, $0x0;
	s0 =	rddreg [dreg:$0x1]  }
0x272: {  	s0 =	sadd.s32 @!p0 $0x100000, s0  }
0x273: {  	[sflag:s0] =	ssyncadd.tile.s32 @!p0 $0x1;
	_ =	shalt  }
.Lfunc_end2:
_tile_overlayer_lowered:
.L_overlay_start_2:
0x274: {  	(tag) =	ssettag $0x2  }
0x275: {  	s0 =	rddreg [dreg:$0x0];
	s2 =	stileid.u32  }
0x276: {  	s1 =	rddreg [dreg:$0x1];
	p0 =	sne.s32 s2, $0x0  }
0x277: {  	s3 =	rddreg [dreg:$0x2];
	[bflag:$0x3] =	sbarrier.arrive $0xFFFF;
	s2 =	simm.s32 @!p0 $0x1C01  }
0x278: {  	[timem:s3], [sflag:s2] =	dma.local @!p0 [hbm:s0], s1  }
0x279: {  	s0 =	simm.s32 @!p0 $0x1  }
0x27a: {  	_ =	swait.ge @!p0 [sflag:s0], s1  }
0x27b: {  	s1 =	ssub.s32 @!p0 $0x0, s1;
	[sflag:s0] =	ssyncset.done @!p0 $0x0  }
0x27c: {  	[sflag:s0] =	ssyncadd.s32 @!p0 s1  }
0x27d: {  	[bflag:$0x3] =	sbarrier.arrive $0xFFFF  }
0x27e: {  	_ =	shalt  }

// kernel: sparse-core-data-format-call.cloned.1.call-start
scs
called_computation_lowered:
.L_overlay_start_0:
0x0: {  	s2 =	sld [smem:$0x3FD9]  }
0x1: {  	s3 =	sld [smem:$0x3FFE];
	_ =	sdelay $0x1  }
0x2: {  	s1 =	srdreg.scid  }
0x3: {  	s0 =	sand.u32 $0x1, s1  }
0x4: {  	s18 =	sshll.u32 s0, $0xA;
	s2 =	sadd.s32 s3, s2  }
0x5: {  	s2 =	sadd.s32 s2, s18  }
0x6: {  	[smem:$0x3FC6] =	sst s2  }
0x7: {  	_ = 	snop  }
0x8: {  	s2 =	sld [smem:$0x3FC9];
	(tm) =	ssettm $0x1  }
0x9: {  	s19 =	sld [smem:$0x3FFB];
	_ =	sdelay $0x3  }
0xa: {  	_ =	strace s19  }
0xb: {  	s3 =	sld [smem:$0x3FFC];
	_ =	sdelay $0x3  }
0xc: {  	_ =	strace s3  }
0xd: {  	s3 =	sld [smem:$0x3FFD];
	_ =	sdelay $0x3  }
0xe: {  	_ =	strace s3  }
0xf: {  	_ =	strace $0x8FFFFFFF  }
0x10: {  	s20 =	sld [smem:$0x3FDB];
	_ =	sdelay $0x1  }
0x11: {  	s4 =	simm.s32 $_scs_section_size  }
0x12: {  	s5 =	simm.s32 $_size__tile_overlayer_lowered;
	s6 =	simm.s32 $_tile_overlayer_lowered  }
0x13: {  	s23 =	simm.s32 $0x1BFF;
	s22 =	sshll.u32 s6, $0x1;
	s3 =	sadd.s32 s4, s20  }
0x14: {  	s7 =	simm.s32 $0x0;
	s21 =	sshll.u32 s5, $0x1;
	s5 =	sadd.s32 s22, s3  }
0x15: {  	[timem:s7], [sflag:s23] =	dma.local [hbm:s5], s21  }
0x16: {  	_ =	swait.ge [sflag:s23], s21  }
0x17: {  	s4 =	ssub.s32 $0x0, s21;
	[sflag:s23] =	ssyncset.done $0x0  }
0x18: {  	[sflag:s23] =	ssyncadd.s32 s4;
	_ =	sdelay $0x1  }
0x19: {  	s24 =	simm.s32 $0x1B8B  }
0x1a: {  	_ =	swait.ge [sflag:s24], $0x1  }
0x1b: {  	[sflag:s24] =	ssyncset.done $0x0  }
0x1c: {  	s26 =	simm.s32 $0x1B8E;
	s25 =	sld [smem:$0x3FFE];
	[sflag:s24] =	ssyncadd.s32 $0xFFFFFFFF  }
0x1d: {  	s27 =	simm.s32 $execute0_lowered;
	[smem:$0x3FD2] =	sst s26  }
0x1e: {  	s5 =	sshll.u32 s27, $0x1;
	_ =	strace $0x80000046;
	[dreg:$0x1] =	wrdreg $0xFFFFFFFF  }
0x1f: {  	s28 =	simm.s32 $_size_execute0_lowered;
	s3 =	sadd.s32 s3, s5;
	[dreg:$0x0] =	wrdreg $0x0  }
0x20: {  	s5 =	sshll.u32 s28, $0x1;
	[dreg:$0x2] =	wrdreg s3  }
0x21: {  	[dreg:$0x3] =	wrdreg s5  }
0x22: {  	[dreg:$0x4] =	wrdreg $0xC0  }
0x23: {  	_ =	task [dreg:s7], $0x5FFFF  }
0x24: {  	[dreg:$0x1] =	wrdreg $0xFFFFFFFF  }
0x25: {  	[dreg:$0x0] =	wrdreg $0x60  }
0x26: {  	[dreg:$0x2] =	wrdreg s2  }
0x27: {  	[dreg:$0x3] =	wrdreg s25  }
0x28: {  	[dreg:$0x4] =	wrdreg $0x9  }
0x29: {  	_ =	task.clear_ibuf [dreg:s7], $0x5FFFF;
	_ =	strace $0x90000046  }
0x2a: {  	s29 =	simm.s32 $0x9;
	_ =	strace $0x80000048  }
0x2b: {  	_ =	swait.ge [sflag:s29], $0x1  }
0x2c: {  	[sflag:s29] =	ssyncadd.s32 $0xFFFFFFFF  }
0x2d: {  	_ =	strace $0x90000048  }
0x2e: {  	_ =	sfence  }
0x2f: {  	s30 =	sld [smem:$0x0];
	_ =	sdelay $0x2  }
0x30: {  	s31 =	sshll.u32 s1, $0xD;
	s1 =	sshrl.u32 s1, $0x2  }
0x31: {  	s3 =	sand.u32 $0x4000, s31;
	s1 =	sadd.s32 s1, s30  }
0x32: {  	s0 =	sor.u32 s3, s0;
	s1 =	sshll.u32 s1, $0x11  }
0x33: {  	s0 =	sor.u32 s1, s0  }
0x34: {  	s0 =	sadd.s32 $0x8F2B, s0  }
0x35: {  	[sflag:s0] =	ssyncadd.remote.s32 $0x1  }
0x36: {  	_ =	sfence.sel $0xFFFF  }
0x37: {  	[dreg:$0x0] =	wrdreg $0xFFFFFFFF;
	(pc) =	sbr.abs _section_cstart, $3  }
0x38: {  	[dreg:$0x1] =	wrdreg $0xFFFFFFFF  }
0x39: {  	_ =	task.clear_ibuf [dreg:s7], $0x2FFFF;
	_ =	strace $0x9FFFFFFF  }
0x3a: {  	(tm) =	ssettm $0x7FFFFFFF  }
0x3b: {  	_ =	shalt  }
tec
execute0_lowered:
.L_overlay_start_1:
0x0: {  	(tag) =	ssettag $0x1  }
0x1: {  	s0 =	srdreg.scid  }
0x2: {  	s1 =	sshll.u32 s0, $0x4  }
0x3: {  	s2 =	rddreg [dreg:$0x0];
	s0 =	stileid.u32;
	s1 =	sand.u32 $0x10, s1  }
0x4: {  	s4 =	rddreg [dreg:$0x1];
	s7 =	simm.s32 $0x1;
	s1 =	sor.u32 s0, s1  }
0x5: {  	s8 =	simm.s32 $0x2;
	s9 =	simm.s32 $0x0;
	s3 =	sshll.u32 s1, $0x2  }
0x6: {  	s12 =	simm.s32 $0x0;
	s11 =	simm.s32 $0x0;
	s6 =	ssub.s32 $0x800, s3  }
.Ltmp0:
0x7: {  	s4 =	sadd.s32 $0x400, s4;
	s5 =	sand.u32 $0x7C, s6;
	(pc) =	sbr.rel .LBB1_1-.Ltmp0, $4  }
0x8: {  	s1 =	rddreg [dreg:$0x2];
	_ =	strace $0x80000047;
	p0 =	sne.s32 s5, $0x0  }
0x9: {  	s6 =	sshrl.u32 s6, $0x7;
	s5 =	simm.s32 $0x1;
	s7 =	simm.s32 @!p0 $0x0  }
0xa: {  	s10 =	smov.u32 s3;
	[sflag:s5] =	ssyncpa.u1 $0x0;
	s6 =	sadd.s32 s7, s6  }
0xb: {  	[sflag:s8] =	ssyncpa.u1 $0x0;
	s8 =	simm.s32 $0x0;
	s7 =	sadd.s32 $0x1, s6  }
.LBB1_9:
0xc: {  	s14 =	sadd.s32 $0x80, s10  }
0xd: {  	p1 =	sgt.s32 s14, $0x7FF  }
0xe: {  	s14 =	smov.u32 @p1 s3;
	p1 =	sne.s32 s11, s7  }
.Ltmp1:
0xf: {  	p0 =	slt.u32 s11, $0x2;
	(pc) =	sbr.rel @!p1 .LBB1_10-.Ltmp1, $4  }
0x10: {  	s13 =	simm.s32 @!p0 $0x2  }
0x11: {  	s15 =	sadd.s32 $0x1, s11;
	_ =	swait.ge @!p0 [sflag:s13], $0x4000  }
0x12: {  	s12 =	smov.u32 s10;
	s9 =	sadd.s32 $0x4000, s9;
	[sflag:s13] =	ssyncset.done @!p0 $0x0  }
0x13: {  	s11 =	smov.u32 s15;
	s10 =	smov.u32 s14;
	[sflag:s13] =	ssyncadd.s32 @!p0 $0xFFFFC000  }
.LBB1_1:
0x14: {  	p0 =	sge.u32 s11, s6  }
0x15: {  	s13 =	sxor.u32 @!p0 $0xFFFFFFFF, s11  }
0x16: {  	s31 =	sadd.s32 $0xFFFFFFFF, s11;
	s14 =	sshll.u32 @!p0 s10, $0x9;
	s13 =	sshll.u32 @!p0 s13, $0xE  }
0x17: {  	s15 =	simm.s32 @!p0 $0x0;
	s14 =	sadd.s32 @!p0 s2, s14;
	s13 =	sand.u32 @!p0 $0x4000, s13  }
0x18: {  	[tilespmem:s13], [sflag:$0x1] =	stream.linear.gather @!p0 [hbm4b:s14+s15], $0x4000, $0x38;
	[tilespmem:$0x10000] =	vst v63  }
0x19: {  	p0 =	sge.u32 s31, s6  }
.Ltmp2:
0x1a: {  	_ = 	snop;
	(pc) =	sbr.rel @p0 .LBB1_9-.Ltmp2, $1  }
0x1b: {  	_ =	sdelay $0x3  }
0x1c: {  	s14 =	sand.u32 $0x4000, s9  }
0x1d: {  	_ =	swait.ge [sflag:s5], $0x4000;
	s15 =	sshll.u32 s11, $0xE;
	s16 =	simm.s32 $0x0  }
0x1e: {  	s13 =	sor.u32 $0x40, s14;
	[sflag:s5] =	ssyncset.done $0x0;
	s15 =	sand.u32 $0x4000, s15  }
0x1f: {  	s14 =	sor.u32 $0x8040, s14;
	[sflag:s5] =	ssyncadd.s32 $0xFFFFC000;
	s15 =	sor.u32 $0x8000, s15  }
.LBB1_3:
0x20: {  	s17 =	smov.u32 s14;
	s18 =	smov.u32 s13;
	s19 =	simm.s32 $0x0  }
.LBB1_4:
0x21: {  	v0 =	vmov s17;
	v2 =	vld [tilespmem:s18+$0x30]  }
0x22: {  	v4 =	vld [tilespmem:s18+$0xFFFFFFD0]  }
0x23: {  	v6 =	vld [tilespmem:s18+$0xFFFFFFE0]  }
0x24: {  	v7 =	vld [tilespmem:s18+$0xFFFFFFF0]  }
0x25: {  	s20 =	simm.s32 $0x0;
	v1 =	vld [tilespmem:s18+$0x0]  }
0x26: {  	v3 =	vld [tilespmem:s18+$0x10];
	[tilespmem:v0+s20+$0x30 ss:$0x1] =	vst.idx.msk $0xffff, v2  }
0x27: {  	v5 =	vld [tilespmem:s18+$0x20];
	[tilespmem:v0+s20+$0xFFFFFFD0 ss:$0x1] =	vst.idx.msk $0xffff, v4  }
0x28: {  	s21 =	sadd.s32 $0x80, s18;
	v2 =	vld [tilespmem:s18+$0xFFFFFFC0];
	[tilespmem:v0+s20+$0xFFFFFFE0 ss:$0x1] =	vst.idx.msk $0xffff, v6  }
0x29: {  	s22 =	simm.s32 $0x800;
	s23 =	simm.s32 $0x1000;
	v4 =	vld [tilespmem:s21+$0x30];
	[tilespmem:v0+s20+$0xFFFFFFF0 ss:$0x1] =	vst.idx.msk $0xffff, v7  }
.LBB1_5:
0x2a: {  	p0 =	sne.s32 s23, $0x3800;
	v6 =	vld [tilespmem:s21+$0xFFFFFFD0];
	[tilespmem:v0+s20+$0x0 ss:$0x1] =	vst.idx.msk $0xffff, v1  }
0x2b: {  	v7 =	vld [tilespmem:s21+$0xFFFFFFE0];
	[tilespmem:v0+s20+$0x10 ss:$0x1] =	vst.idx.msk $0xffff, v3  }
0x2c: {  	v8 =	vld [tilespmem:s21+$0xFFFFFFF0];
	[tilespmem:v0+s20+$0x20 ss:$0x1] =	vst.idx.msk $0xffff, v5  }
.Ltmp3:
0x2d: {  	v1 =	vld [tilespmem:s21+$0x0];
	[tilespmem:v0+s20+$0xFFFFFFC0 ss:$0x1] =	vst.idx.msk $0xffff, v2;
	s20 =	sshra.s32 s22, $0x2;
	s22 =	smov.u32 s23;
	(pc) =	sbr.rel @p0 .LBB1_5-.Ltmp3, $4  }
0x2e: {  	v3 =	vld [tilespmem:s21+$0x10];
	[tilespmem:v0+s20+$0x30 ss:$0x1] =	vst.idx.msk $0xffff, v4  }
0x2f: {  	[tilespmem:v0+s20+$0xFFFFFFD0 ss:$0x1] =	vst.idx.msk $0xffff, v6;
	v5 =	vld [tilespmem:s21+$0x20]  }
0x30: {  	v2 =	vld [tilespmem:s21+$0xFFFFFFC0];
	[tilespmem:v0+s20+$0xFFFFFFE0 ss:$0x1] =	vst.idx.msk $0xffff, v7;
	s21 =	sadd.s32 $0x80, s21  }
0x31: {  	s23 =	sadd.s32 $0x800, s23;
	v4 =	vld [tilespmem:s21+$0x30];
	[tilespmem:v0+s20+$0xFFFFFFF0 ss:$0x1] =	vst.idx.msk $0xffff, v8  }
0x32: {  	_ =	sdelay $0x3  }
0x33: {  	v6 =	vld [tilespmem:s21+$0xFFFFFFD0];
	[tilespmem:v0+s20+$0x0 ss:$0x1] =	vst.idx.msk $0xffff, v1  }
0x34: {  	v58 =	vld [tilespmem:s21+$0xFFFFFFE0];
	[tilespmem:v0+s20+$0x10 ss:$0x1] =	vst.idx.msk $0xffff, v3  }
0x35: {  	v59 =	vld [tilespmem:s21+$0xFFFFFFF0];
	[tilespmem:v0+s20+$0x20 ss:$0x1] =	vst.idx.msk $0xffff, v5  }
0x36: {  	s22 =	sshra.s32 s22, $0x2;
	v60 =	vld [tilespmem:s21+$0x0];
	[tilespmem:v0+s20+$0xFFFFFFC0 ss:$0x1] =	vst.idx.msk $0xffff, v2  }
0x37: {  	v61 =	vld [tilespmem:s21+$0x10];
	[tilespmem:v0+s22+$0x30 ss:$0x1] =	vst.idx.msk $0xffff, v4  }
0x38: {  	v62 =	vld [tilespmem:s21+$0x20];
	s19 =	sadd.s32 $0x1, s19;
	[tilespmem:v0+s22+$0xFFFFFFD0 ss:$0x1] =	vst.idx.msk $0xffff, v6  }
0x39: {  	v63 =	vld [tilespmem:s21+$0xFFFFFFC0];
	p0 =	sne.s32 s19, $0x4;
	[tilespmem:v0+s22+$0xFFFFFFE0 ss:$0x1] =	vst.idx.msk $0xffff, v58  }
.Ltmp4:
0x3a: {  	[tilespmem:v0+s22+$0xFFFFFFF0 ss:$0x1] =	vst.idx.msk $0xffff, v59;
	(pc) =	sbr.rel @p0 .LBB1_4-.Ltmp4, $4  }
0x3b: {  	[tilespmem:v0+s22+$0x0 ss:$0x1] =	vst.idx.msk $0xffff, v60  }
0x3c: {  	[tilespmem:v0+s22+$0x10 ss:$0x1] =	vst.idx.msk $0xffff, v61  }
0x3d: {  	[tilespmem:v0+s22+$0x20 ss:$0x1] =	vst.idx.msk $0xffff, v62  }
0x3e: {  	s18 =	sadd.s32 $0x400, s18;
	s17 =	sadd.s32 $0x80, s17;
	[tilespmem:v0+s22+$0xFFFFFFC0 ss:$0x1] =	vst.idx.msk $0xffff, v63  }
0x3f: {  	s16 =	sadd.s32 $0x1, s16  }
0x40: {  	p0 =	sne.s32 s16, $0x4  }
.Ltmp5:
0x41: {  	_ = 	snop;
	(pc) =	sbr.rel @p0 .LBB1_3-.Ltmp5, $2  }
0x42: {  	_ =	sdelay $0x2  }
0x43: {  	s13 =	sadd.s32 $0x1000, s13;
	s14 =	sadd.s32 $0x1000, s14  }
.Ltmp6:
0x44: {  	(pc) =	sbr.rel .LBB1_9-.Ltmp6, $4  }
0x45: {  	_ = 	snop  }
0x46: {  	s12 =	sshll.u32 s12, $0x9  }
0x47: {  	s12 =	sadd.s32 s4, s12  }
0x48: {  	[hbm4b:s12+s8] =	stream.linear.scatter [tilespmem:s15], [sflag:$0x2], $0x4000, $0x38;
	[tilespmem:$0x10000] =	vst v63  }
.LBB1_10:
0x49: {  	_ =	sfence.sel $0x180000  }
0x4a: {  	s2 =	simm.s32 $0x1;
	[bflag:$0x0] =	sbarrier.arrive $0xFFFF  }
0x4b: {  	s31 =	simm.s32 $0x2;
	[sflag:s2] =	ssyncpa.u1 $0x1  }
0x4c: {  	[sflag:s31] =	ssyncpa.u1 $0x1  }
0x4d: {  	p0 =	sne.s32 s0, $0x0;
	_ =	strace $0x90000047  }
0x4e: {  	s0 =	sadd.s32 @!p0 $0x100000, s1;
	[bflag:$0x2] =	sbarrier.arrive $0xFFFF  }
0x4f: {  	[sflag:s0] =	ssyncadd.tile.s32 @!p0 $0x1;
	_ =	shalt  }
.Lfunc_end1:
_tile_overlayer_lowered:
.L_overlay_start_2:
0x50: {  	(tag) =	ssettag $0x2  }
0x51: {  	s0 =	rddreg [dreg:$0x0];
	s2 =	stileid.u32  }
0x52: {  	s1 =	rddreg [dreg:$0x1];
	p0 =	sne.s32 s2, $0x0  }
0x53: {  	s3 =	rddreg [dreg:$0x2];
	[bflag:$0x3] =	sbarrier.arrive $0xFFFF;
	s2 =	simm.s32 @!p0 $0x1C01  }
0x54: {  	[timem:s3], [sflag:s2] =	dma.local @!p0 [hbm:s0], s1  }
0x55: {  	s0 =	simm.s32 @!p0 $0x1  }
0x56: {  	_ =	swait.ge @!p0 [sflag:s0], s1  }
0x57: {  	s1 =	ssub.s32 @!p0 $0x0, s1;
	[sflag:s0] =	ssyncset.done @!p0 $0x0  }
0x58: {  	[sflag:s0] =	ssyncadd.s32 @!p0 s1  }
0x59: {  	[bflag:$0x3] =	sbarrier.arrive $0xFFFF  }
0x5a: {  	_ =	shalt  }

</sc_bundles>
